<compile_context>
chip_gen: v7x
topology: tpu7x:2x2x1
jax: 0.10.2.dev20260603
libtpu: 0.0.44.dev20260713+nightly
codegen_flags: <defaults>
</compile_context>

<pallas_src>
import functools

import jax
import jax.numpy as jnp
from jax import lax
from jax.experimental import pallas as pl
from jax.experimental.pallas import tpu as pltpu
from jax.experimental.pallas import tpu_sc as plsc

N = 10000
E = 320000
D = 128
H = 128
DE = 16

BN = 2000
BE = 2560

_NC = 2
_NS = 16
_NW = _NC * _NS
_CG = 80
_EPW = E // _NW
_NCH = _EPW // _CG
_L = 16


def _silu(x):
    return x / (1.0 + jnp.exp(-x))


def _ln(x, g, b, eps=1e-5):
    mu = jnp.mean(x, axis=-1, keepdims=True)
    var = jnp.mean((x - mu) ** 2, axis=-1, keepdims=True)
    return (x - mu) * jax.lax.rsqrt(var + eps) * g + b


def _k1_body(h_ref, g_ref, b_ref, w1r_ref, w1c_ref,
             hn_ref, pr_ref, pc_ref):
    h = h_ref[:]
    hn = _ln(h, g_ref[:], b_ref[:])
    hn_ref[:] = hn
    pr_ref[:] = jnp.dot(hn, w1r_ref[:], preferred_element_type=jnp.float32)
    pc_ref[:] = jnp.dot(hn, w1c_ref[:], preferred_element_type=jnp.float32)


def _k1(h, g, b, w1r, w1c):
    grid = N // BN
    return pl.pallas_call(
        _k1_body,
        grid=(grid,),
        in_specs=[
            pl.BlockSpec((BN, D), lambda i: (i, 0)),
            pl.BlockSpec((D,), lambda i: (0,)),
            pl.BlockSpec((D,), lambda i: (0,)),
            pl.BlockSpec((D, H), lambda i: (0, 0)),
            pl.BlockSpec((D, H), lambda i: (0, 0)),
        ],
        out_specs=[
            pl.BlockSpec((BN, D), lambda i: (i, 0)),
            pl.BlockSpec((BN, H), lambda i: (i, 0)),
            pl.BlockSpec((BN, H), lambda i: (i, 0)),
        ],
        out_shape=[
            jax.ShapeDtypeStruct((N, D), jnp.float32),
            jax.ShapeDtypeStruct((N, H), jnp.float32),
            jax.ShapeDtypeStruct((N, H), jnp.float32),
        ],
    )(h, g, b, w1r, w1c)


def _k2_body(eh, pr, pc, cx, cy, cz, row, col, z1, gr, gc, cdt, cntp,
             idxr, idxc, grb, gcb, crx, cry, crz, ccx, ccy, ccz,
             planes, ones, cnt_sp, sem):
    epw = eh // _NW
    c = lax.axis_index("c")
    s = lax.axis_index("s")
    wid = s * _NC + c
    base = wid * epw
    pltpu.sync_copy(z1, cnt_sp.at[pl.ds(s * _TSL, _TSL)])
    for j in range(_CG // _L):
        ones[pl.ds(j * _L, _L)] = jnp.full((_L,), 1.0, jnp.float32)
    plsc.subcore_barrier()

    def chunk(i, carry):
        off = i * _CG
        pltpu.sync_copy(row.at[pl.ds(base + off, _CG)], idxr)
        pltpu.sync_copy(col.at[pl.ds(base + off, _CG)], idxc)
        cps = [
            pltpu.async_copy(pr.at[idxr], grb, sem),
            pltpu.async_copy(pc.at[idxc], gcb, sem),
            pltpu.async_copy(cx.at[idxr], crx, sem),
            pltpu.async_copy(cy.at[idxr], cry, sem),
            pltpu.async_copy(cz.at[idxr], crz, sem),
            pltpu.async_copy(cx.at[idxc], ccx, sem),
            pltpu.async_copy(cy.at[idxc], ccy, sem),
            pltpu.async_copy(cz.at[idxc], ccz, sem),
        ]
        for cp in cps:
            cp.wait()
        for j in range(_CG // _L):
            sj = pl.ds(j * _L, _L)
            so = pl.ds(off + j * _L, _L)
            dx = crx[sj] - ccx[sj]
            dy = cry[sj] - ccy[sj]
            dz = crz[sj] - ccz[sj]
            planes[0, so] = dx
            planes[1, so] = dy
            planes[2, so] = dz
            planes[3, so] = dx * dx + dy * dy + dz * dz
        pltpu.sync_copy(grb, gr.at[pl.ds(base + off, _CG)])
        pltpu.sync_copy(gcb, gc.at[pl.ds(base + off, _CG)])
        pltpu.sync_copy(ones, cnt_sp.at[idxr], add=True)
        return carry

    lax.fori_loop(0, epw // _CG, chunk, 0)
    for d in range(4):
        pltpu.sync_copy(planes.at[d], cdt.at[d, pl.ds(base, epw)])
    plsc.subcore_barrier()
    pltpu.sync_copy(cnt_sp.at[pl.ds(s * _TSL, _TSL)],
                    cntp.at[c, pl.ds(s * _TSL, _TSL)])


def _k2(pr, pc, cx, cy, cz, row, col, z1, eh):
    mesh = plsc.VectorSubcoreMesh(core_axis_name="c", subcore_axis_name="s")
    f = pl.kernel(
        functools.partial(_k2_body, eh),
        out_type=[
            jax.ShapeDtypeStruct((eh, H), jnp.float32),
            jax.ShapeDtypeStruct((eh, H), jnp.float32),
            jax.ShapeDtypeStruct((4, eh), jnp.float32),
            jax.ShapeDtypeStruct((2, NPAD), jnp.float32),
        ],
        mesh=mesh,
        scratch_types=[
            pltpu.VMEM((_CG,), jnp.int32),
            pltpu.VMEM((_CG,), jnp.int32),
            pltpu.VMEM((_CG, H), jnp.float32),
            pltpu.VMEM((_CG, H), jnp.float32),
            pltpu.VMEM((_CG,), jnp.float32),
            pltpu.VMEM((_CG,), jnp.float32),
            pltpu.VMEM((_CG,), jnp.float32),
            pltpu.VMEM((_CG,), jnp.float32),
            pltpu.VMEM((_CG,), jnp.float32),
            pltpu.VMEM((_CG,), jnp.float32),
            pltpu.VMEM((4, eh // _NW), jnp.float32),
            pltpu.VMEM((_CG,), jnp.float32),
            pltpu.VMEM_SHARED((NPAD,), jnp.float32),
            pltpu.SemaphoreType.DMA,
        ],
        compiler_params=pltpu.CompilerParams(use_tc_tiling_on_sc=False),
    )
    return f(pr, pc, cx, cy, cz, row, col, z1)


NPAD = 10240
_TSL = NPAD // _NS
NAGG = 10000
_TSA = NAGG // _NS
_CS = 80
_SPLITS = ((0, 80),)


def _k4_body(eh, ef, trt, row, z128, z1, aggp, trp,
             idxb, efb, idxb2, efb2, trpl, agg_sp, t0_sp, t1_sp, t2_sp,
             sem, sem2, sem3):
    epw = eh // _NW
    c = lax.axis_index("c")
    s = lax.axis_index("s")
    wid = s * _NC + c
    base = wid * epw
    tsp = [t0_sp, t1_sp, t2_sp]

    pltpu.sync_copy(z128, agg_sp.at[pl.ds(s * _TSA, _TSA)])
    for d in range(3):
        pltpu.sync_copy(z1, tsp[d].at[pl.ds(s * _TSL, _TSL)])
        pltpu.sync_copy(trt.at[d, pl.ds(base, epw)], trpl.at[d])
    plsc.subcore_barrier()

    def pair(i, carry):
        offa = base + (2 * i) * _CS
        offb = offa + _CS
        la = [pltpu.async_copy(row.at[pl.ds(offa, _CS)], idxb, sem2),
              pltpu.async_copy(ef.at[pl.ds(offa, _CS)], efb, sem2)]
        lb = [pltpu.async_copy(row.at[pl.ds(offb, _CS)], idxb2, sem3),
              pltpu.async_copy(ef.at[pl.ds(offb, _CS)], efb2, sem3)]
        cps = []

        def scat(j, ib, eb):
            for (po, pn) in _SPLITS:
                sl = pl.ds(po, pn)
                ix = ib.at[sl]
                cps.append(pltpu.async_copy(eb.at[sl], agg_sp.at[ix], sem,
                                            add=True))
                for d in range(3):
                    cps.append(pltpu.async_copy(
                        trpl.at[d, pl.ds(j * _CS + po, pn)],
                        tsp[d].at[ix], sem, add=True))

        for cp in la:
            cp.wait()
        scat(2 * i, idxb, efb)
        for cp in lb:
            cp.wait()
        scat(2 * i + 1, idxb2, efb2)
        for cp in cps:
            cp.wait()
        return carry

    nch = epw // _CS
    lax.fori_loop(0, nch // 2, pair, 0)
    if nch % 2:
        off = base + (nch - 1) * _CS
        pltpu.sync_copy(row.at[pl.ds(off, _CS)], idxb)
        pltpu.sync_copy(ef.at[pl.ds(off, _CS)], efb)
        tcps = []
        for (po, pn) in _SPLITS:
            sl = pl.ds(po, pn)
            ix = idxb.at[sl]
            tcps.append(pltpu.async_copy(efb.at[sl], agg_sp.at[ix], sem,
                                         add=True))
            for d in range(3):
                tcps.append(pltpu.async_copy(
                    trpl.at[d, pl.ds((nch - 1) * _CS + po, pn)],
                    tsp[d].at[ix], sem, add=True))
        for cp in tcps:
            cp.wait()
    plsc.subcore_barrier()

    pltpu.sync_copy(agg_sp.at[pl.ds(s * _TSA, _TSA)],
                    aggp.at[c, pl.ds(s * _TSA, _TSA)])
    for d in range(3):
        pltpu.sync_copy(tsp[d].at[pl.ds(s * _TSL, _TSL)],
                        trp.at[c, d, pl.ds(s * _TSL, _TSL)])


def _k4(ef, trt, row, z128, z1, eh):
    mesh = plsc.VectorSubcoreMesh(core_axis_name="c", subcore_axis_name="s")
    f = pl.kernel(
        functools.partial(_k4_body, eh),
        out_type=[
            jax.ShapeDtypeStruct((2, NAGG, H), jnp.float32),
            jax.ShapeDtypeStruct((2, 3, NPAD), jnp.float32),
        ],
        mesh=mesh,
        scratch_types=[
            pltpu.VMEM((_CS,), jnp.int32),
            pltpu.VMEM((_CS, H), jnp.float32),
            pltpu.VMEM((_CS,), jnp.int32),
            pltpu.VMEM((_CS, H), jnp.float32),
            pltpu.VMEM((3, eh // _NW), jnp.float32),
            pltpu.VMEM_SHARED((NAGG, H), jnp.float32),
            pltpu.VMEM_SHARED((NPAD,), jnp.float32),
            pltpu.VMEM_SHARED((NPAD,), jnp.float32),
            pltpu.VMEM_SHARED((NPAD,), jnp.float32),
            pltpu.SemaphoreType.DMA,
            pltpu.SemaphoreType.DMA,
            pltpu.SemaphoreType.DMA,
        ],
        compiler_params=pltpu.CompilerParams(use_tc_tiling_on_sc=False),
    )
    return f(ef, trt, row, z128, z1)


def _k3_body(gr_ref, gc_ref, cd_ref, ea_ref,
             w8_ref, w1e_ref, b1_ref, w2_ref, b2_ref,
             lng_ref, lnb_ref, cw1_ref, cb1_ref, cw2_ref,
             ef_ref, trt_ref):
    cd = cd_ref[:]
    pre1 = (gr_ref[:] + gc_ref[:]
            + jax.lax.dot_general(cd, w8_ref[:], (((0,), (0,)), ((), ())),
                                  preferred_element_type=jnp.float32)
            + jax.lax.dot_general(ea_ref[:], w1e_ref[:], (((0,), (0,)), ((), ())),
                                  preferred_element_type=jnp.float32)
            + b1_ref[:])
    x1 = _silu(pre1)
    x2 = _silu(jnp.dot(x1, w2_ref[:], preferred_element_type=jnp.float32) + b2_ref[:])
    ef = _ln(x2, lng_ref[:], lnb_ref[:])
    ef_ref[:] = ef
    s2 = _silu(jnp.dot(ef, cw1_ref[:], preferred_element_type=jnp.float32) + cb1_ref[:])
    cm_row = jax.lax.dot_general(cw2_ref[:], s2, (((0,), (1,)), ((), ())),
                                 preferred_element_type=jnp.float32)
    trt_ref[:] = cd * cm_row


def _k3(gr, gc, cdt, ea_t, w8, w1e, b1, w2, b2, lng, lnb, cw1, cb1, cw2):
    eh = gr.shape[0]
    grid = eh // BE
    full = lambda shape: pl.BlockSpec(shape, lambda i: tuple(0 for _ in shape))
    return pl.pallas_call(
        _k3_body,
        grid=(grid,),
        in_specs=[
            pl.BlockSpec((BE, H), lambda i: (i, 0)),
            pl.BlockSpec((BE, H), lambda i: (i, 0)),
            pl.BlockSpec((4, BE), lambda i: (0, i)),
            pl.BlockSpec((DE, BE), lambda i: (0, i)),
            full((4, H)),
            full((DE, H)),
            full((H,)),
            full((H, H)),
            full((H,)),
            full((H,)),
            full((H,)),
            full((H, H)),
            full((H,)),
            full((H, 1)),
        ],
        out_specs=[
            pl.BlockSpec((BE, H), lambda i: (i, 0)),
            pl.BlockSpec((4, BE), lambda i: (0, i)),
        ],
        out_shape=[
            jax.ShapeDtypeStruct((eh, H), jnp.float32),
            jax.ShapeDtypeStruct((4, eh), jnp.float32),
        ],
    )(gr, gc, cdt, ea_t, w8, w1e, b1, w2, b2, lng, lnb, cw1, cb1, cw2)


def _k5_body(h_ref, hn_ref, agg_ref, aggb_ref,
             w1h_ref, w1a_ref, b1_ref, w2_ref, b2_ref,
             hout_ref):
    agg = agg_ref[0] + agg_ref[1] + aggb_ref[0] + aggb_ref[1]
    pre = (jnp.dot(hn_ref[:], w1h_ref[:], preferred_element_type=jnp.float32)
           + jnp.dot(agg, w1a_ref[:], preferred_element_type=jnp.float32)
           + b1_ref[:])
    nh = jnp.dot(_silu(pre), w2_ref[:], preferred_element_type=jnp.float32) + b2_ref[:]
    hout_ref[:] = h_ref[:] + nh


def _k5(h, hn, aggp, aggpb, w1h, w1a, b1, w2, b2):
    grid = N // BN
    full = lambda shape: pl.BlockSpec(shape, lambda i: tuple(0 for _ in shape))
    return pl.pallas_call(
        _k5_body,
        grid=(grid,),
        in_specs=[
            pl.BlockSpec((BN, D), lambda i: (i, 0)),
            pl.BlockSpec((BN, D), lambda i: (i, 0)),
            pl.BlockSpec((2, BN, H), lambda i: (0, i, 0)),
            pl.BlockSpec((2, BN, H), lambda i: (0, i, 0)),
            full((D, H)),
            full((H, H)),
            full((H,)),
            full((H, D)),
            full((D,)),
        ],
        out_specs=[
            pl.BlockSpec((BN, D), lambda i: (i, 0)),
        ],
        out_shape=[
            jax.ShapeDtypeStruct((N, D), jnp.float32),
        ],
    )(h, hn, aggp, aggpb, w1h, w1a, b1, w2, b2)


def _k6_body(trp_ref, trpb_ref, cnt_ref, cntb_ref, ct_ref, cout_ref):
    tr = trp_ref[0] + trp_ref[1] + trpb_ref[0] + trpb_ref[1]
    cnt = jnp.maximum(cnt_ref[0:1, :N] + cnt_ref[1:2, :N]
                      + cntb_ref[0:1, :N] + cntb_ref[1:2, :N], 1.0)
    cout_ref[:] = ct_ref[:] + tr[0:3, :N] / cnt


def _k6(trp, trpb, cntp, cntpb, coord_t):
    return pl.pallas_call(
        _k6_body,
        out_shape=jax.ShapeDtypeStruct((3, N), jnp.float32),
    )(trp, trpb, cntp, cntpb, coord_t)


def kernel(h, edge_index, coord, edge_attr, node_ln_g, node_ln_b,
           edge_ln_g, edge_ln_b, e_W1, e_b1, e_W2, e_b2,
           n_W1, n_b1, n_W2, n_b2, c_W1, c_b1, c_W2):
    row = edge_index[0]
    col = edge_index[1]
    w1r = e_W1[0:D]
    w1c = e_W1[D:2 * D]
    wrad = e_W1[2 * D]
    w1e = e_W1[2 * D + 1:]
    w8 = jnp.zeros((4, H), jnp.float32).at[3].set(wrad)
    ea_t = edge_attr.T
    coord_t = coord.T

    hn, pr, pc = _k1(h, node_ln_g, node_ln_b, w1r, w1c)

    z1 = jnp.zeros((_TSL,), jnp.float32)
    z128 = jnp.zeros((_TSA, H), jnp.float32)
    EH0 = 163840
    halves = []
    for (lo, eh) in ((0, EH0), (EH0, E - EH0)):
        rw = lax.slice_in_dim(row, lo, lo + eh)
        cl = lax.slice_in_dim(col, lo, lo + eh)
        gr, gc, cdt, cntp = _k2(pr, pc, coord_t[0], coord_t[1], coord_t[2],
                                rw, cl, z1, eh)
        ef, trt = _k3(gr, gc, cdt, ea_t[:, lo:lo + eh], w8, w1e, e_b1,
                      e_W2, e_b2, edge_ln_g, edge_ln_b, c_W1, c_b1, c_W2)
        aggp, trp = _k4(ef, trt, rw, z128, z1, eh)
        halves.append((aggp, trp, cntp))

    (h_out,) = _k5(h, hn, halves[0][0], halves[1][0],
                   n_W1[0:D], n_W1[D:], n_b1, n_W2, n_b2)
    coord_out_t = _k6(halves[0][1], halves[1][1], halves[0][2], halves[1][2],
                      coord_t)
    return (h_out, coord_out_t.T, edge_attr)

# --- scband reference (transcript-rebuilt; emitter-appended) ---
"""Pipeline reference for scband-egnnconv-79207786873522 (READ-ONLY COPY).

The authoritative reference and input builder live on the scoring server;
editing this copy changes nothing except your own understanding.
"""

import jax, jax.numpy as jnp
import numpy as np

N = 10000
E = 320000
D = 128
H = 128
DE = 16

def _layer_norm(x, g, b, eps=1e-5):
    mu = jnp.mean(x, axis=-1, keepdims=True)
    var = jnp.var(x, axis=-1, keepdims=True)
    return (x - mu) / jnp.sqrt(var + eps) * g + b

def setup_inputs(seed: int = 0):
    key = jax.random.key(seed)
    ks = jax.random.split(key, 16)
    def lin(k, fi, fo):
        return jax.random.normal(k, (fi, fo), dtype=jnp.float32) * (1.0 / np.sqrt(fi))
    inp = {}
    inp["h"] = jax.random.normal(ks[0], (N, D), dtype=jnp.float32)
    inp["edge_index"] = jax.random.randint(ks[1], (2, E), 0, N, dtype=jnp.int32)
    inp["coord"] = jax.random.normal(ks[2], (N, 3), dtype=jnp.float32)
    inp["edge_attr"] = jax.random.normal(ks[3], (E, DE), dtype=jnp.float32)
    inp["node_ln_g"] = jnp.ones((D,), jnp.float32)
    inp["node_ln_b"] = jnp.zeros((D,), jnp.float32)
    inp["edge_ln_g"] = jnp.ones((H,), jnp.float32)
    inp["edge_ln_b"] = jnp.zeros((H,), jnp.float32)
    inp["e_W1"] = lin(ks[4], 2 * D + 1 + DE, H)
    inp["e_b1"] = jnp.zeros((H,), jnp.float32)
    inp["e_W2"] = lin(ks[5], H, H)
    inp["e_b2"] = jnp.zeros((H,), jnp.float32)
    inp["n_W1"] = lin(ks[6], H + D, H)
    inp["n_b1"] = jnp.zeros((H,), jnp.float32)
    inp["n_W2"] = lin(ks[7], H, D)
    inp["n_b2"] = jnp.zeros((D,), jnp.float32)
    inp["c_W1"] = lin(ks[8], H, H)
    inp["c_b1"] = jnp.zeros((H,), jnp.float32)
    inp["c_W2"] = lin(ks[9], H, 1) * 0.001
    return inp

def reference(h, edge_index, coord, edge_attr, node_ln_g, node_ln_b, edge_ln_g, edge_ln_b, e_W1, e_b1, e_W2, e_b2, n_W1, n_b1, n_W2, n_b2, c_W1, c_b1, c_W2):
    row = edge_index[0]
    col = edge_index[1]
    # coord2radial
    coord_diff = coord[row] - coord[col]
    radial = jnp.sum(coord_diff ** 2, axis=1, keepdims=True)
    h0 = h
    hn = _layer_norm(h, node_ln_g, node_ln_b)
    # edge model: gather src/dst node feats, concat radial + edge_attr, 2-layer SiLU MLP
    e_in = jnp.concatenate([hn[row], hn[col], radial, edge_attr], axis=1)
    ef = jax.nn.silu(e_in @ e_W1 + e_b1)
    ef = jax.nn.silu(ef @ e_W2 + e_b2)
    ef = _layer_norm(ef, edge_ln_g, edge_ln_b)
    # coord model: per-edge scalar gate, segment-mean scatter into nodes
    cm = jax.nn.silu(ef @ c_W1 + c_b1) @ c_W2
    trans = coord_diff * cm
    seg = jax.ops.segment_sum(trans, row, num_segments=N)
    cnt = jax.ops.segment_sum(jnp.ones((E, 1), jnp.float32), row, num_segments=N)
    coord_out = coord + seg / jnp.clip(cnt, 1.0, None)
    # node model: segment-sum aggregate of edge feats, concat with node feats, MLP, residual
    agg = jax.ops.segment_sum(ef, row, num_segments=N)
    nh = jax.nn.silu(jnp.concatenate([hn, agg], axis=1) @ n_W1 + n_b1) @ n_W2 + n_b2
    h_out = h0 + nh
    return (h_out, coord_out, edge_attr)

if __name__ == "__main__":
    import jax
    _d = setup_inputs()
    print(jax.jit(kernel)(*tuple(_d.values())))

</pallas_src>

<mosaic_0001>
#map = affine_map<(d0, d1) -> (0, 0)>
#map1 = affine_map<(d0, d1) -> (0)>
module attributes {stable_mosaic.version = 14 : i64} {
  func.func @_k2_body(%arg0: i32, %arg1: i32, %arg2: memref<10000x128xf32, #tpu.memory_space<hbm>>, %arg3: memref<10000x128xf32, #tpu.memory_space<hbm>>, %arg4: memref<10000xf32, #tpu.memory_space<hbm>>, %arg5: memref<10000xf32, #tpu.memory_space<hbm>>, %arg6: memref<10000xf32, #tpu.memory_space<hbm>>, %arg7: memref<156160xi32, #tpu.memory_space<hbm>>, %arg8: memref<156160xi32, #tpu.memory_space<hbm>>, %arg9: memref<640xf32, #tpu.memory_space<hbm>>, %arg10: memref<156160x128xf32, #tpu.memory_space<hbm>>, %arg11: memref<156160x128xf32, #tpu.memory_space<hbm>>, %arg12: memref<4x156160xf32, #tpu.memory_space<hbm>>, %arg13: memref<2x10240xf32, #tpu.memory_space<hbm>>, %arg14: memref<80xi32, #tpu.memory_space<vmem>>, %arg15: memref<80xi32, #tpu.memory_space<vmem>>, %arg16: memref<80x128xf32, #tpu.memory_space<vmem>>, %arg17: memref<80x128xf32, #tpu.memory_space<vmem>>, %arg18: memref<80xf32, #tpu.memory_space<vmem>>, %arg19: memref<80xf32, #tpu.memory_space<vmem>>, %arg20: memref<80xf32, #tpu.memory_space<vmem>>, %arg21: memref<80xf32, #tpu.memory_space<vmem>>, %arg22: memref<80xf32, #tpu.memory_space<vmem>>, %arg23: memref<80xf32, #tpu.memory_space<vmem>>, %arg24: memref<4x4880xf32, #tpu.memory_space<vmem>>, %arg25: memref<80xf32, #tpu.memory_space<vmem>>, %arg26: memref<10240xf32, #tpu.memory_space<vmem_shared>>, %arg27: memref<!tpu.dma_semaphore, #tpu.memory_space<semaphore_mem>>) attributes {dimension_semantics = [#tpu.dimension_semantics<core_parallel>, #tpu.dimension_semantics<subcore_parallel>], iteration_bounds = array<i64: 2, 16>, scalar_prefetch = 0 : i64, scratch_operands = 14 : i64, tpu.core_type = #tpu.core_type<sc_vector_subcore>, window_params = [{transform_indices = #map}, {transform_indices = #map}, {transform_indices = #map1}, {transform_indices = #map1}, {transform_indices = #map1}, {transform_indices = #map1}, {transform_indices = #map1}, {transform_indices = #map1}, {transform_indices = #map}, {transform_indices = #map}, {transform_indices = #map}, {transform_indices = #map}]} {
    %mul3A = arith.constant 2 : i32
    %mul3A_0 = arith.muli %arg1, %mul3A : i32
    %add3A = arith.addi %mul3A_0, %arg0 : i32
    %mul3A_1 = arith.constant 4880 : i32
    %mul3A_2 = arith.muli %add3A, %mul3A_1 : i32
    %mul3A_3 = arith.constant 640 : i32
    %mul3A_4 = arith.muli %arg1, %mul3A_3 : i32
    "tpu.region"() ({
      %run_scoped3A_50 = tpu.sem_alloc : memref<!tpu.dma_semaphore, #tpu.memory_space<semaphore_mem>>
      %dma_start3A = tpu.memref_slice %arg26[%mul3A_4] : memref<10240xf32, #tpu.memory_space<vmem_shared>> -> memref<640xf32, #tpu.memory_space<vmem_shared>>
      tpu.enqueue_dma source(%arg9 : memref<640xf32, #tpu.memory_space<hbm>>) target(%dma_start3A : memref<640xf32, #tpu.memory_space<vmem_shared>>) target_semaphore(%run_scoped3A_50 : memref<!tpu.dma_semaphore, #tpu.memory_space<semaphore_mem>>)
      %dma_wait3A = tpu.memref_slice %arg26[%mul3A_4] : memref<10240xf32, #tpu.memory_space<vmem_shared>> -> memref<640xf32, #tpu.memory_space<vmem_shared>>
      tpu.wait_dma2 semaphore(%run_scoped3A_50 : memref<!tpu.dma_semaphore, #tpu.memory_space<semaphore_mem>>) src(%arg9 : memref<640xf32, #tpu.memory_space<hbm>>) dst(%dma_wait3A : memref<640xf32, #tpu.memory_space<vmem_shared>>)
      tpu.yield
    }) : () -> ()
    %broadcast_in_dim3A = arith.constant 1.000000e+00 : f32
    %broadcast_in_dim3A_5 = vector.broadcast %broadcast_in_dim3A : f32 to vector<16xf32>
    %swap3A = arith.constant 0 : index
    %swap3A_6 = tpu.vector_load %arg25[%swap3A] {strides = array<i32>} : memref<80xf32, #tpu.memory_space<vmem>>, vector<16xf32>,
    %swap3A_7 = vector.shape_cast %swap3A_6 : vector<16xf32> to vector<16xf32>
    %swap3A_8 = vector.shape_cast %broadcast_in_dim3A_5 : vector<16xf32> to vector<16xf32>
    tpu.vector_store %arg25[%swap3A], %swap3A_8 {strides = array<i32>} : memref<80xf32, #tpu.memory_space<vmem>>, vector<16xf32>,
    %broadcast_in_dim3A_9 = arith.constant 1.000000e+00 : f32
    %broadcast_in_dim3A_10 = vector.broadcast %broadcast_in_dim3A_9 : f32 to vector<16xf32>
    %swap3A_11 = arith.constant 16 : index
    %swap3A_12 = tpu.vector_load %arg25[%swap3A_11] {strides = array<i32>} : memref<80xf32, #tpu.memory_space<vmem>>, vector<16xf32>,
    %swap3A_13 = vector.shape_cast %swap3A_12 : vector<16xf32> to vector<16xf32>
    %swap3A_14 = vector.shape_cast %broadcast_in_dim3A_10 : vector<16xf32> to vector<16xf32>
    tpu.vector_store %arg25[%swap3A_11], %swap3A_14 {strides = array<i32>} : memref<80xf32, #tpu.memory_space<vmem>>, vector<16xf32>,
    %broadcast_in_dim3A_15 = arith.constant 1.000000e+00 : f32
    %broadcast_in_dim3A_16 = vector.broadcast %broadcast_in_dim3A_15 : f32 to vector<16xf32>
    %swap3A_17 = arith.constant 32 : index
    %swap3A_18 = tpu.vector_load %arg25[%swap3A_17] {strides = array<i32>} : memref<80xf32, #tpu.memory_space<vmem>>, vector<16xf32>,
    %swap3A_19 = vector.shape_cast %swap3A_18 : vector<16xf32> to vector<16xf32>
    %swap3A_20 = vector.shape_cast %broadcast_in_dim3A_16 : vector<16xf32> to vector<16xf32>
    tpu.vector_store %arg25[%swap3A_17], %swap3A_20 {strides = array<i32>} : memref<80xf32, #tpu.memory_space<vmem>>, vector<16xf32>,
    %broadcast_in_dim3A_21 = arith.constant 1.000000e+00 : f32
    %broadcast_in_dim3A_22 = vector.broadcast %broadcast_in_dim3A_21 : f32 to vector<16xf32>
    %swap3A_23 = arith.constant 48 : index
    %swap3A_24 = tpu.vector_load %arg25[%swap3A_23] {strides = array<i32>} : memref<80xf32, #tpu.memory_space<vmem>>, vector<16xf32>,
    %swap3A_25 = vector.shape_cast %swap3A_24 : vector<16xf32> to vector<16xf32>
    %swap3A_26 = vector.shape_cast %broadcast_in_dim3A_22 : vector<16xf32> to vector<16xf32>
    tpu.vector_store %arg25[%swap3A_23], %swap3A_26 {strides = array<i32>} : memref<80xf32, #tpu.memory_space<vmem>>, vector<16xf32>,
    %broadcast_in_dim3A_27 = arith.constant 1.000000e+00 : f32
    %broadcast_in_dim3A_28 = vector.broadcast %broadcast_in_dim3A_27 : f32 to vector<16xf32>
    %swap3A_29 = arith.constant 64 : index
    %swap3A_30 = tpu.vector_load %arg25[%swap3A_29] {strides = array<i32>} : memref<80xf32, #tpu.memory_space<vmem>>, vector<16xf32>,
    %swap3A_31 = vector.shape_cast %swap3A_30 : vector<16xf32> to vector<16xf32>
    %swap3A_32 = vector.shape_cast %broadcast_in_dim3A_28 : vector<16xf32> to vector<16xf32>
    tpu.vector_store %arg25[%swap3A_29], %swap3A_32 {strides = array<i32>} : memref<80xf32, #tpu.memory_space<vmem>>, vector<16xf32>,
    %barrier3A = arith.constant 0 : index
    tpu.barrier barrier_id(%barrier3A)
    %scan3A = arith.constant 0 : i32
    %scan3A_33 = arith.constant 0 : i32
    %scan3A_34 = arith.constant 61 : i32
    %scan3A_35 = arith.addi %scan3A_33, %scan3A_34 : i32
    %scan3A_36 = arith.constant 1 : i32
    scf.for %scan3A_50 = %scan3A_33 to %scan3A_35 step %scan3A_36  : i32 {
      %mul3A_51 = arith.constant 80 : i32
      %mul3A_52 = arith.muli %scan3A_50, %mul3A_51 : i32
      %add3A_53 = arith.addi %mul3A_2, %mul3A_52 : i32
      "tpu.region"() ({
        %run_scoped3A_349 = tpu.sem_alloc : memref<!tpu.dma_semaphore, #tpu.memory_space<semaphore_mem>>
        %dma_start3A_350 = tpu.memref_slice %arg7[%add3A_53] : memref<156160xi32, #tpu.memory_space<hbm>> -> memref<80xi32, #tpu.memory_space<hbm>>
        %dma_start3A_351 = tpu.memref_slice %arg7[%add3A_53] : memref<156160xi32, #tpu.memory_space<hbm>> -> memref<80xi32, #tpu.memory_space<hbm>>
        tpu.enqueue_dma source(%dma_start3A_351 : memref<80xi32, #tpu.memory_space<hbm>>) target(%arg14 : memref<80xi32, #tpu.memory_space<vmem>>) target_semaphore(%run_scoped3A_349 : memref<!tpu.dma_semaphore, #tpu.memory_space<semaphore_mem>>)
        %dma_wait3A_352 = tpu.memref_slice %arg7[%add3A_53] : memref<156160xi32, #tpu.memory_space<hbm>> -> memref<80xi32, #tpu.memory_space<hbm>>
        %dma_wait3A_353 = tpu.memref_slice %arg7[%add3A_53] : memref<156160xi32, #tpu.memory_space<hbm>> -> memref<80xi32, #tpu.memory_space<hbm>>
        tpu.wait_dma2 semaphore(%run_scoped3A_349 : memref<!tpu.dma_semaphore, #tpu.memory_space<semaphore_mem>>) src(%dma_wait3A_353 : memref<80xi32, #tpu.memory_space<hbm>>) dst(%arg14 : memref<80xi32, #tpu.memory_space<vmem>>)
        tpu.yield
      }) : () -> ()
      %add3A_54 = arith.addi %mul3A_2, %mul3A_52 : i32
      "tpu.region"() ({
        %run_scoped3A_349 = tpu.sem_alloc : memref<!tpu.dma_semaphore, #tpu.memory_space<semaphore_mem>>
        %dma_start3A_350 = tpu.memref_slice %arg8[%add3A_54] : memref<156160xi32, #tpu.memory_space<hbm>> -> memref<80xi32, #tpu.memory_space<hbm>>
        %dma_start3A_351 = tpu.memref_slice %arg8[%add3A_54] : memref<156160xi32, #tpu.memory_space<hbm>> -> memref<80xi32, #tpu.memory_space<hbm>>
        tpu.enqueue_dma source(%dma_start3A_351 : memref<80xi32, #tpu.memory_space<hbm>>) target(%arg15 : memref<80xi32, #tpu.memory_space<vmem>>) target_semaphore(%run_scoped3A_349 : memref<!tpu.dma_semaphore, #tpu.memory_space<semaphore_mem>>)
        %dma_wait3A_352 = tpu.memref_slice %arg8[%add3A_54] : memref<156160xi32, #tpu.memory_space<hbm>> -> memref<80xi32, #tpu.memory_space<hbm>>
        %dma_wait3A_353 = tpu.memref_slice %arg8[%add3A_54] : memref<156160xi32, #tpu.memory_space<hbm>> -> memref<80xi32, #tpu.memory_space<hbm>>
        tpu.wait_dma2 semaphore(%run_scoped3A_349 : memref<!tpu.dma_semaphore, #tpu.memory_space<semaphore_mem>>) src(%dma_wait3A_353 : memref<80xi32, #tpu.memory_space<hbm>>) dst(%arg15 : memref<80xi32, #tpu.memory_space<vmem>>)
        tpu.yield
      }) : () -> ()
      %dma_start3A = arith.constant 0 : i32
      %dma_start3A_55 = arith.constant 0 : i32
      %dma_start3A_56 = tpu.memref_slice %arg2[%dma_start3A, %dma_start3A_55] : memref<10000x128xf32, #tpu.memory_space<hbm>> -> memref<10000x128xf32, #tpu.memory_space<hbm>>
      tpu.enqueue_indirect_dma source(%dma_start3A_56 : memref<10000x128xf32, #tpu.memory_space<hbm>>) target(%arg16 : memref<80x128xf32, #tpu.memory_space<vmem>>) offsets(%arg14 : memref<80xi32, #tpu.memory_space<vmem>>) semaphore(%arg27 : memref<!tpu.dma_semaphore, #tpu.memory_space<semaphore_mem>>)
      %dma_start3A_57 = arith.constant 0 : i32
      %dma_start3A_58 = arith.constant 0 : i32
      %dma_start3A_59 = tpu.memref_slice %arg3[%dma_start3A_57, %dma_start3A_58] : memref<10000x128xf32, #tpu.memory_space<hbm>> -> memref<10000x128xf32, #tpu.memory_space<hbm>>
      tpu.enqueue_indirect_dma source(%dma_start3A_59 : memref<10000x128xf32, #tpu.memory_space<hbm>>) target(%arg17 : memref<80x128xf32, #tpu.memory_space<vmem>>) offsets(%arg15 : memref<80xi32, #tpu.memory_space<vmem>>) semaphore(%arg27 : memref<!tpu.dma_semaphore, #tpu.memory_space<semaphore_mem>>)
      %dma_start3A_60 = arith.constant 0 : i32
      %dma_start3A_61 = tpu.memref_slice %arg4[%dma_start3A_60] : memref<10000xf32, #tpu.memory_space<hbm>> -> memref<10000xf32, #tpu.memory_space<hbm>>
      tpu.enqueue_indirect_dma source(%dma_start3A_61 : memref<10000xf32, #tpu.memory_space<hbm>>) target(%arg18 : memref<80xf32, #tpu.memory_space<vmem>>) offsets(%arg14 : memref<80xi32, #tpu.memory_space<vmem>>) semaphore(%arg27 : memref<!tpu.dma_semaphore, #tpu.memory_space<semaphore_mem>>)
      %dma_start3A_62 = arith.constant 0 : i32
      %dma_start3A_63 = tpu.memref_slice %arg5[%dma_start3A_62] : memref<10000xf32, #tpu.memory_space<hbm>> -> memref<10000xf32, #tpu.memory_space<hbm>>
      tpu.enqueue_indirect_dma source(%dma_start3A_63 : memref<10000xf32, #tpu.memory_space<hbm>>) target(%arg19 : memref<80xf32, #tpu.memory_space<vmem>>) offsets(%arg14 : memref<80xi32, #tpu.memory_space<vmem>>) semaphore(%arg27 : memref<!tpu.dma_semaphore, #tpu.memory_space<semaphore_mem>>)
      %dma_start3A_64 = arith.constant 0 : i32
      %dma_start3A_65 = tpu.memref_slice %arg6[%dma_start3A_64] : memref<10000xf32, #tpu.memory_space<hbm>> -> memref<10000xf32, #tpu.memory_space<hbm>>
      tpu.enqueue_indirect_dma source(%dma_start3A_65 : memref<10000xf32, #tpu.memory_space<hbm>>) target(%arg20 : memref<80xf32, #tpu.memory_space<vmem>>) offsets(%arg14 : memref<80xi32, #tpu.memory_space<vmem>>) semaphore(%arg27 : memref<!tpu.dma_semaphore, #tpu.memory_space<semaphore_mem>>)
      %dma_start3A_66 = arith.constant 0 : i32
      %dma_start3A_67 = tpu.memref_slice %arg4[%dma_start3A_66] : memref<10000xf32, #tpu.memory_space<hbm>> -> memref<10000xf32, #tpu.memory_space<hbm>>
      tpu.enqueue_indirect_dma source(%dma_start3A_67 : memref<10000xf32, #tpu.memory_space<hbm>>) target(%arg21 : memref<80xf32, #tpu.memory_space<vmem>>) offsets(%arg15 : memref<80xi32, #tpu.memory_space<vmem>>) semaphore(%arg27 : memref<!tpu.dma_semaphore, #tpu.memory_space<semaphore_mem>>)
      %dma_start3A_68 = arith.constant 0 : i32
      %dma_start3A_69 = tpu.memref_slice %arg5[%dma_start3A_68] : memref<10000xf32, #tpu.memory_space<hbm>> -> memref<10000xf32, #tpu.memory_space<hbm>>
      tpu.enqueue_indirect_dma source(%dma_start3A_69 : memref<10000xf32, #tpu.memory_space<hbm>>) target(%arg22 : memref<80xf32, #tpu.memory_space<vmem>>) offsets(%arg15 : memref<80xi32, #tpu.memory_space<vmem>>) semaphore(%arg27 : memref<!tpu.dma_semaphore, #tpu.memory_space<semaphore_mem>>)
      %dma_start3A_70 = arith.constant 0 : i32
      %dma_start3A_71 = tpu.memref_slice %arg6[%dma_start3A_70] : memref<10000xf32, #tpu.memory_space<hbm>> -> memref<10000xf32, #tpu.memory_space<hbm>>
      tpu.enqueue_indirect_dma source(%dma_start3A_71 : memref<10000xf32, #tpu.memory_space<hbm>>) target(%arg23 : memref<80xf32, #tpu.memory_space<vmem>>) offsets(%arg15 : memref<80xi32, #tpu.memory_space<vmem>>) semaphore(%arg27 : memref<!tpu.dma_semaphore, #tpu.memory_space<semaphore_mem>>)
      %dma_wait3A = arith.constant 0 : i32
      %dma_wait3A_72 = arith.constant 0 : i32
      %dma_wait3A_73 = tpu.memref_slice %arg2[%dma_wait3A, %dma_wait3A_72] : memref<10000x128xf32, #tpu.memory_space<hbm>> -> memref<10000x128xf32, #tpu.memory_space<hbm>>
      tpu.wait_indirect_dma semaphore(%arg27 : memref<!tpu.dma_semaphore, #tpu.memory_space<semaphore_mem>>) src(%dma_wait3A_73 : memref<10000x128xf32, #tpu.memory_space<hbm>>) dst(%arg16 : memref<80x128xf32, #tpu.memory_space<vmem>>)
      %dma_wait3A_74 = arith.constant 0 : i32
      %dma_wait3A_75 = arith.constant 0 : i32
      %dma_wait3A_76 = tpu.memref_slice %arg3[%dma_wait3A_74, %dma_wait3A_75] : memref<10000x128xf32, #tpu.memory_space<hbm>> -> memref<10000x128xf32, #tpu.memory_space<hbm>>
      tpu.wait_indirect_dma semaphore(%arg27 : memref<!tpu.dma_semaphore, #tpu.memory_space<semaphore_mem>>) src(%dma_wait3A_76 : memref<10000x128xf32, #tpu.memory_space<hbm>>) dst(%arg17 : memref<80x128xf32, #tpu.memory_space<vmem>>)
      %dma_wait3A_77 = arith.constant 0 : i32
      %dma_wait3A_78 = tpu.memref_slice %arg4[%dma_wait3A_77] : memref<10000xf32, #tpu.memory_space<hbm>> -> memref<10000xf32, #tpu.memory_space<hbm>>
      tpu.wait_indirect_dma semaphore(%arg27 : memref<!tpu.dma_semaphore, #tpu.memory_space<semaphore_mem>>) src(%dma_wait3A_78 : memref<10000xf32, #tpu.memory_space<hbm>>) dst(%arg18 : memref<80xf32, #tpu.memory_space<vmem>>)
      %dma_wait3A_79 = arith.constant 0 : i32
      %dma_wait3A_80 = tpu.memref_slice %arg5[%dma_wait3A_79] : memref<10000xf32, #tpu.memory_space<hbm>> -> memref<10000xf32, #tpu.memory_space<hbm>>
      tpu.wait_indirect_dma semaphore(%arg27 : memref<!tpu.dma_semaphore, #tpu.memory_space<semaphore_mem>>) src(%dma_wait3A_80 : memref<10000xf32, #tpu.memory_space<hbm>>) dst(%arg19 : memref<80xf32, #tpu.memory_space<vmem>>)
      %dma_wait3A_81 = arith.constant 0 : i32
      %dma_wait3A_82 = tpu.memref_slice %arg6[%dma_wait3A_81] : memref<10000xf32, #tpu.memory_space<hbm>> -> memref<10000xf32, #tpu.memory_space<hbm>>
      tpu.wait_indirect_dma semaphore(%arg27 : memref<!tpu.dma_semaphore, #tpu.memory_space<semaphore_mem>>) src(%dma_wait3A_82 : memref<10000xf32, #tpu.memory_space<hbm>>) dst(%arg20 : memref<80xf32, #tpu.memory_space<vmem>>)
      %dma_wait3A_83 = arith.constant 0 : i32
      %dma_wait3A_84 = tpu.memref_slice %arg4[%dma_wait3A_83] : memref<10000xf32, #tpu.memory_space<hbm>> -> memref<10000xf32, #tpu.memory_space<hbm>>
      tpu.wait_indirect_dma semaphore(%arg27 : memref<!tpu.dma_semaphore, #tpu.memory_space<semaphore_mem>>) src(%dma_wait3A_84 : memref<10000xf32, #tpu.memory_space<hbm>>) dst(%arg21 : memref<80xf32, #tpu.memory_space<vmem>>)
      %dma_wait3A_85 = arith.constant 0 : i32
      %dma_wait3A_86 = tpu.memref_slice %arg5[%dma_wait3A_85] : memref<10000xf32, #tpu.memory_space<hbm>> -> memref<10000xf32, #tpu.memory_space<hbm>>
      tpu.wait_indirect_dma semaphore(%arg27 : memref<!tpu.dma_semaphore, #tpu.memory_space<semaphore_mem>>) src(%dma_wait3A_86 : memref<10000xf32, #tpu.memory_space<hbm>>) dst(%arg22 : memref<80xf32, #tpu.memory_space<vmem>>)
      %dma_wait3A_87 = arith.constant 0 : i32
      %dma_wait3A_88 = tpu.memref_slice %arg6[%dma_wait3A_87] : memref<10000xf32, #tpu.memory_space<hbm>> -> memref<10000xf32, #tpu.memory_space<hbm>>
      tpu.wait_indirect_dma semaphore(%arg27 : memref<!tpu.dma_semaphore, #tpu.memory_space<semaphore_mem>>) src(%dma_wait3A_88 : memref<10000xf32, #tpu.memory_space<hbm>>) dst(%arg23 : memref<80xf32, #tpu.memory_space<vmem>>)
      %add3A_89 = arith.constant 0 : i32
      %add3A_90 = arith.addi %mul3A_52, %add3A_89 : i32
      %get3A = arith.constant 0 : index
      %get3A_91 = tpu.vector_load %arg18[%get3A] {strides = array<i32>} : memref<80xf32, #tpu.memory_space<vmem>>, vector<16xf32>,
      %get3A_92 = vector.shape_cast %get3A_91 : vector<16xf32> to vector<16xf32>
      %get3A_93 = arith.constant 0 : index
      %get3A_94 = tpu.vector_load %arg21[%get3A_93] {strides = array<i32>} : memref<80xf32, #tpu.memory_space<vmem>>, vector<16xf32>,
      %get3A_95 = vector.shape_cast %get3A_94 : vector<16xf32> to vector<16xf32>
      %sub3A = arith.subf %get3A_92, %get3A_95 : vector<16xf32>
      %get3A_96 = arith.constant 0 : index
      %get3A_97 = tpu.vector_load %arg19[%get3A_96] {strides = array<i32>} : memref<80xf32, #tpu.memory_space<vmem>>, vector<16xf32>,
      %get3A_98 = vector.shape_cast %get3A_97 : vector<16xf32> to vector<16xf32>
      %get3A_99 = arith.constant 0 : index
      %get3A_100 = tpu.vector_load %arg22[%get3A_99] {strides = array<i32>} : memref<80xf32, #tpu.memory_space<vmem>>, vector<16xf32>,
      %get3A_101 = vector.shape_cast %get3A_100 : vector<16xf32> to vector<16xf32>
      %sub3A_102 = arith.subf %get3A_98, %get3A_101 : vector<16xf32>
      %get3A_103 = arith.constant 0 : index
      %get3A_104 = tpu.vector_load %arg20[%get3A_103] {strides = array<i32>} : memref<80xf32, #tpu.memory_space<vmem>>, vector<16xf32>,
      %get3A_105 = vector.shape_cast %get3A_104 : vector<16xf32> to vector<16xf32>
      %get3A_106 = arith.constant 0 : index
      %get3A_107 = tpu.vector_load %arg23[%get3A_106] {strides = array<i32>} : memref<80xf32, #tpu.memory_space<vmem>>, vector<16xf32>,
      %get3A_108 = vector.shape_cast %get3A_107 : vector<16xf32> to vector<16xf32>
      %sub3A_109 = arith.subf %get3A_105, %get3A_108 : vector<16xf32>
      %swap3A_110 = arith.constant 0 : i32
      %swap3A_111 = arith.index_cast %swap3A_110 : i32 to index
      %swap3A_112 = arith.index_cast %add3A_90 : i32 to index
      %swap3A_113 = tpu.vector_load %arg24[%swap3A_111, %swap3A_112] {strides = array<i32>} : memref<4x4880xf32, #tpu.memory_space<vmem>>, vector<1x16xf32>,
      %swap3A_114 = vector.shape_cast %swap3A_113 : vector<1x16xf32> to vector<16xf32>
      %swap3A_115 = vector.shape_cast %sub3A : vector<16xf32> to vector<1x16xf32>
      tpu.vector_store %arg24[%swap3A_111, %swap3A_112], %swap3A_115 {strides = array<i32>} : memref<4x4880xf32, #tpu.memory_space<vmem>>, vector<1x16xf32>,
      %swap3A_116 = arith.constant 1 : i32
      %swap3A_117 = arith.index_cast %swap3A_116 : i32 to index
      %swap3A_118 = arith.index_cast %add3A_90 : i32 to index
      %swap3A_119 = tpu.vector_load %arg24[%swap3A_117, %swap3A_118] {strides = array<i32>} : memref<4x4880xf32, #tpu.memory_space<vmem>>, vector<1x16xf32>,
      %swap3A_120 = vector.shape_cast %swap3A_119 : vector<1x16xf32> to vector<16xf32>
      %swap3A_121 = vector.shape_cast %sub3A_102 : vector<16xf32> to vector<1x16xf32>
      tpu.vector_store %arg24[%swap3A_117, %swap3A_118], %swap3A_121 {strides = array<i32>} : memref<4x4880xf32, #tpu.memory_space<vmem>>, vector<1x16xf32>,
      %swap3A_122 = arith.constant 2 : i32
      %swap3A_123 = arith.index_cast %swap3A_122 : i32 to index
      %swap3A_124 = arith.index_cast %add3A_90 : i32 to index
      %swap3A_125 = tpu.vector_load %arg24[%swap3A_123, %swap3A_124] {strides = array<i32>} : memref<4x4880xf32, #tpu.memory_space<vmem>>, vector<1x16xf32>,
      %swap3A_126 = vector.shape_cast %swap3A_125 : vector<1x16xf32> to vector<16xf32>
      %swap3A_127 = vector.shape_cast %sub3A_109 : vector<16xf32> to vector<1x16xf32>
      tpu.vector_store %arg24[%swap3A_123, %swap3A_124], %swap3A_127 {strides = array<i32>} : memref<4x4880xf32, #tpu.memory_space<vmem>>, vector<1x16xf32>,
      %mul3A_128 = arith.mulf %sub3A, %sub3A : vector<16xf32>
      %mul3A_129 = arith.mulf %sub3A_102, %sub3A_102 : vector<16xf32>
      %add3A_130 = arith.addf %mul3A_128, %mul3A_129 : vector<16xf32>
      %mul3A_131 = arith.mulf %sub3A_109, %sub3A_109 : vector<16xf32>
      %add3A_132 = arith.addf %add3A_130, %mul3A_131 : vector<16xf32>
      %swap3A_133 = arith.constant 3 : i32
      %swap3A_134 = arith.index_cast %swap3A_133 : i32 to index
      %swap3A_135 = arith.index_cast %add3A_90 : i32 to index
      %swap3A_136 = tpu.vector_load %arg24[%swap3A_134, %swap3A_135] {strides = array<i32>} : memref<4x4880xf32, #tpu.memory_space<vmem>>, vector<1x16xf32>,
      %swap3A_137 = vector.shape_cast %swap3A_136 : vector<1x16xf32> to vector<16xf32>
      %swap3A_138 = vector.shape_cast %add3A_132 : vector<16xf32> to vector<1x16xf32>
      tpu.vector_store %arg24[%swap3A_134, %swap3A_135], %swap3A_138 {strides = array<i32>} : memref<4x4880xf32, #tpu.memory_space<vmem>>, vector<1x16xf32>,
      %add3A_139 = arith.constant 16 : i32
      %add3A_140 = arith.addi %mul3A_52, %add3A_139 : i32
      %get3A_141 = arith.constant 16 : index
      %get3A_142 = tpu.vector_load %arg18[%get3A_141] {strides = array<i32>} : memref<80xf32, #tpu.memory_space<vmem>>, vector<16xf32>,
      %get3A_143 = vector.shape_cast %get3A_142 : vector<16xf32> to vector<16xf32>
      %get3A_144 = arith.constant 16 : index
      %get3A_145 = tpu.vector_load %arg21[%get3A_144] {strides = array<i32>} : memref<80xf32, #tpu.memory_space<vmem>>, vector<16xf32>,
      %get3A_146 = vector.shape_cast %get3A_145 : vector<16xf32> to vector<16xf32>
      %sub3A_147 = arith.subf %get3A_143, %get3A_146 : vector<16xf32>
      %get3A_148 = arith.constant 16 : index
      %get3A_149 = tpu.vector_load %arg19[%get3A_148] {strides = array<i32>} : memref<80xf32, #tpu.memory_space<vmem>>, vector<16xf32>,
      %get3A_150 = vector.shape_cast %get3A_149 : vector<16xf32> to vector<16xf32>
      %get3A_151 = arith.constant 16 : index
      %get3A_152 = tpu.vector_load %arg22[%get3A_151] {strides = array<i32>} : memref<80xf32, #tpu.memory_space<vmem>>, vector<16xf32>,
      %get3A_153 = vector.shape_cast %get3A_152 : vector<16xf32> to vector<16xf32>
      %sub3A_154 = arith.subf %get3A_150, %get3A_153 : vector<16xf32>
      %get3A_155 = arith.constant 16 : index
      %get3A_156 = tpu.vector_load %arg20[%get3A_155] {strides = array<i32>} : memref<80xf32, #tpu.memory_space<vmem>>, vector<16xf32>,
      %get3A_157 = vector.shape_cast %get3A_156 : vector<16xf32> to vector<16xf32>
      %get3A_158 = arith.constant 16 : index
      %get3A_159 = tpu.vector_load %arg23[%get3A_158] {strides = array<i32>} : memref<80xf32, #tpu.memory_space<vmem>>, vector<16xf32>,
      %get3A_160 = vector.shape_cast %get3A_159 : vector<16xf32> to vector<16xf32>
      %sub3A_161 = arith.subf %get3A_157, %get3A_160 : vector<16xf32>
      %swap3A_162 = arith.constant 0 : i32
      %swap3A_163 = arith.index_cast %swap3A_162 : i32 to index
      %swap3A_164 = arith.index_cast %add3A_140 : i32 to index
      %swap3A_165 = tpu.vector_load %arg24[%swap3A_163, %swap3A_164] {strides = array<i32>} : memref<4x4880xf32, #tpu.memory_space<vmem>>, vector<1x16xf32>,
      %swap3A_166 = vector.shape_cast %swap3A_165 : vector<1x16xf32> to vector<16xf32>
      %swap3A_167 = vector.shape_cast %sub3A_147 : vector<16xf32> to vector<1x16xf32>
      tpu.vector_store %arg24[%swap3A_163, %swap3A_164], %swap3A_167 {strides = array<i32>} : memref<4x4880xf32, #tpu.memory_space<vmem>>, vector<1x16xf32>,
      %swap3A_168 = arith.constant 1 : i32
      %swap3A_169 = arith.index_cast %swap3A_168 : i32 to index
      %swap3A_170 = arith.index_cast %add3A_140 : i32 to index
      %swap3A_171 = tpu.vector_load %arg24[%swap3A_169, %swap3A_170] {strides = array<i32>} : memref<4x4880xf32, #tpu.memory_space<vmem>>, vector<1x16xf32>,
      %swap3A_172 = vector.shape_cast %swap3A_171 : vector<1x16xf32> to vector<16xf32>
      %swap3A_173 = vector.shape_cast %sub3A_154 : vector<16xf32> to vector<1x16xf32>
      tpu.vector_store %arg24[%swap3A_169, %swap3A_170], %swap3A_173 {strides = array<i32>} : memref<4x4880xf32, #tpu.memory_space<vmem>>, vector<1x16xf32>,
      %swap3A_174 = arith.constant 2 : i32
      %swap3A_175 = arith.index_cast %swap3A_174 : i32 to index
      %swap3A_176 = arith.index_cast %add3A_140 : i32 to index
      %swap3A_177 = tpu.vector_load %arg24[%swap3A_175, %swap3A_176] {strides = array<i32>} : memref<4x4880xf32, #tpu.memory_space<vmem>>, vector<1x16xf32>,
      %swap3A_178 = vector.shape_cast %swap3A_177 : vector<1x16xf32> to vector<16xf32>
      %swap3A_179 = vector.shape_cast %sub3A_161 : vector<16xf32> to vector<1x16xf32>
      tpu.vector_store %arg24[%swap3A_175, %swap3A_176], %swap3A_179 {strides = array<i32>} : memref<4x4880xf32, #tpu.memory_space<vmem>>, vector<1x16xf32>,
      %mul3A_180 = arith.mulf %sub3A_147, %sub3A_147 : vector<16xf32>
      %mul3A_181 = arith.mulf %sub3A_154, %sub3A_154 : vector<16xf32>
      %add3A_182 = arith.addf %mul3A_180, %mul3A_181 : vector<16xf32>
      %mul3A_183 = arith.mulf %sub3A_161, %sub3A_161 : vector<16xf32>
      %add3A_184 = arith.addf %add3A_182, %mul3A_183 : vector<16xf32>
      %swap3A_185 = arith.constant 3 : i32
      %swap3A_186 = arith.index_cast %swap3A_185 : i32 to index
      %swap3A_187 = arith.index_cast %add3A_140 : i32 to index
      %swap3A_188 = tpu.vector_load %arg24[%swap3A_186, %swap3A_187] {strides = array<i32>} : memref<4x4880xf32, #tpu.memory_space<vmem>>, vector<1x16xf32>,
      %swap3A_189 = vector.shape_cast %swap3A_188 : vector<1x16xf32> to vector<16xf32>
      %swap3A_190 = vector.shape_cast %add3A_184 : vector<16xf32> to vector<1x16xf32>
      tpu.vector_store %arg24[%swap3A_186, %swap3A_187], %swap3A_190 {strides = array<i32>} : memref<4x4880xf32, #tpu.memory_space<vmem>>, vector<1x16xf32>,
      %add3A_191 = arith.constant 32 : i32
      %add3A_192 = arith.addi %mul3A_52, %add3A_191 : i32
      %get3A_193 = arith.constant 32 : index
      %get3A_194 = tpu.vector_load %arg18[%get3A_193] {strides = array<i32>} : memref<80xf32, #tpu.memory_space<vmem>>, vector<16xf32>,
      %get3A_195 = vector.shape_cast %get3A_194 : vector<16xf32> to vector<16xf32>
      %get3A_196 = arith.constant 32 : index
      %get3A_197 = tpu.vector_load %arg21[%get3A_196] {strides = array<i32>} : memref<80xf32, #tpu.memory_space<vmem>>, vector<16xf32>,
      %get3A_198 = vector.shape_cast %get3A_197 : vector<16xf32> to vector<16xf32>
      %sub3A_199 = arith.subf %get3A_195, %get3A_198 : vector<16xf32>
      %get3A_200 = arith.constant 32 : index
      %get3A_201 = tpu.vector_load %arg19[%get3A_200] {strides = array<i32>} : memref<80xf32, #tpu.memory_space<vmem>>, vector<16xf32>,
      %get3A_202 = vector.shape_cast %get3A_201 : vector<16xf32> to vector<16xf32>
      %get3A_203 = arith.constant 32 : index
      %get3A_204 = tpu.vector_load %arg22[%get3A_203] {strides = array<i32>} : memref<80xf32, #tpu.memory_space<vmem>>, vector<16xf32>,
      %get3A_205 = vector.shape_cast %get3A_204 : vector<16xf32> to vector<16xf32>
      %sub3A_206 = arith.subf %get3A_202, %get3A_205 : vector<16xf32>
      %get3A_207 = arith.constant 32 : index
      %get3A_208 = tpu.vector_load %arg20[%get3A_207] {strides = array<i32>} : memref<80xf32, #tpu.memory_space<vmem>>, vector<16xf32>,
      %get3A_209 = vector.shape_cast %get3A_208 : vector<16xf32> to vector<16xf32>
      %get3A_210 = arith.constant 32 : index
      %get3A_211 = tpu.vector_load %arg23[%get3A_210] {strides = array<i32>} : memref<80xf32, #tpu.memory_space<vmem>>, vector<16xf32>,
      %get3A_212 = vector.shape_cast %get3A_211 : vector<16xf32> to vector<16xf32>
      %sub3A_213 = arith.subf %get3A_209, %get3A_212 : vector<16xf32>
      %swap3A_214 = arith.constant 0 : i32
      %swap3A_215 = arith.index_cast %swap3A_214 : i32 to index
      %swap3A_216 = arith.index_cast %add3A_192 : i32 to index
      %swap3A_217 = tpu.vector_load %arg24[%swap3A_215, %swap3A_216] {strides = array<i32>} : memref<4x4880xf32, #tpu.memory_space<vmem>>, vector<1x16xf32>,
      %swap3A_218 = vector.shape_cast %swap3A_217 : vector<1x16xf32> to vector<16xf32>
      %swap3A_219 = vector.shape_cast %sub3A_199 : vector<16xf32> to vector<1x16xf32>
      tpu.vector_store %arg24[%swap3A_215, %swap3A_216], %swap3A_219 {strides = array<i32>} : memref<4x4880xf32, #tpu.memory_space<vmem>>, vector<1x16xf32>,
      %swap3A_220 = arith.constant 1 : i32
      %swap3A_221 = arith.index_cast %swap3A_220 : i32 to index
      %swap3A_222 = arith.index_cast %add3A_192 : i32 to index
      %swap3A_223 = tpu.vector_load %arg24[%swap3A_221, %swap3A_222] {strides = array<i32>} : memref<4x4880xf32, #tpu.memory_space<vmem>>, vector<1x16xf32>,
      %swap3A_224 = vector.shape_cast %swap3A_223 : vector<1x16xf32> to vector<16xf32>
      %swap3A_225 = vector.shape_cast %sub3A_206 : vector<16xf32> to vector<1x16xf32>
      tpu.vector_store %arg24[%swap3A_221, %swap3A_222], %swap3A_225 {strides = array<i32>} : memref<4x4880xf32, #tpu.memory_space<vmem>>, vector<1x16xf32>,
      %swap3A_226 = arith.constant 2 : i32
      %swap3A_227 = arith.index_cast %swap3A_226 : i32 to index
      %swap3A_228 = arith.index_cast %add3A_192 : i32 to index
      %swap3A_229 = tpu.vector_load %arg24[%swap3A_227, %swap3A_228] {strides = array<i32>} : memref<4x4880xf32, #tpu.memory_space<vmem>>, vector<1x16xf32>,
      %swap3A_230 = vector.shape_cast %swap3A_229 : vector<1x16xf32> to vector<16xf32>
      %swap3A_231 = vector.shape_cast %sub3A_213 : vector<16xf32> to vector<1x16xf32>
      tpu.vector_store %arg24[%swap3A_227, %swap3A_228], %swap3A_231 {strides = array<i32>} : memref<4x4880xf32, #tpu.memory_space<vmem>>, vector<1x16xf32>,
      %mul3A_232 = arith.mulf %sub3A_199, %sub3A_199 : vector<16xf32>
      %mul3A_233 = arith.mulf %sub3A_206, %sub3A_206 : vector<16xf32>
      %add3A_234 = arith.addf %mul3A_232, %mul3A_233 : vector<16xf32>
      %mul3A_235 = arith.mulf %sub3A_213, %sub3A_213 : vector<16xf32>
      %add3A_236 = arith.addf %add3A_234, %mul3A_235 : vector<16xf32>
      %swap3A_237 = arith.constant 3 : i32
      %swap3A_238 = arith.index_cast %swap3A_237 : i32 to index
      %swap3A_239 = arith.index_cast %add3A_192 : i32 to index
      %swap3A_240 = tpu.vector_load %arg24[%swap3A_238, %swap3A_239] {strides = array<i32>} : memref<4x4880xf32, #tpu.memory_space<vmem>>, vector<1x16xf32>,
      %swap3A_241 = vector.shape_cast %swap3A_240 : vector<1x16xf32> to vector<16xf32>
      %swap3A_242 = vector.shape_cast %add3A_236 : vector<16xf32> to vector<1x16xf32>
      tpu.vector_store %arg24[%swap3A_238, %swap3A_239], %swap3A_242 {strides = array<i32>} : memref<4x4880xf32, #tpu.memory_space<vmem>>, vector<1x16xf32>,
      %add3A_243 = arith.constant 48 : i32
      %add3A_244 = arith.addi %mul3A_52, %add3A_243 : i32
      %get3A_245 = arith.constant 48 : index
      %get3A_246 = tpu.vector_load %arg18[%get3A_245] {strides = array<i32>} : memref<80xf32, #tpu.memory_space<vmem>>, vector<16xf32>,
      %get3A_247 = vector.shape_cast %get3A_246 : vector<16xf32> to vector<16xf32>
      %get3A_248 = arith.constant 48 : index
      %get3A_249 = tpu.vector_load %arg21[%get3A_248] {strides = array<i32>} : memref<80xf32, #tpu.memory_space<vmem>>, vector<16xf32>,
      %get3A_250 = vector.shape_cast %get3A_249 : vector<16xf32> to vector<16xf32>
      %sub3A_251 = arith.subf %get3A_247, %get3A_250 : vector<16xf32>
      %get3A_252 = arith.constant 48 : index
      %get3A_253 = tpu.vector_load %arg19[%get3A_252] {strides = array<i32>} : memref<80xf32, #tpu.memory_space<vmem>>, vector<16xf32>,
      %get3A_254 = vector.shape_cast %get3A_253 : vector<16xf32> to vector<16xf32>
      %get3A_255 = arith.constant 48 : index
      %get3A_256 = tpu.vector_load %arg22[%get3A_255] {strides = array<i32>} : memref<80xf32, #tpu.memory_space<vmem>>, vector<16xf32>,
      %get3A_257 = vector.shape_cast %get3A_256 : vector<16xf32> to vector<16xf32>
      %sub3A_258 = arith.subf %get3A_254, %get3A_257 : vector<16xf32>
      %get3A_259 = arith.constant 48 : index
      %get3A_260 = tpu.vector_load %arg20[%get3A_259] {strides = array<i32>} : memref<80xf32, #tpu.memory_space<vmem>>, vector<16xf32>,
      %get3A_261 = vector.shape_cast %get3A_260 : vector<16xf32> to vector<16xf32>
      %get3A_262 = arith.constant 48 : index
      %get3A_263 = tpu.vector_load %arg23[%get3A_262] {strides = array<i32>} : memref<80xf32, #tpu.memory_space<vmem>>, vector<16xf32>,
      %get3A_264 = vector.shape_cast %get3A_263 : vector<16xf32> to vector<16xf32>
      %sub3A_265 = arith.subf %get3A_261, %get3A_264 : vector<16xf32>
      %swap3A_266 = arith.constant 0 : i32
      %swap3A_267 = arith.index_cast %swap3A_266 : i32 to index
      %swap3A_268 = arith.index_cast %add3A_244 : i32 to index
      %swap3A_269 = tpu.vector_load %arg24[%swap3A_267, %swap3A_268] {strides = array<i32>} : memref<4x4880xf32, #tpu.memory_space<vmem>>, vector<1x16xf32>,
      %swap3A_270 = vector.shape_cast %swap3A_269 : vector<1x16xf32> to vector<16xf32>
      %swap3A_271 = vector.shape_cast %sub3A_251 : vector<16xf32> to vector<1x16xf32>
      tpu.vector_store %arg24[%swap3A_267, %swap3A_268], %swap3A_271 {strides = array<i32>} : memref<4x4880xf32, #tpu.memory_space<vmem>>, vector<1x16xf32>,
      %swap3A_272 = arith.constant 1 : i32
      %swap3A_273 = arith.index_cast %swap3A_272 : i32 to index
      %swap3A_274 = arith.index_cast %add3A_244 : i32 to index
      %swap3A_275 = tpu.vector_load %arg24[%swap3A_273, %swap3A_274] {strides = array<i32>} : memref<4x4880xf32, #tpu.memory_space<vmem>>, vector<1x16xf32>,
      %swap3A_276 = vector.shape_cast %swap3A_275 : vector<1x16xf32> to vector<16xf32>
      %swap3A_277 = vector.shape_cast %sub3A_258 : vector<16xf32> to vector<1x16xf32>
      tpu.vector_store %arg24[%swap3A_273, %swap3A_274], %swap3A_277 {strides = array<i32>} : memref<4x4880xf32, #tpu.memory_space<vmem>>, vector<1x16xf32>,
      %swap3A_278 = arith.constant 2 : i32
      %swap3A_279 = arith.index_cast %swap3A_278 : i32 to index
      %swap3A_280 = arith.index_cast %add3A_244 : i32 to index
      %swap3A_281 = tpu.vector_load %arg24[%swap3A_279, %swap3A_280] {strides = array<i32>} : memref<4x4880xf32, #tpu.memory_space<vmem>>, vector<1x16xf32>,
      %swap3A_282 = vector.shape_cast %swap3A_281 : vector<1x16xf32> to vector<16xf32>
      %swap3A_283 = vector.shape_cast %sub3A_265 : vector<16xf32> to vector<1x16xf32>
      tpu.vector_store %arg24[%swap3A_279, %swap3A_280], %swap3A_283 {strides = array<i32>} : memref<4x4880xf32, #tpu.memory_space<vmem>>, vector<1x16xf32>,
      %mul3A_284 = arith.mulf %sub3A_251, %sub3A_251 : vector<16xf32>
      %mul3A_285 = arith.mulf %sub3A_258, %sub3A_258 : vector<16xf32>
      %add3A_286 = arith.addf %mul3A_284, %mul3A_285 : vector<16xf32>
      %mul3A_287 = arith.mulf %sub3A_265, %sub3A_265 : vector<16xf32>
      %add3A_288 = arith.addf %add3A_286, %mul3A_287 : vector<16xf32>
      %swap3A_289 = arith.constant 3 : i32
      %swap3A_290 = arith.index_cast %swap3A_289 : i32 to index
      %swap3A_291 = arith.index_cast %add3A_244 : i32 to index
      %swap3A_292 = tpu.vector_load %arg24[%swap3A_290, %swap3A_291] {strides = array<i32>} : memref<4x4880xf32, #tpu.memory_space<vmem>>, vector<1x16xf32>,
      %swap3A_293 = vector.shape_cast %swap3A_292 : vector<1x16xf32> to vector<16xf32>
      %swap3A_294 = vector.shape_cast %add3A_288 : vector<16xf32> to vector<1x16xf32>
      tpu.vector_store %arg24[%swap3A_290, %swap3A_291], %swap3A_294 {strides = array<i32>} : memref<4x4880xf32, #tpu.memory_space<vmem>>, vector<1x16xf32>,
      %add3A_295 = arith.constant 64 : i32
      %add3A_296 = arith.addi %mul3A_52, %add3A_295 : i32
      %get3A_297 = arith.constant 64 : index
      %get3A_298 = tpu.vector_load %arg18[%get3A_297] {strides = array<i32>} : memref<80xf32, #tpu.memory_space<vmem>>, vector<16xf32>,
      %get3A_299 = vector.shape_cast %get3A_298 : vector<16xf32> to vector<16xf32>
      %get3A_300 = arith.constant 64 : index
      %get3A_301 = tpu.vector_load %arg21[%get3A_300] {strides = array<i32>} : memref<80xf32, #tpu.memory_space<vmem>>, vector<16xf32>,
      %get3A_302 = vector.shape_cast %get3A_301 : vector<16xf32> to vector<16xf32>
      %sub3A_303 = arith.subf %get3A_299, %get3A_302 : vector<16xf32>
      %get3A_304 = arith.constant 64 : index
      %get3A_305 = tpu.vector_load %arg19[%get3A_304] {strides = array<i32>} : memref<80xf32, #tpu.memory_space<vmem>>, vector<16xf32>,
      %get3A_306 = vector.shape_cast %get3A_305 : vector<16xf32> to vector<16xf32>
      %get3A_307 = arith.constant 64 : index
      %get3A_308 = tpu.vector_load %arg22[%get3A_307] {strides = array<i32>} : memref<80xf32, #tpu.memory_space<vmem>>, vector<16xf32>,
      %get3A_309 = vector.shape_cast %get3A_308 : vector<16xf32> to vector<16xf32>
      %sub3A_310 = arith.subf %get3A_306, %get3A_309 : vector<16xf32>
      %get3A_311 = arith.constant 64 : index
      %get3A_312 = tpu.vector_load %arg20[%get3A_311] {strides = array<i32>} : memref<80xf32, #tpu.memory_space<vmem>>, vector<16xf32>,
      %get3A_313 = vector.shape_cast %get3A_312 : vector<16xf32> to vector<16xf32>
      %get3A_314 = arith.constant 64 : index
      %get3A_315 = tpu.vector_load %arg23[%get3A_314] {strides = array<i32>} : memref<80xf32, #tpu.memory_space<vmem>>, vector<16xf32>,
      %get3A_316 = vector.shape_cast %get3A_315 : vector<16xf32> to vector<16xf32>
      %sub3A_317 = arith.subf %get3A_313, %get3A_316 : vector<16xf32>
      %swap3A_318 = arith.constant 0 : i32
      %swap3A_319 = arith.index_cast %swap3A_318 : i32 to index
      %swap3A_320 = arith.index_cast %add3A_296 : i32 to index
      %swap3A_321 = tpu.vector_load %arg24[%swap3A_319, %swap3A_320] {strides = array<i32>} : memref<4x4880xf32, #tpu.memory_space<vmem>>, vector<1x16xf32>,
      %swap3A_322 = vector.shape_cast %swap3A_321 : vector<1x16xf32> to vector<16xf32>
      %swap3A_323 = vector.shape_cast %sub3A_303 : vector<16xf32> to vector<1x16xf32>
      tpu.vector_store %arg24[%swap3A_319, %swap3A_320], %swap3A_323 {strides = array<i32>} : memref<4x4880xf32, #tpu.memory_space<vmem>>, vector<1x16xf32>,
      %swap3A_324 = arith.constant 1 : i32
      %swap3A_325 = arith.index_cast %swap3A_324 : i32 to index
      %swap3A_326 = arith.index_cast %add3A_296 : i32 to index
      %swap3A_327 = tpu.vector_load %arg24[%swap3A_325, %swap3A_326] {strides = array<i32>} : memref<4x4880xf32, #tpu.memory_space<vmem>>, vector<1x16xf32>,
      %swap3A_328 = vector.shape_cast %swap3A_327 : vector<1x16xf32> to vector<16xf32>
      %swap3A_329 = vector.shape_cast %sub3A_310 : vector<16xf32> to vector<1x16xf32>
      tpu.vector_store %arg24[%swap3A_325, %swap3A_326], %swap3A_329 {strides = array<i32>} : memref<4x4880xf32, #tpu.memory_space<vmem>>, vector<1x16xf32>,
      %swap3A_330 = arith.constant 2 : i32
      %swap3A_331 = arith.index_cast %swap3A_330 : i32 to index
      %swap3A_332 = arith.index_cast %add3A_296 : i32 to index
      %swap3A_333 = tpu.vector_load %arg24[%swap3A_331, %swap3A_332] {strides = array<i32>} : memref<4x4880xf32, #tpu.memory_space<vmem>>, vector<1x16xf32>,
      %swap3A_334 = vector.shape_cast %swap3A_333 : vector<1x16xf32> to vector<16xf32>
      %swap3A_335 = vector.shape_cast %sub3A_317 : vector<16xf32> to vector<1x16xf32>
      tpu.vector_store %arg24[%swap3A_331, %swap3A_332], %swap3A_335 {strides = array<i32>} : memref<4x4880xf32, #tpu.memory_space<vmem>>, vector<1x16xf32>,
      %mul3A_336 = arith.mulf %sub3A_303, %sub3A_303 : vector<16xf32>
      %mul3A_337 = arith.mulf %sub3A_310, %sub3A_310 : vector<16xf32>
      %add3A_338 = arith.addf %mul3A_336, %mul3A_337 : vector<16xf32>
      %mul3A_339 = arith.mulf %sub3A_317, %sub3A_317 : vector<16xf32>
      %add3A_340 = arith.addf %add3A_338, %mul3A_339 : vector<16xf32>
      %swap3A_341 = arith.constant 3 : i32
      %swap3A_342 = arith.index_cast %swap3A_341 : i32 to index
      %swap3A_343 = arith.index_cast %add3A_296 : i32 to index
      %swap3A_344 = tpu.vector_load %arg24[%swap3A_342, %swap3A_343] {strides = array<i32>} : memref<4x4880xf32, #tpu.memory_space<vmem>>, vector<1x16xf32>,
      %swap3A_345 = vector.shape_cast %swap3A_344 : vector<1x16xf32> to vector<16xf32>
      %swap3A_346 = vector.shape_cast %add3A_340 : vector<16xf32> to vector<1x16xf32>
      tpu.vector_store %arg24[%swap3A_342, %swap3A_343], %swap3A_346 {strides = array<i32>} : memref<4x4880xf32, #tpu.memory_space<vmem>>, vector<1x16xf32>,
      %add3A_347 = arith.addi %mul3A_2, %mul3A_52 : i32
      "tpu.region"() ({
        %run_scoped3A_349 = tpu.sem_alloc : memref<!tpu.dma_semaphore, #tpu.memory_space<semaphore_mem>>
        %dma_start3A_350 = arith.constant 0 : i32
        %dma_start3A_351 = tpu.memref_slice %arg10[%add3A_347, %dma_start3A_350] : memref<156160x128xf32, #tpu.memory_space<hbm>> -> memref<80x128xf32, #tpu.memory_space<hbm>>
        %dma_start3A_352 = arith.constant 0 : i32
        %dma_start3A_353 = tpu.memref_slice %arg10[%add3A_347, %dma_start3A_352] : memref<156160x128xf32, #tpu.memory_space<hbm>> -> memref<80x128xf32, #tpu.memory_space<hbm>>
        tpu.enqueue_dma source(%arg16 : memref<80x128xf32, #tpu.memory_space<vmem>>) target(%dma_start3A_353 : memref<80x128xf32, #tpu.memory_space<hbm>>) target_semaphore(%run_scoped3A_349 : memref<!tpu.dma_semaphore, #tpu.memory_space<semaphore_mem>>)
        %dma_wait3A_354 = arith.constant 0 : i32
        %dma_wait3A_355 = tpu.memref_slice %arg10[%add3A_347, %dma_wait3A_354] : memref<156160x128xf32, #tpu.memory_space<hbm>> -> memref<80x128xf32, #tpu.memory_space<hbm>>
        %dma_wait3A_356 = arith.constant 0 : i32
        %dma_wait3A_357 = tpu.memref_slice %arg10[%add3A_347, %dma_wait3A_356] : memref<156160x128xf32, #tpu.memory_space<hbm>> -> memref<80x128xf32, #tpu.memory_space<hbm>>
        tpu.wait_dma2 semaphore(%run_scoped3A_349 : memref<!tpu.dma_semaphore, #tpu.memory_space<semaphore_mem>>) src(%arg16 : memref<80x128xf32, #tpu.memory_space<vmem>>) dst(%dma_wait3A_357 : memref<80x128xf32, #tpu.memory_space<hbm>>)
        tpu.yield
      }) : () -> ()
      %add3A_348 = arith.addi %mul3A_2, %mul3A_52 : i32
      "tpu.region"() ({
        %run_scoped3A_349 = tpu.sem_alloc : memref<!tpu.dma_semaphore, #tpu.memory_space<semaphore_mem>>
        %dma_start3A_350 = arith.constant 0 : i32
        %dma_start3A_351 = tpu.memref_slice %arg11[%add3A_348, %dma_start3A_350] : memref<156160x128xf32, #tpu.memory_space<hbm>> -> memref<80x128xf32, #tpu.memory_space<hbm>>
        %dma_start3A_352 = arith.constant 0 : i32
        %dma_start3A_353 = tpu.memref_slice %arg11[%add3A_348, %dma_start3A_352] : memref<156160x128xf32, #tpu.memory_space<hbm>> -> memref<80x128xf32, #tpu.memory_space<hbm>>
        tpu.enqueue_dma source(%arg17 : memref<80x128xf32, #tpu.memory_space<vmem>>) target(%dma_start3A_353 : memref<80x128xf32, #tpu.memory_space<hbm>>) target_semaphore(%run_scoped3A_349 : memref<!tpu.dma_semaphore, #tpu.memory_space<semaphore_mem>>)
        %dma_wait3A_354 = arith.constant 0 : i32
        %dma_wait3A_355 = tpu.memref_slice %arg11[%add3A_348, %dma_wait3A_354] : memref<156160x128xf32, #tpu.memory_space<hbm>> -> memref<80x128xf32, #tpu.memory_space<hbm>>
        %dma_wait3A_356 = arith.constant 0 : i32
        %dma_wait3A_357 = tpu.memref_slice %arg11[%add3A_348, %dma_wait3A_356] : memref<156160x128xf32, #tpu.memory_space<hbm>> -> memref<80x128xf32, #tpu.memory_space<hbm>>
        tpu.wait_dma2 semaphore(%run_scoped3A_349 : memref<!tpu.dma_semaphore, #tpu.memory_space<semaphore_mem>>) src(%arg17 : memref<80x128xf32, #tpu.memory_space<vmem>>) dst(%dma_wait3A_357 : memref<80x128xf32, #tpu.memory_space<hbm>>)
        tpu.yield
      }) : () -> ()
      "tpu.region"() ({
        %run_scoped3A_349 = tpu.sem_alloc : memref<!tpu.dma_semaphore, #tpu.memory_space<semaphore_mem>>
        %dma_start3A_350 = arith.constant 0 : i32
        %dma_start3A_351 = tpu.memref_slice %arg26[%dma_start3A_350] : memref<10240xf32, #tpu.memory_space<vmem_shared>> -> memref<10240xf32, #tpu.memory_space<vmem_shared>>
        tpu.enqueue_indirect_dma source(%arg25 : memref<80xf32, #tpu.memory_space<vmem>>) target(%dma_start3A_351 : memref<10240xf32, #tpu.memory_space<vmem_shared>>) offsets(%arg14 : memref<80xi32, #tpu.memory_space<vmem>>) semaphore(%run_scoped3A_349 : memref<!tpu.dma_semaphore, #tpu.memory_space<semaphore_mem>>) {add = true}
        %dma_wait3A_352 = arith.constant 0 : i32
        %dma_wait3A_353 = tpu.memref_slice %arg26[%dma_wait3A_352] : memref<10240xf32, #tpu.memory_space<vmem_shared>> -> memref<10240xf32, #tpu.memory_space<vmem_shared>>
        tpu.wait_indirect_dma semaphore(%run_scoped3A_349 : memref<!tpu.dma_semaphore, #tpu.memory_space<semaphore_mem>>) src(%arg25 : memref<80xf32, #tpu.memory_space<vmem>>) dst(%dma_wait3A_353 : memref<10240xf32, #tpu.memory_space<vmem_shared>>)
        tpu.yield
      }) : () -> ()
    }
    %scan3A_37 = arith.constant 61 : i32
    %run_scoped3A = arith.constant 0 : i32
    %run_scoped3A_38 = arith.constant 0 : i32
    "tpu.region"() ({
      %run_scoped3A_50 = tpu.sem_alloc : memref<!tpu.dma_semaphore, #tpu.memory_space<semaphore_mem>>
      %dma_start3A = arith.constant 0 : i32
      %dma_start3A_51 = tpu.memref_slice %arg24[%run_scoped3A, %dma_start3A] : memref<4x4880xf32, #tpu.memory_space<vmem>> -> memref<1x4880xf32, #tpu.memory_space<vmem>>
      %dma_start3A_52 = tpu.memref_squeeze %dma_start3A_51 : memref<1x4880xf32, #tpu.memory_space<vmem>> -> memref<4880xf32, #tpu.memory_space<vmem>>
      %dma_start3A_53 = tpu.memref_slice %arg12[%run_scoped3A_38, %mul3A_2] : memref<4x156160xf32, #tpu.memory_space<hbm>> -> memref<1x4880xf32, #tpu.memory_space<hbm>>
      %dma_start3A_54 = tpu.memref_squeeze %dma_start3A_53 : memref<1x4880xf32, #tpu.memory_space<hbm>> -> memref<4880xf32, #tpu.memory_space<hbm>>
      %dma_start3A_55 = tpu.memref_slice %arg12[%run_scoped3A_38, %mul3A_2] : memref<4x156160xf32, #tpu.memory_space<hbm>> -> memref<1x4880xf32, #tpu.memory_space<hbm>>
      %dma_start3A_56 = tpu.memref_squeeze %dma_start3A_55 : memref<1x4880xf32, #tpu.memory_space<hbm>> -> memref<4880xf32, #tpu.memory_space<hbm>>
      %dma_start3A_57 = arith.constant 0 : i32
      %dma_start3A_58 = tpu.memref_slice %arg24[%run_scoped3A, %dma_start3A_57] : memref<4x4880xf32, #tpu.memory_space<vmem>> -> memref<1x4880xf32, #tpu.memory_space<vmem>>
      %dma_start3A_59 = tpu.memref_squeeze %dma_start3A_58 : memref<1x4880xf32, #tpu.memory_space<vmem>> -> memref<4880xf32, #tpu.memory_space<vmem>>
      tpu.enqueue_dma source(%dma_start3A_59 : memref<4880xf32, #tpu.memory_space<vmem>>) target(%dma_start3A_56 : memref<4880xf32, #tpu.memory_space<hbm>>) target_semaphore(%run_scoped3A_50 : memref<!tpu.dma_semaphore, #tpu.memory_space<semaphore_mem>>)
      %dma_wait3A = arith.constant 0 : i32
      %dma_wait3A_60 = tpu.memref_slice %arg24[%run_scoped3A, %dma_wait3A] : memref<4x4880xf32, #tpu.memory_space<vmem>> -> memref<1x4880xf32, #tpu.memory_space<vmem>>
      %dma_wait3A_61 = tpu.memref_squeeze %dma_wait3A_60 : memref<1x4880xf32, #tpu.memory_space<vmem>> -> memref<4880xf32, #tpu.memory_space<vmem>>
      %dma_wait3A_62 = tpu.memref_slice %arg12[%run_scoped3A_38, %mul3A_2] : memref<4x156160xf32, #tpu.memory_space<hbm>> -> memref<1x4880xf32, #tpu.memory_space<hbm>>
      %dma_wait3A_63 = tpu.memref_squeeze %dma_wait3A_62 : memref<1x4880xf32, #tpu.memory_space<hbm>> -> memref<4880xf32, #tpu.memory_space<hbm>>
      %dma_wait3A_64 = tpu.memref_slice %arg12[%run_scoped3A_38, %mul3A_2] : memref<4x156160xf32, #tpu.memory_space<hbm>> -> memref<1x4880xf32, #tpu.memory_space<hbm>>
      %dma_wait3A_65 = tpu.memref_squeeze %dma_wait3A_64 : memref<1x4880xf32, #tpu.memory_space<hbm>> -> memref<4880xf32, #tpu.memory_space<hbm>>
      %dma_wait3A_66 = arith.constant 0 : i32
      %dma_wait3A_67 = tpu.memref_slice %arg24[%run_scoped3A, %dma_wait3A_66] : memref<4x4880xf32, #tpu.memory_space<vmem>> -> memref<1x4880xf32, #tpu.memory_space<vmem>>
      %dma_wait3A_68 = tpu.memref_squeeze %dma_wait3A_67 : memref<1x4880xf32, #tpu.memory_space<vmem>> -> memref<4880xf32, #tpu.memory_space<vmem>>
      tpu.wait_dma2 semaphore(%run_scoped3A_50 : memref<!tpu.dma_semaphore, #tpu.memory_space<semaphore_mem>>) src(%dma_wait3A_68 : memref<4880xf32, #tpu.memory_space<vmem>>) dst(%dma_wait3A_65 : memref<4880xf32, #tpu.memory_space<hbm>>)
      tpu.yield
    }) : () -> ()
    %run_scoped3A_39 = arith.constant 1 : i32
    %run_scoped3A_40 = arith.constant 1 : i32
    "tpu.region"() ({
      %run_scoped3A_50 = tpu.sem_alloc : memref<!tpu.dma_semaphore, #tpu.memory_space<semaphore_mem>>
      %dma_start3A = arith.constant 0 : i32
      %dma_start3A_51 = tpu.memref_slice %arg24[%run_scoped3A_39, %dma_start3A] : memref<4x4880xf32, #tpu.memory_space<vmem>> -> memref<1x4880xf32, #tpu.memory_space<vmem>>
      %dma_start3A_52 = tpu.memref_squeeze %dma_start3A_51 : memref<1x4880xf32, #tpu.memory_space<vmem>> -> memref<4880xf32, #tpu.memory_space<vmem>>
      %dma_start3A_53 = tpu.memref_slice %arg12[%run_scoped3A_40, %mul3A_2] : memref<4x156160xf32, #tpu.memory_space<hbm>> -> memref<1x4880xf32, #tpu.memory_space<hbm>>
      %dma_start3A_54 = tpu.memref_squeeze %dma_start3A_53 : memref<1x4880xf32, #tpu.memory_space<hbm>> -> memref<4880xf32, #tpu.memory_space<hbm>>
      %dma_start3A_55 = tpu.memref_slice %arg12[%run_scoped3A_40, %mul3A_2] : memref<4x156160xf32, #tpu.memory_space<hbm>> -> memref<1x4880xf32, #tpu.memory_space<hbm>>
      %dma_start3A_56 = tpu.memref_squeeze %dma_start3A_55 : memref<1x4880xf32, #tpu.memory_space<hbm>> -> memref<4880xf32, #tpu.memory_space<hbm>>
      %dma_start3A_57 = arith.constant 0 : i32
      %dma_start3A_58 = tpu.memref_slice %arg24[%run_scoped3A_39, %dma_start3A_57] : memref<4x4880xf32, #tpu.memory_space<vmem>> -> memref<1x4880xf32, #tpu.memory_space<vmem>>
      %dma_start3A_59 = tpu.memref_squeeze %dma_start3A_58 : memref<1x4880xf32, #tpu.memory_space<vmem>> -> memref<4880xf32, #tpu.memory_space<vmem>>
      tpu.enqueue_dma source(%dma_start3A_59 : memref<4880xf32, #tpu.memory_space<vmem>>) target(%dma_start3A_56 : memref<4880xf32, #tpu.memory_space<hbm>>) target_semaphore(%run_scoped3A_50 : memref<!tpu.dma_semaphore, #tpu.memory_space<semaphore_mem>>)
      %dma_wait3A = arith.constant 0 : i32
      %dma_wait3A_60 = tpu.memref_slice %arg24[%run_scoped3A_39, %dma_wait3A] : memref<4x4880xf32, #tpu.memory_space<vmem>> -> memref<1x4880xf32, #tpu.memory_space<vmem>>
      %dma_wait3A_61 = tpu.memref_squeeze %dma_wait3A_60 : memref<1x4880xf32, #tpu.memory_space<vmem>> -> memref<4880xf32, #tpu.memory_space<vmem>>
      %dma_wait3A_62 = tpu.memref_slice %arg12[%run_scoped3A_40, %mul3A_2] : memref<4x156160xf32, #tpu.memory_space<hbm>> -> memref<1x4880xf32, #tpu.memory_space<hbm>>
      %dma_wait3A_63 = tpu.memref_squeeze %dma_wait3A_62 : memref<1x4880xf32, #tpu.memory_space<hbm>> -> memref<4880xf32, #tpu.memory_space<hbm>>
      %dma_wait3A_64 = tpu.memref_slice %arg12[%run_scoped3A_40, %mul3A_2] : memref<4x156160xf32, #tpu.memory_space<hbm>> -> memref<1x4880xf32, #tpu.memory_space<hbm>>
      %dma_wait3A_65 = tpu.memref_squeeze %dma_wait3A_64 : memref<1x4880xf32, #tpu.memory_space<hbm>> -> memref<4880xf32, #tpu.memory_space<hbm>>
      %dma_wait3A_66 = arith.constant 0 : i32
      %dma_wait3A_67 = tpu.memref_slice %arg24[%run_scoped3A_39, %dma_wait3A_66] : memref<4x4880xf32, #tpu.memory_space<vmem>> -> memref<1x4880xf32, #tpu.memory_space<vmem>>
      %dma_wait3A_68 = tpu.memref_squeeze %dma_wait3A_67 : memref<1x4880xf32, #tpu.memory_space<vmem>> -> memref<4880xf32, #tpu.memory_space<vmem>>
      tpu.wait_dma2 semaphore(%run_scoped3A_50 : memref<!tpu.dma_semaphore, #tpu.memory_space<semaphore_mem>>) src(%dma_wait3A_68 : memref<4880xf32, #tpu.memory_space<vmem>>) dst(%dma_wait3A_65 : memref<4880xf32, #tpu.memory_space<hbm>>)
      tpu.yield
    }) : () -> ()
    %run_scoped3A_41 = arith.constant 2 : i32
    %run_scoped3A_42 = arith.constant 2 : i32
    "tpu.region"() ({
      %run_scoped3A_50 = tpu.sem_alloc : memref<!tpu.dma_semaphore, #tpu.memory_space<semaphore_mem>>
      %dma_start3A = arith.constant 0 : i32
      %dma_start3A_51 = tpu.memref_slice %arg24[%run_scoped3A_41, %dma_start3A] : memref<4x4880xf32, #tpu.memory_space<vmem>> -> memref<1x4880xf32, #tpu.memory_space<vmem>>
      %dma_start3A_52 = tpu.memref_squeeze %dma_start3A_51 : memref<1x4880xf32, #tpu.memory_space<vmem>> -> memref<4880xf32, #tpu.memory_space<vmem>>
      %dma_start3A_53 = tpu.memref_slice %arg12[%run_scoped3A_42, %mul3A_2] : memref<4x156160xf32, #tpu.memory_space<hbm>> -> memref<1x4880xf32, #tpu.memory_space<hbm>>
      %dma_start3A_54 = tpu.memref_squeeze %dma_start3A_53 : memref<1x4880xf32, #tpu.memory_space<hbm>> -> memref<4880xf32, #tpu.memory_space<hbm>>
      %dma_start3A_55 = tpu.memref_slice %arg12[%run_scoped3A_42, %mul3A_2] : memref<4x156160xf32, #tpu.memory_space<hbm>> -> memref<1x4880xf32, #tpu.memory_space<hbm>>
      %dma_start3A_56 = tpu.memref_squeeze %dma_start3A_55 : memref<1x4880xf32, #tpu.memory_space<hbm>> -> memref<4880xf32, #tpu.memory_space<hbm>>
      %dma_start3A_57 = arith.constant 0 : i32
      %dma_start3A_58 = tpu.memref_slice %arg24[%run_scoped3A_41, %dma_start3A_57] : memref<4x4880xf32, #tpu.memory_space<vmem>> -> memref<1x4880xf32, #tpu.memory_space<vmem>>
      %dma_start3A_59 = tpu.memref_squeeze %dma_start3A_58 : memref<1x4880xf32, #tpu.memory_space<vmem>> -> memref<4880xf32, #tpu.memory_space<vmem>>
      tpu.enqueue_dma source(%dma_start3A_59 : memref<4880xf32, #tpu.memory_space<vmem>>) target(%dma_start3A_56 : memref<4880xf32, #tpu.memory_space<hbm>>) target_semaphore(%run_scoped3A_50 : memref<!tpu.dma_semaphore, #tpu.memory_space<semaphore_mem>>)
      %dma_wait3A = arith.constant 0 : i32
      %dma_wait3A_60 = tpu.memref_slice %arg24[%run_scoped3A_41, %dma_wait3A] : memref<4x4880xf32, #tpu.memory_space<vmem>> -> memref<1x4880xf32, #tpu.memory_space<vmem>>
      %dma_wait3A_61 = tpu.memref_squeeze %dma_wait3A_60 : memref<1x4880xf32, #tpu.memory_space<vmem>> -> memref<4880xf32, #tpu.memory_space<vmem>>
      %dma_wait3A_62 = tpu.memref_slice %arg12[%run_scoped3A_42, %mul3A_2] : memref<4x156160xf32, #tpu.memory_space<hbm>> -> memref<1x4880xf32, #tpu.memory_space<hbm>>
      %dma_wait3A_63 = tpu.memref_squeeze %dma_wait3A_62 : memref<1x4880xf32, #tpu.memory_space<hbm>> -> memref<4880xf32, #tpu.memory_space<hbm>>
      %dma_wait3A_64 = tpu.memref_slice %arg12[%run_scoped3A_42, %mul3A_2] : memref<4x156160xf32, #tpu.memory_space<hbm>> -> memref<1x4880xf32, #tpu.memory_space<hbm>>
      %dma_wait3A_65 = tpu.memref_squeeze %dma_wait3A_64 : memref<1x4880xf32, #tpu.memory_space<hbm>> -> memref<4880xf32, #tpu.memory_space<hbm>>
      %dma_wait3A_66 = arith.constant 0 : i32
      %dma_wait3A_67 = tpu.memref_slice %arg24[%run_scoped3A_41, %dma_wait3A_66] : memref<4x4880xf32, #tpu.memory_space<vmem>> -> memref<1x4880xf32, #tpu.memory_space<vmem>>
      %dma_wait3A_68 = tpu.memref_squeeze %dma_wait3A_67 : memref<1x4880xf32, #tpu.memory_space<vmem>> -> memref<4880xf32, #tpu.memory_space<vmem>>
      tpu.wait_dma2 semaphore(%run_scoped3A_50 : memref<!tpu.dma_semaphore, #tpu.memory_space<semaphore_mem>>) src(%dma_wait3A_68 : memref<4880xf32, #tpu.memory_space<vmem>>) dst(%dma_wait3A_65 : memref<4880xf32, #tpu.memory_space<hbm>>)
      tpu.yield
    }) : () -> ()
    %run_scoped3A_43 = arith.constant 3 : i32
    %run_scoped3A_44 = arith.constant 3 : i32
    "tpu.region"() ({
      %run_scoped3A_50 = tpu.sem_alloc : memref<!tpu.dma_semaphore, #tpu.memory_space<semaphore_mem>>
      %dma_start3A = arith.constant 0 : i32
      %dma_start3A_51 = tpu.memref_slice %arg24[%run_scoped3A_43, %dma_start3A] : memref<4x4880xf32, #tpu.memory_space<vmem>> -> memref<1x4880xf32, #tpu.memory_space<vmem>>
      %dma_start3A_52 = tpu.memref_squeeze %dma_start3A_51 : memref<1x4880xf32, #tpu.memory_space<vmem>> -> memref<4880xf32, #tpu.memory_space<vmem>>
      %dma_start3A_53 = tpu.memref_slice %arg12[%run_scoped3A_44, %mul3A_2] : memref<4x156160xf32, #tpu.memory_space<hbm>> -> memref<1x4880xf32, #tpu.memory_space<hbm>>
      %dma_start3A_54 = tpu.memref_squeeze %dma_start3A_53 : memref<1x4880xf32, #tpu.memory_space<hbm>> -> memref<4880xf32, #tpu.memory_space<hbm>>
      %dma_start3A_55 = tpu.memref_slice %arg12[%run_scoped3A_44, %mul3A_2] : memref<4x156160xf32, #tpu.memory_space<hbm>> -> memref<1x4880xf32, #tpu.memory_space<hbm>>
      %dma_start3A_56 = tpu.memref_squeeze %dma_start3A_55 : memref<1x4880xf32, #tpu.memory_space<hbm>> -> memref<4880xf32, #tpu.memory_space<hbm>>
      %dma_start3A_57 = arith.constant 0 : i32
      %dma_start3A_58 = tpu.memref_slice %arg24[%run_scoped3A_43, %dma_start3A_57] : memref<4x4880xf32, #tpu.memory_space<vmem>> -> memref<1x4880xf32, #tpu.memory_space<vmem>>
      %dma_start3A_59 = tpu.memref_squeeze %dma_start3A_58 : memref<1x4880xf32, #tpu.memory_space<vmem>> -> memref<4880xf32, #tpu.memory_space<vmem>>
      tpu.enqueue_dma source(%dma_start3A_59 : memref<4880xf32, #tpu.memory_space<vmem>>) target(%dma_start3A_56 : memref<4880xf32, #tpu.memory_space<hbm>>) target_semaphore(%run_scoped3A_50 : memref<!tpu.dma_semaphore, #tpu.memory_space<semaphore_mem>>)
      %dma_wait3A = arith.constant 0 : i32
      %dma_wait3A_60 = tpu.memref_slice %arg24[%run_scoped3A_43, %dma_wait3A] : memref<4x4880xf32, #tpu.memory_space<vmem>> -> memref<1x4880xf32, #tpu.memory_space<vmem>>
      %dma_wait3A_61 = tpu.memref_squeeze %dma_wait3A_60 : memref<1x4880xf32, #tpu.memory_space<vmem>> -> memref<4880xf32, #tpu.memory_space<vmem>>
      %dma_wait3A_62 = tpu.memref_slice %arg12[%run_scoped3A_44, %mul3A_2] : memref<4x156160xf32, #tpu.memory_space<hbm>> -> memref<1x4880xf32, #tpu.memory_space<hbm>>
      %dma_wait3A_63 = tpu.memref_squeeze %dma_wait3A_62 : memref<1x4880xf32, #tpu.memory_space<hbm>> -> memref<4880xf32, #tpu.memory_space<hbm>>
      %dma_wait3A_64 = tpu.memref_slice %arg12[%run_scoped3A_44, %mul3A_2] : memref<4x156160xf32, #tpu.memory_space<hbm>> -> memref<1x4880xf32, #tpu.memory_space<hbm>>
      %dma_wait3A_65 = tpu.memref_squeeze %dma_wait3A_64 : memref<1x4880xf32, #tpu.memory_space<hbm>> -> memref<4880xf32, #tpu.memory_space<hbm>>
      %dma_wait3A_66 = arith.constant 0 : i32
      %dma_wait3A_67 = tpu.memref_slice %arg24[%run_scoped3A_43, %dma_wait3A_66] : memref<4x4880xf32, #tpu.memory_space<vmem>> -> memref<1x4880xf32, #tpu.memory_space<vmem>>
      %dma_wait3A_68 = tpu.memref_squeeze %dma_wait3A_67 : memref<1x4880xf32, #tpu.memory_space<vmem>> -> memref<4880xf32, #tpu.memory_space<vmem>>
      tpu.wait_dma2 semaphore(%run_scoped3A_50 : memref<!tpu.dma_semaphore, #tpu.memory_space<semaphore_mem>>) src(%dma_wait3A_68 : memref<4880xf32, #tpu.memory_space<vmem>>) dst(%dma_wait3A_65 : memref<4880xf32, #tpu.memory_space<hbm>>)
      tpu.yield
    }) : () -> ()
    %barrier3A_45 = arith.constant 0 : index
    tpu.barrier barrier_id(%barrier3A_45)
    %mul3A_46 = arith.constant 640 : i32
    %mul3A_47 = arith.muli %arg1, %mul3A_46 : i32
    %mul3A_48 = arith.constant 640 : i32
    %mul3A_49 = arith.muli %arg1, %mul3A_48 : i32
    "tpu.region"() ({
      %run_scoped3A_50 = tpu.sem_alloc : memref<!tpu.dma_semaphore, #tpu.memory_space<semaphore_mem>>
      %dma_start3A = tpu.memref_slice %arg13[%arg0, %mul3A_49] : memref<2x10240xf32, #tpu.memory_space<hbm>> -> memref<1x640xf32, #tpu.memory_space<hbm>>
      %dma_start3A_51 = tpu.memref_squeeze %dma_start3A : memref<1x640xf32, #tpu.memory_space<hbm>> -> memref<640xf32, #tpu.memory_space<hbm>>
      %dma_start3A_52 = tpu.memref_slice %arg26[%mul3A_47] : memref<10240xf32, #tpu.memory_space<vmem_shared>> -> memref<640xf32, #tpu.memory_space<vmem_shared>>
      tpu.enqueue_dma source(%dma_start3A_52 : memref<640xf32, #tpu.memory_space<vmem_shared>>) target(%dma_start3A_51 : memref<640xf32, #tpu.memory_space<hbm>>) target_semaphore(%run_scoped3A_50 : memref<!tpu.dma_semaphore, #tpu.memory_space<semaphore_mem>>)
      %dma_wait3A = tpu.memref_slice %arg13[%arg0, %mul3A_49] : memref<2x10240xf32, #tpu.memory_space<hbm>> -> memref<1x640xf32, #tpu.memory_space<hbm>>
      %dma_wait3A_53 = tpu.memref_squeeze %dma_wait3A : memref<1x640xf32, #tpu.memory_space<hbm>> -> memref<640xf32, #tpu.memory_space<hbm>>
      %dma_wait3A_54 = tpu.memref_slice %arg26[%mul3A_47] : memref<10240xf32, #tpu.memory_space<vmem_shared>> -> memref<640xf32, #tpu.memory_space<vmem_shared>>
      tpu.wait_dma2 semaphore(%run_scoped3A_50 : memref<!tpu.dma_semaphore, #tpu.memory_space<semaphore_mem>>) src(%dma_wait3A_54 : memref<640xf32, #tpu.memory_space<vmem_shared>>) dst(%dma_wait3A_53 : memref<640xf32, #tpu.memory_space<hbm>>)
      tpu.yield
    }) : () -> ()
    return
  }
}

#map = affine_map<(d0, d1) -> (0, 0)>
#map1 = affine_map<(d0, d1) -> (0)>
#map2 = affine_map<(d0, d1) -> (0, 0, 0)>
module attributes {stable_mosaic.version = 14 : i64} {
  func.func @_k4_body(%arg0: i32, %arg1: i32, %arg2: memref<163840x128xf32, #tpu.memory_space<hbm>>, %arg3: memref<4x163840xf32, #tpu.memory_space<hbm>>, %arg4: memref<163840xi32, #tpu.memory_space<hbm>>, %arg5: memref<625x128xf32, #tpu.memory_space<hbm>>, %arg6: memref<640xf32, #tpu.memory_space<hbm>>, %arg7: memref<2x10000x128xf32, #tpu.memory_space<hbm>>, %arg8: memref<2x3x10240xf32, #tpu.memory_space<hbm>>, %arg9: memref<80xi32, #tpu.memory_space<vmem>>, %arg10: memref<80x128xf32, #tpu.memory_space<vmem>>, %arg11: memref<80xi32, #tpu.memory_space<vmem>>, %arg12: memref<80x128xf32, #tpu.memory_space<vmem>>, %arg13: memref<3x5120xf32, #tpu.memory_space<vmem>>, %arg14: memref<10000x128xf32, #tpu.memory_space<vmem_shared>>, %arg15: memref<10240xf32, #tpu.memory_space<vmem_shared>>, %arg16: memref<10240xf32, #tpu.memory_space<vmem_shared>>, %arg17: memref<10240xf32, #tpu.memory_space<vmem_shared>>, %arg18: memref<!tpu.dma_semaphore, #tpu.memory_space<semaphore_mem>>, %arg19: memref<!tpu.dma_semaphore, #tpu.memory_space<semaphore_mem>>, %arg20: memref<!tpu.dma_semaphore, #tpu.memory_space<semaphore_mem>>) attributes {dimension_semantics = [#tpu.dimension_semantics<core_parallel>, #tpu.dimension_semantics<subcore_parallel>], iteration_bounds = array<i64: 2, 16>, scalar_prefetch = 0 : i64, scratch_operands = 12 : i64, tpu.core_type = #tpu.core_type<sc_vector_subcore>, window_params = [{transform_indices = #map}, {transform_indices = #map}, {transform_indices = #map1}, {transform_indices = #map}, {transform_indices = #map1}, {transform_indices = #map2}, {transform_indices = #map2}]} {
    %mul3A = arith.constant 2 : i32
    %mul3A_0 = arith.muli %arg1, %mul3A : i32
    %add3A = arith.addi %mul3A_0, %arg0 : i32
    %mul3A_1 = arith.constant 5120 : i32
    %mul3A_2 = arith.muli %add3A, %mul3A_1 : i32
    %mul3A_3 = arith.constant 625 : i32
    %mul3A_4 = arith.muli %arg1, %mul3A_3 : i32
    "tpu.region"() ({
      %run_scoped3A_41 = tpu.sem_alloc : memref<!tpu.dma_semaphore, #tpu.memory_space<semaphore_mem>>
      %dma_start3A = arith.constant 0 : i32
      %dma_start3A_42 = tpu.memref_slice %arg14[%mul3A_4, %dma_start3A] : memref<10000x128xf32, #tpu.memory_space<vmem_shared>> -> memref<625x128xf32, #tpu.memory_space<vmem_shared>>
      tpu.enqueue_dma source(%arg5 : memref<625x128xf32, #tpu.memory_space<hbm>>) target(%dma_start3A_42 : memref<625x128xf32, #tpu.memory_space<vmem_shared>>) target_semaphore(%run_scoped3A_41 : memref<!tpu.dma_semaphore, #tpu.memory_space<semaphore_mem>>)
      %dma_wait3A = arith.constant 0 : i32
      %dma_wait3A_43 = tpu.memref_slice %arg14[%mul3A_4, %dma_wait3A] : memref<10000x128xf32, #tpu.memory_space<vmem_shared>> -> memref<625x128xf32, #tpu.memory_space<vmem_shared>>
      tpu.wait_dma2 semaphore(%run_scoped3A_41 : memref<!tpu.dma_semaphore, #tpu.memory_space<semaphore_mem>>) src(%arg5 : memref<625x128xf32, #tpu.memory_space<hbm>>) dst(%dma_wait3A_43 : memref<625x128xf32, #tpu.memory_space<vmem_shared>>)
      tpu.yield
    }) : () -> ()
    %mul3A_5 = arith.constant 640 : i32
    %mul3A_6 = arith.muli %arg1, %mul3A_5 : i32
    "tpu.region"() ({
      %run_scoped3A_41 = tpu.sem_alloc : memref<!tpu.dma_semaphore, #tpu.memory_space<semaphore_mem>>
      %dma_start3A = tpu.memref_slice %arg15[%mul3A_6] : memref<10240xf32, #tpu.memory_space<vmem_shared>> -> memref<640xf32, #tpu.memory_space<vmem_shared>>
      tpu.enqueue_dma source(%arg6 : memref<640xf32, #tpu.memory_space<hbm>>) target(%dma_start3A : memref<640xf32, #tpu.memory_space<vmem_shared>>) target_semaphore(%run_scoped3A_41 : memref<!tpu.dma_semaphore, #tpu.memory_space<semaphore_mem>>)
      %dma_wait3A = tpu.memref_slice %arg15[%mul3A_6] : memref<10240xf32, #tpu.memory_space<vmem_shared>> -> memref<640xf32, #tpu.memory_space<vmem_shared>>
      tpu.wait_dma2 semaphore(%run_scoped3A_41 : memref<!tpu.dma_semaphore, #tpu.memory_space<semaphore_mem>>) src(%arg6 : memref<640xf32, #tpu.memory_space<hbm>>) dst(%dma_wait3A : memref<640xf32, #tpu.memory_space<vmem_shared>>)
      tpu.yield
    }) : () -> ()
    %run_scoped3A = arith.constant 0 : i32
    %run_scoped3A_7 = arith.constant 0 : i32
    "tpu.region"() ({
      %run_scoped3A_41 = tpu.sem_alloc : memref<!tpu.dma_semaphore, #tpu.memory_space<semaphore_mem>>
      %dma_start3A = arith.constant 0 : i32
      %dma_start3A_42 = tpu.memref_slice %arg13[%run_scoped3A_7, %dma_start3A] : memref<3x5120xf32, #tpu.memory_space<vmem>> -> memref<1x5120xf32, #tpu.memory_space<vmem>>
      %dma_start3A_43 = tpu.memref_squeeze %dma_start3A_42 : memref<1x5120xf32, #tpu.memory_space<vmem>> -> memref<5120xf32, #tpu.memory_space<vmem>>
      %dma_start3A_44 = tpu.memref_slice %arg3[%run_scoped3A, %mul3A_2] : memref<4x163840xf32, #tpu.memory_space<hbm>> -> memref<1x5120xf32, #tpu.memory_space<hbm>>
      %dma_start3A_45 = tpu.memref_squeeze %dma_start3A_44 : memref<1x5120xf32, #tpu.memory_space<hbm>> -> memref<5120xf32, #tpu.memory_space<hbm>>
      %dma_start3A_46 = arith.constant 0 : i32
      %dma_start3A_47 = tpu.memref_slice %arg13[%run_scoped3A_7, %dma_start3A_46] : memref<3x5120xf32, #tpu.memory_space<vmem>> -> memref<1x5120xf32, #tpu.memory_space<vmem>>
      %dma_start3A_48 = tpu.memref_squeeze %dma_start3A_47 : memref<1x5120xf32, #tpu.memory_space<vmem>> -> memref<5120xf32, #tpu.memory_space<vmem>>
      %dma_start3A_49 = tpu.memref_slice %arg3[%run_scoped3A, %mul3A_2] : memref<4x163840xf32, #tpu.memory_space<hbm>> -> memref<1x5120xf32, #tpu.memory_space<hbm>>
      %dma_start3A_50 = tpu.memref_squeeze %dma_start3A_49 : memref<1x5120xf32, #tpu.memory_space<hbm>> -> memref<5120xf32, #tpu.memory_space<hbm>>
      tpu.enqueue_dma source(%dma_start3A_50 : memref<5120xf32, #tpu.memory_space<hbm>>) target(%dma_start3A_48 : memref<5120xf32, #tpu.memory_space<vmem>>) target_semaphore(%run_scoped3A_41 : memref<!tpu.dma_semaphore, #tpu.memory_space<semaphore_mem>>)
      %dma_wait3A = arith.constant 0 : i32
      %dma_wait3A_51 = tpu.memref_slice %arg13[%run_scoped3A_7, %dma_wait3A] : memref<3x5120xf32, #tpu.memory_space<vmem>> -> memref<1x5120xf32, #tpu.memory_space<vmem>>
      %dma_wait3A_52 = tpu.memref_squeeze %dma_wait3A_51 : memref<1x5120xf32, #tpu.memory_space<vmem>> -> memref<5120xf32, #tpu.memory_space<vmem>>
      %dma_wait3A_53 = tpu.memref_slice %arg3[%run_scoped3A, %mul3A_2] : memref<4x163840xf32, #tpu.memory_space<hbm>> -> memref<1x5120xf32, #tpu.memory_space<hbm>>
      %dma_wait3A_54 = tpu.memref_squeeze %dma_wait3A_53 : memref<1x5120xf32, #tpu.memory_space<hbm>> -> memref<5120xf32, #tpu.memory_space<hbm>>
      %dma_wait3A_55 = arith.constant 0 : i32
      %dma_wait3A_56 = tpu.memref_slice %arg13[%run_scoped3A_7, %dma_wait3A_55] : memref<3x5120xf32, #tpu.memory_space<vmem>> -> memref<1x5120xf32, #tpu.memory_space<vmem>>
      %dma_wait3A_57 = tpu.memref_squeeze %dma_wait3A_56 : memref<1x5120xf32, #tpu.memory_space<vmem>> -> memref<5120xf32, #tpu.memory_space<vmem>>
      %dma_wait3A_58 = tpu.memref_slice %arg3[%run_scoped3A, %mul3A_2] : memref<4x163840xf32, #tpu.memory_space<hbm>> -> memref<1x5120xf32, #tpu.memory_space<hbm>>
      %dma_wait3A_59 = tpu.memref_squeeze %dma_wait3A_58 : memref<1x5120xf32, #tpu.memory_space<hbm>> -> memref<5120xf32, #tpu.memory_space<hbm>>
      tpu.wait_dma2 semaphore(%run_scoped3A_41 : memref<!tpu.dma_semaphore, #tpu.memory_space<semaphore_mem>>) src(%dma_wait3A_59 : memref<5120xf32, #tpu.memory_space<hbm>>) dst(%dma_wait3A_57 : memref<5120xf32, #tpu.memory_space<vmem>>)
      tpu.yield
    }) : () -> ()
    %mul3A_8 = arith.constant 640 : i32
    %mul3A_9 = arith.muli %arg1, %mul3A_8 : i32
    "tpu.region"() ({
      %run_scoped3A_41 = tpu.sem_alloc : memref<!tpu.dma_semaphore, #tpu.memory_space<semaphore_mem>>
      %dma_start3A = tpu.memref_slice %arg16[%mul3A_9] : memref<10240xf32, #tpu.memory_space<vmem_shared>> -> memref<640xf32, #tpu.memory_space<vmem_shared>>
      tpu.enqueue_dma source(%arg6 : memref<640xf32, #tpu.memory_space<hbm>>) target(%dma_start3A : memref<640xf32, #tpu.memory_space<vmem_shared>>) target_semaphore(%run_scoped3A_41 : memref<!tpu.dma_semaphore, #tpu.memory_space<semaphore_mem>>)
      %dma_wait3A = tpu.memref_slice %arg16[%mul3A_9] : memref<10240xf32, #tpu.memory_space<vmem_shared>> -> memref<640xf32, #tpu.memory_space<vmem_shared>>
      tpu.wait_dma2 semaphore(%run_scoped3A_41 : memref<!tpu.dma_semaphore, #tpu.memory_space<semaphore_mem>>) src(%arg6 : memref<640xf32, #tpu.memory_space<hbm>>) dst(%dma_wait3A : memref<640xf32, #tpu.memory_space<vmem_shared>>)
      tpu.yield
    }) : () -> ()
    %run_scoped3A_10 = arith.constant 1 : i32
    %run_scoped3A_11 = arith.constant 1 : i32
    "tpu.region"() ({
      %run_scoped3A_41 = tpu.sem_alloc : memref<!tpu.dma_semaphore, #tpu.memory_space<semaphore_mem>>
      %dma_start3A = arith.constant 0 : i32
      %dma_start3A_42 = tpu.memref_slice %arg13[%run_scoped3A_11, %dma_start3A] : memref<3x5120xf32, #tpu.memory_space<vmem>> -> memref<1x5120xf32, #tpu.memory_space<vmem>>
      %dma_start3A_43 = tpu.memref_squeeze %dma_start3A_42 : memref<1x5120xf32, #tpu.memory_space<vmem>> -> memref<5120xf32, #tpu.memory_space<vmem>>
      %dma_start3A_44 = tpu.memref_slice %arg3[%run_scoped3A_10, %mul3A_2] : memref<4x163840xf32, #tpu.memory_space<hbm>> -> memref<1x5120xf32, #tpu.memory_space<hbm>>
      %dma_start3A_45 = tpu.memref_squeeze %dma_start3A_44 : memref<1x5120xf32, #tpu.memory_space<hbm>> -> memref<5120xf32, #tpu.memory_space<hbm>>
      %dma_start3A_46 = arith.constant 0 : i32
      %dma_start3A_47 = tpu.memref_slice %arg13[%run_scoped3A_11, %dma_start3A_46] : memref<3x5120xf32, #tpu.memory_space<vmem>> -> memref<1x5120xf32, #tpu.memory_space<vmem>>
      %dma_start3A_48 = tpu.memref_squeeze %dma_start3A_47 : memref<1x5120xf32, #tpu.memory_space<vmem>> -> memref<5120xf32, #tpu.memory_space<vmem>>
      %dma_start3A_49 = tpu.memref_slice %arg3[%run_scoped3A_10, %mul3A_2] : memref<4x163840xf32, #tpu.memory_space<hbm>> -> memref<1x5120xf32, #tpu.memory_space<hbm>>
      %dma_start3A_50 = tpu.memref_squeeze %dma_start3A_49 : memref<1x5120xf32, #tpu.memory_space<hbm>> -> memref<5120xf32, #tpu.memory_space<hbm>>
      tpu.enqueue_dma source(%dma_start3A_50 : memref<5120xf32, #tpu.memory_space<hbm>>) target(%dma_start3A_48 : memref<5120xf32, #tpu.memory_space<vmem>>) target_semaphore(%run_scoped3A_41 : memref<!tpu.dma_semaphore, #tpu.memory_space<semaphore_mem>>)
      %dma_wait3A = arith.constant 0 : i32
      %dma_wait3A_51 = tpu.memref_slice %arg13[%run_scoped3A_11, %dma_wait3A] : memref<3x5120xf32, #tpu.memory_space<vmem>> -> memref<1x5120xf32, #tpu.memory_space<vmem>>
      %dma_wait3A_52 = tpu.memref_squeeze %dma_wait3A_51 : memref<1x5120xf32, #tpu.memory_space<vmem>> -> memref<5120xf32, #tpu.memory_space<vmem>>
      %dma_wait3A_53 = tpu.memref_slice %arg3[%run_scoped3A_10, %mul3A_2] : memref<4x163840xf32, #tpu.memory_space<hbm>> -> memref<1x5120xf32, #tpu.memory_space<hbm>>
      %dma_wait3A_54 = tpu.memref_squeeze %dma_wait3A_53 : memref<1x5120xf32, #tpu.memory_space<hbm>> -> memref<5120xf32, #tpu.memory_space<hbm>>
      %dma_wait3A_55 = arith.constant 0 : i32
      %dma_wait3A_56 = tpu.memref_slice %arg13[%run_scoped3A_11, %dma_wait3A_55] : memref<3x5120xf32, #tpu.memory_space<vmem>> -> memref<1x5120xf32, #tpu.memory_space<vmem>>
      %dma_wait3A_57 = tpu.memref_squeeze %dma_wait3A_56 : memref<1x5120xf32, #tpu.memory_space<vmem>> -> memref<5120xf32, #tpu.memory_space<vmem>>
      %dma_wait3A_58 = tpu.memref_slice %arg3[%run_scoped3A_10, %mul3A_2] : memref<4x163840xf32, #tpu.memory_space<hbm>> -> memref<1x5120xf32, #tpu.memory_space<hbm>>
      %dma_wait3A_59 = tpu.memref_squeeze %dma_wait3A_58 : memref<1x5120xf32, #tpu.memory_space<hbm>> -> memref<5120xf32, #tpu.memory_space<hbm>>
      tpu.wait_dma2 semaphore(%run_scoped3A_41 : memref<!tpu.dma_semaphore, #tpu.memory_space<semaphore_mem>>) src(%dma_wait3A_59 : memref<5120xf32, #tpu.memory_space<hbm>>) dst(%dma_wait3A_57 : memref<5120xf32, #tpu.memory_space<vmem>>)
      tpu.yield
    }) : () -> ()
    %mul3A_12 = arith.constant 640 : i32
    %mul3A_13 = arith.muli %arg1, %mul3A_12 : i32
    "tpu.region"() ({
      %run_scoped3A_41 = tpu.sem_alloc : memref<!tpu.dma_semaphore, #tpu.memory_space<semaphore_mem>>
      %dma_start3A = tpu.memref_slice %arg17[%mul3A_13] : memref<10240xf32, #tpu.memory_space<vmem_shared>> -> memref<640xf32, #tpu.memory_space<vmem_shared>>
      tpu.enqueue_dma source(%arg6 : memref<640xf32, #tpu.memory_space<hbm>>) target(%dma_start3A : memref<640xf32, #tpu.memory_space<vmem_shared>>) target_semaphore(%run_scoped3A_41 : memref<!tpu.dma_semaphore, #tpu.memory_space<semaphore_mem>>)
      %dma_wait3A = tpu.memref_slice %arg17[%mul3A_13] : memref<10240xf32, #tpu.memory_space<vmem_shared>> -> memref<640xf32, #tpu.memory_space<vmem_shared>>
      tpu.wait_dma2 semaphore(%run_scoped3A_41 : memref<!tpu.dma_semaphore, #tpu.memory_space<semaphore_mem>>) src(%arg6 : memref<640xf32, #tpu.memory_space<hbm>>) dst(%dma_wait3A : memref<640xf32, #tpu.memory_space<vmem_shared>>)
      tpu.yield
    }) : () -> ()
    %run_scoped3A_14 = arith.constant 2 : i32
    %run_scoped3A_15 = arith.constant 2 : i32
    "tpu.region"() ({
      %run_scoped3A_41 = tpu.sem_alloc : memref<!tpu.dma_semaphore, #tpu.memory_space<semaphore_mem>>
      %dma_start3A = arith.constant 0 : i32
      %dma_start3A_42 = tpu.memref_slice %arg13[%run_scoped3A_15, %dma_start3A] : memref<3x5120xf32, #tpu.memory_space<vmem>> -> memref<1x5120xf32, #tpu.memory_space<vmem>>
      %dma_start3A_43 = tpu.memref_squeeze %dma_start3A_42 : memref<1x5120xf32, #tpu.memory_space<vmem>> -> memref<5120xf32, #tpu.memory_space<vmem>>
      %dma_start3A_44 = tpu.memref_slice %arg3[%run_scoped3A_14, %mul3A_2] : memref<4x163840xf32, #tpu.memory_space<hbm>> -> memref<1x5120xf32, #tpu.memory_space<hbm>>
      %dma_start3A_45 = tpu.memref_squeeze %dma_start3A_44 : memref<1x5120xf32, #tpu.memory_space<hbm>> -> memref<5120xf32, #tpu.memory_space<hbm>>
      %dma_start3A_46 = arith.constant 0 : i32
      %dma_start3A_47 = tpu.memref_slice %arg13[%run_scoped3A_15, %dma_start3A_46] : memref<3x5120xf32, #tpu.memory_space<vmem>> -> memref<1x5120xf32, #tpu.memory_space<vmem>>
      %dma_start3A_48 = tpu.memref_squeeze %dma_start3A_47 : memref<1x5120xf32, #tpu.memory_space<vmem>> -> memref<5120xf32, #tpu.memory_space<vmem>>
      %dma_start3A_49 = tpu.memref_slice %arg3[%run_scoped3A_14, %mul3A_2] : memref<4x163840xf32, #tpu.memory_space<hbm>> -> memref<1x5120xf32, #tpu.memory_space<hbm>>
      %dma_start3A_50 = tpu.memref_squeeze %dma_start3A_49 : memref<1x5120xf32, #tpu.memory_space<hbm>> -> memref<5120xf32, #tpu.memory_space<hbm>>
      tpu.enqueue_dma source(%dma_start3A_50 : memref<5120xf32, #tpu.memory_space<hbm>>) target(%dma_start3A_48 : memref<5120xf32, #tpu.memory_space<vmem>>) target_semaphore(%run_scoped3A_41 : memref<!tpu.dma_semaphore, #tpu.memory_space<semaphore_mem>>)
      %dma_wait3A = arith.constant 0 : i32
      %dma_wait3A_51 = tpu.memref_slice %arg13[%run_scoped3A_15, %dma_wait3A] : memref<3x5120xf32, #tpu.memory_space<vmem>> -> memref<1x5120xf32, #tpu.memory_space<vmem>>
      %dma_wait3A_52 = tpu.memref_squeeze %dma_wait3A_51 : memref<1x5120xf32, #tpu.memory_space<vmem>> -> memref<5120xf32, #tpu.memory_space<vmem>>
      %dma_wait3A_53 = tpu.memref_slice %arg3[%run_scoped3A_14, %mul3A_2] : memref<4x163840xf32, #tpu.memory_space<hbm>> -> memref<1x5120xf32, #tpu.memory_space<hbm>>
      %dma_wait3A_54 = tpu.memref_squeeze %dma_wait3A_53 : memref<1x5120xf32, #tpu.memory_space<hbm>> -> memref<5120xf32, #tpu.memory_space<hbm>>
      %dma_wait3A_55 = arith.constant 0 : i32
      %dma_wait3A_56 = tpu.memref_slice %arg13[%run_scoped3A_15, %dma_wait3A_55] : memref<3x5120xf32, #tpu.memory_space<vmem>> -> memref<1x5120xf32, #tpu.memory_space<vmem>>
      %dma_wait3A_57 = tpu.memref_squeeze %dma_wait3A_56 : memref<1x5120xf32, #tpu.memory_space<vmem>> -> memref<5120xf32, #tpu.memory_space<vmem>>
      %dma_wait3A_58 = tpu.memref_slice %arg3[%run_scoped3A_14, %mul3A_2] : memref<4x163840xf32, #tpu.memory_space<hbm>> -> memref<1x5120xf32, #tpu.memory_space<hbm>>
      %dma_wait3A_59 = tpu.memref_squeeze %dma_wait3A_58 : memref<1x5120xf32, #tpu.memory_space<hbm>> -> memref<5120xf32, #tpu.memory_space<hbm>>
      tpu.wait_dma2 semaphore(%run_scoped3A_41 : memref<!tpu.dma_semaphore, #tpu.memory_space<semaphore_mem>>) src(%dma_wait3A_59 : memref<5120xf32, #tpu.memory_space<hbm>>) dst(%dma_wait3A_57 : memref<5120xf32, #tpu.memory_space<vmem>>)
      tpu.yield
    }) : () -> ()
    %barrier3A = arith.constant 0 : index
    tpu.barrier barrier_id(%barrier3A)
    %scan3A = arith.constant 0 : i32
    %scan3A_16 = arith.constant 0 : i32
    %scan3A_17 = arith.constant 32 : i32
    %scan3A_18 = arith.addi %scan3A_16, %scan3A_17 : i32
    %scan3A_19 = arith.constant 1 : i32
    scf.for %scan3A_41 = %scan3A_16 to %scan3A_18 step %scan3A_19  : i32 {
      %mul3A_42 = arith.constant 2 : i32
      %mul3A_43 = arith.muli %mul3A_42, %scan3A_41 : i32
      %mul3A_44 = arith.constant 80 : i32
      %mul3A_45 = arith.muli %mul3A_43, %mul3A_44 : i32
      %add3A_46 = arith.addi %mul3A_2, %mul3A_45 : i32
      %add3A_47 = arith.constant 80 : i32
      %add3A_48 = arith.addi %add3A_46, %add3A_47 : i32
      %dma_start3A = tpu.memref_slice %arg4[%add3A_46] : memref<163840xi32, #tpu.memory_space<hbm>> -> memref<80xi32, #tpu.memory_space<hbm>>
      %dma_start3A_49 = tpu.memref_slice %arg4[%add3A_46] : memref<163840xi32, #tpu.memory_space<hbm>> -> memref<80xi32, #tpu.memory_space<hbm>>
      tpu.enqueue_dma source(%dma_start3A_49 : memref<80xi32, #tpu.memory_space<hbm>>) target(%arg9 : memref<80xi32, #tpu.memory_space<vmem>>) target_semaphore(%arg19 : memref<!tpu.dma_semaphore, #tpu.memory_space<semaphore_mem>>)
      %dma_start3A_50 = arith.constant 0 : i32
      %dma_start3A_51 = tpu.memref_slice %arg2[%add3A_46, %dma_start3A_50] : memref<163840x128xf32, #tpu.memory_space<hbm>> -> memref<80x128xf32, #tpu.memory_space<hbm>>
      %dma_start3A_52 = arith.constant 0 : i32
      %dma_start3A_53 = tpu.memref_slice %arg2[%add3A_46, %dma_start3A_52] : memref<163840x128xf32, #tpu.memory_space<hbm>> -> memref<80x128xf32, #tpu.memory_space<hbm>>
      tpu.enqueue_dma source(%dma_start3A_53 : memref<80x128xf32, #tpu.memory_space<hbm>>) target(%arg10 : memref<80x128xf32, #tpu.memory_space<vmem>>) target_semaphore(%arg19 : memref<!tpu.dma_semaphore, #tpu.memory_space<semaphore_mem>>)
      %dma_start3A_54 = tpu.memref_slice %arg4[%add3A_48] : memref<163840xi32, #tpu.memory_space<hbm>> -> memref<80xi32, #tpu.memory_space<hbm>>
      %dma_start3A_55 = tpu.memref_slice %arg4[%add3A_48] : memref<163840xi32, #tpu.memory_space<hbm>> -> memref<80xi32, #tpu.memory_space<hbm>>
      tpu.enqueue_dma source(%dma_start3A_55 : memref<80xi32, #tpu.memory_space<hbm>>) target(%arg11 : memref<80xi32, #tpu.memory_space<vmem>>) target_semaphore(%arg20 : memref<!tpu.dma_semaphore, #tpu.memory_space<semaphore_mem>>)
      %dma_start3A_56 = arith.constant 0 : i32
      %dma_start3A_57 = tpu.memref_slice %arg2[%add3A_48, %dma_start3A_56] : memref<163840x128xf32, #tpu.memory_space<hbm>> -> memref<80x128xf32, #tpu.memory_space<hbm>>
      %dma_start3A_58 = arith.constant 0 : i32
      %dma_start3A_59 = tpu.memref_slice %arg2[%add3A_48, %dma_start3A_58] : memref<163840x128xf32, #tpu.memory_space<hbm>> -> memref<80x128xf32, #tpu.memory_space<hbm>>
      tpu.enqueue_dma source(%dma_start3A_59 : memref<80x128xf32, #tpu.memory_space<hbm>>) target(%arg12 : memref<80x128xf32, #tpu.memory_space<vmem>>) target_semaphore(%arg20 : memref<!tpu.dma_semaphore, #tpu.memory_space<semaphore_mem>>)
      %dma_wait3A = tpu.memref_slice %arg4[%add3A_46] : memref<163840xi32, #tpu.memory_space<hbm>> -> memref<80xi32, #tpu.memory_space<hbm>>
      %dma_wait3A_60 = tpu.memref_slice %arg4[%add3A_46] : memref<163840xi32, #tpu.memory_space<hbm>> -> memref<80xi32, #tpu.memory_space<hbm>>
      tpu.wait_dma2 semaphore(%arg19 : memref<!tpu.dma_semaphore, #tpu.memory_space<semaphore_mem>>) src(%dma_wait3A_60 : memref<80xi32, #tpu.memory_space<hbm>>) dst(%arg9 : memref<80xi32, #tpu.memory_space<vmem>>)
      %dma_wait3A_61 = arith.constant 0 : i32
      %dma_wait3A_62 = tpu.memref_slice %arg2[%add3A_46, %dma_wait3A_61] : memref<163840x128xf32, #tpu.memory_space<hbm>> -> memref<80x128xf32, #tpu.memory_space<hbm>>
      %dma_wait3A_63 = arith.constant 0 : i32
      %dma_wait3A_64 = tpu.memref_slice %arg2[%add3A_46, %dma_wait3A_63] : memref<163840x128xf32, #tpu.memory_space<hbm>> -> memref<80x128xf32, #tpu.memory_space<hbm>>
      tpu.wait_dma2 semaphore(%arg19 : memref<!tpu.dma_semaphore, #tpu.memory_space<semaphore_mem>>) src(%dma_wait3A_64 : memref<80x128xf32, #tpu.memory_space<hbm>>) dst(%arg10 : memref<80x128xf32, #tpu.memory_space<vmem>>)
      %mul3A_65 = arith.constant 2 : i32
      %mul3A_66 = arith.muli %mul3A_65, %scan3A_41 : i32
      %dma_start3A_67 = arith.constant 0 : i32
      %dma_start3A_68 = arith.constant 0 : i32
      %dma_start3A_69 = tpu.memref_slice %arg10[%dma_start3A_67, %dma_start3A_68] : memref<80x128xf32, #tpu.memory_space<vmem>> -> memref<80x128xf32, #tpu.memory_space<vmem>>
      %dma_start3A_70 = arith.constant 0 : i32
      %dma_start3A_71 = tpu.memref_slice %arg9[%dma_start3A_70] : memref<80xi32, #tpu.memory_space<vmem>> -> memref<80xi32, #tpu.memory_space<vmem>>
      %dma_start3A_72 = arith.constant 0 : i32
      %dma_start3A_73 = arith.constant 0 : i32
      %dma_start3A_74 = tpu.memref_slice %arg14[%dma_start3A_72, %dma_start3A_73] : memref<10000x128xf32, #tpu.memory_space<vmem_shared>> -> memref<10000x128xf32, #tpu.memory_space<vmem_shared>>
      tpu.enqueue_indirect_dma source(%dma_start3A_69 : memref<80x128xf32, #tpu.memory_space<vmem>>) target(%dma_start3A_74 : memref<10000x128xf32, #tpu.memory_space<vmem_shared>>) offsets(%dma_start3A_71 : memref<80xi32, #tpu.memory_space<vmem>>) semaphore(%arg18 : memref<!tpu.dma_semaphore, #tpu.memory_space<semaphore_mem>>) {add = true}
      %mul3A_75 = arith.constant 80 : i32
      %mul3A_76 = arith.muli %mul3A_66, %mul3A_75 : i32
      %add3A_77 = arith.constant 0 : i32
      %add3A_78 = arith.addi %mul3A_76, %add3A_77 : i32
      %dma_start3A_79 = arith.constant 0 : i32
      %dma_start3A_80 = tpu.memref_slice %arg13[%dma_start3A_79, %add3A_78] : memref<3x5120xf32, #tpu.memory_space<vmem>> -> memref<1x80xf32, #tpu.memory_space<vmem>>
      %dma_start3A_81 = tpu.memref_squeeze %dma_start3A_80 : memref<1x80xf32, #tpu.memory_space<vmem>> -> memref<80xf32, #tpu.memory_space<vmem>>
      %dma_start3A_82 = arith.constant 0 : i32
      %dma_start3A_83 = tpu.memref_slice %arg9[%dma_start3A_82] : memref<80xi32, #tpu.memory_space<vmem>> -> memref<80xi32, #tpu.memory_space<vmem>>
      %dma_start3A_84 = arith.constant 0 : i32
      %dma_start3A_85 = tpu.memref_slice %arg15[%dma_start3A_84] : memref<10240xf32, #tpu.memory_space<vmem_shared>> -> memref<10240xf32, #tpu.memory_space<vmem_shared>>
      tpu.enqueue_indirect_dma source(%dma_start3A_81 : memref<80xf32, #tpu.memory_space<vmem>>) target(%dma_start3A_85 : memref<10240xf32, #tpu.memory_space<vmem_shared>>) offsets(%dma_start3A_83 : memref<80xi32, #tpu.memory_space<vmem>>) semaphore(%arg18 : memref<!tpu.dma_semaphore, #tpu.memory_space<semaphore_mem>>) {add = true}
      %mul3A_86 = arith.constant 80 : i32
      %mul3A_87 = arith.muli %mul3A_66, %mul3A_86 : i32
      %add3A_88 = arith.constant 0 : i32
      %add3A_89 = arith.addi %mul3A_87, %add3A_88 : i32
      %dma_start3A_90 = arith.constant 1 : i32
      %dma_start3A_91 = tpu.memref_slice %arg13[%dma_start3A_90, %add3A_89] : memref<3x5120xf32, #tpu.memory_space<vmem>> -> memref<1x80xf32, #tpu.memory_space<vmem>>
      %dma_start3A_92 = tpu.memref_squeeze %dma_start3A_91 : memref<1x80xf32, #tpu.memory_space<vmem>> -> memref<80xf32, #tpu.memory_space<vmem>>
      %dma_start3A_93 = arith.constant 0 : i32
      %dma_start3A_94 = tpu.memref_slice %arg9[%dma_start3A_93] : memref<80xi32, #tpu.memory_space<vmem>> -> memref<80xi32, #tpu.memory_space<vmem>>
      %dma_start3A_95 = arith.constant 0 : i32
      %dma_start3A_96 = tpu.memref_slice %arg16[%dma_start3A_95] : memref<10240xf32, #tpu.memory_space<vmem_shared>> -> memref<10240xf32, #tpu.memory_space<vmem_shared>>
      tpu.enqueue_indirect_dma source(%dma_start3A_92 : memref<80xf32, #tpu.memory_space<vmem>>) target(%dma_start3A_96 : memref<10240xf32, #tpu.memory_space<vmem_shared>>) offsets(%dma_start3A_94 : memref<80xi32, #tpu.memory_space<vmem>>) semaphore(%arg18 : memref<!tpu.dma_semaphore, #tpu.memory_space<semaphore_mem>>) {add = true}
      %mul3A_97 = arith.constant 80 : i32
      %mul3A_98 = arith.muli %mul3A_66, %mul3A_97 : i32
      %add3A_99 = arith.constant 0 : i32
      %add3A_100 = arith.addi %mul3A_98, %add3A_99 : i32
      %dma_start3A_101 = arith.constant 2 : i32
      %dma_start3A_102 = tpu.memref_slice %arg13[%dma_start3A_101, %add3A_100] : memref<3x5120xf32, #tpu.memory_space<vmem>> -> memref<1x80xf32, #tpu.memory_space<vmem>>
      %dma_start3A_103 = tpu.memref_squeeze %dma_start3A_102 : memref<1x80xf32, #tpu.memory_space<vmem>> -> memref<80xf32, #tpu.memory_space<vmem>>
      %dma_start3A_104 = arith.constant 0 : i32
      %dma_start3A_105 = tpu.memref_slice %arg9[%dma_start3A_104] : memref<80xi32, #tpu.memory_space<vmem>> -> memref<80xi32, #tpu.memory_space<vmem>>
      %dma_start3A_106 = arith.constant 0 : i32
      %dma_start3A_107 = tpu.memref_slice %arg17[%dma_start3A_106] : memref<10240xf32, #tpu.memory_space<vmem_shared>> -> memref<10240xf32, #tpu.memory_space<vmem_shared>>
      tpu.enqueue_indirect_dma source(%dma_start3A_103 : memref<80xf32, #tpu.memory_space<vmem>>) target(%dma_start3A_107 : memref<10240xf32, #tpu.memory_space<vmem_shared>>) offsets(%dma_start3A_105 : memref<80xi32, #tpu.memory_space<vmem>>) semaphore(%arg18 : memref<!tpu.dma_semaphore, #tpu.memory_space<semaphore_mem>>) {add = true}
      %dma_wait3A_108 = tpu.memref_slice %arg4[%add3A_48] : memref<163840xi32, #tpu.memory_space<hbm>> -> memref<80xi32, #tpu.memory_space<hbm>>
      %dma_wait3A_109 = tpu.memref_slice %arg4[%add3A_48] : memref<163840xi32, #tpu.memory_space<hbm>> -> memref<80xi32, #tpu.memory_space<hbm>>
      tpu.wait_dma2 semaphore(%arg20 : memref<!tpu.dma_semaphore, #tpu.memory_space<semaphore_mem>>) src(%dma_wait3A_109 : memref<80xi32, #tpu.memory_space<hbm>>) dst(%arg11 : memref<80xi32, #tpu.memory_space<vmem>>)
      %dma_wait3A_110 = arith.constant 0 : i32
      %dma_wait3A_111 = tpu.memref_slice %arg2[%add3A_48, %dma_wait3A_110] : memref<163840x128xf32, #tpu.memory_space<hbm>> -> memref<80x128xf32, #tpu.memory_space<hbm>>
      %dma_wait3A_112 = arith.constant 0 : i32
      %dma_wait3A_113 = tpu.memref_slice %arg2[%add3A_48, %dma_wait3A_112] : memref<163840x128xf32, #tpu.memory_space<hbm>> -> memref<80x128xf32, #tpu.memory_space<hbm>>
      tpu.wait_dma2 semaphore(%arg20 : memref<!tpu.dma_semaphore, #tpu.memory_space<semaphore_mem>>) src(%dma_wait3A_113 : memref<80x128xf32, #tpu.memory_space<hbm>>) dst(%arg12 : memref<80x128xf32, #tpu.memory_space<vmem>>)
      %mul3A_114 = arith.constant 2 : i32
      %mul3A_115 = arith.muli %mul3A_114, %scan3A_41 : i32
      %add3A_116 = arith.constant 1 : i32
      %add3A_117 = arith.addi %mul3A_115, %add3A_116 : i32
      %dma_start3A_118 = arith.constant 0 : i32
      %dma_start3A_119 = arith.constant 0 : i32
      %dma_start3A_120 = tpu.memref_slice %arg12[%dma_start3A_118, %dma_start3A_119] : memref<80x128xf32, #tpu.memory_space<vmem>> -> memref<80x128xf32, #tpu.memory_space<vmem>>
      %dma_start3A_121 = arith.constant 0 : i32
      %dma_start3A_122 = tpu.memref_slice %arg11[%dma_start3A_121] : memref<80xi32, #tpu.memory_space<vmem>> -> memref<80xi32, #tpu.memory_space<vmem>>
      %dma_start3A_123 = arith.constant 0 : i32
      %dma_start3A_124 = arith.constant 0 : i32
      %dma_start3A_125 = tpu.memref_slice %arg14[%dma_start3A_123, %dma_start3A_124] : memref<10000x128xf32, #tpu.memory_space<vmem_shared>> -> memref<10000x128xf32, #tpu.memory_space<vmem_shared>>
      tpu.enqueue_indirect_dma source(%dma_start3A_120 : memref<80x128xf32, #tpu.memory_space<vmem>>) target(%dma_start3A_125 : memref<10000x128xf32, #tpu.memory_space<vmem_shared>>) offsets(%dma_start3A_122 : memref<80xi32, #tpu.memory_space<vmem>>) semaphore(%arg18 : memref<!tpu.dma_semaphore, #tpu.memory_space<semaphore_mem>>) {add = true}
      %mul3A_126 = arith.constant 80 : i32
      %mul3A_127 = arith.muli %add3A_117, %mul3A_126 : i32
      %add3A_128 = arith.constant 0 : i32
      %add3A_129 = arith.addi %mul3A_127, %add3A_128 : i32
      %dma_start3A_130 = arith.constant 0 : i32
      %dma_start3A_131 = tpu.memref_slice %arg13[%dma_start3A_130, %add3A_129] : memref<3x5120xf32, #tpu.memory_space<vmem>> -> memref<1x80xf32, #tpu.memory_space<vmem>>
      %dma_start3A_132 = tpu.memref_squeeze %dma_start3A_131 : memref<1x80xf32, #tpu.memory_space<vmem>> -> memref<80xf32, #tpu.memory_space<vmem>>
      %dma_start3A_133 = arith.constant 0 : i32
      %dma_start3A_134 = tpu.memref_slice %arg11[%dma_start3A_133] : memref<80xi32, #tpu.memory_space<vmem>> -> memref<80xi32, #tpu.memory_space<vmem>>
      %dma_start3A_135 = arith.constant 0 : i32
      %dma_start3A_136 = tpu.memref_slice %arg15[%dma_start3A_135] : memref<10240xf32, #tpu.memory_space<vmem_shared>> -> memref<10240xf32, #tpu.memory_space<vmem_shared>>
      tpu.enqueue_indirect_dma source(%dma_start3A_132 : memref<80xf32, #tpu.memory_space<vmem>>) target(%dma_start3A_136 : memref<10240xf32, #tpu.memory_space<vmem_shared>>) offsets(%dma_start3A_134 : memref<80xi32, #tpu.memory_space<vmem>>) semaphore(%arg18 : memref<!tpu.dma_semaphore, #tpu.memory_space<semaphore_mem>>) {add = true}
      %mul3A_137 = arith.constant 80 : i32
      %mul3A_138 = arith.muli %add3A_117, %mul3A_137 : i32
      %add3A_139 = arith.constant 0 : i32
      %add3A_140 = arith.addi %mul3A_138, %add3A_139 : i32
      %dma_start3A_141 = arith.constant 1 : i32
      %dma_start3A_142 = tpu.memref_slice %arg13[%dma_start3A_141, %add3A_140] : memref<3x5120xf32, #tpu.memory_space<vmem>> -> memref<1x80xf32, #tpu.memory_space<vmem>>
      %dma_start3A_143 = tpu.memref_squeeze %dma_start3A_142 : memref<1x80xf32, #tpu.memory_space<vmem>> -> memref<80xf32, #tpu.memory_space<vmem>>
      %dma_start3A_144 = arith.constant 0 : i32
      %dma_start3A_145 = tpu.memref_slice %arg11[%dma_start3A_144] : memref<80xi32, #tpu.memory_space<vmem>> -> memref<80xi32, #tpu.memory_space<vmem>>
      %dma_start3A_146 = arith.constant 0 : i32
      %dma_start3A_147 = tpu.memref_slice %arg16[%dma_start3A_146] : memref<10240xf32, #tpu.memory_space<vmem_shared>> -> memref<10240xf32, #tpu.memory_space<vmem_shared>>
      tpu.enqueue_indirect_dma source(%dma_start3A_143 : memref<80xf32, #tpu.memory_space<vmem>>) target(%dma_start3A_147 : memref<10240xf32, #tpu.memory_space<vmem_shared>>) offsets(%dma_start3A_145 : memref<80xi32, #tpu.memory_space<vmem>>) semaphore(%arg18 : memref<!tpu.dma_semaphore, #tpu.memory_space<semaphore_mem>>) {add = true}
      %mul3A_148 = arith.constant 80 : i32
      %mul3A_149 = arith.muli %add3A_117, %mul3A_148 : i32
      %add3A_150 = arith.constant 0 : i32
      %add3A_151 = arith.addi %mul3A_149, %add3A_150 : i32
      %dma_start3A_152 = arith.constant 2 : i32
      %dma_start3A_153 = tpu.memref_slice %arg13[%dma_start3A_152, %add3A_151] : memref<3x5120xf32, #tpu.memory_space<vmem>> -> memref<1x80xf32, #tpu.memory_space<vmem>>
      %dma_start3A_154 = tpu.memref_squeeze %dma_start3A_153 : memref<1x80xf32, #tpu.memory_space<vmem>> -> memref<80xf32, #tpu.memory_space<vmem>>
      %dma_start3A_155 = arith.constant 0 : i32
      %dma_start3A_156 = tpu.memref_slice %arg11[%dma_start3A_155] : memref<80xi32, #tpu.memory_space<vmem>> -> memref<80xi32, #tpu.memory_space<vmem>>
      %dma_start3A_157 = arith.constant 0 : i32
      %dma_start3A_158 = tpu.memref_slice %arg17[%dma_start3A_157] : memref<10240xf32, #tpu.memory_space<vmem_shared>> -> memref<10240xf32, #tpu.memory_space<vmem_shared>>
      tpu.enqueue_indirect_dma source(%dma_start3A_154 : memref<80xf32, #tpu.memory_space<vmem>>) target(%dma_start3A_158 : memref<10240xf32, #tpu.memory_space<vmem_shared>>) offsets(%dma_start3A_156 : memref<80xi32, #tpu.memory_space<vmem>>) semaphore(%arg18 : memref<!tpu.dma_semaphore, #tpu.memory_space<semaphore_mem>>) {add = true}
      %dma_wait3A_159 = arith.constant 0 : i32
      %dma_wait3A_160 = arith.constant 0 : i32
      %dma_wait3A_161 = tpu.memref_slice %arg10[%dma_wait3A_159, %dma_wait3A_160] : memref<80x128xf32, #tpu.memory_space<vmem>> -> memref<80x128xf32, #tpu.memory_space<vmem>>
      %dma_wait3A_162 = arith.constant 0 : i32
      %dma_wait3A_163 = tpu.memref_slice %arg9[%dma_wait3A_162] : memref<80xi32, #tpu.memory_space<vmem>> -> memref<80xi32, #tpu.memory_space<vmem>>
      %dma_wait3A_164 = arith.constant 0 : i32
      %dma_wait3A_165 = arith.constant 0 : i32
      %dma_wait3A_166 = tpu.memref_slice %arg14[%dma_wait3A_164, %dma_wait3A_165] : memref<10000x128xf32, #tpu.memory_space<vmem_shared>> -> memref<10000x128xf32, #tpu.memory_space<vmem_shared>>
      tpu.wait_indirect_dma semaphore(%arg18 : memref<!tpu.dma_semaphore, #tpu.memory_space<semaphore_mem>>) src(%dma_wait3A_161 : memref<80x128xf32, #tpu.memory_space<vmem>>) dst(%dma_wait3A_166 : memref<10000x128xf32, #tpu.memory_space<vmem_shared>>)
      %dma_wait3A_167 = arith.constant 0 : i32
      %dma_wait3A_168 = tpu.memref_slice %arg13[%dma_wait3A_167, %add3A_78] : memref<3x5120xf32, #tpu.memory_space<vmem>> -> memref<1x80xf32, #tpu.memory_space<vmem>>
      %dma_wait3A_169 = tpu.memref_squeeze %dma_wait3A_168 : memref<1x80xf32, #tpu.memory_space<vmem>> -> memref<80xf32, #tpu.memory_space<vmem>>
      %dma_wait3A_170 = arith.constant 0 : i32
      %dma_wait3A_171 = tpu.memref_slice %arg9[%dma_wait3A_170] : memref<80xi32, #tpu.memory_space<vmem>> -> memref<80xi32, #tpu.memory_space<vmem>>
      %dma_wait3A_172 = arith.constant 0 : i32
      %dma_wait3A_173 = tpu.memref_slice %arg15[%dma_wait3A_172] : memref<10240xf32, #tpu.memory_space<vmem_shared>> -> memref<10240xf32, #tpu.memory_space<vmem_shared>>
      tpu.wait_indirect_dma semaphore(%arg18 : memref<!tpu.dma_semaphore, #tpu.memory_space<semaphore_mem>>) src(%dma_wait3A_169 : memref<80xf32, #tpu.memory_space<vmem>>) dst(%dma_wait3A_173 : memref<10240xf32, #tpu.memory_space<vmem_shared>>)
      %dma_wait3A_174 = arith.constant 1 : i32
      %dma_wait3A_175 = tpu.memref_slice %arg13[%dma_wait3A_174, %add3A_89] : memref<3x5120xf32, #tpu.memory_space<vmem>> -> memref<1x80xf32, #tpu.memory_space<vmem>>
      %dma_wait3A_176 = tpu.memref_squeeze %dma_wait3A_175 : memref<1x80xf32, #tpu.memory_space<vmem>> -> memref<80xf32, #tpu.memory_space<vmem>>
      %dma_wait3A_177 = arith.constant 0 : i32
      %dma_wait3A_178 = tpu.memref_slice %arg9[%dma_wait3A_177] : memref<80xi32, #tpu.memory_space<vmem>> -> memref<80xi32, #tpu.memory_space<vmem>>
      %dma_wait3A_179 = arith.constant 0 : i32
      %dma_wait3A_180 = tpu.memref_slice %arg16[%dma_wait3A_179] : memref<10240xf32, #tpu.memory_space<vmem_shared>> -> memref<10240xf32, #tpu.memory_space<vmem_shared>>
      tpu.wait_indirect_dma semaphore(%arg18 : memref<!tpu.dma_semaphore, #tpu.memory_space<semaphore_mem>>) src(%dma_wait3A_176 : memref<80xf32, #tpu.memory_space<vmem>>) dst(%dma_wait3A_180 : memref<10240xf32, #tpu.memory_space<vmem_shared>>)
      %dma_wait3A_181 = arith.constant 2 : i32
      %dma_wait3A_182 = tpu.memref_slice %arg13[%dma_wait3A_181, %add3A_100] : memref<3x5120xf32, #tpu.memory_space<vmem>> -> memref<1x80xf32, #tpu.memory_space<vmem>>
      %dma_wait3A_183 = tpu.memref_squeeze %dma_wait3A_182 : memref<1x80xf32, #tpu.memory_space<vmem>> -> memref<80xf32, #tpu.memory_space<vmem>>
      %dma_wait3A_184 = arith.constant 0 : i32
      %dma_wait3A_185 = tpu.memref_slice %arg9[%dma_wait3A_184] : memref<80xi32, #tpu.memory_space<vmem>> -> memref<80xi32, #tpu.memory_space<vmem>>
      %dma_wait3A_186 = arith.constant 0 : i32
      %dma_wait3A_187 = tpu.memref_slice %arg17[%dma_wait3A_186] : memref<10240xf32, #tpu.memory_space<vmem_shared>> -> memref<10240xf32, #tpu.memory_space<vmem_shared>>
      tpu.wait_indirect_dma semaphore(%arg18 : memref<!tpu.dma_semaphore, #tpu.memory_space<semaphore_mem>>) src(%dma_wait3A_183 : memref<80xf32, #tpu.memory_space<vmem>>) dst(%dma_wait3A_187 : memref<10240xf32, #tpu.memory_space<vmem_shared>>)
      %dma_wait3A_188 = arith.constant 0 : i32
      %dma_wait3A_189 = arith.constant 0 : i32
      %dma_wait3A_190 = tpu.memref_slice %arg12[%dma_wait3A_188, %dma_wait3A_189] : memref<80x128xf32, #tpu.memory_space<vmem>> -> memref<80x128xf32, #tpu.memory_space<vmem>>
      %dma_wait3A_191 = arith.constant 0 : i32
      %dma_wait3A_192 = tpu.memref_slice %arg11[%dma_wait3A_191] : memref<80xi32, #tpu.memory_space<vmem>> -> memref<80xi32, #tpu.memory_space<vmem>>
      %dma_wait3A_193 = arith.constant 0 : i32
      %dma_wait3A_194 = arith.constant 0 : i32
      %dma_wait3A_195 = tpu.memref_slice %arg14[%dma_wait3A_193, %dma_wait3A_194] : memref<10000x128xf32, #tpu.memory_space<vmem_shared>> -> memref<10000x128xf32, #tpu.memory_space<vmem_shared>>
      tpu.wait_indirect_dma semaphore(%arg18 : memref<!tpu.dma_semaphore, #tpu.memory_space<semaphore_mem>>) src(%dma_wait3A_190 : memref<80x128xf32, #tpu.memory_space<vmem>>) dst(%dma_wait3A_195 : memref<10000x128xf32, #tpu.memory_space<vmem_shared>>)
      %dma_wait3A_196 = arith.constant 0 : i32
      %dma_wait3A_197 = tpu.memref_slice %arg13[%dma_wait3A_196, %add3A_129] : memref<3x5120xf32, #tpu.memory_space<vmem>> -> memref<1x80xf32, #tpu.memory_space<vmem>>
      %dma_wait3A_198 = tpu.memref_squeeze %dma_wait3A_197 : memref<1x80xf32, #tpu.memory_space<vmem>> -> memref<80xf32, #tpu.memory_space<vmem>>
      %dma_wait3A_199 = arith.constant 0 : i32
      %dma_wait3A_200 = tpu.memref_slice %arg11[%dma_wait3A_199] : memref<80xi32, #tpu.memory_space<vmem>> -> memref<80xi32, #tpu.memory_space<vmem>>
      %dma_wait3A_201 = arith.constant 0 : i32
      %dma_wait3A_202 = tpu.memref_slice %arg15[%dma_wait3A_201] : memref<10240xf32, #tpu.memory_space<vmem_shared>> -> memref<10240xf32, #tpu.memory_space<vmem_shared>>
      tpu.wait_indirect_dma semaphore(%arg18 : memref<!tpu.dma_semaphore, #tpu.memory_space<semaphore_mem>>) src(%dma_wait3A_198 : memref<80xf32, #tpu.memory_space<vmem>>) dst(%dma_wait3A_202 : memref<10240xf32, #tpu.memory_space<vmem_shared>>)
      %dma_wait3A_203 = arith.constant 1 : i32
      %dma_wait3A_204 = tpu.memref_slice %arg13[%dma_wait3A_203, %add3A_140] : memref<3x5120xf32, #tpu.memory_space<vmem>> -> memref<1x80xf32, #tpu.memory_space<vmem>>
      %dma_wait3A_205 = tpu.memref_squeeze %dma_wait3A_204 : memref<1x80xf32, #tpu.memory_space<vmem>> -> memref<80xf32, #tpu.memory_space<vmem>>
      %dma_wait3A_206 = arith.constant 0 : i32
      %dma_wait3A_207 = tpu.memref_slice %arg11[%dma_wait3A_206] : memref<80xi32, #tpu.memory_space<vmem>> -> memref<80xi32, #tpu.memory_space<vmem>>
      %dma_wait3A_208 = arith.constant 0 : i32
      %dma_wait3A_209 = tpu.memref_slice %arg16[%dma_wait3A_208] : memref<10240xf32, #tpu.memory_space<vmem_shared>> -> memref<10240xf32, #tpu.memory_space<vmem_shared>>
      tpu.wait_indirect_dma semaphore(%arg18 : memref<!tpu.dma_semaphore, #tpu.memory_space<semaphore_mem>>) src(%dma_wait3A_205 : memref<80xf32, #tpu.memory_space<vmem>>) dst(%dma_wait3A_209 : memref<10240xf32, #tpu.memory_space<vmem_shared>>)
      %dma_wait3A_210 = arith.constant 2 : i32
      %dma_wait3A_211 = tpu.memref_slice %arg13[%dma_wait3A_210, %add3A_151] : memref<3x5120xf32, #tpu.memory_space<vmem>> -> memref<1x80xf32, #tpu.memory_space<vmem>>
      %dma_wait3A_212 = tpu.memref_squeeze %dma_wait3A_211 : memref<1x80xf32, #tpu.memory_space<vmem>> -> memref<80xf32, #tpu.memory_space<vmem>>
      %dma_wait3A_213 = arith.constant 0 : i32
      %dma_wait3A_214 = tpu.memref_slice %arg11[%dma_wait3A_213] : memref<80xi32, #tpu.memory_space<vmem>> -> memref<80xi32, #tpu.memory_space<vmem>>
      %dma_wait3A_215 = arith.constant 0 : i32
      %dma_wait3A_216 = tpu.memref_slice %arg17[%dma_wait3A_215] : memref<10240xf32, #tpu.memory_space<vmem_shared>> -> memref<10240xf32, #tpu.memory_space<vmem_shared>>
      tpu.wait_indirect_dma semaphore(%arg18 : memref<!tpu.dma_semaphore, #tpu.memory_space<semaphore_mem>>) src(%dma_wait3A_212 : memref<80xf32, #tpu.memory_space<vmem>>) dst(%dma_wait3A_216 : memref<10240xf32, #tpu.memory_space<vmem_shared>>)
    }
    %scan3A_20 = arith.constant 32 : i32
    %barrier3A_21 = arith.constant 0 : index
    tpu.barrier barrier_id(%barrier3A_21)
    %mul3A_22 = arith.constant 625 : i32
    %mul3A_23 = arith.muli %arg1, %mul3A_22 : i32
    %mul3A_24 = arith.constant 625 : i32
    %mul3A_25 = arith.muli %arg1, %mul3A_24 : i32
    "tpu.region"() ({
      %run_scoped3A_41 = tpu.sem_alloc : memref<!tpu.dma_semaphore, #tpu.memory_space<semaphore_mem>>
      %dma_start3A = arith.constant 0 : i32
      %dma_start3A_42 = tpu.memref_slice %arg7[%arg0, %mul3A_25, %dma_start3A] : memref<2x10000x128xf32, #tpu.memory_space<hbm>> -> memref<1x625x128xf32, #tpu.memory_space<hbm>>
      %dma_start3A_43 = tpu.memref_squeeze %dma_start3A_42 : memref<1x625x128xf32, #tpu.memory_space<hbm>> -> memref<625x128xf32, #tpu.memory_space<hbm>>
      %dma_start3A_44 = arith.constant 0 : i32
      %dma_start3A_45 = tpu.memref_slice %arg14[%mul3A_23, %dma_start3A_44] : memref<10000x128xf32, #tpu.memory_space<vmem_shared>> -> memref<625x128xf32, #tpu.memory_space<vmem_shared>>
      tpu.enqueue_dma source(%dma_start3A_45 : memref<625x128xf32, #tpu.memory_space<vmem_shared>>) target(%dma_start3A_43 : memref<625x128xf32, #tpu.memory_space<hbm>>) target_semaphore(%run_scoped3A_41 : memref<!tpu.dma_semaphore, #tpu.memory_space<semaphore_mem>>)
      %dma_wait3A = arith.constant 0 : i32
      %dma_wait3A_46 = tpu.memref_slice %arg7[%arg0, %mul3A_25, %dma_wait3A] : memref<2x10000x128xf32, #tpu.memory_space<hbm>> -> memref<1x625x128xf32, #tpu.memory_space<hbm>>
      %dma_wait3A_47 = tpu.memref_squeeze %dma_wait3A_46 : memref<1x625x128xf32, #tpu.memory_space<hbm>> -> memref<625x128xf32, #tpu.memory_space<hbm>>
      %dma_wait3A_48 = arith.constant 0 : i32
      %dma_wait3A_49 = tpu.memref_slice %arg14[%mul3A_23, %dma_wait3A_48] : memref<10000x128xf32, #tpu.memory_space<vmem_shared>> -> memref<625x128xf32, #tpu.memory_space<vmem_shared>>
      tpu.wait_dma2 semaphore(%run_scoped3A_41 : memref<!tpu.dma_semaphore, #tpu.memory_space<semaphore_mem>>) src(%dma_wait3A_49 : memref<625x128xf32, #tpu.memory_space<vmem_shared>>) dst(%dma_wait3A_47 : memref<625x128xf32, #tpu.memory_space<hbm>>)
      tpu.yield
    }) : () -> ()
    %mul3A_26 = arith.constant 640 : i32
    %mul3A_27 = arith.muli %arg1, %mul3A_26 : i32
    %mul3A_28 = arith.constant 640 : i32
    %mul3A_29 = arith.muli %arg1, %mul3A_28 : i32
    %run_scoped3A_30 = arith.constant 0 : i32
    "tpu.region"() ({
      %run_scoped3A_41 = tpu.sem_alloc : memref<!tpu.dma_semaphore, #tpu.memory_space<semaphore_mem>>
      %dma_start3A = tpu.memref_slice %arg8[%arg0, %run_scoped3A_30, %mul3A_29] : memref<2x3x10240xf32, #tpu.memory_space<hbm>> -> memref<1x1x640xf32, #tpu.memory_space<hbm>>
      %dma_start3A_42 = tpu.memref_squeeze %dma_start3A : memref<1x1x640xf32, #tpu.memory_space<hbm>> -> memref<640xf32, #tpu.memory_space<hbm>>
      %dma_start3A_43 = tpu.memref_slice %arg15[%mul3A_27] : memref<10240xf32, #tpu.memory_space<vmem_shared>> -> memref<640xf32, #tpu.memory_space<vmem_shared>>
      tpu.enqueue_dma source(%dma_start3A_43 : memref<640xf32, #tpu.memory_space<vmem_shared>>) target(%dma_start3A_42 : memref<640xf32, #tpu.memory_space<hbm>>) target_semaphore(%run_scoped3A_41 : memref<!tpu.dma_semaphore, #tpu.memory_space<semaphore_mem>>)
      %dma_wait3A = tpu.memref_slice %arg8[%arg0, %run_scoped3A_30, %mul3A_29] : memref<2x3x10240xf32, #tpu.memory_space<hbm>> -> memref<1x1x640xf32, #tpu.memory_space<hbm>>
      %dma_wait3A_44 = tpu.memref_squeeze %dma_wait3A : memref<1x1x640xf32, #tpu.memory_space<hbm>> -> memref<640xf32, #tpu.memory_space<hbm>>
      %dma_wait3A_45 = tpu.memref_slice %arg15[%mul3A_27] : memref<10240xf32, #tpu.memory_space<vmem_shared>> -> memref<640xf32, #tpu.memory_space<vmem_shared>>
      tpu.wait_dma2 semaphore(%run_scoped3A_41 : memref<!tpu.dma_semaphore, #tpu.memory_space<semaphore_mem>>) src(%dma_wait3A_45 : memref<640xf32, #tpu.memory_space<vmem_shared>>) dst(%dma_wait3A_44 : memref<640xf32, #tpu.memory_space<hbm>>)
      tpu.yield
    }) : () -> ()
    %mul3A_31 = arith.constant 640 : i32
    %mul3A_32 = arith.muli %arg1, %mul3A_31 : i32
    %mul3A_33 = arith.constant 640 : i32
    %mul3A_34 = arith.muli %arg1, %mul3A_33 : i32
    %run_scoped3A_35 = arith.constant 1 : i32
    "tpu.region"() ({
      %run_scoped3A_41 = tpu.sem_alloc : memref<!tpu.dma_semaphore, #tpu.memory_space<semaphore_mem>>
      %dma_start3A = tpu.memref_slice %arg8[%arg0, %run_scoped3A_35, %mul3A_34] : memref<2x3x10240xf32, #tpu.memory_space<hbm>> -> memref<1x1x640xf32, #tpu.memory_space<hbm>>
      %dma_start3A_42 = tpu.memref_squeeze %dma_start3A : memref<1x1x640xf32, #tpu.memory_space<hbm>> -> memref<640xf32, #tpu.memory_space<hbm>>
      %dma_start3A_43 = tpu.memref_slice %arg16[%mul3A_32] : memref<10240xf32, #tpu.memory_space<vmem_shared>> -> memref<640xf32, #tpu.memory_space<vmem_shared>>
      tpu.enqueue_dma source(%dma_start3A_43 : memref<640xf32, #tpu.memory_space<vmem_shared>>) target(%dma_start3A_42 : memref<640xf32, #tpu.memory_space<hbm>>) target_semaphore(%run_scoped3A_41 : memref<!tpu.dma_semaphore, #tpu.memory_space<semaphore_mem>>)
      %dma_wait3A = tpu.memref_slice %arg8[%arg0, %run_scoped3A_35, %mul3A_34] : memref<2x3x10240xf32, #tpu.memory_space<hbm>> -> memref<1x1x640xf32, #tpu.memory_space<hbm>>
      %dma_wait3A_44 = tpu.memref_squeeze %dma_wait3A : memref<1x1x640xf32, #tpu.memory_space<hbm>> -> memref<640xf32, #tpu.memory_space<hbm>>
      %dma_wait3A_45 = tpu.memref_slice %arg16[%mul3A_32] : memref<10240xf32, #tpu.memory_space<vmem_shared>> -> memref<640xf32, #tpu.memory_space<vmem_shared>>
      tpu.wait_dma2 semaphore(%run_scoped3A_41 : memref<!tpu.dma_semaphore, #tpu.memory_space<semaphore_mem>>) src(%dma_wait3A_45 : memref<640xf32, #tpu.memory_space<vmem_shared>>) dst(%dma_wait3A_44 : memref<640xf32, #tpu.memory_space<hbm>>)
      tpu.yield
    }) : () -> ()
    %mul3A_36 = arith.constant 640 : i32
    %mul3A_37 = arith.muli %arg1, %mul3A_36 : i32
    %mul3A_38 = arith.constant 640 : i32
    %mul3A_39 = arith.muli %arg1, %mul3A_38 : i32
    %run_scoped3A_40 = arith.constant 2 : i32
    "tpu.region"() ({
      %run_scoped3A_41 = tpu.sem_alloc : memref<!tpu.dma_semaphore, #tpu.memory_space<semaphore_mem>>
      %dma_start3A = tpu.memref_slice %arg8[%arg0, %run_scoped3A_40, %mul3A_39] : memref<2x3x10240xf32, #tpu.memory_space<hbm>> -> memref<1x1x640xf32, #tpu.memory_space<hbm>>
      %dma_start3A_42 = tpu.memref_squeeze %dma_start3A : memref<1x1x640xf32, #tpu.memory_space<hbm>> -> memref<640xf32, #tpu.memory_space<hbm>>
      %dma_start3A_43 = tpu.memref_slice %arg17[%mul3A_37] : memref<10240xf32, #tpu.memory_space<vmem_shared>> -> memref<640xf32, #tpu.memory_space<vmem_shared>>
      tpu.enqueue_dma source(%dma_start3A_43 : memref<640xf32, #tpu.memory_space<vmem_shared>>) target(%dma_start3A_42 : memref<640xf32, #tpu.memory_space<hbm>>) target_semaphore(%run_scoped3A_41 : memref<!tpu.dma_semaphore, #tpu.memory_space<semaphore_mem>>)
      %dma_wait3A = tpu.memref_slice %arg8[%arg0, %run_scoped3A_40, %mul3A_39] : memref<2x3x10240xf32, #tpu.memory_space<hbm>> -> memref<1x1x640xf32, #tpu.memory_space<hbm>>
      %dma_wait3A_44 = tpu.memref_squeeze %dma_wait3A : memref<1x1x640xf32, #tpu.memory_space<hbm>> -> memref<640xf32, #tpu.memory_space<hbm>>
      %dma_wait3A_45 = tpu.memref_slice %arg17[%mul3A_37] : memref<10240xf32, #tpu.memory_space<vmem_shared>> -> memref<640xf32, #tpu.memory_space<vmem_shared>>
      tpu.wait_dma2 semaphore(%run_scoped3A_41 : memref<!tpu.dma_semaphore, #tpu.memory_space<semaphore_mem>>) src(%dma_wait3A_45 : memref<640xf32, #tpu.memory_space<vmem_shared>>) dst(%dma_wait3A_44 : memref<640xf32, #tpu.memory_space<hbm>>)
      tpu.yield
    }) : () -> ()
    return
  }
}

#map = affine_map<(d0, d1) -> (0, 0)>
#map1 = affine_map<(d0, d1) -> (0)>
module attributes {stable_mosaic.version = 14 : i64} {
  func.func @_k2_body(%arg0: i32, %arg1: i32, %arg2: memref<10000x128xf32, #tpu.memory_space<hbm>>, %arg3: memref<10000x128xf32, #tpu.memory_space<hbm>>, %arg4: memref<10000xf32, #tpu.memory_space<hbm>>, %arg5: memref<10000xf32, #tpu.memory_space<hbm>>, %arg6: memref<10000xf32, #tpu.memory_space<hbm>>, %arg7: memref<163840xi32, #tpu.memory_space<hbm>>, %arg8: memref<163840xi32, #tpu.memory_space<hbm>>, %arg9: memref<640xf32, #tpu.memory_space<hbm>>, %arg10: memref<163840x128xf32, #tpu.memory_space<hbm>>, %arg11: memref<163840x128xf32, #tpu.memory_space<hbm>>, %arg12: memref<4x163840xf32, #tpu.memory_space<hbm>>, %arg13: memref<2x10240xf32, #tpu.memory_space<hbm>>, %arg14: memref<80xi32, #tpu.memory_space<vmem>>, %arg15: memref<80xi32, #tpu.memory_space<vmem>>, %arg16: memref<80x128xf32, #tpu.memory_space<vmem>>, %arg17: memref<80x128xf32, #tpu.memory_space<vmem>>, %arg18: memref<80xf32, #tpu.memory_space<vmem>>, %arg19: memref<80xf32, #tpu.memory_space<vmem>>, %arg20: memref<80xf32, #tpu.memory_space<vmem>>, %arg21: memref<80xf32, #tpu.memory_space<vmem>>, %arg22: memref<80xf32, #tpu.memory_space<vmem>>, %arg23: memref<80xf32, #tpu.memory_space<vmem>>, %arg24: memref<4x5120xf32, #tpu.memory_space<vmem>>, %arg25: memref<80xf32, #tpu.memory_space<vmem>>, %arg26: memref<10240xf32, #tpu.memory_space<vmem_shared>>, %arg27: memref<!tpu.dma_semaphore, #tpu.memory_space<semaphore_mem>>) attributes {dimension_semantics = [#tpu.dimension_semantics<core_parallel>, #tpu.dimension_semantics<subcore_parallel>], iteration_bounds = array<i64: 2, 16>, scalar_prefetch = 0 : i64, scratch_operands = 14 : i64, tpu.core_type = #tpu.core_type<sc_vector_subcore>, window_params = [{transform_indices = #map}, {transform_indices = #map}, {transform_indices = #map1}, {transform_indices = #map1}, {transform_indices = #map1}, {transform_indices = #map1}, {transform_indices = #map1}, {transform_indices = #map1}, {transform_indices = #map}, {transform_indices = #map}, {transform_indices = #map}, {transform_indices = #map}]} {
    %mul3A = arith.constant 2 : i32
    %mul3A_0 = arith.muli %arg1, %mul3A : i32
    %add3A = arith.addi %mul3A_0, %arg0 : i32
    %mul3A_1 = arith.constant 5120 : i32
    %mul3A_2 = arith.muli %add3A, %mul3A_1 : i32
    %mul3A_3 = arith.constant 640 : i32
    %mul3A_4 = arith.muli %arg1, %mul3A_3 : i32
    "tpu.region"() ({
      %run_scoped3A_50 = tpu.sem_alloc : memref<!tpu.dma_semaphore, #tpu.memory_space<semaphore_mem>>
      %dma_start3A = tpu.memref_slice %arg26[%mul3A_4] : memref<10240xf32, #tpu.memory_space<vmem_shared>> -> memref<640xf32, #tpu.memory_space<vmem_shared>>
      tpu.enqueue_dma source(%arg9 : memref<640xf32, #tpu.memory_space<hbm>>) target(%dma_start3A : memref<640xf32, #tpu.memory_space<vmem_shared>>) target_semaphore(%run_scoped3A_50 : memref<!tpu.dma_semaphore, #tpu.memory_space<semaphore_mem>>)
      %dma_wait3A = tpu.memref_slice %arg26[%mul3A_4] : memref<10240xf32, #tpu.memory_space<vmem_shared>> -> memref<640xf32, #tpu.memory_space<vmem_shared>>
      tpu.wait_dma2 semaphore(%run_scoped3A_50 : memref<!tpu.dma_semaphore, #tpu.memory_space<semaphore_mem>>) src(%arg9 : memref<640xf32, #tpu.memory_space<hbm>>) dst(%dma_wait3A : memref<640xf32, #tpu.memory_space<vmem_shared>>)
      tpu.yield
    }) : () -> ()
    %broadcast_in_dim3A = arith.constant 1.000000e+00 : f32
    %broadcast_in_dim3A_5 = vector.broadcast %broadcast_in_dim3A : f32 to vector<16xf32>
    %swap3A = arith.constant 0 : index
    %swap3A_6 = tpu.vector_load %arg25[%swap3A] {strides = array<i32>} : memref<80xf32, #tpu.memory_space<vmem>>, vector<16xf32>,
    %swap3A_7 = vector.shape_cast %swap3A_6 : vector<16xf32> to vector<16xf32>
    %swap3A_8 = vector.shape_cast %broadcast_in_dim3A_5 : vector<16xf32> to vector<16xf32>
    tpu.vector_store %arg25[%swap3A], %swap3A_8 {strides = array<i32>} : memref<80xf32, #tpu.memory_space<vmem>>, vector<16xf32>,
    %broadcast_in_dim3A_9 = arith.constant 1.000000e+00 : f32
    %broadcast_in_dim3A_10 = vector.broadcast %broadcast_in_dim3A_9 : f32 to vector<16xf32>
    %swap3A_11 = arith.constant 16 : index
    %swap3A_12 = tpu.vector_load %arg25[%swap3A_11] {strides = array<i32>} : memref<80xf32, #tpu.memory_space<vmem>>, vector<16xf32>,
    %swap3A_13 = vector.shape_cast %swap3A_12 : vector<16xf32> to vector<16xf32>
    %swap3A_14 = vector.shape_cast %broadcast_in_dim3A_10 : vector<16xf32> to vector<16xf32>
    tpu.vector_store %arg25[%swap3A_11], %swap3A_14 {strides = array<i32>} : memref<80xf32, #tpu.memory_space<vmem>>, vector<16xf32>,
    %broadcast_in_dim3A_15 = arith.constant 1.000000e+00 : f32
    %broadcast_in_dim3A_16 = vector.broadcast %broadcast_in_dim3A_15 : f32 to vector<16xf32>
    %swap3A_17 = arith.constant 32 : index
    %swap3A_18 = tpu.vector_load %arg25[%swap3A_17] {strides = array<i32>} : memref<80xf32, #tpu.memory_space<vmem>>, vector<16xf32>,
    %swap3A_19 = vector.shape_cast %swap3A_18 : vector<16xf32> to vector<16xf32>
    %swap3A_20 = vector.shape_cast %broadcast_in_dim3A_16 : vector<16xf32> to vector<16xf32>
    tpu.vector_store %arg25[%swap3A_17], %swap3A_20 {strides = array<i32>} : memref<80xf32, #tpu.memory_space<vmem>>, vector<16xf32>,
    %broadcast_in_dim3A_21 = arith.constant 1.000000e+00 : f32
    %broadcast_in_dim3A_22 = vector.broadcast %broadcast_in_dim3A_21 : f32 to vector<16xf32>
    %swap3A_23 = arith.constant 48 : index
    %swap3A_24 = tpu.vector_load %arg25[%swap3A_23] {strides = array<i32>} : memref<80xf32, #tpu.memory_space<vmem>>, vector<16xf32>,
    %swap3A_25 = vector.shape_cast %swap3A_24 : vector<16xf32> to vector<16xf32>
    %swap3A_26 = vector.shape_cast %broadcast_in_dim3A_22 : vector<16xf32> to vector<16xf32>
    tpu.vector_store %arg25[%swap3A_23], %swap3A_26 {strides = array<i32>} : memref<80xf32, #tpu.memory_space<vmem>>, vector<16xf32>,
    %broadcast_in_dim3A_27 = arith.constant 1.000000e+00 : f32
    %broadcast_in_dim3A_28 = vector.broadcast %broadcast_in_dim3A_27 : f32 to vector<16xf32>
    %swap3A_29 = arith.constant 64 : index
    %swap3A_30 = tpu.vector_load %arg25[%swap3A_29] {strides = array<i32>} : memref<80xf32, #tpu.memory_space<vmem>>, vector<16xf32>,
    %swap3A_31 = vector.shape_cast %swap3A_30 : vector<16xf32> to vector<16xf32>
    %swap3A_32 = vector.shape_cast %broadcast_in_dim3A_28 : vector<16xf32> to vector<16xf32>
    tpu.vector_store %arg25[%swap3A_29], %swap3A_32 {strides = array<i32>} : memref<80xf32, #tpu.memory_space<vmem>>, vector<16xf32>,
    %barrier3A = arith.constant 0 : index
    tpu.barrier barrier_id(%barrier3A)
    %scan3A = arith.constant 0 : i32
    %scan3A_33 = arith.constant 0 : i32
    %scan3A_34 = arith.constant 64 : i32
    %scan3A_35 = arith.addi %scan3A_33, %scan3A_34 : i32
    %scan3A_36 = arith.constant 1 : i32
    scf.for %scan3A_50 = %scan3A_33 to %scan3A_35 step %scan3A_36  : i32 {
      %mul3A_51 = arith.constant 80 : i32
      %mul3A_52 = arith.muli %scan3A_50, %mul3A_51 : i32
      %add3A_53 = arith.addi %mul3A_2, %mul3A_52 : i32
      "tpu.region"() ({
        %run_scoped3A_349 = tpu.sem_alloc : memref<!tpu.dma_semaphore, #tpu.memory_space<semaphore_mem>>
        %dma_start3A_350 = tpu.memref_slice %arg7[%add3A_53] : memref<163840xi32, #tpu.memory_space<hbm>> -> memref<80xi32, #tpu.memory_space<hbm>>
        %dma_start3A_351 = tpu.memref_slice %arg7[%add3A_53] : memref<163840xi32, #tpu.memory_space<hbm>> -> memref<80xi32, #tpu.memory_space<hbm>>
        tpu.enqueue_dma source(%dma_start3A_351 : memref<80xi32, #tpu.memory_space<hbm>>) target(%arg14 : memref<80xi32, #tpu.memory_space<vmem>>) target_semaphore(%run_scoped3A_349 : memref<!tpu.dma_semaphore, #tpu.memory_space<semaphore_mem>>)
        %dma_wait3A_352 = tpu.memref_slice %arg7[%add3A_53] : memref<163840xi32, #tpu.memory_space<hbm>> -> memref<80xi32, #tpu.memory_space<hbm>>
        %dma_wait3A_353 = tpu.memref_slice %arg7[%add3A_53] : memref<163840xi32, #tpu.memory_space<hbm>> -> memref<80xi32, #tpu.memory_space<hbm>>
        tpu.wait_dma2 semaphore(%run_scoped3A_349 : memref<!tpu.dma_semaphore, #tpu.memory_space<semaphore_mem>>) src(%dma_wait3A_353 : memref<80xi32, #tpu.memory_space<hbm>>) dst(%arg14 : memref<80xi32, #tpu.memory_space<vmem>>)
        tpu.yield
      }) : () -> ()
      %add3A_54 = arith.addi %mul3A_2, %mul3A_52 : i32
      "tpu.region"() ({
        %run_scoped3A_349 = tpu.sem_alloc : memref<!tpu.dma_semaphore, #tpu.memory_space<semaphore_mem>>
        %dma_start3A_350 = tpu.memref_slice %arg8[%add3A_54] : memref<163840xi32, #tpu.memory_space<hbm>> -> memref<80xi32, #tpu.memory_space<hbm>>
        %dma_start3A_351 = tpu.memref_slice %arg8[%add3A_54] : memref<163840xi32, #tpu.memory_space<hbm>> -> memref<80xi32, #tpu.memory_space<hbm>>
        tpu.enqueue_dma source(%dma_start3A_351 : memref<80xi32, #tpu.memory_space<hbm>>) target(%arg15 : memref<80xi32, #tpu.memory_space<vmem>>) target_semaphore(%run_scoped3A_349 : memref<!tpu.dma_semaphore, #tpu.memory_space<semaphore_mem>>)
        %dma_wait3A_352 = tpu.memref_slice %arg8[%add3A_54] : memref<163840xi32, #tpu.memory_space<hbm>> -> memref<80xi32, #tpu.memory_space<hbm>>
        %dma_wait3A_353 = tpu.memref_slice %arg8[%add3A_54] : memref<163840xi32, #tpu.memory_space<hbm>> -> memref<80xi32, #tpu.memory_space<hbm>>
        tpu.wait_dma2 semaphore(%run_scoped3A_349 : memref<!tpu.dma_semaphore, #tpu.memory_space<semaphore_mem>>) src(%dma_wait3A_353 : memref<80xi32, #tpu.memory_space<hbm>>) dst(%arg15 : memref<80xi32, #tpu.memory_space<vmem>>)
        tpu.yield
      }) : () -> ()
      %dma_start3A = arith.constant 0 : i32
      %dma_start3A_55 = arith.constant 0 : i32
      %dma_start3A_56 = tpu.memref_slice %arg2[%dma_start3A, %dma_start3A_55] : memref<10000x128xf32, #tpu.memory_space<hbm>> -> memref<10000x128xf32, #tpu.memory_space<hbm>>
      tpu.enqueue_indirect_dma source(%dma_start3A_56 : memref<10000x128xf32, #tpu.memory_space<hbm>>) target(%arg16 : memref<80x128xf32, #tpu.memory_space<vmem>>) offsets(%arg14 : memref<80xi32, #tpu.memory_space<vmem>>) semaphore(%arg27 : memref<!tpu.dma_semaphore, #tpu.memory_space<semaphore_mem>>)
      %dma_start3A_57 = arith.constant 0 : i32
      %dma_start3A_58 = arith.constant 0 : i32
      %dma_start3A_59 = tpu.memref_slice %arg3[%dma_start3A_57, %dma_start3A_58] : memref<10000x128xf32, #tpu.memory_space<hbm>> -> memref<10000x128xf32, #tpu.memory_space<hbm>>
      tpu.enqueue_indirect_dma source(%dma_start3A_59 : memref<10000x128xf32, #tpu.memory_space<hbm>>) target(%arg17 : memref<80x128xf32, #tpu.memory_space<vmem>>) offsets(%arg15 : memref<80xi32, #tpu.memory_space<vmem>>) semaphore(%arg27 : memref<!tpu.dma_semaphore, #tpu.memory_space<semaphore_mem>>)
      %dma_start3A_60 = arith.constant 0 : i32
      %dma_start3A_61 = tpu.memref_slice %arg4[%dma_start3A_60] : memref<10000xf32, #tpu.memory_space<hbm>> -> memref<10000xf32, #tpu.memory_space<hbm>>
      tpu.enqueue_indirect_dma source(%dma_start3A_61 : memref<10000xf32, #tpu.memory_space<hbm>>) target(%arg18 : memref<80xf32, #tpu.memory_space<vmem>>) offsets(%arg14 : memref<80xi32, #tpu.memory_space<vmem>>) semaphore(%arg27 : memref<!tpu.dma_semaphore, #tpu.memory_space<semaphore_mem>>)
      %dma_start3A_62 = arith.constant 0 : i32
      %dma_start3A_63 = tpu.memref_slice %arg5[%dma_start3A_62] : memref<10000xf32, #tpu.memory_space<hbm>> -> memref<10000xf32, #tpu.memory_space<hbm>>
      tpu.enqueue_indirect_dma source(%dma_start3A_63 : memref<10000xf32, #tpu.memory_space<hbm>>) target(%arg19 : memref<80xf32, #tpu.memory_space<vmem>>) offsets(%arg14 : memref<80xi32, #tpu.memory_space<vmem>>) semaphore(%arg27 : memref<!tpu.dma_semaphore, #tpu.memory_space<semaphore_mem>>)
      %dma_start3A_64 = arith.constant 0 : i32
      %dma_start3A_65 = tpu.memref_slice %arg6[%dma_start3A_64] : memref<10000xf32, #tpu.memory_space<hbm>> -> memref<10000xf32, #tpu.memory_space<hbm>>
      tpu.enqueue_indirect_dma source(%dma_start3A_65 : memref<10000xf32, #tpu.memory_space<hbm>>) target(%arg20 : memref<80xf32, #tpu.memory_space<vmem>>) offsets(%arg14 : memref<80xi32, #tpu.memory_space<vmem>>) semaphore(%arg27 : memref<!tpu.dma_semaphore, #tpu.memory_space<semaphore_mem>>)
      %dma_start3A_66 = arith.constant 0 : i32
      %dma_start3A_67 = tpu.memref_slice %arg4[%dma_start3A_66] : memref<10000xf32, #tpu.memory_space<hbm>> -> memref<10000xf32, #tpu.memory_space<hbm>>
      tpu.enqueue_indirect_dma source(%dma_start3A_67 : memref<10000xf32, #tpu.memory_space<hbm>>) target(%arg21 : memref<80xf32, #tpu.memory_space<vmem>>) offsets(%arg15 : memref<80xi32, #tpu.memory_space<vmem>>) semaphore(%arg27 : memref<!tpu.dma_semaphore, #tpu.memory_space<semaphore_mem>>)
      %dma_start3A_68 = arith.constant 0 : i32
      %dma_start3A_69 = tpu.memref_slice %arg5[%dma_start3A_68] : memref<10000xf32, #tpu.memory_space<hbm>> -> memref<10000xf32, #tpu.memory_space<hbm>>
      tpu.enqueue_indirect_dma source(%dma_start3A_69 : memref<10000xf32, #tpu.memory_space<hbm>>) target(%arg22 : memref<80xf32, #tpu.memory_space<vmem>>) offsets(%arg15 : memref<80xi32, #tpu.memory_space<vmem>>) semaphore(%arg27 : memref<!tpu.dma_semaphore, #tpu.memory_space<semaphore_mem>>)
      %dma_start3A_70 = arith.constant 0 : i32
      %dma_start3A_71 = tpu.memref_slice %arg6[%dma_start3A_70] : memref<10000xf32, #tpu.memory_space<hbm>> -> memref<10000xf32, #tpu.memory_space<hbm>>
      tpu.enqueue_indirect_dma source(%dma_start3A_71 : memref<10000xf32, #tpu.memory_space<hbm>>) target(%arg23 : memref<80xf32, #tpu.memory_space<vmem>>) offsets(%arg15 : memref<80xi32, #tpu.memory_space<vmem>>) semaphore(%arg27 : memref<!tpu.dma_semaphore, #tpu.memory_space<semaphore_mem>>)
      %dma_wait3A = arith.constant 0 : i32
      %dma_wait3A_72 = arith.constant 0 : i32
      %dma_wait3A_73 = tpu.memref_slice %arg2[%dma_wait3A, %dma_wait3A_72] : memref<10000x128xf32, #tpu.memory_space<hbm>> -> memref<10000x128xf32, #tpu.memory_space<hbm>>
      tpu.wait_indirect_dma semaphore(%arg27 : memref<!tpu.dma_semaphore, #tpu.memory_space<semaphore_mem>>) src(%dma_wait3A_73 : memref<10000x128xf32, #tpu.memory_space<hbm>>) dst(%arg16 : memref<80x128xf32, #tpu.memory_space<vmem>>)
      %dma_wait3A_74 = arith.constant 0 : i32
      %dma_wait3A_75 = arith.constant 0 : i32
      %dma_wait3A_76 = tpu.memref_slice %arg3[%dma_wait3A_74, %dma_wait3A_75] : memref<10000x128xf32, #tpu.memory_space<hbm>> -> memref<10000x128xf32, #tpu.memory_space<hbm>>
      tpu.wait_indirect_dma semaphore(%arg27 : memref<!tpu.dma_semaphore, #tpu.memory_space<semaphore_mem>>) src(%dma_wait3A_76 : memref<10000x128xf32, #tpu.memory_space<hbm>>) dst(%arg17 : memref<80x128xf32, #tpu.memory_space<vmem>>)
      %dma_wait3A_77 = arith.constant 0 : i32
      %dma_wait3A_78 = tpu.memref_slice %arg4[%dma_wait3A_77] : memref<10000xf32, #tpu.memory_space<hbm>> -> memref<10000xf32, #tpu.memory_space<hbm>>
      tpu.wait_indirect_dma semaphore(%arg27 : memref<!tpu.dma_semaphore, #tpu.memory_space<semaphore_mem>>) src(%dma_wait3A_78 : memref<10000xf32, #tpu.memory_space<hbm>>) dst(%arg18 : memref<80xf32, #tpu.memory_space<vmem>>)
      %dma_wait3A_79 = arith.constant 0 : i32
      %dma_wait3A_80 = tpu.memref_slice %arg5[%dma_wait3A_79] : memref<10000xf32, #tpu.memory_space<hbm>> -> memref<10000xf32, #tpu.memory_space<hbm>>
      tpu.wait_indirect_dma semaphore(%arg27 : memref<!tpu.dma_semaphore, #tpu.memory_space<semaphore_mem>>) src(%dma_wait3A_80 : memref<10000xf32, #tpu.memory_space<hbm>>) dst(%arg19 : memref<80xf32, #tpu.memory_space<vmem>>)
      %dma_wait3A_81 = arith.constant 0 : i32
      %dma_wait3A_82 = tpu.memref_slice %arg6[%dma_wait3A_81] : memref<10000xf32, #tpu.memory_space<hbm>> -> memref<10000xf32, #tpu.memory_space<hbm>>
      tpu.wait_indirect_dma semaphore(%arg27 : memref<!tpu.dma_semaphore, #tpu.memory_space<semaphore_mem>>) src(%dma_wait3A_82 : memref<10000xf32, #tpu.memory_space<hbm>>) dst(%arg20 : memref<80xf32, #tpu.memory_space<vmem>>)
      %dma_wait3A_83 = arith.constant 0 : i32
      %dma_wait3A_84 = tpu.memref_slice %arg4[%dma_wait3A_83] : memref<10000xf32, #tpu.memory_space<hbm>> -> memref<10000xf32, #tpu.memory_space<hbm>>
      tpu.wait_indirect_dma semaphore(%arg27 : memref<!tpu.dma_semaphore, #tpu.memory_space<semaphore_mem>>) src(%dma_wait3A_84 : memref<10000xf32, #tpu.memory_space<hbm>>) dst(%arg21 : memref<80xf32, #tpu.memory_space<vmem>>)
      %dma_wait3A_85 = arith.constant 0 : i32
      %dma_wait3A_86 = tpu.memref_slice %arg5[%dma_wait3A_85] : memref<10000xf32, #tpu.memory_space<hbm>> -> memref<10000xf32, #tpu.memory_space<hbm>>
      tpu.wait_indirect_dma semaphore(%arg27 : memref<!tpu.dma_semaphore, #tpu.memory_space<semaphore_mem>>) src(%dma_wait3A_86 : memref<10000xf32, #tpu.memory_space<hbm>>) dst(%arg22 : memref<80xf32, #tpu.memory_space<vmem>>)
      %dma_wait3A_87 = arith.constant 0 : i32
      %dma_wait3A_88 = tpu.memref_slice %arg6[%dma_wait3A_87] : memref<10000xf32, #tpu.memory_space<hbm>> -> memref<10000xf32, #tpu.memory_space<hbm>>
      tpu.wait_indirect_dma semaphore(%arg27 : memref<!tpu.dma_semaphore, #tpu.memory_space<semaphore_mem>>) src(%dma_wait3A_88 : memref<10000xf32, #tpu.memory_space<hbm>>) dst(%arg23 : memref<80xf32, #tpu.memory_space<vmem>>)
      %add3A_89 = arith.constant 0 : i32
      %add3A_90 = arith.addi %mul3A_52, %add3A_89 : i32
      %get3A = arith.constant 0 : index
      %get3A_91 = tpu.vector_load %arg18[%get3A] {strides = array<i32>} : memref<80xf32, #tpu.memory_space<vmem>>, vector<16xf32>,
      %get3A_92 = vector.shape_cast %get3A_91 : vector<16xf32> to vector<16xf32>
      %get3A_93 = arith.constant 0 : index
      %get3A_94 = tpu.vector_load %arg21[%get3A_93] {strides = array<i32>} : memref<80xf32, #tpu.memory_space<vmem>>, vector<16xf32>,
      %get3A_95 = vector.shape_cast %get3A_94 : vector<16xf32> to vector<16xf32>
      %sub3A = arith.subf %get3A_92, %get3A_95 : vector<16xf32>
      %get3A_96 = arith.constant 0 : index
      %get3A_97 = tpu.vector_load %arg19[%get3A_96] {strides = array<i32>} : memref<80xf32, #tpu.memory_space<vmem>>, vector<16xf32>,
      %get3A_98 = vector.shape_cast %get3A_97 : vector<16xf32> to vector<16xf32>
      %get3A_99 = arith.constant 0 : index
      %get3A_100 = tpu.vector_load %arg22[%get3A_99] {strides = array<i32>} : memref<80xf32, #tpu.memory_space<vmem>>, vector<16xf32>,
      %get3A_101 = vector.shape_cast %get3A_100 : vector<16xf32> to vector<16xf32>
      %sub3A_102 = arith.subf %get3A_98, %get3A_101 : vector<16xf32>
      %get3A_103 = arith.constant 0 : index
      %get3A_104 = tpu.vector_load %arg20[%get3A_103] {strides = array<i32>} : memref<80xf32, #tpu.memory_space<vmem>>, vector<16xf32>,
      %get3A_105 = vector.shape_cast %get3A_104 : vector<16xf32> to vector<16xf32>
      %get3A_106 = arith.constant 0 : index
      %get3A_107 = tpu.vector_load %arg23[%get3A_106] {strides = array<i32>} : memref<80xf32, #tpu.memory_space<vmem>>, vector<16xf32>,
      %get3A_108 = vector.shape_cast %get3A_107 : vector<16xf32> to vector<16xf32>
      %sub3A_109 = arith.subf %get3A_105, %get3A_108 : vector<16xf32>
      %swap3A_110 = arith.constant 0 : i32
      %swap3A_111 = arith.index_cast %swap3A_110 : i32 to index
      %swap3A_112 = arith.index_cast %add3A_90 : i32 to index
      %swap3A_113 = tpu.vector_load %arg24[%swap3A_111, %swap3A_112] {strides = array<i32>} : memref<4x5120xf32, #tpu.memory_space<vmem>>, vector<1x16xf32>,
      %swap3A_114 = vector.shape_cast %swap3A_113 : vector<1x16xf32> to vector<16xf32>
      %swap3A_115 = vector.shape_cast %sub3A : vector<16xf32> to vector<1x16xf32>
      tpu.vector_store %arg24[%swap3A_111, %swap3A_112], %swap3A_115 {strides = array<i32>} : memref<4x5120xf32, #tpu.memory_space<vmem>>, vector<1x16xf32>,
      %swap3A_116 = arith.constant 1 : i32
      %swap3A_117 = arith.index_cast %swap3A_116 : i32 to index
      %swap3A_118 = arith.index_cast %add3A_90 : i32 to index
      %swap3A_119 = tpu.vector_load %arg24[%swap3A_117, %swap3A_118] {strides = array<i32>} : memref<4x5120xf32, #tpu.memory_space<vmem>>, vector<1x16xf32>,
      %swap3A_120 = vector.shape_cast %swap3A_119 : vector<1x16xf32> to vector<16xf32>
      %swap3A_121 = vector.shape_cast %sub3A_102 : vector<16xf32> to vector<1x16xf32>
      tpu.vector_store %arg24[%swap3A_117, %swap3A_118], %swap3A_121 {strides = array<i32>} : memref<4x5120xf32, #tpu.memory_space<vmem>>, vector<1x16xf32>,
      %swap3A_122 = arith.constant 2 : i32
      %swap3A_123 = arith.index_cast %swap3A_122 : i32 to index
      %swap3A_124 = arith.index_cast %add3A_90 : i32 to index
      %swap3A_125 = tpu.vector_load %arg24[%swap3A_123, %swap3A_124] {strides = array<i32>} : memref<4x5120xf32, #tpu.memory_space<vmem>>, vector<1x16xf32>,
      %swap3A_126 = vector.shape_cast %swap3A_125 : vector<1x16xf32> to vector<16xf32>
      %swap3A_127 = vector.shape_cast %sub3A_109 : vector<16xf32> to vector<1x16xf32>
      tpu.vector_store %arg24[%swap3A_123, %swap3A_124], %swap3A_127 {strides = array<i32>} : memref<4x5120xf32, #tpu.memory_space<vmem>>, vector<1x16xf32>,
      %mul3A_128 = arith.mulf %sub3A, %sub3A : vector<16xf32>
      %mul3A_129 = arith.mulf %sub3A_102, %sub3A_102 : vector<16xf32>
      %add3A_130 = arith.addf %mul3A_128, %mul3A_129 : vector<16xf32>
      %mul3A_131 = arith.mulf %sub3A_109, %sub3A_109 : vector<16xf32>
      %add3A_132 = arith.addf %add3A_130, %mul3A_131 : vector<16xf32>
      %swap3A_133 = arith.constant 3 : i32
      %swap3A_134 = arith.index_cast %swap3A_133 : i32 to index
      %swap3A_135 = arith.index_cast %add3A_90 : i32 to index
      %swap3A_136 = tpu.vector_load %arg24[%swap3A_134, %swap3A_135] {strides = array<i32>} : memref<4x5120xf32, #tpu.memory_space<vmem>>, vector<1x16xf32>,
      %swap3A_137 = vector.shape_cast %swap3A_136 : vector<1x16xf32> to vector<16xf32>
      %swap3A_138 = vector.shape_cast %add3A_132 : vector<16xf32> to vector<1x16xf32>
      tpu.vector_store %arg24[%swap3A_134, %swap3A_135], %swap3A_138 {strides = array<i32>} : memref<4x5120xf32, #tpu.memory_space<vmem>>, vector<1x16xf32>,
      %add3A_139 = arith.constant 16 : i32
      %add3A_140 = arith.addi %mul3A_52, %add3A_139 : i32
      %get3A_141 = arith.constant 16 : index
      %get3A_142 = tpu.vector_load %arg18[%get3A_141] {strides = array<i32>} : memref<80xf32, #tpu.memory_space<vmem>>, vector<16xf32>,
      %get3A_143 = vector.shape_cast %get3A_142 : vector<16xf32> to vector<16xf32>
      %get3A_144 = arith.constant 16 : index
      %get3A_145 = tpu.vector_load %arg21[%get3A_144] {strides = array<i32>} : memref<80xf32, #tpu.memory_space<vmem>>, vector<16xf32>,
      %get3A_146 = vector.shape_cast %get3A_145 : vector<16xf32> to vector<16xf32>
      %sub3A_147 = arith.subf %get3A_143, %get3A_146 : vector<16xf32>
      %get3A_148 = arith.constant 16 : index
      %get3A_149 = tpu.vector_load %arg19[%get3A_148] {strides = array<i32>} : memref<80xf32, #tpu.memory_space<vmem>>, vector<16xf32>,
      %get3A_150 = vector.shape_cast %get3A_149 : vector<16xf32> to vector<16xf32>
      %get3A_151 = arith.constant 16 : index
      %get3A_152 = tpu.vector_load %arg22[%get3A_151] {strides = array<i32>} : memref<80xf32, #tpu.memory_space<vmem>>, vector<16xf32>,
      %get3A_153 = vector.shape_cast %get3A_152 : vector<16xf32> to vector<16xf32>
      %sub3A_154 = arith.subf %get3A_150, %get3A_153 : vector<16xf32>
      %get3A_155 = arith.constant 16 : index
      %get3A_156 = tpu.vector_load %arg20[%get3A_155] {strides = array<i32>} : memref<80xf32, #tpu.memory_space<vmem>>, vector<16xf32>,
      %get3A_157 = vector.shape_cast %get3A_156 : vector<16xf32> to vector<16xf32>
      %get3A_158 = arith.constant 16 : index
      %get3A_159 = tpu.vector_load %arg23[%get3A_158] {strides = array<i32>} : memref<80xf32, #tpu.memory_space<vmem>>, vector<16xf32>,
      %get3A_160 = vector.shape_cast %get3A_159 : vector<16xf32> to vector<16xf32>
      %sub3A_161 = arith.subf %get3A_157, %get3A_160 : vector<16xf32>
      %swap3A_162 = arith.constant 0 : i32
      %swap3A_163 = arith.index_cast %swap3A_162 : i32 to index
      %swap3A_164 = arith.index_cast %add3A_140 : i32 to index
      %swap3A_165 = tpu.vector_load %arg24[%swap3A_163, %swap3A_164] {strides = array<i32>} : memref<4x5120xf32, #tpu.memory_space<vmem>>, vector<1x16xf32>,
      %swap3A_166 = vector.shape_cast %swap3A_165 : vector<1x16xf32> to vector<16xf32>
      %swap3A_167 = vector.shape_cast %sub3A_147 : vector<16xf32> to vector<1x16xf32>
      tpu.vector_store %arg24[%swap3A_163, %swap3A_164], %swap3A_167 {strides = array<i32>} : memref<4x5120xf32, #tpu.memory_space<vmem>>, vector<1x16xf32>,
      %swap3A_168 = arith.constant 1 : i32
      %swap3A_169 = arith.index_cast %swap3A_168 : i32 to index
      %swap3A_170 = arith.index_cast %add3A_140 : i32 to index
      %swap3A_171 = tpu.vector_load %arg24[%swap3A_169, %swap3A_170] {strides = array<i32>} : memref<4x5120xf32, #tpu.memory_space<vmem>>, vector<1x16xf32>,
      %swap3A_172 = vector.shape_cast %swap3A_171 : vector<1x16xf32> to vector<16xf32>
      %swap3A_173 = vector.shape_cast %sub3A_154 : vector<16xf32> to vector<1x16xf32>
      tpu.vector_store %arg24[%swap3A_169, %swap3A_170], %swap3A_173 {strides = array<i32>} : memref<4x5120xf32, #tpu.memory_space<vmem>>, vector<1x16xf32>,
      %swap3A_174 = arith.constant 2 : i32
      %swap3A_175 = arith.index_cast %swap3A_174 : i32 to index
      %swap3A_176 = arith.index_cast %add3A_140 : i32 to index
      %swap3A_177 = tpu.vector_load %arg24[%swap3A_175, %swap3A_176] {strides = array<i32>} : memref<4x5120xf32, #tpu.memory_space<vmem>>, vector<1x16xf32>,
      %swap3A_178 = vector.shape_cast %swap3A_177 : vector<1x16xf32> to vector<16xf32>
      %swap3A_179 = vector.shape_cast %sub3A_161 : vector<16xf32> to vector<1x16xf32>
      tpu.vector_store %arg24[%swap3A_175, %swap3A_176], %swap3A_179 {strides = array<i32>} : memref<4x5120xf32, #tpu.memory_space<vmem>>, vector<1x16xf32>,
      %mul3A_180 = arith.mulf %sub3A_147, %sub3A_147 : vector<16xf32>
      %mul3A_181 = arith.mulf %sub3A_154, %sub3A_154 : vector<16xf32>
      %add3A_182 = arith.addf %mul3A_180, %mul3A_181 : vector<16xf32>
      %mul3A_183 = arith.mulf %sub3A_161, %sub3A_161 : vector<16xf32>
      %add3A_184 = arith.addf %add3A_182, %mul3A_183 : vector<16xf32>
      %swap3A_185 = arith.constant 3 : i32
      %swap3A_186 = arith.index_cast %swap3A_185 : i32 to index
      %swap3A_187 = arith.index_cast %add3A_140 : i32 to index
      %swap3A_188 = tpu.vector_load %arg24[%swap3A_186, %swap3A_187] {strides = array<i32>} : memref<4x5120xf32, #tpu.memory_space<vmem>>, vector<1x16xf32>,
      %swap3A_189 = vector.shape_cast %swap3A_188 : vector<1x16xf32> to vector<16xf32>
      %swap3A_190 = vector.shape_cast %add3A_184 : vector<16xf32> to vector<1x16xf32>
      tpu.vector_store %arg24[%swap3A_186, %swap3A_187], %swap3A_190 {strides = array<i32>} : memref<4x5120xf32, #tpu.memory_space<vmem>>, vector<1x16xf32>,
      %add3A_191 = arith.constant 32 : i32
      %add3A_192 = arith.addi %mul3A_52, %add3A_191 : i32
      %get3A_193 = arith.constant 32 : index
      %get3A_194 = tpu.vector_load %arg18[%get3A_193] {strides = array<i32>} : memref<80xf32, #tpu.memory_space<vmem>>, vector<16xf32>,
      %get3A_195 = vector.shape_cast %get3A_194 : vector<16xf32> to vector<16xf32>
      %get3A_196 = arith.constant 32 : index
      %get3A_197 = tpu.vector_load %arg21[%get3A_196] {strides = array<i32>} : memref<80xf32, #tpu.memory_space<vmem>>, vector<16xf32>,
      %get3A_198 = vector.shape_cast %get3A_197 : vector<16xf32> to vector<16xf32>
      %sub3A_199 = arith.subf %get3A_195, %get3A_198 : vector<16xf32>
      %get3A_200 = arith.constant 32 : index
      %get3A_201 = tpu.vector_load %arg19[%get3A_200] {strides = array<i32>} : memref<80xf32, #tpu.memory_space<vmem>>, vector<16xf32>,
      %get3A_202 = vector.shape_cast %get3A_201 : vector<16xf32> to vector<16xf32>
      %get3A_203 = arith.constant 32 : index
      %get3A_204 = tpu.vector_load %arg22[%get3A_203] {strides = array<i32>} : memref<80xf32, #tpu.memory_space<vmem>>, vector<16xf32>,
      %get3A_205 = vector.shape_cast %get3A_204 : vector<16xf32> to vector<16xf32>
      %sub3A_206 = arith.subf %get3A_202, %get3A_205 : vector<16xf32>
      %get3A_207 = arith.constant 32 : index
      %get3A_208 = tpu.vector_load %arg20[%get3A_207] {strides = array<i32>} : memref<80xf32, #tpu.memory_space<vmem>>, vector<16xf32>,
      %get3A_209 = vector.shape_cast %get3A_208 : vector<16xf32> to vector<16xf32>
      %get3A_210 = arith.constant 32 : index
      %get3A_211 = tpu.vector_load %arg23[%get3A_210] {strides = array<i32>} : memref<80xf32, #tpu.memory_space<vmem>>, vector<16xf32>,
      %get3A_212 = vector.shape_cast %get3A_211 : vector<16xf32> to vector<16xf32>
      %sub3A_213 = arith.subf %get3A_209, %get3A_212 : vector<16xf32>
      %swap3A_214 = arith.constant 0 : i32
      %swap3A_215 = arith.index_cast %swap3A_214 : i32 to index
      %swap3A_216 = arith.index_cast %add3A_192 : i32 to index
      %swap3A_217 = tpu.vector_load %arg24[%swap3A_215, %swap3A_216] {strides = array<i32>} : memref<4x5120xf32, #tpu.memory_space<vmem>>, vector<1x16xf32>,
      %swap3A_218 = vector.shape_cast %swap3A_217 : vector<1x16xf32> to vector<16xf32>
      %swap3A_219 = vector.shape_cast %sub3A_199 : vector<16xf32> to vector<1x16xf32>
      tpu.vector_store %arg24[%swap3A_215, %swap3A_216], %swap3A_219 {strides = array<i32>} : memref<4x5120xf32, #tpu.memory_space<vmem>>, vector<1x16xf32>,
      %swap3A_220 = arith.constant 1 : i32
      %swap3A_221 = arith.index_cast %swap3A_220 : i32 to index
      %swap3A_222 = arith.index_cast %add3A_192 : i32 to index
      %swap3A_223 = tpu.vector_load %arg24[%swap3A_221, %swap3A_222] {strides = array<i32>} : memref<4x5120xf32, #tpu.memory_space<vmem>>, vector<1x16xf32>,
      %swap3A_224 = vector.shape_cast %swap3A_223 : vector<1x16xf32> to vector<16xf32>
      %swap3A_225 = vector.shape_cast %sub3A_206 : vector<16xf32> to vector<1x16xf32>
      tpu.vector_store %arg24[%swap3A_221, %swap3A_222], %swap3A_225 {strides = array<i32>} : memref<4x5120xf32, #tpu.memory_space<vmem>>, vector<1x16xf32>,
      %swap3A_226 = arith.constant 2 : i32
      %swap3A_227 = arith.index_cast %swap3A_226 : i32 to index
      %swap3A_228 = arith.index_cast %add3A_192 : i32 to index
      %swap3A_229 = tpu.vector_load %arg24[%swap3A_227, %swap3A_228] {strides = array<i32>} : memref<4x5120xf32, #tpu.memory_space<vmem>>, vector<1x16xf32>,
      %swap3A_230 = vector.shape_cast %swap3A_229 : vector<1x16xf32> to vector<16xf32>
      %swap3A_231 = vector.shape_cast %sub3A_213 : vector<16xf32> to vector<1x16xf32>
      tpu.vector_store %arg24[%swap3A_227, %swap3A_228], %swap3A_231 {strides = array<i32>} : memref<4x5120xf32, #tpu.memory_space<vmem>>, vector<1x16xf32>,
      %mul3A_232 = arith.mulf %sub3A_199, %sub3A_199 : vector<16xf32>
      %mul3A_233 = arith.mulf %sub3A_206, %sub3A_206 : vector<16xf32>
      %add3A_234 = arith.addf %mul3A_232, %mul3A_233 : vector<16xf32>
      %mul3A_235 = arith.mulf %sub3A_213, %sub3A_213 : vector<16xf32>
      %add3A_236 = arith.addf %add3A_234, %mul3A_235 : vector<16xf32>
      %swap3A_237 = arith.constant 3 : i32
      %swap3A_238 = arith.index_cast %swap3A_237 : i32 to index
      %swap3A_239 = arith.index_cast %add3A_192 : i32 to index
      %swap3A_240 = tpu.vector_load %arg24[%swap3A_238, %swap3A_239] {strides = array<i32>} : memref<4x5120xf32, #tpu.memory_space<vmem>>, vector<1x16xf32>,
      %swap3A_241 = vector.shape_cast %swap3A_240 : vector<1x16xf32> to vector<16xf32>
      %swap3A_242 = vector.shape_cast %add3A_236 : vector<16xf32> to vector<1x16xf32>
      tpu.vector_store %arg24[%swap3A_238, %swap3A_239], %swap3A_242 {strides = array<i32>} : memref<4x5120xf32, #tpu.memory_space<vmem>>, vector<1x16xf32>,
      %add3A_243 = arith.constant 48 : i32
      %add3A_244 = arith.addi %mul3A_52, %add3A_243 : i32
      %get3A_245 = arith.constant 48 : index
      %get3A_246 = tpu.vector_load %arg18[%get3A_245] {strides = array<i32>} : memref<80xf32, #tpu.memory_space<vmem>>, vector<16xf32>,
      %get3A_247 = vector.shape_cast %get3A_246 : vector<16xf32> to vector<16xf32>
      %get3A_248 = arith.constant 48 : index
      %get3A_249 = tpu.vector_load %arg21[%get3A_248] {strides = array<i32>} : memref<80xf32, #tpu.memory_space<vmem>>, vector<16xf32>,
      %get3A_250 = vector.shape_cast %get3A_249 : vector<16xf32> to vector<16xf32>
      %sub3A_251 = arith.subf %get3A_247, %get3A_250 : vector<16xf32>
      %get3A_252 = arith.constant 48 : index
      %get3A_253 = tpu.vector_load %arg19[%get3A_252] {strides = array<i32>} : memref<80xf32, #tpu.memory_space<vmem>>, vector<16xf32>,
      %get3A_254 = vector.shape_cast %get3A_253 : vector<16xf32> to vector<16xf32>
      %get3A_255 = arith.constant 48 : index
      %get3A_256 = tpu.vector_load %arg22[%get3A_255] {strides = array<i32>} : memref<80xf32, #tpu.memory_space<vmem>>, vector<16xf32>,
      %get3A_257 = vector.shape_cast %get3A_256 : vector<16xf32> to vector<16xf32>
      %sub3A_258 = arith.subf %get3A_254, %get3A_257 : vector<16xf32>
      %get3A_259 = arith.constant 48 : index
      %get3A_260 = tpu.vector_load %arg20[%get3A_259] {strides = array<i32>} : memref<80xf32, #tpu.memory_space<vmem>>, vector<16xf32>,
      %get3A_261 = vector.shape_cast %get3A_260 : vector<16xf32> to vector<16xf32>
      %get3A_262 = arith.constant 48 : index
      %get3A_263 = tpu.vector_load %arg23[%get3A_262] {strides = array<i32>} : memref<80xf32, #tpu.memory_space<vmem>>, vector<16xf32>,
      %get3A_264 = vector.shape_cast %get3A_263 : vector<16xf32> to vector<16xf32>
      %sub3A_265 = arith.subf %get3A_261, %get3A_264 : vector<16xf32>
      %swap3A_266 = arith.constant 0 : i32
      %swap3A_267 = arith.index_cast %swap3A_266 : i32 to index
      %swap3A_268 = arith.index_cast %add3A_244 : i32 to index
      %swap3A_269 = tpu.vector_load %arg24[%swap3A_267, %swap3A_268] {strides = array<i32>} : memref<4x5120xf32, #tpu.memory_space<vmem>>, vector<1x16xf32>,
      %swap3A_270 = vector.shape_cast %swap3A_269 : vector<1x16xf32> to vector<16xf32>
      %swap3A_271 = vector.shape_cast %sub3A_251 : vector<16xf32> to vector<1x16xf32>
      tpu.vector_store %arg24[%swap3A_267, %swap3A_268], %swap3A_271 {strides = array<i32>} : memref<4x5120xf32, #tpu.memory_space<vmem>>, vector<1x16xf32>,
      %swap3A_272 = arith.constant 1 : i32
      %swap3A_273 = arith.index_cast %swap3A_272 : i32 to index
      %swap3A_274 = arith.index_cast %add3A_244 : i32 to index
      %swap3A_275 = tpu.vector_load %arg24[%swap3A_273, %swap3A_274] {strides = array<i32>} : memref<4x5120xf32, #tpu.memory_space<vmem>>, vector<1x16xf32>,
      %swap3A_276 = vector.shape_cast %swap3A_275 : vector<1x16xf32> to vector<16xf32>
      %swap3A_277 = vector.shape_cast %sub3A_258 : vector<16xf32> to vector<1x16xf32>
      tpu.vector_store %arg24[%swap3A_273, %swap3A_274], %swap3A_277 {strides = array<i32>} : memref<4x5120xf32, #tpu.memory_space<vmem>>, vector<1x16xf32>,
      %swap3A_278 = arith.constant 2 : i32
      %swap3A_279 = arith.index_cast %swap3A_278 : i32 to index
      %swap3A_280 = arith.index_cast %add3A_244 : i32 to index
      %swap3A_281 = tpu.vector_load %arg24[%swap3A_279, %swap3A_280] {strides = array<i32>} : memref<4x5120xf32, #tpu.memory_space<vmem>>, vector<1x16xf32>,
      %swap3A_282 = vector.shape_cast %swap3A_281 : vector<1x16xf32> to vector<16xf32>
      %swap3A_283 = vector.shape_cast %sub3A_265 : vector<16xf32> to vector<1x16xf32>
      tpu.vector_store %arg24[%swap3A_279, %swap3A_280], %swap3A_283 {strides = array<i32>} : memref<4x5120xf32, #tpu.memory_space<vmem>>, vector<1x16xf32>,
      %mul3A_284 = arith.mulf %sub3A_251, %sub3A_251 : vector<16xf32>
      %mul3A_285 = arith.mulf %sub3A_258, %sub3A_258 : vector<16xf32>
      %add3A_286 = arith.addf %mul3A_284, %mul3A_285 : vector<16xf32>
      %mul3A_287 = arith.mulf %sub3A_265, %sub3A_265 : vector<16xf32>
      %add3A_288 = arith.addf %add3A_286, %mul3A_287 : vector<16xf32>
      %swap3A_289 = arith.constant 3 : i32
      %swap3A_290 = arith.index_cast %swap3A_289 : i32 to index
      %swap3A_291 = arith.index_cast %add3A_244 : i32 to index
      %swap3A_292 = tpu.vector_load %arg24[%swap3A_290, %swap3A_291] {strides = array<i32>} : memref<4x5120xf32, #tpu.memory_space<vmem>>, vector<1x16xf32>,
      %swap3A_293 = vector.shape_cast %swap3A_292 : vector<1x16xf32> to vector<16xf32>
      %swap3A_294 = vector.shape_cast %add3A_288 : vector<16xf32> to vector<1x16xf32>
      tpu.vector_store %arg24[%swap3A_290, %swap3A_291], %swap3A_294 {strides = array<i32>} : memref<4x5120xf32, #tpu.memory_space<vmem>>, vector<1x16xf32>,
      %add3A_295 = arith.constant 64 : i32
      %add3A_296 = arith.addi %mul3A_52, %add3A_295 : i32
      %get3A_297 = arith.constant 64 : index
      %get3A_298 = tpu.vector_load %arg18[%get3A_297] {strides = array<i32>} : memref<80xf32, #tpu.memory_space<vmem>>, vector<16xf32>,
      %get3A_299 = vector.shape_cast %get3A_298 : vector<16xf32> to vector<16xf32>
      %get3A_300 = arith.constant 64 : index
      %get3A_301 = tpu.vector_load %arg21[%get3A_300] {strides = array<i32>} : memref<80xf32, #tpu.memory_space<vmem>>, vector<16xf32>,
      %get3A_302 = vector.shape_cast %get3A_301 : vector<16xf32> to vector<16xf32>
      %sub3A_303 = arith.subf %get3A_299, %get3A_302 : vector<16xf32>
      %get3A_304 = arith.constant 64 : index
      %get3A_305 = tpu.vector_load %arg19[%get3A_304] {strides = array<i32>} : memref<80xf32, #tpu.memory_space<vmem>>, vector<16xf32>,
      %get3A_306 = vector.shape_cast %get3A_305 : vector<16xf32> to vector<16xf32>
      %get3A_307 = arith.constant 64 : index
      %get3A_308 = tpu.vector_load %arg22[%get3A_307] {strides = array<i32>} : memref<80xf32, #tpu.memory_space<vmem>>, vector<16xf32>,
      %get3A_309 = vector.shape_cast %get3A_308 : vector<16xf32> to vector<16xf32>
      %sub3A_310 = arith.subf %get3A_306, %get3A_309 : vector<16xf32>
      %get3A_311 = arith.constant 64 : index
      %get3A_312 = tpu.vector_load %arg20[%get3A_311] {strides = array<i32>} : memref<80xf32, #tpu.memory_space<vmem>>, vector<16xf32>,
      %get3A_313 = vector.shape_cast %get3A_312 : vector<16xf32> to vector<16xf32>
      %get3A_314 = arith.constant 64 : index
      %get3A_315 = tpu.vector_load %arg23[%get3A_314] {strides = array<i32>} : memref<80xf32, #tpu.memory_space<vmem>>, vector<16xf32>,
      %get3A_316 = vector.shape_cast %get3A_315 : vector<16xf32> to vector<16xf32>
      %sub3A_317 = arith.subf %get3A_313, %get3A_316 : vector<16xf32>
      %swap3A_318 = arith.constant 0 : i32
      %swap3A_319 = arith.index_cast %swap3A_318 : i32 to index
      %swap3A_320 = arith.index_cast %add3A_296 : i32 to index
      %swap3A_321 = tpu.vector_load %arg24[%swap3A_319, %swap3A_320] {strides = array<i32>} : memref<4x5120xf32, #tpu.memory_space<vmem>>, vector<1x16xf32>,
      %swap3A_322 = vector.shape_cast %swap3A_321 : vector<1x16xf32> to vector<16xf32>
      %swap3A_323 = vector.shape_cast %sub3A_303 : vector<16xf32> to vector<1x16xf32>
      tpu.vector_store %arg24[%swap3A_319, %swap3A_320], %swap3A_323 {strides = array<i32>} : memref<4x5120xf32, #tpu.memory_space<vmem>>, vector<1x16xf32>,
      %swap3A_324 = arith.constant 1 : i32
      %swap3A_325 = arith.index_cast %swap3A_324 : i32 to index
      %swap3A_326 = arith.index_cast %add3A_296 : i32 to index
      %swap3A_327 = tpu.vector_load %arg24[%swap3A_325, %swap3A_326] {strides = array<i32>} : memref<4x5120xf32, #tpu.memory_space<vmem>>, vector<1x16xf32>,
      %swap3A_328 = vector.shape_cast %swap3A_327 : vector<1x16xf32> to vector<16xf32>
      %swap3A_329 = vector.shape_cast %sub3A_310 : vector<16xf32> to vector<1x16xf32>
      tpu.vector_store %arg24[%swap3A_325, %swap3A_326], %swap3A_329 {strides = array<i32>} : memref<4x5120xf32, #tpu.memory_space<vmem>>, vector<1x16xf32>,
      %swap3A_330 = arith.constant 2 : i32
      %swap3A_331 = arith.index_cast %swap3A_330 : i32 to index
      %swap3A_332 = arith.index_cast %add3A_296 : i32 to index
      %swap3A_333 = tpu.vector_load %arg24[%swap3A_331, %swap3A_332] {strides = array<i32>} : memref<4x5120xf32, #tpu.memory_space<vmem>>, vector<1x16xf32>,
      %swap3A_334 = vector.shape_cast %swap3A_333 : vector<1x16xf32> to vector<16xf32>
      %swap3A_335 = vector.shape_cast %sub3A_317 : vector<16xf32> to vector<1x16xf32>
      tpu.vector_store %arg24[%swap3A_331, %swap3A_332], %swap3A_335 {strides = array<i32>} : memref<4x5120xf32, #tpu.memory_space<vmem>>, vector<1x16xf32>,
      %mul3A_336 = arith.mulf %sub3A_303, %sub3A_303 : vector<16xf32>
      %mul3A_337 = arith.mulf %sub3A_310, %sub3A_310 : vector<16xf32>
      %add3A_338 = arith.addf %mul3A_336, %mul3A_337 : vector<16xf32>
      %mul3A_339 = arith.mulf %sub3A_317, %sub3A_317 : vector<16xf32>
      %add3A_340 = arith.addf %add3A_338, %mul3A_339 : vector<16xf32>
      %swap3A_341 = arith.constant 3 : i32
      %swap3A_342 = arith.index_cast %swap3A_341 : i32 to index
      %swap3A_343 = arith.index_cast %add3A_296 : i32 to index
      %swap3A_344 = tpu.vector_load %arg24[%swap3A_342, %swap3A_343] {strides = array<i32>} : memref<4x5120xf32, #tpu.memory_space<vmem>>, vector<1x16xf32>,
      %swap3A_345 = vector.shape_cast %swap3A_344 : vector<1x16xf32> to vector<16xf32>
      %swap3A_346 = vector.shape_cast %add3A_340 : vector<16xf32> to vector<1x16xf32>
      tpu.vector_store %arg24[%swap3A_342, %swap3A_343], %swap3A_346 {strides = array<i32>} : memref<4x5120xf32, #tpu.memory_space<vmem>>, vector<1x16xf32>,
      %add3A_347 = arith.addi %mul3A_2, %mul3A_52 : i32
      "tpu.region"() ({
        %run_scoped3A_349 = tpu.sem_alloc : memref<!tpu.dma_semaphore, #tpu.memory_space<semaphore_mem>>
        %dma_start3A_350 = arith.constant 0 : i32
        %dma_start3A_351 = tpu.memref_slice %arg10[%add3A_347, %dma_start3A_350] : memref<163840x128xf32, #tpu.memory_space<hbm>> -> memref<80x128xf32, #tpu.memory_space<hbm>>
        %dma_start3A_352 = arith.constant 0 : i32
        %dma_start3A_353 = tpu.memref_slice %arg10[%add3A_347, %dma_start3A_352] : memref<163840x128xf32, #tpu.memory_space<hbm>> -> memref<80x128xf32, #tpu.memory_space<hbm>>
        tpu.enqueue_dma source(%arg16 : memref<80x128xf32, #tpu.memory_space<vmem>>) target(%dma_start3A_353 : memref<80x128xf32, #tpu.memory_space<hbm>>) target_semaphore(%run_scoped3A_349 : memref<!tpu.dma_semaphore, #tpu.memory_space<semaphore_mem>>)
        %dma_wait3A_354 = arith.constant 0 : i32
        %dma_wait3A_355 = tpu.memref_slice %arg10[%add3A_347, %dma_wait3A_354] : memref<163840x128xf32, #tpu.memory_space<hbm>> -> memref<80x128xf32, #tpu.memory_space<hbm>>
        %dma_wait3A_356 = arith.constant 0 : i32
        %dma_wait3A_357 = tpu.memref_slice %arg10[%add3A_347, %dma_wait3A_356] : memref<163840x128xf32, #tpu.memory_space<hbm>> -> memref<80x128xf32, #tpu.memory_space<hbm>>
        tpu.wait_dma2 semaphore(%run_scoped3A_349 : memref<!tpu.dma_semaphore, #tpu.memory_space<semaphore_mem>>) src(%arg16 : memref<80x128xf32, #tpu.memory_space<vmem>>) dst(%dma_wait3A_357 : memref<80x128xf32, #tpu.memory_space<hbm>>)
        tpu.yield
      }) : () -> ()
      %add3A_348 = arith.addi %mul3A_2, %mul3A_52 : i32
      "tpu.region"() ({
        %run_scoped3A_349 = tpu.sem_alloc : memref<!tpu.dma_semaphore, #tpu.memory_space<semaphore_mem>>
        %dma_start3A_350 = arith.constant 0 : i32
        %dma_start3A_351 = tpu.memref_slice %arg11[%add3A_348, %dma_start3A_350] : memref<163840x128xf32, #tpu.memory_space<hbm>> -> memref<80x128xf32, #tpu.memory_space<hbm>>
        %dma_start3A_352 = arith.constant 0 : i32
        %dma_start3A_353 = tpu.memref_slice %arg11[%add3A_348, %dma_start3A_352] : memref<163840x128xf32, #tpu.memory_space<hbm>> -> memref<80x128xf32, #tpu.memory_space<hbm>>
        tpu.enqueue_dma source(%arg17 : memref<80x128xf32, #tpu.memory_space<vmem>>) target(%dma_start3A_353 : memref<80x128xf32, #tpu.memory_space<hbm>>) target_semaphore(%run_scoped3A_349 : memref<!tpu.dma_semaphore, #tpu.memory_space<semaphore_mem>>)
        %dma_wait3A_354 = arith.constant 0 : i32
        %dma_wait3A_355 = tpu.memref_slice %arg11[%add3A_348, %dma_wait3A_354] : memref<163840x128xf32, #tpu.memory_space<hbm>> -> memref<80x128xf32, #tpu.memory_space<hbm>>
        %dma_wait3A_356 = arith.constant 0 : i32
        %dma_wait3A_357 = tpu.memref_slice %arg11[%add3A_348, %dma_wait3A_356] : memref<163840x128xf32, #tpu.memory_space<hbm>> -> memref<80x128xf32, #tpu.memory_space<hbm>>
        tpu.wait_dma2 semaphore(%run_scoped3A_349 : memref<!tpu.dma_semaphore, #tpu.memory_space<semaphore_mem>>) src(%arg17 : memref<80x128xf32, #tpu.memory_space<vmem>>) dst(%dma_wait3A_357 : memref<80x128xf32, #tpu.memory_space<hbm>>)
        tpu.yield
      }) : () -> ()
      "tpu.region"() ({
        %run_scoped3A_349 = tpu.sem_alloc : memref<!tpu.dma_semaphore, #tpu.memory_space<semaphore_mem>>
        %dma_start3A_350 = arith.constant 0 : i32
        %dma_start3A_351 = tpu.memref_slice %arg26[%dma_start3A_350] : memref<10240xf32, #tpu.memory_space<vmem_shared>> -> memref<10240xf32, #tpu.memory_space<vmem_shared>>
        tpu.enqueue_indirect_dma source(%arg25 : memref<80xf32, #tpu.memory_space<vmem>>) target(%dma_start3A_351 : memref<10240xf32, #tpu.memory_space<vmem_shared>>) offsets(%arg14 : memref<80xi32, #tpu.memory_space<vmem>>) semaphore(%run_scoped3A_349 : memref<!tpu.dma_semaphore, #tpu.memory_space<semaphore_mem>>) {add = true}
        %dma_wait3A_352 = arith.constant 0 : i32
        %dma_wait3A_353 = tpu.memref_slice %arg26[%dma_wait3A_352] : memref<10240xf32, #tpu.memory_space<vmem_shared>> -> memref<10240xf32, #tpu.memory_space<vmem_shared>>
        tpu.wait_indirect_dma semaphore(%run_scoped3A_349 : memref<!tpu.dma_semaphore, #tpu.memory_space<semaphore_mem>>) src(%arg25 : memref<80xf32, #tpu.memory_space<vmem>>) dst(%dma_wait3A_353 : memref<10240xf32, #tpu.memory_space<vmem_shared>>)
        tpu.yield
      }) : () -> ()
    }
    %scan3A_37 = arith.constant 64 : i32
    %run_scoped3A = arith.constant 0 : i32
    %run_scoped3A_38 = arith.constant 0 : i32
    "tpu.region"() ({
      %run_scoped3A_50 = tpu.sem_alloc : memref<!tpu.dma_semaphore, #tpu.memory_space<semaphore_mem>>
      %dma_start3A = arith.constant 0 : i32
      %dma_start3A_51 = tpu.memref_slice %arg24[%run_scoped3A, %dma_start3A] : memref<4x5120xf32, #tpu.memory_space<vmem>> -> memref<1x5120xf32, #tpu.memory_space<vmem>>
      %dma_start3A_52 = tpu.memref_squeeze %dma_start3A_51 : memref<1x5120xf32, #tpu.memory_space<vmem>> -> memref<5120xf32, #tpu.memory_space<vmem>>
      %dma_start3A_53 = tpu.memref_slice %arg12[%run_scoped3A_38, %mul3A_2] : memref<4x163840xf32, #tpu.memory_space<hbm>> -> memref<1x5120xf32, #tpu.memory_space<hbm>>
      %dma_start3A_54 = tpu.memref_squeeze %dma_start3A_53 : memref<1x5120xf32, #tpu.memory_space<hbm>> -> memref<5120xf32, #tpu.memory_space<hbm>>
      %dma_start3A_55 = tpu.memref_slice %arg12[%run_scoped3A_38, %mul3A_2] : memref<4x163840xf32, #tpu.memory_space<hbm>> -> memref<1x5120xf32, #tpu.memory_space<hbm>>
      %dma_start3A_56 = tpu.memref_squeeze %dma_start3A_55 : memref<1x5120xf32, #tpu.memory_space<hbm>> -> memref<5120xf32, #tpu.memory_space<hbm>>
      %dma_start3A_57 = arith.constant 0 : i32
      %dma_start3A_58 = tpu.memref_slice %arg24[%run_scoped3A, %dma_start3A_57] : memref<4x5120xf32, #tpu.memory_space<vmem>> -> memref<1x5120xf32, #tpu.memory_space<vmem>>
      %dma_start3A_59 = tpu.memref_squeeze %dma_start3A_58 : memref<1x5120xf32, #tpu.memory_space<vmem>> -> memref<5120xf32, #tpu.memory_space<vmem>>
      tpu.enqueue_dma source(%dma_start3A_59 : memref<5120xf32, #tpu.memory_space<vmem>>) target(%dma_start3A_56 : memref<5120xf32, #tpu.memory_space<hbm>>) target_semaphore(%run_scoped3A_50 : memref<!tpu.dma_semaphore, #tpu.memory_space<semaphore_mem>>)
      %dma_wait3A = arith.constant 0 : i32
      %dma_wait3A_60 = tpu.memref_slice %arg24[%run_scoped3A, %dma_wait3A] : memref<4x5120xf32, #tpu.memory_space<vmem>> -> memref<1x5120xf32, #tpu.memory_space<vmem>>
      %dma_wait3A_61 = tpu.memref_squeeze %dma_wait3A_60 : memref<1x5120xf32, #tpu.memory_space<vmem>> -> memref<5120xf32, #tpu.memory_space<vmem>>
      %dma_wait3A_62 = tpu.memref_slice %arg12[%run_scoped3A_38, %mul3A_2] : memref<4x163840xf32, #tpu.memory_space<hbm>> -> memref<1x5120xf32, #tpu.memory_space<hbm>>
      %dma_wait3A_63 = tpu.memref_squeeze %dma_wait3A_62 : memref<1x5120xf32, #tpu.memory_space<hbm>> -> memref<5120xf32, #tpu.memory_space<hbm>>
      %dma_wait3A_64 = tpu.memref_slice %arg12[%run_scoped3A_38, %mul3A_2] : memref<4x163840xf32, #tpu.memory_space<hbm>> -> memref<1x5120xf32, #tpu.memory_space<hbm>>
      %dma_wait3A_65 = tpu.memref_squeeze %dma_wait3A_64 : memref<1x5120xf32, #tpu.memory_space<hbm>> -> memref<5120xf32, #tpu.memory_space<hbm>>
      %dma_wait3A_66 = arith.constant 0 : i32
      %dma_wait3A_67 = tpu.memref_slice %arg24[%run_scoped3A, %dma_wait3A_66] : memref<4x5120xf32, #tpu.memory_space<vmem>> -> memref<1x5120xf32, #tpu.memory_space<vmem>>
      %dma_wait3A_68 = tpu.memref_squeeze %dma_wait3A_67 : memref<1x5120xf32, #tpu.memory_space<vmem>> -> memref<5120xf32, #tpu.memory_space<vmem>>
      tpu.wait_dma2 semaphore(%run_scoped3A_50 : memref<!tpu.dma_semaphore, #tpu.memory_space<semaphore_mem>>) src(%dma_wait3A_68 : memref<5120xf32, #tpu.memory_space<vmem>>) dst(%dma_wait3A_65 : memref<5120xf32, #tpu.memory_space<hbm>>)
      tpu.yield
    }) : () -> ()
    %run_scoped3A_39 = arith.constant 1 : i32
    %run_scoped3A_40 = arith.constant 1 : i32
    "tpu.region"() ({
      %run_scoped3A_50 = tpu.sem_alloc : memref<!tpu.dma_semaphore, #tpu.memory_space<semaphore_mem>>
      %dma_start3A = arith.constant 0 : i32
      %dma_start3A_51 = tpu.memref_slice %arg24[%run_scoped3A_39, %dma_start3A] : memref<4x5120xf32, #tpu.memory_space<vmem>> -> memref<1x5120xf32, #tpu.memory_space<vmem>>
      %dma_start3A_52 = tpu.memref_squeeze %dma_start3A_51 : memref<1x5120xf32, #tpu.memory_space<vmem>> -> memref<5120xf32, #tpu.memory_space<vmem>>
      %dma_start3A_53 = tpu.memref_slice %arg12[%run_scoped3A_40, %mul3A_2] : memref<4x163840xf32, #tpu.memory_space<hbm>> -> memref<1x5120xf32, #tpu.memory_space<hbm>>
      %dma_start3A_54 = tpu.memref_squeeze %dma_start3A_53 : memref<1x5120xf32, #tpu.memory_space<hbm>> -> memref<5120xf32, #tpu.memory_space<hbm>>
      %dma_start3A_55 = tpu.memref_slice %arg12[%run_scoped3A_40, %mul3A_2] : memref<4x163840xf32, #tpu.memory_space<hbm>> -> memref<1x5120xf32, #tpu.memory_space<hbm>>
      %dma_start3A_56 = tpu.memref_squeeze %dma_start3A_55 : memref<1x5120xf32, #tpu.memory_space<hbm>> -> memref<5120xf32, #tpu.memory_space<hbm>>
      %dma_start3A_57 = arith.constant 0 : i32
      %dma_start3A_58 = tpu.memref_slice %arg24[%run_scoped3A_39, %dma_start3A_57] : memref<4x5120xf32, #tpu.memory_space<vmem>> -> memref<1x5120xf32, #tpu.memory_space<vmem>>
      %dma_start3A_59 = tpu.memref_squeeze %dma_start3A_58 : memref<1x5120xf32, #tpu.memory_space<vmem>> -> memref<5120xf32, #tpu.memory_space<vmem>>
      tpu.enqueue_dma source(%dma_start3A_59 : memref<5120xf32, #tpu.memory_space<vmem>>) target(%dma_start3A_56 : memref<5120xf32, #tpu.memory_space<hbm>>) target_semaphore(%run_scoped3A_50 : memref<!tpu.dma_semaphore, #tpu.memory_space<semaphore_mem>>)
      %dma_wait3A = arith.constant 0 : i32
      %dma_wait3A_60 = tpu.memref_slice %arg24[%run_scoped3A_39, %dma_wait3A] : memref<4x5120xf32, #tpu.memory_space<vmem>> -> memref<1x5120xf32, #tpu.memory_space<vmem>>
      %dma_wait3A_61 = tpu.memref_squeeze %dma_wait3A_60 : memref<1x5120xf32, #tpu.memory_space<vmem>> -> memref<5120xf32, #tpu.memory_space<vmem>>
      %dma_wait3A_62 = tpu.memref_slice %arg12[%run_scoped3A_40, %mul3A_2] : memref<4x163840xf32, #tpu.memory_space<hbm>> -> memref<1x5120xf32, #tpu.memory_space<hbm>>
      %dma_wait3A_63 = tpu.memref_squeeze %dma_wait3A_62 : memref<1x5120xf32, #tpu.memory_space<hbm>> -> memref<5120xf32, #tpu.memory_space<hbm>>
      %dma_wait3A_64 = tpu.memref_slice %arg12[%run_scoped3A_40, %mul3A_2] : memref<4x163840xf32, #tpu.memory_space<hbm>> -> memref<1x5120xf32, #tpu.memory_space<hbm>>
      %dma_wait3A_65 = tpu.memref_squeeze %dma_wait3A_64 : memref<1x5120xf32, #tpu.memory_space<hbm>> -> memref<5120xf32, #tpu.memory_space<hbm>>
      %dma_wait3A_66 = arith.constant 0 : i32
      %dma_wait3A_67 = tpu.memref_slice %arg24[%run_scoped3A_39, %dma_wait3A_66] : memref<4x5120xf32, #tpu.memory_space<vmem>> -> memref<1x5120xf32, #tpu.memory_space<vmem>>
      %dma_wait3A_68 = tpu.memref_squeeze %dma_wait3A_67 : memref<1x5120xf32, #tpu.memory_space<vmem>> -> memref<5120xf32, #tpu.memory_space<vmem>>
      tpu.wait_dma2 semaphore(%run_scoped3A_50 : memref<!tpu.dma_semaphore, #tpu.memory_space<semaphore_mem>>) src(%dma_wait3A_68 : memref<5120xf32, #tpu.memory_space<vmem>>) dst(%dma_wait3A_65 : memref<5120xf32, #tpu.memory_space<hbm>>)
      tpu.yield
    }) : () -> ()
    %run_scoped3A_41 = arith.constant 2 : i32
    %run_scoped3A_42 = arith.constant 2 : i32
    "tpu.region"() ({
      %run_scoped3A_50 = tpu.sem_alloc : memref<!tpu.dma_semaphore, #tpu.memory_space<semaphore_mem>>
      %dma_start3A = arith.constant 0 : i32
      %dma_start3A_51 = tpu.memref_slice %arg24[%run_scoped3A_41, %dma_start3A] : memref<4x5120xf32, #tpu.memory_space<vmem>> -> memref<1x5120xf32, #tpu.memory_space<vmem>>
      %dma_start3A_52 = tpu.memref_squeeze %dma_start3A_51 : memref<1x5120xf32, #tpu.memory_space<vmem>> -> memref<5120xf32, #tpu.memory_space<vmem>>
      %dma_start3A_53 = tpu.memref_slice %arg12[%run_scoped3A_42, %mul3A_2] : memref<4x163840xf32, #tpu.memory_space<hbm>> -> memref<1x5120xf32, #tpu.memory_space<hbm>>
      %dma_start3A_54 = tpu.memref_squeeze %dma_start3A_53 : memref<1x5120xf32, #tpu.memory_space<hbm>> -> memref<5120xf32, #tpu.memory_space<hbm>>
      %dma_start3A_55 = tpu.memref_slice %arg12[%run_scoped3A_42, %mul3A_2] : memref<4x163840xf32, #tpu.memory_space<hbm>> -> memref<1x5120xf32, #tpu.memory_space<hbm>>
      %dma_start3A_56 = tpu.memref_squeeze %dma_start3A_55 : memref<1x5120xf32, #tpu.memory_space<hbm>> -> memref<5120xf32, #tpu.memory_space<hbm>>
      %dma_start3A_57 = arith.constant 0 : i32
      %dma_start3A_58 = tpu.memref_slice %arg24[%run_scoped3A_41, %dma_start3A_57] : memref<4x5120xf32, #tpu.memory_space<vmem>> -> memref<1x5120xf32, #tpu.memory_space<vmem>>
      %dma_start3A_59 = tpu.memref_squeeze %dma_start3A_58 : memref<1x5120xf32, #tpu.memory_space<vmem>> -> memref<5120xf32, #tpu.memory_space<vmem>>
      tpu.enqueue_dma source(%dma_start3A_59 : memref<5120xf32, #tpu.memory_space<vmem>>) target(%dma_start3A_56 : memref<5120xf32, #tpu.memory_space<hbm>>) target_semaphore(%run_scoped3A_50 : memref<!tpu.dma_semaphore, #tpu.memory_space<semaphore_mem>>)
      %dma_wait3A = arith.constant 0 : i32
      %dma_wait3A_60 = tpu.memref_slice %arg24[%run_scoped3A_41, %dma_wait3A] : memref<4x5120xf32, #tpu.memory_space<vmem>> -> memref<1x5120xf32, #tpu.memory_space<vmem>>
      %dma_wait3A_61 = tpu.memref_squeeze %dma_wait3A_60 : memref<1x5120xf32, #tpu.memory_space<vmem>> -> memref<5120xf32, #tpu.memory_space<vmem>>
      %dma_wait3A_62 = tpu.memref_slice %arg12[%run_scoped3A_42, %mul3A_2] : memref<4x163840xf32, #tpu.memory_space<hbm>> -> memref<1x5120xf32, #tpu.memory_space<hbm>>
      %dma_wait3A_63 = tpu.memref_squeeze %dma_wait3A_62 : memref<1x5120xf32, #tpu.memory_space<hbm>> -> memref<5120xf32, #tpu.memory_space<hbm>>
      %dma_wait3A_64 = tpu.memref_slice %arg12[%run_scoped3A_42, %mul3A_2] : memref<4x163840xf32, #tpu.memory_space<hbm>> -> memref<1x5120xf32, #tpu.memory_space<hbm>>
      %dma_wait3A_65 = tpu.memref_squeeze %dma_wait3A_64 : memref<1x5120xf32, #tpu.memory_space<hbm>> -> memref<5120xf32, #tpu.memory_space<hbm>>
      %dma_wait3A_66 = arith.constant 0 : i32
      %dma_wait3A_67 = tpu.memref_slice %arg24[%run_scoped3A_41, %dma_wait3A_66] : memref<4x5120xf32, #tpu.memory_space<vmem>> -> memref<1x5120xf32, #tpu.memory_space<vmem>>
      %dma_wait3A_68 = tpu.memref_squeeze %dma_wait3A_67 : memref<1x5120xf32, #tpu.memory_space<vmem>> -> memref<5120xf32, #tpu.memory_space<vmem>>
      tpu.wait_dma2 semaphore(%run_scoped3A_50 : memref<!tpu.dma_semaphore, #tpu.memory_space<semaphore_mem>>) src(%dma_wait3A_68 : memref<5120xf32, #tpu.memory_space<vmem>>) dst(%dma_wait3A_65 : memref<5120xf32, #tpu.memory_space<hbm>>)
      tpu.yield
    }) : () -> ()
    %run_scoped3A_43 = arith.constant 3 : i32
    %run_scoped3A_44 = arith.constant 3 : i32
    "tpu.region"() ({
      %run_scoped3A_50 = tpu.sem_alloc : memref<!tpu.dma_semaphore, #tpu.memory_space<semaphore_mem>>
      %dma_start3A = arith.constant 0 : i32
      %dma_start3A_51 = tpu.memref_slice %arg24[%run_scoped3A_43, %dma_start3A] : memref<4x5120xf32, #tpu.memory_space<vmem>> -> memref<1x5120xf32, #tpu.memory_space<vmem>>
      %dma_start3A_52 = tpu.memref_squeeze %dma_start3A_51 : memref<1x5120xf32, #tpu.memory_space<vmem>> -> memref<5120xf32, #tpu.memory_space<vmem>>
      %dma_start3A_53 = tpu.memref_slice %arg12[%run_scoped3A_44, %mul3A_2] : memref<4x163840xf32, #tpu.memory_space<hbm>> -> memref<1x5120xf32, #tpu.memory_space<hbm>>
      %dma_start3A_54 = tpu.memref_squeeze %dma_start3A_53 : memref<1x5120xf32, #tpu.memory_space<hbm>> -> memref<5120xf32, #tpu.memory_space<hbm>>
      %dma_start3A_55 = tpu.memref_slice %arg12[%run_scoped3A_44, %mul3A_2] : memref<4x163840xf32, #tpu.memory_space<hbm>> -> memref<1x5120xf32, #tpu.memory_space<hbm>>
      %dma_start3A_56 = tpu.memref_squeeze %dma_start3A_55 : memref<1x5120xf32, #tpu.memory_space<hbm>> -> memref<5120xf32, #tpu.memory_space<hbm>>
      %dma_start3A_57 = arith.constant 0 : i32
      %dma_start3A_58 = tpu.memref_slice %arg24[%run_scoped3A_43, %dma_start3A_57] : memref<4x5120xf32, #tpu.memory_space<vmem>> -> memref<1x5120xf32, #tpu.memory_space<vmem>>
      %dma_start3A_59 = tpu.memref_squeeze %dma_start3A_58 : memref<1x5120xf32, #tpu.memory_space<vmem>> -> memref<5120xf32, #tpu.memory_space<vmem>>
      tpu.enqueue_dma source(%dma_start3A_59 : memref<5120xf32, #tpu.memory_space<vmem>>) target(%dma_start3A_56 : memref<5120xf32, #tpu.memory_space<hbm>>) target_semaphore(%run_scoped3A_50 : memref<!tpu.dma_semaphore, #tpu.memory_space<semaphore_mem>>)
      %dma_wait3A = arith.constant 0 : i32
      %dma_wait3A_60 = tpu.memref_slice %arg24[%run_scoped3A_43, %dma_wait3A] : memref<4x5120xf32, #tpu.memory_space<vmem>> -> memref<1x5120xf32, #tpu.memory_space<vmem>>
      %dma_wait3A_61 = tpu.memref_squeeze %dma_wait3A_60 : memref<1x5120xf32, #tpu.memory_space<vmem>> -> memref<5120xf32, #tpu.memory_space<vmem>>
      %dma_wait3A_62 = tpu.memref_slice %arg12[%run_scoped3A_44, %mul3A_2] : memref<4x163840xf32, #tpu.memory_space<hbm>> -> memref<1x5120xf32, #tpu.memory_space<hbm>>
      %dma_wait3A_63 = tpu.memref_squeeze %dma_wait3A_62 : memref<1x5120xf32, #tpu.memory_space<hbm>> -> memref<5120xf32, #tpu.memory_space<hbm>>
      %dma_wait3A_64 = tpu.memref_slice %arg12[%run_scoped3A_44, %mul3A_2] : memref<4x163840xf32, #tpu.memory_space<hbm>> -> memref<1x5120xf32, #tpu.memory_space<hbm>>
      %dma_wait3A_65 = tpu.memref_squeeze %dma_wait3A_64 : memref<1x5120xf32, #tpu.memory_space<hbm>> -> memref<5120xf32, #tpu.memory_space<hbm>>
      %dma_wait3A_66 = arith.constant 0 : i32
      %dma_wait3A_67 = tpu.memref_slice %arg24[%run_scoped3A_43, %dma_wait3A_66] : memref<4x5120xf32, #tpu.memory_space<vmem>> -> memref<1x5120xf32, #tpu.memory_space<vmem>>
      %dma_wait3A_68 = tpu.memref_squeeze %dma_wait3A_67 : memref<1x5120xf32, #tpu.memory_space<vmem>> -> memref<5120xf32, #tpu.memory_space<vmem>>
      tpu.wait_dma2 semaphore(%run_scoped3A_50 : memref<!tpu.dma_semaphore, #tpu.memory_space<semaphore_mem>>) src(%dma_wait3A_68 : memref<5120xf32, #tpu.memory_space<vmem>>) dst(%dma_wait3A_65 : memref<5120xf32, #tpu.memory_space<hbm>>)
      tpu.yield
    }) : () -> ()
    %barrier3A_45 = arith.constant 0 : index
    tpu.barrier barrier_id(%barrier3A_45)
    %mul3A_46 = arith.constant 640 : i32
    %mul3A_47 = arith.muli %arg1, %mul3A_46 : i32
    %mul3A_48 = arith.constant 640 : i32
    %mul3A_49 = arith.muli %arg1, %mul3A_48 : i32
    "tpu.region"() ({
      %run_scoped3A_50 = tpu.sem_alloc : memref<!tpu.dma_semaphore, #tpu.memory_space<semaphore_mem>>
      %dma_start3A = tpu.memref_slice %arg13[%arg0, %mul3A_49] : memref<2x10240xf32, #tpu.memory_space<hbm>> -> memref<1x640xf32, #tpu.memory_space<hbm>>
      %dma_start3A_51 = tpu.memref_squeeze %dma_start3A : memref<1x640xf32, #tpu.memory_space<hbm>> -> memref<640xf32, #tpu.memory_space<hbm>>
      %dma_start3A_52 = tpu.memref_slice %arg26[%mul3A_47] : memref<10240xf32, #tpu.memory_space<vmem_shared>> -> memref<640xf32, #tpu.memory_space<vmem_shared>>
      tpu.enqueue_dma source(%dma_start3A_52 : memref<640xf32, #tpu.memory_space<vmem_shared>>) target(%dma_start3A_51 : memref<640xf32, #tpu.memory_space<hbm>>) target_semaphore(%run_scoped3A_50 : memref<!tpu.dma_semaphore, #tpu.memory_space<semaphore_mem>>)
      %dma_wait3A = tpu.memref_slice %arg13[%arg0, %mul3A_49] : memref<2x10240xf32, #tpu.memory_space<hbm>> -> memref<1x640xf32, #tpu.memory_space<hbm>>
      %dma_wait3A_53 = tpu.memref_squeeze %dma_wait3A : memref<1x640xf32, #tpu.memory_space<hbm>> -> memref<640xf32, #tpu.memory_space<hbm>>
      %dma_wait3A_54 = tpu.memref_slice %arg26[%mul3A_47] : memref<10240xf32, #tpu.memory_space<vmem_shared>> -> memref<640xf32, #tpu.memory_space<vmem_shared>>
      tpu.wait_dma2 semaphore(%run_scoped3A_50 : memref<!tpu.dma_semaphore, #tpu.memory_space<semaphore_mem>>) src(%dma_wait3A_54 : memref<640xf32, #tpu.memory_space<vmem_shared>>) dst(%dma_wait3A_53 : memref<640xf32, #tpu.memory_space<hbm>>)
      tpu.yield
    }) : () -> ()
    return
  }
}

#map = affine_map<(d0, d1) -> (0, 0)>
#map1 = affine_map<(d0, d1) -> (0)>
#map2 = affine_map<(d0, d1) -> (0, 0, 0)>
module attributes {stable_mosaic.version = 14 : i64} {
  func.func @_k4_body(%arg0: i32, %arg1: i32, %arg2: memref<156160x128xf32, #tpu.memory_space<hbm>>, %arg3: memref<4x156160xf32, #tpu.memory_space<hbm>>, %arg4: memref<156160xi32, #tpu.memory_space<hbm>>, %arg5: memref<625x128xf32, #tpu.memory_space<hbm>>, %arg6: memref<640xf32, #tpu.memory_space<hbm>>, %arg7: memref<2x10000x128xf32, #tpu.memory_space<hbm>>, %arg8: memref<2x3x10240xf32, #tpu.memory_space<hbm>>, %arg9: memref<80xi32, #tpu.memory_space<vmem>>, %arg10: memref<80x128xf32, #tpu.memory_space<vmem>>, %arg11: memref<80xi32, #tpu.memory_space<vmem>>, %arg12: memref<80x128xf32, #tpu.memory_space<vmem>>, %arg13: memref<3x4880xf32, #tpu.memory_space<vmem>>, %arg14: memref<10000x128xf32, #tpu.memory_space<vmem_shared>>, %arg15: memref<10240xf32, #tpu.memory_space<vmem_shared>>, %arg16: memref<10240xf32, #tpu.memory_space<vmem_shared>>, %arg17: memref<10240xf32, #tpu.memory_space<vmem_shared>>, %arg18: memref<!tpu.dma_semaphore, #tpu.memory_space<semaphore_mem>>, %arg19: memref<!tpu.dma_semaphore, #tpu.memory_space<semaphore_mem>>, %arg20: memref<!tpu.dma_semaphore, #tpu.memory_space<semaphore_mem>>) attributes {dimension_semantics = [#tpu.dimension_semantics<core_parallel>, #tpu.dimension_semantics<subcore_parallel>], iteration_bounds = array<i64: 2, 16>, scalar_prefetch = 0 : i64, scratch_operands = 12 : i64, tpu.core_type = #tpu.core_type<sc_vector_subcore>, window_params = [{transform_indices = #map}, {transform_indices = #map}, {transform_indices = #map1}, {transform_indices = #map}, {transform_indices = #map1}, {transform_indices = #map2}, {transform_indices = #map2}]} {
    %mul3A = arith.constant 2 : i32
    %mul3A_0 = arith.muli %arg1, %mul3A : i32
    %add3A = arith.addi %mul3A_0, %arg0 : i32
    %mul3A_1 = arith.constant 4880 : i32
    %mul3A_2 = arith.muli %add3A, %mul3A_1 : i32
    %mul3A_3 = arith.constant 625 : i32
    %mul3A_4 = arith.muli %arg1, %mul3A_3 : i32
    "tpu.region"() ({
      %run_scoped3A_105 = tpu.sem_alloc : memref<!tpu.dma_semaphore, #tpu.memory_space<semaphore_mem>>
      %dma_start3A_106 = arith.constant 0 : i32
      %dma_start3A_107 = tpu.memref_slice %arg14[%mul3A_4, %dma_start3A_106] : memref<10000x128xf32, #tpu.memory_space<vmem_shared>> -> memref<625x128xf32, #tpu.memory_space<vmem_shared>>
      tpu.enqueue_dma source(%arg5 : memref<625x128xf32, #tpu.memory_space<hbm>>) target(%dma_start3A_107 : memref<625x128xf32, #tpu.memory_space<vmem_shared>>) target_semaphore(%run_scoped3A_105 : memref<!tpu.dma_semaphore, #tpu.memory_space<semaphore_mem>>)
      %dma_wait3A_108 = arith.constant 0 : i32
      %dma_wait3A_109 = tpu.memref_slice %arg14[%mul3A_4, %dma_wait3A_108] : memref<10000x128xf32, #tpu.memory_space<vmem_shared>> -> memref<625x128xf32, #tpu.memory_space<vmem_shared>>
      tpu.wait_dma2 semaphore(%run_scoped3A_105 : memref<!tpu.dma_semaphore, #tpu.memory_space<semaphore_mem>>) src(%arg5 : memref<625x128xf32, #tpu.memory_space<hbm>>) dst(%dma_wait3A_109 : memref<625x128xf32, #tpu.memory_space<vmem_shared>>)
      tpu.yield
    }) : () -> ()
    %mul3A_5 = arith.constant 640 : i32
    %mul3A_6 = arith.muli %arg1, %mul3A_5 : i32
    "tpu.region"() ({
      %run_scoped3A_105 = tpu.sem_alloc : memref<!tpu.dma_semaphore, #tpu.memory_space<semaphore_mem>>
      %dma_start3A_106 = tpu.memref_slice %arg15[%mul3A_6] : memref<10240xf32, #tpu.memory_space<vmem_shared>> -> memref<640xf32, #tpu.memory_space<vmem_shared>>
      tpu.enqueue_dma source(%arg6 : memref<640xf32, #tpu.memory_space<hbm>>) target(%dma_start3A_106 : memref<640xf32, #tpu.memory_space<vmem_shared>>) target_semaphore(%run_scoped3A_105 : memref<!tpu.dma_semaphore, #tpu.memory_space<semaphore_mem>>)
      %dma_wait3A_107 = tpu.memref_slice %arg15[%mul3A_6] : memref<10240xf32, #tpu.memory_space<vmem_shared>> -> memref<640xf32, #tpu.memory_space<vmem_shared>>
      tpu.wait_dma2 semaphore(%run_scoped3A_105 : memref<!tpu.dma_semaphore, #tpu.memory_space<semaphore_mem>>) src(%arg6 : memref<640xf32, #tpu.memory_space<hbm>>) dst(%dma_wait3A_107 : memref<640xf32, #tpu.memory_space<vmem_shared>>)
      tpu.yield
    }) : () -> ()
    %run_scoped3A = arith.constant 0 : i32
    %run_scoped3A_7 = arith.constant 0 : i32
    "tpu.region"() ({
      %run_scoped3A_105 = tpu.sem_alloc : memref<!tpu.dma_semaphore, #tpu.memory_space<semaphore_mem>>
      %dma_start3A_106 = arith.constant 0 : i32
      %dma_start3A_107 = tpu.memref_slice %arg13[%run_scoped3A_7, %dma_start3A_106] : memref<3x4880xf32, #tpu.memory_space<vmem>> -> memref<1x4880xf32, #tpu.memory_space<vmem>>
      %dma_start3A_108 = tpu.memref_squeeze %dma_start3A_107 : memref<1x4880xf32, #tpu.memory_space<vmem>> -> memref<4880xf32, #tpu.memory_space<vmem>>
      %dma_start3A_109 = tpu.memref_slice %arg3[%run_scoped3A, %mul3A_2] : memref<4x156160xf32, #tpu.memory_space<hbm>> -> memref<1x4880xf32, #tpu.memory_space<hbm>>
      %dma_start3A_110 = tpu.memref_squeeze %dma_start3A_109 : memref<1x4880xf32, #tpu.memory_space<hbm>> -> memref<4880xf32, #tpu.memory_space<hbm>>
      %dma_start3A_111 = arith.constant 0 : i32
      %dma_start3A_112 = tpu.memref_slice %arg13[%run_scoped3A_7, %dma_start3A_111] : memref<3x4880xf32, #tpu.memory_space<vmem>> -> memref<1x4880xf32, #tpu.memory_space<vmem>>
      %dma_start3A_113 = tpu.memref_squeeze %dma_start3A_112 : memref<1x4880xf32, #tpu.memory_space<vmem>> -> memref<4880xf32, #tpu.memory_space<vmem>>
      %dma_start3A_114 = tpu.memref_slice %arg3[%run_scoped3A, %mul3A_2] : memref<4x156160xf32, #tpu.memory_space<hbm>> -> memref<1x4880xf32, #tpu.memory_space<hbm>>
      %dma_start3A_115 = tpu.memref_squeeze %dma_start3A_114 : memref<1x4880xf32, #tpu.memory_space<hbm>> -> memref<4880xf32, #tpu.memory_space<hbm>>
      tpu.enqueue_dma source(%dma_start3A_115 : memref<4880xf32, #tpu.memory_space<hbm>>) target(%dma_start3A_113 : memref<4880xf32, #tpu.memory_space<vmem>>) target_semaphore(%run_scoped3A_105 : memref<!tpu.dma_semaphore, #tpu.memory_space<semaphore_mem>>)
      %dma_wait3A_116 = arith.constant 0 : i32
      %dma_wait3A_117 = tpu.memref_slice %arg13[%run_scoped3A_7, %dma_wait3A_116] : memref<3x4880xf32, #tpu.memory_space<vmem>> -> memref<1x4880xf32, #tpu.memory_space<vmem>>
      %dma_wait3A_118 = tpu.memref_squeeze %dma_wait3A_117 : memref<1x4880xf32, #tpu.memory_space<vmem>> -> memref<4880xf32, #tpu.memory_space<vmem>>
      %dma_wait3A_119 = tpu.memref_slice %arg3[%run_scoped3A, %mul3A_2] : memref<4x156160xf32, #tpu.memory_space<hbm>> -> memref<1x4880xf32, #tpu.memory_space<hbm>>
      %dma_wait3A_120 = tpu.memref_squeeze %dma_wait3A_119 : memref<1x4880xf32, #tpu.memory_space<hbm>> -> memref<4880xf32, #tpu.memory_space<hbm>>
      %dma_wait3A_121 = arith.constant 0 : i32
      %dma_wait3A_122 = tpu.memref_slice %arg13[%run_scoped3A_7, %dma_wait3A_121] : memref<3x4880xf32, #tpu.memory_space<vmem>> -> memref<1x4880xf32, #tpu.memory_space<vmem>>
      %dma_wait3A_123 = tpu.memref_squeeze %dma_wait3A_122 : memref<1x4880xf32, #tpu.memory_space<vmem>> -> memref<4880xf32, #tpu.memory_space<vmem>>
      %dma_wait3A_124 = tpu.memref_slice %arg3[%run_scoped3A, %mul3A_2] : memref<4x156160xf32, #tpu.memory_space<hbm>> -> memref<1x4880xf32, #tpu.memory_space<hbm>>
      %dma_wait3A_125 = tpu.memref_squeeze %dma_wait3A_124 : memref<1x4880xf32, #tpu.memory_space<hbm>> -> memref<4880xf32, #tpu.memory_space<hbm>>
      tpu.wait_dma2 semaphore(%run_scoped3A_105 : memref<!tpu.dma_semaphore, #tpu.memory_space<semaphore_mem>>) src(%dma_wait3A_125 : memref<4880xf32, #tpu.memory_space<hbm>>) dst(%dma_wait3A_123 : memref<4880xf32, #tpu.memory_space<vmem>>)
      tpu.yield
    }) : () -> ()
    %mul3A_8 = arith.constant 640 : i32
    %mul3A_9 = arith.muli %arg1, %mul3A_8 : i32
    "tpu.region"() ({
      %run_scoped3A_105 = tpu.sem_alloc : memref<!tpu.dma_semaphore, #tpu.memory_space<semaphore_mem>>
      %dma_start3A_106 = tpu.memref_slice %arg16[%mul3A_9] : memref<10240xf32, #tpu.memory_space<vmem_shared>> -> memref<640xf32, #tpu.memory_space<vmem_shared>>
      tpu.enqueue_dma source(%arg6 : memref<640xf32, #tpu.memory_space<hbm>>) target(%dma_start3A_106 : memref<640xf32, #tpu.memory_space<vmem_shared>>) target_semaphore(%run_scoped3A_105 : memref<!tpu.dma_semaphore, #tpu.memory_space<semaphore_mem>>)
      %dma_wait3A_107 = tpu.memref_slice %arg16[%mul3A_9] : memref<10240xf32, #tpu.memory_space<vmem_shared>> -> memref<640xf32, #tpu.memory_space<vmem_shared>>
      tpu.wait_dma2 semaphore(%run_scoped3A_105 : memref<!tpu.dma_semaphore, #tpu.memory_space<semaphore_mem>>) src(%arg6 : memref<640xf32, #tpu.memory_space<hbm>>) dst(%dma_wait3A_107 : memref<640xf32, #tpu.memory_space<vmem_shared>>)
      tpu.yield
    }) : () -> ()
    %run_scoped3A_10 = arith.constant 1 : i32
    %run_scoped3A_11 = arith.constant 1 : i32
    "tpu.region"() ({
      %run_scoped3A_105 = tpu.sem_alloc : memref<!tpu.dma_semaphore, #tpu.memory_space<semaphore_mem>>
      %dma_start3A_106 = arith.constant 0 : i32
      %dma_start3A_107 = tpu.memref_slice %arg13[%run_scoped3A_11, %dma_start3A_106] : memref<3x4880xf32, #tpu.memory_space<vmem>> -> memref<1x4880xf32, #tpu.memory_space<vmem>>
      %dma_start3A_108 = tpu.memref_squeeze %dma_start3A_107 : memref<1x4880xf32, #tpu.memory_space<vmem>> -> memref<4880xf32, #tpu.memory_space<vmem>>
      %dma_start3A_109 = tpu.memref_slice %arg3[%run_scoped3A_10, %mul3A_2] : memref<4x156160xf32, #tpu.memory_space<hbm>> -> memref<1x4880xf32, #tpu.memory_space<hbm>>
      %dma_start3A_110 = tpu.memref_squeeze %dma_start3A_109 : memref<1x4880xf32, #tpu.memory_space<hbm>> -> memref<4880xf32, #tpu.memory_space<hbm>>
      %dma_start3A_111 = arith.constant 0 : i32
      %dma_start3A_112 = tpu.memref_slice %arg13[%run_scoped3A_11, %dma_start3A_111] : memref<3x4880xf32, #tpu.memory_space<vmem>> -> memref<1x4880xf32, #tpu.memory_space<vmem>>
      %dma_start3A_113 = tpu.memref_squeeze %dma_start3A_112 : memref<1x4880xf32, #tpu.memory_space<vmem>> -> memref<4880xf32, #tpu.memory_space<vmem>>
      %dma_start3A_114 = tpu.memref_slice %arg3[%run_scoped3A_10, %mul3A_2] : memref<4x156160xf32, #tpu.memory_space<hbm>> -> memref<1x4880xf32, #tpu.memory_space<hbm>>
      %dma_start3A_115 = tpu.memref_squeeze %dma_start3A_114 : memref<1x4880xf32, #tpu.memory_space<hbm>> -> memref<4880xf32, #tpu.memory_space<hbm>>
      tpu.enqueue_dma source(%dma_start3A_115 : memref<4880xf32, #tpu.memory_space<hbm>>) target(%dma_start3A_113 : memref<4880xf32, #tpu.memory_space<vmem>>) target_semaphore(%run_scoped3A_105 : memref<!tpu.dma_semaphore, #tpu.memory_space<semaphore_mem>>)
      %dma_wait3A_116 = arith.constant 0 : i32
      %dma_wait3A_117 = tpu.memref_slice %arg13[%run_scoped3A_11, %dma_wait3A_116] : memref<3x4880xf32, #tpu.memory_space<vmem>> -> memref<1x4880xf32, #tpu.memory_space<vmem>>
      %dma_wait3A_118 = tpu.memref_squeeze %dma_wait3A_117 : memref<1x4880xf32, #tpu.memory_space<vmem>> -> memref<4880xf32, #tpu.memory_space<vmem>>
      %dma_wait3A_119 = tpu.memref_slice %arg3[%run_scoped3A_10, %mul3A_2] : memref<4x156160xf32, #tpu.memory_space<hbm>> -> memref<1x4880xf32, #tpu.memory_space<hbm>>
      %dma_wait3A_120 = tpu.memref_squeeze %dma_wait3A_119 : memref<1x4880xf32, #tpu.memory_space<hbm>> -> memref<4880xf32, #tpu.memory_space<hbm>>
      %dma_wait3A_121 = arith.constant 0 : i32
      %dma_wait3A_122 = tpu.memref_slice %arg13[%run_scoped3A_11, %dma_wait3A_121] : memref<3x4880xf32, #tpu.memory_space<vmem>> -> memref<1x4880xf32, #tpu.memory_space<vmem>>
      %dma_wait3A_123 = tpu.memref_squeeze %dma_wait3A_122 : memref<1x4880xf32, #tpu.memory_space<vmem>> -> memref<4880xf32, #tpu.memory_space<vmem>>
      %dma_wait3A_124 = tpu.memref_slice %arg3[%run_scoped3A_10, %mul3A_2] : memref<4x156160xf32, #tpu.memory_space<hbm>> -> memref<1x4880xf32, #tpu.memory_space<hbm>>
      %dma_wait3A_125 = tpu.memref_squeeze %dma_wait3A_124 : memref<1x4880xf32, #tpu.memory_space<hbm>> -> memref<4880xf32, #tpu.memory_space<hbm>>
      tpu.wait_dma2 semaphore(%run_scoped3A_105 : memref<!tpu.dma_semaphore, #tpu.memory_space<semaphore_mem>>) src(%dma_wait3A_125 : memref<4880xf32, #tpu.memory_space<hbm>>) dst(%dma_wait3A_123 : memref<4880xf32, #tpu.memory_space<vmem>>)
      tpu.yield
    }) : () -> ()
    %mul3A_12 = arith.constant 640 : i32
    %mul3A_13 = arith.muli %arg1, %mul3A_12 : i32
    "tpu.region"() ({
      %run_scoped3A_105 = tpu.sem_alloc : memref<!tpu.dma_semaphore, #tpu.memory_space<semaphore_mem>>
      %dma_start3A_106 = tpu.memref_slice %arg17[%mul3A_13] : memref<10240xf32, #tpu.memory_space<vmem_shared>> -> memref<640xf32, #tpu.memory_space<vmem_shared>>
      tpu.enqueue_dma source(%arg6 : memref<640xf32, #tpu.memory_space<hbm>>) target(%dma_start3A_106 : memref<640xf32, #tpu.memory_space<vmem_shared>>) target_semaphore(%run_scoped3A_105 : memref<!tpu.dma_semaphore, #tpu.memory_space<semaphore_mem>>)
      %dma_wait3A_107 = tpu.memref_slice %arg17[%mul3A_13] : memref<10240xf32, #tpu.memory_space<vmem_shared>> -> memref<640xf32, #tpu.memory_space<vmem_shared>>
      tpu.wait_dma2 semaphore(%run_scoped3A_105 : memref<!tpu.dma_semaphore, #tpu.memory_space<semaphore_mem>>) src(%arg6 : memref<640xf32, #tpu.memory_space<hbm>>) dst(%dma_wait3A_107 : memref<640xf32, #tpu.memory_space<vmem_shared>>)
      tpu.yield
    }) : () -> ()
    %run_scoped3A_14 = arith.constant 2 : i32
    %run_scoped3A_15 = arith.constant 2 : i32
    "tpu.region"() ({
      %run_scoped3A_105 = tpu.sem_alloc : memref<!tpu.dma_semaphore, #tpu.memory_space<semaphore_mem>>
      %dma_start3A_106 = arith.constant 0 : i32
      %dma_start3A_107 = tpu.memref_slice %arg13[%run_scoped3A_15, %dma_start3A_106] : memref<3x4880xf32, #tpu.memory_space<vmem>> -> memref<1x4880xf32, #tpu.memory_space<vmem>>
      %dma_start3A_108 = tpu.memref_squeeze %dma_start3A_107 : memref<1x4880xf32, #tpu.memory_space<vmem>> -> memref<4880xf32, #tpu.memory_space<vmem>>
      %dma_start3A_109 = tpu.memref_slice %arg3[%run_scoped3A_14, %mul3A_2] : memref<4x156160xf32, #tpu.memory_space<hbm>> -> memref<1x4880xf32, #tpu.memory_space<hbm>>
      %dma_start3A_110 = tpu.memref_squeeze %dma_start3A_109 : memref<1x4880xf32, #tpu.memory_space<hbm>> -> memref<4880xf32, #tpu.memory_space<hbm>>
      %dma_start3A_111 = arith.constant 0 : i32
      %dma_start3A_112 = tpu.memref_slice %arg13[%run_scoped3A_15, %dma_start3A_111] : memref<3x4880xf32, #tpu.memory_space<vmem>> -> memref<1x4880xf32, #tpu.memory_space<vmem>>
      %dma_start3A_113 = tpu.memref_squeeze %dma_start3A_112 : memref<1x4880xf32, #tpu.memory_space<vmem>> -> memref<4880xf32, #tpu.memory_space<vmem>>
      %dma_start3A_114 = tpu.memref_slice %arg3[%run_scoped3A_14, %mul3A_2] : memref<4x156160xf32, #tpu.memory_space<hbm>> -> memref<1x4880xf32, #tpu.memory_space<hbm>>
      %dma_start3A_115 = tpu.memref_squeeze %dma_start3A_114 : memref<1x4880xf32, #tpu.memory_space<hbm>> -> memref<4880xf32, #tpu.memory_space<hbm>>
      tpu.enqueue_dma source(%dma_start3A_115 : memref<4880xf32, #tpu.memory_space<hbm>>) target(%dma_start3A_113 : memref<4880xf32, #tpu.memory_space<vmem>>) target_semaphore(%run_scoped3A_105 : memref<!tpu.dma_semaphore, #tpu.memory_space<semaphore_mem>>)
      %dma_wait3A_116 = arith.constant 0 : i32
      %dma_wait3A_117 = tpu.memref_slice %arg13[%run_scoped3A_15, %dma_wait3A_116] : memref<3x4880xf32, #tpu.memory_space<vmem>> -> memref<1x4880xf32, #tpu.memory_space<vmem>>
      %dma_wait3A_118 = tpu.memref_squeeze %dma_wait3A_117 : memref<1x4880xf32, #tpu.memory_space<vmem>> -> memref<4880xf32, #tpu.memory_space<vmem>>
      %dma_wait3A_119 = tpu.memref_slice %arg3[%run_scoped3A_14, %mul3A_2] : memref<4x156160xf32, #tpu.memory_space<hbm>> -> memref<1x4880xf32, #tpu.memory_space<hbm>>
      %dma_wait3A_120 = tpu.memref_squeeze %dma_wait3A_119 : memref<1x4880xf32, #tpu.memory_space<hbm>> -> memref<4880xf32, #tpu.memory_space<hbm>>
      %dma_wait3A_121 = arith.constant 0 : i32
      %dma_wait3A_122 = tpu.memref_slice %arg13[%run_scoped3A_15, %dma_wait3A_121] : memref<3x4880xf32, #tpu.memory_space<vmem>> -> memref<1x4880xf32, #tpu.memory_space<vmem>>
      %dma_wait3A_123 = tpu.memref_squeeze %dma_wait3A_122 : memref<1x4880xf32, #tpu.memory_space<vmem>> -> memref<4880xf32, #tpu.memory_space<vmem>>
      %dma_wait3A_124 = tpu.memref_slice %arg3[%run_scoped3A_14, %mul3A_2] : memref<4x156160xf32, #tpu.memory_space<hbm>> -> memref<1x4880xf32, #tpu.memory_space<hbm>>
      %dma_wait3A_125 = tpu.memref_squeeze %dma_wait3A_124 : memref<1x4880xf32, #tpu.memory_space<hbm>> -> memref<4880xf32, #tpu.memory_space<hbm>>
      tpu.wait_dma2 semaphore(%run_scoped3A_105 : memref<!tpu.dma_semaphore, #tpu.memory_space<semaphore_mem>>) src(%dma_wait3A_125 : memref<4880xf32, #tpu.memory_space<hbm>>) dst(%dma_wait3A_123 : memref<4880xf32, #tpu.memory_space<vmem>>)
      tpu.yield
    }) : () -> ()
    %barrier3A = arith.constant 0 : index
    tpu.barrier barrier_id(%barrier3A)
    %scan3A = arith.constant 0 : i32
    %scan3A_16 = arith.constant 0 : i32
    %scan3A_17 = arith.constant 30 : i32
    %scan3A_18 = arith.addi %scan3A_16, %scan3A_17 : i32
    %scan3A_19 = arith.constant 1 : i32
    scf.for %scan3A_105 = %scan3A_16 to %scan3A_18 step %scan3A_19  : i32 {
      %mul3A_106 = arith.constant 2 : i32
      %mul3A_107 = arith.muli %mul3A_106, %scan3A_105 : i32
      %mul3A_108 = arith.constant 80 : i32
      %mul3A_109 = arith.muli %mul3A_107, %mul3A_108 : i32
      %add3A_110 = arith.addi %mul3A_2, %mul3A_109 : i32
      %add3A_111 = arith.constant 80 : i32
      %add3A_112 = arith.addi %add3A_110, %add3A_111 : i32
      %dma_start3A_113 = tpu.memref_slice %arg4[%add3A_110] : memref<156160xi32, #tpu.memory_space<hbm>> -> memref<80xi32, #tpu.memory_space<hbm>>
      %dma_start3A_114 = tpu.memref_slice %arg4[%add3A_110] : memref<156160xi32, #tpu.memory_space<hbm>> -> memref<80xi32, #tpu.memory_space<hbm>>
      tpu.enqueue_dma source(%dma_start3A_114 : memref<80xi32, #tpu.memory_space<hbm>>) target(%arg9 : memref<80xi32, #tpu.memory_space<vmem>>) target_semaphore(%arg19 : memref<!tpu.dma_semaphore, #tpu.memory_space<semaphore_mem>>)
      %dma_start3A_115 = arith.constant 0 : i32
      %dma_start3A_116 = tpu.memref_slice %arg2[%add3A_110, %dma_start3A_115] : memref<156160x128xf32, #tpu.memory_space<hbm>> -> memref<80x128xf32, #tpu.memory_space<hbm>>
      %dma_start3A_117 = arith.constant 0 : i32
      %dma_start3A_118 = tpu.memref_slice %arg2[%add3A_110, %dma_start3A_117] : memref<156160x128xf32, #tpu.memory_space<hbm>> -> memref<80x128xf32, #tpu.memory_space<hbm>>
      tpu.enqueue_dma source(%dma_start3A_118 : memref<80x128xf32, #tpu.memory_space<hbm>>) target(%arg10 : memref<80x128xf32, #tpu.memory_space<vmem>>) target_semaphore(%arg19 : memref<!tpu.dma_semaphore, #tpu.memory_space<semaphore_mem>>)
      %dma_start3A_119 = tpu.memref_slice %arg4[%add3A_112] : memref<156160xi32, #tpu.memory_space<hbm>> -> memref<80xi32, #tpu.memory_space<hbm>>
      %dma_start3A_120 = tpu.memref_slice %arg4[%add3A_112] : memref<156160xi32, #tpu.memory_space<hbm>> -> memref<80xi32, #tpu.memory_space<hbm>>
      tpu.enqueue_dma source(%dma_start3A_120 : memref<80xi32, #tpu.memory_space<hbm>>) target(%arg11 : memref<80xi32, #tpu.memory_space<vmem>>) target_semaphore(%arg20 : memref<!tpu.dma_semaphore, #tpu.memory_space<semaphore_mem>>)
      %dma_start3A_121 = arith.constant 0 : i32
      %dma_start3A_122 = tpu.memref_slice %arg2[%add3A_112, %dma_start3A_121] : memref<156160x128xf32, #tpu.memory_space<hbm>> -> memref<80x128xf32, #tpu.memory_space<hbm>>
      %dma_start3A_123 = arith.constant 0 : i32
      %dma_start3A_124 = tpu.memref_slice %arg2[%add3A_112, %dma_start3A_123] : memref<156160x128xf32, #tpu.memory_space<hbm>> -> memref<80x128xf32, #tpu.memory_space<hbm>>
      tpu.enqueue_dma source(%dma_start3A_124 : memref<80x128xf32, #tpu.memory_space<hbm>>) target(%arg12 : memref<80x128xf32, #tpu.memory_space<vmem>>) target_semaphore(%arg20 : memref<!tpu.dma_semaphore, #tpu.memory_space<semaphore_mem>>)
      %dma_wait3A_125 = tpu.memref_slice %arg4[%add3A_110] : memref<156160xi32, #tpu.memory_space<hbm>> -> memref<80xi32, #tpu.memory_space<hbm>>
      %dma_wait3A_126 = tpu.memref_slice %arg4[%add3A_110] : memref<156160xi32, #tpu.memory_space<hbm>> -> memref<80xi32, #tpu.memory_space<hbm>>
      tpu.wait_dma2 semaphore(%arg19 : memref<!tpu.dma_semaphore, #tpu.memory_space<semaphore_mem>>) src(%dma_wait3A_126 : memref<80xi32, #tpu.memory_space<hbm>>) dst(%arg9 : memref<80xi32, #tpu.memory_space<vmem>>)
      %dma_wait3A_127 = arith.constant 0 : i32
      %dma_wait3A_128 = tpu.memref_slice %arg2[%add3A_110, %dma_wait3A_127] : memref<156160x128xf32, #tpu.memory_space<hbm>> -> memref<80x128xf32, #tpu.memory_space<hbm>>
      %dma_wait3A_129 = arith.constant 0 : i32
      %dma_wait3A_130 = tpu.memref_slice %arg2[%add3A_110, %dma_wait3A_129] : memref<156160x128xf32, #tpu.memory_space<hbm>> -> memref<80x128xf32, #tpu.memory_space<hbm>>
      tpu.wait_dma2 semaphore(%arg19 : memref<!tpu.dma_semaphore, #tpu.memory_space<semaphore_mem>>) src(%dma_wait3A_130 : memref<80x128xf32, #tpu.memory_space<hbm>>) dst(%arg10 : memref<80x128xf32, #tpu.memory_space<vmem>>)
      %mul3A_131 = arith.constant 2 : i32
      %mul3A_132 = arith.muli %mul3A_131, %scan3A_105 : i32
      %dma_start3A_133 = arith.constant 0 : i32
      %dma_start3A_134 = arith.constant 0 : i32
      %dma_start3A_135 = tpu.memref_slice %arg10[%dma_start3A_133, %dma_start3A_134] : memref<80x128xf32, #tpu.memory_space<vmem>> -> memref<80x128xf32, #tpu.memory_space<vmem>>
      %dma_start3A_136 = arith.constant 0 : i32
      %dma_start3A_137 = tpu.memref_slice %arg9[%dma_start3A_136] : memref<80xi32, #tpu.memory_space<vmem>> -> memref<80xi32, #tpu.memory_space<vmem>>
      %dma_start3A_138 = arith.constant 0 : i32
      %dma_start3A_139 = arith.constant 0 : i32
      %dma_start3A_140 = tpu.memref_slice %arg14[%dma_start3A_138, %dma_start3A_139] : memref<10000x128xf32, #tpu.memory_space<vmem_shared>> -> memref<10000x128xf32, #tpu.memory_space<vmem_shared>>
      tpu.enqueue_indirect_dma source(%dma_start3A_135 : memref<80x128xf32, #tpu.memory_space<vmem>>) target(%dma_start3A_140 : memref<10000x128xf32, #tpu.memory_space<vmem_shared>>) offsets(%dma_start3A_137 : memref<80xi32, #tpu.memory_space<vmem>>) semaphore(%arg18 : memref<!tpu.dma_semaphore, #tpu.memory_space<semaphore_mem>>) {add = true}
      %mul3A_141 = arith.constant 80 : i32
      %mul3A_142 = arith.muli %mul3A_132, %mul3A_141 : i32
      %add3A_143 = arith.constant 0 : i32
      %add3A_144 = arith.addi %mul3A_142, %add3A_143 : i32
      %dma_start3A_145 = arith.constant 0 : i32
      %dma_start3A_146 = tpu.memref_slice %arg13[%dma_start3A_145, %add3A_144] : memref<3x4880xf32, #tpu.memory_space<vmem>> -> memref<1x80xf32, #tpu.memory_space<vmem>>
      %dma_start3A_147 = tpu.memref_squeeze %dma_start3A_146 : memref<1x80xf32, #tpu.memory_space<vmem>> -> memref<80xf32, #tpu.memory_space<vmem>>
      %dma_start3A_148 = arith.constant 0 : i32
      %dma_start3A_149 = tpu.memref_slice %arg9[%dma_start3A_148] : memref<80xi32, #tpu.memory_space<vmem>> -> memref<80xi32, #tpu.memory_space<vmem>>
      %dma_start3A_150 = arith.constant 0 : i32
      %dma_start3A_151 = tpu.memref_slice %arg15[%dma_start3A_150] : memref<10240xf32, #tpu.memory_space<vmem_shared>> -> memref<10240xf32, #tpu.memory_space<vmem_shared>>
      tpu.enqueue_indirect_dma source(%dma_start3A_147 : memref<80xf32, #tpu.memory_space<vmem>>) target(%dma_start3A_151 : memref<10240xf32, #tpu.memory_space<vmem_shared>>) offsets(%dma_start3A_149 : memref<80xi32, #tpu.memory_space<vmem>>) semaphore(%arg18 : memref<!tpu.dma_semaphore, #tpu.memory_space<semaphore_mem>>) {add = true}
      %mul3A_152 = arith.constant 80 : i32
      %mul3A_153 = arith.muli %mul3A_132, %mul3A_152 : i32
      %add3A_154 = arith.constant 0 : i32
      %add3A_155 = arith.addi %mul3A_153, %add3A_154 : i32
      %dma_start3A_156 = arith.constant 1 : i32
      %dma_start3A_157 = tpu.memref_slice %arg13[%dma_start3A_156, %add3A_155] : memref<3x4880xf32, #tpu.memory_space<vmem>> -> memref<1x80xf32, #tpu.memory_space<vmem>>
      %dma_start3A_158 = tpu.memref_squeeze %dma_start3A_157 : memref<1x80xf32, #tpu.memory_space<vmem>> -> memref<80xf32, #tpu.memory_space<vmem>>
      %dma_start3A_159 = arith.constant 0 : i32
      %dma_start3A_160 = tpu.memref_slice %arg9[%dma_start3A_159] : memref<80xi32, #tpu.memory_space<vmem>> -> memref<80xi32, #tpu.memory_space<vmem>>
      %dma_start3A_161 = arith.constant 0 : i32
      %dma_start3A_162 = tpu.memref_slice %arg16[%dma_start3A_161] : memref<10240xf32, #tpu.memory_space<vmem_shared>> -> memref<10240xf32, #tpu.memory_space<vmem_shared>>
      tpu.enqueue_indirect_dma source(%dma_start3A_158 : memref<80xf32, #tpu.memory_space<vmem>>) target(%dma_start3A_162 : memref<10240xf32, #tpu.memory_space<vmem_shared>>) offsets(%dma_start3A_160 : memref<80xi32, #tpu.memory_space<vmem>>) semaphore(%arg18 : memref<!tpu.dma_semaphore, #tpu.memory_space<semaphore_mem>>) {add = true}
      %mul3A_163 = arith.constant 80 : i32
      %mul3A_164 = arith.muli %mul3A_132, %mul3A_163 : i32
      %add3A_165 = arith.constant 0 : i32
      %add3A_166 = arith.addi %mul3A_164, %add3A_165 : i32
      %dma_start3A_167 = arith.constant 2 : i32
      %dma_start3A_168 = tpu.memref_slice %arg13[%dma_start3A_167, %add3A_166] : memref<3x4880xf32, #tpu.memory_space<vmem>> -> memref<1x80xf32, #tpu.memory_space<vmem>>
      %dma_start3A_169 = tpu.memref_squeeze %dma_start3A_168 : memref<1x80xf32, #tpu.memory_space<vmem>> -> memref<80xf32, #tpu.memory_space<vmem>>
      %dma_start3A_170 = arith.constant 0 : i32
      %dma_start3A_171 = tpu.memref_slice %arg9[%dma_start3A_170] : memref<80xi32, #tpu.memory_space<vmem>> -> memref<80xi32, #tpu.memory_space<vmem>>
      %dma_start3A_172 = arith.constant 0 : i32
      %dma_start3A_173 = tpu.memref_slice %arg17[%dma_start3A_172] : memref<10240xf32, #tpu.memory_space<vmem_shared>> -> memref<10240xf32, #tpu.memory_space<vmem_shared>>
      tpu.enqueue_indirect_dma source(%dma_start3A_169 : memref<80xf32, #tpu.memory_space<vmem>>) target(%dma_start3A_173 : memref<10240xf32, #tpu.memory_space<vmem_shared>>) offsets(%dma_start3A_171 : memref<80xi32, #tpu.memory_space<vmem>>) semaphore(%arg18 : memref<!tpu.dma_semaphore, #tpu.memory_space<semaphore_mem>>) {add = true}
      %dma_wait3A_174 = tpu.memref_slice %arg4[%add3A_112] : memref<156160xi32, #tpu.memory_space<hbm>> -> memref<80xi32, #tpu.memory_space<hbm>>
      %dma_wait3A_175 = tpu.memref_slice %arg4[%add3A_112] : memref<156160xi32, #tpu.memory_space<hbm>> -> memref<80xi32, #tpu.memory_space<hbm>>
      tpu.wait_dma2 semaphore(%arg20 : memref<!tpu.dma_semaphore, #tpu.memory_space<semaphore_mem>>) src(%dma_wait3A_175 : memref<80xi32, #tpu.memory_space<hbm>>) dst(%arg11 : memref<80xi32, #tpu.memory_space<vmem>>)
      %dma_wait3A_176 = arith.constant 0 : i32
      %dma_wait3A_177 = tpu.memref_slice %arg2[%add3A_112, %dma_wait3A_176] : memref<156160x128xf32, #tpu.memory_space<hbm>> -> memref<80x128xf32, #tpu.memory_space<hbm>>
      %dma_wait3A_178 = arith.constant 0 : i32
      %dma_wait3A_179 = tpu.memref_slice %arg2[%add3A_112, %dma_wait3A_178] : memref<156160x128xf32, #tpu.memory_space<hbm>> -> memref<80x128xf32, #tpu.memory_space<hbm>>
      tpu.wait_dma2 semaphore(%arg20 : memref<!tpu.dma_semaphore, #tpu.memory_space<semaphore_mem>>) src(%dma_wait3A_179 : memref<80x128xf32, #tpu.memory_space<hbm>>) dst(%arg12 : memref<80x128xf32, #tpu.memory_space<vmem>>)
      %mul3A_180 = arith.constant 2 : i32
      %mul3A_181 = arith.muli %mul3A_180, %scan3A_105 : i32
      %add3A_182 = arith.constant 1 : i32
      %add3A_183 = arith.addi %mul3A_181, %add3A_182 : i32
      %dma_start3A_184 = arith.constant 0 : i32
      %dma_start3A_185 = arith.constant 0 : i32
      %dma_start3A_186 = tpu.memref_slice %arg12[%dma_start3A_184, %dma_start3A_185] : memref<80x128xf32, #tpu.memory_space<vmem>> -> memref<80x128xf32, #tpu.memory_space<vmem>>
      %dma_start3A_187 = arith.constant 0 : i32
      %dma_start3A_188 = tpu.memref_slice %arg11[%dma_start3A_187] : memref<80xi32, #tpu.memory_space<vmem>> -> memref<80xi32, #tpu.memory_space<vmem>>
      %dma_start3A_189 = arith.constant 0 : i32
      %dma_start3A_190 = arith.constant 0 : i32
      %dma_start3A_191 = tpu.memref_slice %arg14[%dma_start3A_189, %dma_start3A_190] : memref<10000x128xf32, #tpu.memory_space<vmem_shared>> -> memref<10000x128xf32, #tpu.memory_space<vmem_shared>>
      tpu.enqueue_indirect_dma source(%dma_start3A_186 : memref<80x128xf32, #tpu.memory_space<vmem>>) target(%dma_start3A_191 : memref<10000x128xf32, #tpu.memory_space<vmem_shared>>) offsets(%dma_start3A_188 : memref<80xi32, #tpu.memory_space<vmem>>) semaphore(%arg18 : memref<!tpu.dma_semaphore, #tpu.memory_space<semaphore_mem>>) {add = true}
      %mul3A_192 = arith.constant 80 : i32
      %mul3A_193 = arith.muli %add3A_183, %mul3A_192 : i32
      %add3A_194 = arith.constant 0 : i32
      %add3A_195 = arith.addi %mul3A_193, %add3A_194 : i32
      %dma_start3A_196 = arith.constant 0 : i32
      %dma_start3A_197 = tpu.memref_slice %arg13[%dma_start3A_196, %add3A_195] : memref<3x4880xf32, #tpu.memory_space<vmem>> -> memref<1x80xf32, #tpu.memory_space<vmem>>
      %dma_start3A_198 = tpu.memref_squeeze %dma_start3A_197 : memref<1x80xf32, #tpu.memory_space<vmem>> -> memref<80xf32, #tpu.memory_space<vmem>>
      %dma_start3A_199 = arith.constant 0 : i32
      %dma_start3A_200 = tpu.memref_slice %arg11[%dma_start3A_199] : memref<80xi32, #tpu.memory_space<vmem>> -> memref<80xi32, #tpu.memory_space<vmem>>
      %dma_start3A_201 = arith.constant 0 : i32
      %dma_start3A_202 = tpu.memref_slice %arg15[%dma_start3A_201] : memref<10240xf32, #tpu.memory_space<vmem_shared>> -> memref<10240xf32, #tpu.memory_space<vmem_shared>>
      tpu.enqueue_indirect_dma source(%dma_start3A_198 : memref<80xf32, #tpu.memory_space<vmem>>) target(%dma_start3A_202 : memref<10240xf32, #tpu.memory_space<vmem_shared>>) offsets(%dma_start3A_200 : memref<80xi32, #tpu.memory_space<vmem>>) semaphore(%arg18 : memref<!tpu.dma_semaphore, #tpu.memory_space<semaphore_mem>>) {add = true}
      %mul3A_203 = arith.constant 80 : i32
      %mul3A_204 = arith.muli %add3A_183, %mul3A_203 : i32
      %add3A_205 = arith.constant 0 : i32
      %add3A_206 = arith.addi %mul3A_204, %add3A_205 : i32
      %dma_start3A_207 = arith.constant 1 : i32
      %dma_start3A_208 = tpu.memref_slice %arg13[%dma_start3A_207, %add3A_206] : memref<3x4880xf32, #tpu.memory_space<vmem>> -> memref<1x80xf32, #tpu.memory_space<vmem>>
      %dma_start3A_209 = tpu.memref_squeeze %dma_start3A_208 : memref<1x80xf32, #tpu.memory_space<vmem>> -> memref<80xf32, #tpu.memory_space<vmem>>
      %dma_start3A_210 = arith.constant 0 : i32
      %dma_start3A_211 = tpu.memref_slice %arg11[%dma_start3A_210] : memref<80xi32, #tpu.memory_space<vmem>> -> memref<80xi32, #tpu.memory_space<vmem>>
      %dma_start3A_212 = arith.constant 0 : i32
      %dma_start3A_213 = tpu.memref_slice %arg16[%dma_start3A_212] : memref<10240xf32, #tpu.memory_space<vmem_shared>> -> memref<10240xf32, #tpu.memory_space<vmem_shared>>
      tpu.enqueue_indirect_dma source(%dma_start3A_209 : memref<80xf32, #tpu.memory_space<vmem>>) target(%dma_start3A_213 : memref<10240xf32, #tpu.memory_space<vmem_shared>>) offsets(%dma_start3A_211 : memref<80xi32, #tpu.memory_space<vmem>>) semaphore(%arg18 : memref<!tpu.dma_semaphore, #tpu.memory_space<semaphore_mem>>) {add = true}
      %mul3A_214 = arith.constant 80 : i32
      %mul3A_215 = arith.muli %add3A_183, %mul3A_214 : i32
      %add3A_216 = arith.constant 0 : i32
      %add3A_217 = arith.addi %mul3A_215, %add3A_216 : i32
      %dma_start3A_218 = arith.constant 2 : i32
      %dma_start3A_219 = tpu.memref_slice %arg13[%dma_start3A_218, %add3A_217] : memref<3x4880xf32, #tpu.memory_space<vmem>> -> memref<1x80xf32, #tpu.memory_space<vmem>>
      %dma_start3A_220 = tpu.memref_squeeze %dma_start3A_219 : memref<1x80xf32, #tpu.memory_space<vmem>> -> memref<80xf32, #tpu.memory_space<vmem>>
      %dma_start3A_221 = arith.constant 0 : i32
      %dma_start3A_222 = tpu.memref_slice %arg11[%dma_start3A_221] : memref<80xi32, #tpu.memory_space<vmem>> -> memref<80xi32, #tpu.memory_space<vmem>>
      %dma_start3A_223 = arith.constant 0 : i32
      %dma_start3A_224 = tpu.memref_slice %arg17[%dma_start3A_223] : memref<10240xf32, #tpu.memory_space<vmem_shared>> -> memref<10240xf32, #tpu.memory_space<vmem_shared>>
      tpu.enqueue_indirect_dma source(%dma_start3A_220 : memref<80xf32, #tpu.memory_space<vmem>>) target(%dma_start3A_224 : memref<10240xf32, #tpu.memory_space<vmem_shared>>) offsets(%dma_start3A_222 : memref<80xi32, #tpu.memory_space<vmem>>) semaphore(%arg18 : memref<!tpu.dma_semaphore, #tpu.memory_space<semaphore_mem>>) {add = true}
      %dma_wait3A_225 = arith.constant 0 : i32
      %dma_wait3A_226 = arith.constant 0 : i32
      %dma_wait3A_227 = tpu.memref_slice %arg10[%dma_wait3A_225, %dma_wait3A_226] : memref<80x128xf32, #tpu.memory_space<vmem>> -> memref<80x128xf32, #tpu.memory_space<vmem>>
      %dma_wait3A_228 = arith.constant 0 : i32
      %dma_wait3A_229 = tpu.memref_slice %arg9[%dma_wait3A_228] : memref<80xi32, #tpu.memory_space<vmem>> -> memref<80xi32, #tpu.memory_space<vmem>>
      %dma_wait3A_230 = arith.constant 0 : i32
      %dma_wait3A_231 = arith.constant 0 : i32
      %dma_wait3A_232 = tpu.memref_slice %arg14[%dma_wait3A_230, %dma_wait3A_231] : memref<10000x128xf32, #tpu.memory_space<vmem_shared>> -> memref<10000x128xf32, #tpu.memory_space<vmem_shared>>
      tpu.wait_indirect_dma semaphore(%arg18 : memref<!tpu.dma_semaphore, #tpu.memory_space<semaphore_mem>>) src(%dma_wait3A_227 : memref<80x128xf32, #tpu.memory_space<vmem>>) dst(%dma_wait3A_232 : memref<10000x128xf32, #tpu.memory_space<vmem_shared>>)
      %dma_wait3A_233 = arith.constant 0 : i32
      %dma_wait3A_234 = tpu.memref_slice %arg13[%dma_wait3A_233, %add3A_144] : memref<3x4880xf32, #tpu.memory_space<vmem>> -> memref<1x80xf32, #tpu.memory_space<vmem>>
      %dma_wait3A_235 = tpu.memref_squeeze %dma_wait3A_234 : memref<1x80xf32, #tpu.memory_space<vmem>> -> memref<80xf32, #tpu.memory_space<vmem>>
      %dma_wait3A_236 = arith.constant 0 : i32
      %dma_wait3A_237 = tpu.memref_slice %arg9[%dma_wait3A_236] : memref<80xi32, #tpu.memory_space<vmem>> -> memref<80xi32, #tpu.memory_space<vmem>>
      %dma_wait3A_238 = arith.constant 0 : i32
      %dma_wait3A_239 = tpu.memref_slice %arg15[%dma_wait3A_238] : memref<10240xf32, #tpu.memory_space<vmem_shared>> -> memref<10240xf32, #tpu.memory_space<vmem_shared>>
      tpu.wait_indirect_dma semaphore(%arg18 : memref<!tpu.dma_semaphore, #tpu.memory_space<semaphore_mem>>) src(%dma_wait3A_235 : memref<80xf32, #tpu.memory_space<vmem>>) dst(%dma_wait3A_239 : memref<10240xf32, #tpu.memory_space<vmem_shared>>)
      %dma_wait3A_240 = arith.constant 1 : i32
      %dma_wait3A_241 = tpu.memref_slice %arg13[%dma_wait3A_240, %add3A_155] : memref<3x4880xf32, #tpu.memory_space<vmem>> -> memref<1x80xf32, #tpu.memory_space<vmem>>
      %dma_wait3A_242 = tpu.memref_squeeze %dma_wait3A_241 : memref<1x80xf32, #tpu.memory_space<vmem>> -> memref<80xf32, #tpu.memory_space<vmem>>
      %dma_wait3A_243 = arith.constant 0 : i32
      %dma_wait3A_244 = tpu.memref_slice %arg9[%dma_wait3A_243] : memref<80xi32, #tpu.memory_space<vmem>> -> memref<80xi32, #tpu.memory_space<vmem>>
      %dma_wait3A_245 = arith.constant 0 : i32
      %dma_wait3A_246 = tpu.memref_slice %arg16[%dma_wait3A_245] : memref<10240xf32, #tpu.memory_space<vmem_shared>> -> memref<10240xf32, #tpu.memory_space<vmem_shared>>
      tpu.wait_indirect_dma semaphore(%arg18 : memref<!tpu.dma_semaphore, #tpu.memory_space<semaphore_mem>>) src(%dma_wait3A_242 : memref<80xf32, #tpu.memory_space<vmem>>) dst(%dma_wait3A_246 : memref<10240xf32, #tpu.memory_space<vmem_shared>>)
      %dma_wait3A_247 = arith.constant 2 : i32
      %dma_wait3A_248 = tpu.memref_slice %arg13[%dma_wait3A_247, %add3A_166] : memref<3x4880xf32, #tpu.memory_space<vmem>> -> memref<1x80xf32, #tpu.memory_space<vmem>>
      %dma_wait3A_249 = tpu.memref_squeeze %dma_wait3A_248 : memref<1x80xf32, #tpu.memory_space<vmem>> -> memref<80xf32, #tpu.memory_space<vmem>>
      %dma_wait3A_250 = arith.constant 0 : i32
      %dma_wait3A_251 = tpu.memref_slice %arg9[%dma_wait3A_250] : memref<80xi32, #tpu.memory_space<vmem>> -> memref<80xi32, #tpu.memory_space<vmem>>
      %dma_wait3A_252 = arith.constant 0 : i32
      %dma_wait3A_253 = tpu.memref_slice %arg17[%dma_wait3A_252] : memref<10240xf32, #tpu.memory_space<vmem_shared>> -> memref<10240xf32, #tpu.memory_space<vmem_shared>>
      tpu.wait_indirect_dma semaphore(%arg18 : memref<!tpu.dma_semaphore, #tpu.memory_space<semaphore_mem>>) src(%dma_wait3A_249 : memref<80xf32, #tpu.memory_space<vmem>>) dst(%dma_wait3A_253 : memref<10240xf32, #tpu.memory_space<vmem_shared>>)
      %dma_wait3A_254 = arith.constant 0 : i32
      %dma_wait3A_255 = arith.constant 0 : i32
      %dma_wait3A_256 = tpu.memref_slice %arg12[%dma_wait3A_254, %dma_wait3A_255] : memref<80x128xf32, #tpu.memory_space<vmem>> -> memref<80x128xf32, #tpu.memory_space<vmem>>
      %dma_wait3A_257 = arith.constant 0 : i32
      %dma_wait3A_258 = tpu.memref_slice %arg11[%dma_wait3A_257] : memref<80xi32, #tpu.memory_space<vmem>> -> memref<80xi32, #tpu.memory_space<vmem>>
      %dma_wait3A_259 = arith.constant 0 : i32
      %dma_wait3A_260 = arith.constant 0 : i32
      %dma_wait3A_261 = tpu.memref_slice %arg14[%dma_wait3A_259, %dma_wait3A_260] : memref<10000x128xf32, #tpu.memory_space<vmem_shared>> -> memref<10000x128xf32, #tpu.memory_space<vmem_shared>>
      tpu.wait_indirect_dma semaphore(%arg18 : memref<!tpu.dma_semaphore, #tpu.memory_space<semaphore_mem>>) src(%dma_wait3A_256 : memref<80x128xf32, #tpu.memory_space<vmem>>) dst(%dma_wait3A_261 : memref<10000x128xf32, #tpu.memory_space<vmem_shared>>)
      %dma_wait3A_262 = arith.constant 0 : i32
      %dma_wait3A_263 = tpu.memref_slice %arg13[%dma_wait3A_262, %add3A_195] : memref<3x4880xf32, #tpu.memory_space<vmem>> -> memref<1x80xf32, #tpu.memory_space<vmem>>
      %dma_wait3A_264 = tpu.memref_squeeze %dma_wait3A_263 : memref<1x80xf32, #tpu.memory_space<vmem>> -> memref<80xf32, #tpu.memory_space<vmem>>
      %dma_wait3A_265 = arith.constant 0 : i32
      %dma_wait3A_266 = tpu.memref_slice %arg11[%dma_wait3A_265] : memref<80xi32, #tpu.memory_space<vmem>> -> memref<80xi32, #tpu.memory_space<vmem>>
      %dma_wait3A_267 = arith.constant 0 : i32
      %dma_wait3A_268 = tpu.memref_slice %arg15[%dma_wait3A_267] : memref<10240xf32, #tpu.memory_space<vmem_shared>> -> memref<10240xf32, #tpu.memory_space<vmem_shared>>
      tpu.wait_indirect_dma semaphore(%arg18 : memref<!tpu.dma_semaphore, #tpu.memory_space<semaphore_mem>>) src(%dma_wait3A_264 : memref<80xf32, #tpu.memory_space<vmem>>) dst(%dma_wait3A_268 : memref<10240xf32, #tpu.memory_space<vmem_shared>>)
      %dma_wait3A_269 = arith.constant 1 : i32
      %dma_wait3A_270 = tpu.memref_slice %arg13[%dma_wait3A_269, %add3A_206] : memref<3x4880xf32, #tpu.memory_space<vmem>> -> memref<1x80xf32, #tpu.memory_space<vmem>>
      %dma_wait3A_271 = tpu.memref_squeeze %dma_wait3A_270 : memref<1x80xf32, #tpu.memory_space<vmem>> -> memref<80xf32, #tpu.memory_space<vmem>>
      %dma_wait3A_272 = arith.constant 0 : i32
      %dma_wait3A_273 = tpu.memref_slice %arg11[%dma_wait3A_272] : memref<80xi32, #tpu.memory_space<vmem>> -> memref<80xi32, #tpu.memory_space<vmem>>
      %dma_wait3A_274 = arith.constant 0 : i32
      %dma_wait3A_275 = tpu.memref_slice %arg16[%dma_wait3A_274] : memref<10240xf32, #tpu.memory_space<vmem_shared>> -> memref<10240xf32, #tpu.memory_space<vmem_shared>>
      tpu.wait_indirect_dma semaphore(%arg18 : memref<!tpu.dma_semaphore, #tpu.memory_space<semaphore_mem>>) src(%dma_wait3A_271 : memref<80xf32, #tpu.memory_space<vmem>>) dst(%dma_wait3A_275 : memref<10240xf32, #tpu.memory_space<vmem_shared>>)
      %dma_wait3A_276 = arith.constant 2 : i32
      %dma_wait3A_277 = tpu.memref_slice %arg13[%dma_wait3A_276, %add3A_217] : memref<3x4880xf32, #tpu.memory_space<vmem>> -> memref<1x80xf32, #tpu.memory_space<vmem>>
      %dma_wait3A_278 = tpu.memref_squeeze %dma_wait3A_277 : memref<1x80xf32, #tpu.memory_space<vmem>> -> memref<80xf32, #tpu.memory_space<vmem>>
      %dma_wait3A_279 = arith.constant 0 : i32
      %dma_wait3A_280 = tpu.memref_slice %arg11[%dma_wait3A_279] : memref<80xi32, #tpu.memory_space<vmem>> -> memref<80xi32, #tpu.memory_space<vmem>>
      %dma_wait3A_281 = arith.constant 0 : i32
      %dma_wait3A_282 = tpu.memref_slice %arg17[%dma_wait3A_281] : memref<10240xf32, #tpu.memory_space<vmem_shared>> -> memref<10240xf32, #tpu.memory_space<vmem_shared>>
      tpu.wait_indirect_dma semaphore(%arg18 : memref<!tpu.dma_semaphore, #tpu.memory_space<semaphore_mem>>) src(%dma_wait3A_278 : memref<80xf32, #tpu.memory_space<vmem>>) dst(%dma_wait3A_282 : memref<10240xf32, #tpu.memory_space<vmem_shared>>)
    }
    %scan3A_20 = arith.constant 30 : i32
    %add3A_21 = arith.constant 4800 : i32
    %add3A_22 = arith.addi %mul3A_2, %add3A_21 : i32
    "tpu.region"() ({
      %run_scoped3A_105 = tpu.sem_alloc : memref<!tpu.dma_semaphore, #tpu.memory_space<semaphore_mem>>
      %dma_start3A_106 = tpu.memref_slice %arg4[%add3A_22] : memref<156160xi32, #tpu.memory_space<hbm>> -> memref<80xi32, #tpu.memory_space<hbm>>
      %dma_start3A_107 = tpu.memref_slice %arg4[%add3A_22] : memref<156160xi32, #tpu.memory_space<hbm>> -> memref<80xi32, #tpu.memory_space<hbm>>
      tpu.enqueue_dma source(%dma_start3A_107 : memref<80xi32, #tpu.memory_space<hbm>>) target(%arg9 : memref<80xi32, #tpu.memory_space<vmem>>) target_semaphore(%run_scoped3A_105 : memref<!tpu.dma_semaphore, #tpu.memory_space<semaphore_mem>>)
      %dma_wait3A_108 = tpu.memref_slice %arg4[%add3A_22] : memref<156160xi32, #tpu.memory_space<hbm>> -> memref<80xi32, #tpu.memory_space<hbm>>
      %dma_wait3A_109 = tpu.memref_slice %arg4[%add3A_22] : memref<156160xi32, #tpu.memory_space<hbm>> -> memref<80xi32, #tpu.memory_space<hbm>>
      tpu.wait_dma2 semaphore(%run_scoped3A_105 : memref<!tpu.dma_semaphore, #tpu.memory_space<semaphore_mem>>) src(%dma_wait3A_109 : memref<80xi32, #tpu.memory_space<hbm>>) dst(%arg9 : memref<80xi32, #tpu.memory_space<vmem>>)
      tpu.yield
    }) : () -> ()
    "tpu.region"() ({
      %run_scoped3A_105 = tpu.sem_alloc : memref<!tpu.dma_semaphore, #tpu.memory_space<semaphore_mem>>
      %dma_start3A_106 = arith.constant 0 : i32
      %dma_start3A_107 = tpu.memref_slice %arg2[%add3A_22, %dma_start3A_106] : memref<156160x128xf32, #tpu.memory_space<hbm>> -> memref<80x128xf32, #tpu.memory_space<hbm>>
      %dma_start3A_108 = arith.constant 0 : i32
      %dma_start3A_109 = tpu.memref_slice %arg2[%add3A_22, %dma_start3A_108] : memref<156160x128xf32, #tpu.memory_space<hbm>> -> memref<80x128xf32, #tpu.memory_space<hbm>>
      tpu.enqueue_dma source(%dma_start3A_109 : memref<80x128xf32, #tpu.memory_space<hbm>>) target(%arg10 : memref<80x128xf32, #tpu.memory_space<vmem>>) target_semaphore(%run_scoped3A_105 : memref<!tpu.dma_semaphore, #tpu.memory_space<semaphore_mem>>)
      %dma_wait3A_110 = arith.constant 0 : i32
      %dma_wait3A_111 = tpu.memref_slice %arg2[%add3A_22, %dma_wait3A_110] : memref<156160x128xf32, #tpu.memory_space<hbm>> -> memref<80x128xf32, #tpu.memory_space<hbm>>
      %dma_wait3A_112 = arith.constant 0 : i32
      %dma_wait3A_113 = tpu.memref_slice %arg2[%add3A_22, %dma_wait3A_112] : memref<156160x128xf32, #tpu.memory_space<hbm>> -> memref<80x128xf32, #tpu.memory_space<hbm>>
      tpu.wait_dma2 semaphore(%run_scoped3A_105 : memref<!tpu.dma_semaphore, #tpu.memory_space<semaphore_mem>>) src(%dma_wait3A_113 : memref<80x128xf32, #tpu.memory_space<hbm>>) dst(%arg10 : memref<80x128xf32, #tpu.memory_space<vmem>>)
      tpu.yield
    }) : () -> ()
    %dma_start3A = arith.constant 0 : i32
    %dma_start3A_23 = arith.constant 0 : i32
    %dma_start3A_24 = tpu.memref_slice %arg10[%dma_start3A, %dma_start3A_23] : memref<80x128xf32, #tpu.memory_space<vmem>> -> memref<80x128xf32, #tpu.memory_space<vmem>>
    %dma_start3A_25 = arith.constant 0 : i32
    %dma_start3A_26 = tpu.memref_slice %arg9[%dma_start3A_25] : memref<80xi32, #tpu.memory_space<vmem>> -> memref<80xi32, #tpu.memory_space<vmem>>
    %dma_start3A_27 = arith.constant 0 : i32
    %dma_start3A_28 = arith.constant 0 : i32
    %dma_start3A_29 = tpu.memref_slice %arg14[%dma_start3A_27, %dma_start3A_28] : memref<10000x128xf32, #tpu.memory_space<vmem_shared>> -> memref<10000x128xf32, #tpu.memory_space<vmem_shared>>
    tpu.enqueue_indirect_dma source(%dma_start3A_24 : memref<80x128xf32, #tpu.memory_space<vmem>>) target(%dma_start3A_29 : memref<10000x128xf32, #tpu.memory_space<vmem_shared>>) offsets(%dma_start3A_26 : memref<80xi32, #tpu.memory_space<vmem>>) semaphore(%arg18 : memref<!tpu.dma_semaphore, #tpu.memory_space<semaphore_mem>>) {add = true}
    %dma_start3A_30 = arith.constant 0 : i32
    %dma_start3A_31 = arith.constant 4800 : i32
    %dma_start3A_32 = tpu.memref_slice %arg13[%dma_start3A_30, %dma_start3A_31] : memref<3x4880xf32, #tpu.memory_space<vmem>> -> memref<1x80xf32, #tpu.memory_space<vmem>>
    %dma_start3A_33 = tpu.memref_squeeze %dma_start3A_32 : memref<1x80xf32, #tpu.memory_space<vmem>> -> memref<80xf32, #tpu.memory_space<vmem>>
    %dma_start3A_34 = arith.constant 0 : i32
    %dma_start3A_35 = tpu.memref_slice %arg9[%dma_start3A_34] : memref<80xi32, #tpu.memory_space<vmem>> -> memref<80xi32, #tpu.memory_space<vmem>>
    %dma_start3A_36 = arith.constant 0 : i32
    %dma_start3A_37 = tpu.memref_slice %arg15[%dma_start3A_36] : memref<10240xf32, #tpu.memory_space<vmem_shared>> -> memref<10240xf32, #tpu.memory_space<vmem_shared>>
    tpu.enqueue_indirect_dma source(%dma_start3A_33 : memref<80xf32, #tpu.memory_space<vmem>>) target(%dma_start3A_37 : memref<10240xf32, #tpu.memory_space<vmem_shared>>) offsets(%dma_start3A_35 : memref<80xi32, #tpu.memory_space<vmem>>) semaphore(%arg18 : memref<!tpu.dma_semaphore, #tpu.memory_space<semaphore_mem>>) {add = true}
    %dma_start3A_38 = arith.constant 1 : i32
    %dma_start3A_39 = arith.constant 4800 : i32
    %dma_start3A_40 = tpu.memref_slice %arg13[%dma_start3A_38, %dma_start3A_39] : memref<3x4880xf32, #tpu.memory_space<vmem>> -> memref<1x80xf32, #tpu.memory_space<vmem>>
    %dma_start3A_41 = tpu.memref_squeeze %dma_start3A_40 : memref<1x80xf32, #tpu.memory_space<vmem>> -> memref<80xf32, #tpu.memory_space<vmem>>
    %dma_start3A_42 = arith.constant 0 : i32
    %dma_start3A_43 = tpu.memref_slice %arg9[%dma_start3A_42] : memref<80xi32, #tpu.memory_space<vmem>> -> memref<80xi32, #tpu.memory_space<vmem>>
    %dma_start3A_44 = arith.constant 0 : i32
    %dma_start3A_45 = tpu.memref_slice %arg16[%dma_start3A_44] : memref<10240xf32, #tpu.memory_space<vmem_shared>> -> memref<10240xf32, #tpu.memory_space<vmem_shared>>
    tpu.enqueue_indirect_dma source(%dma_start3A_41 : memref<80xf32, #tpu.memory_space<vmem>>) target(%dma_start3A_45 : memref<10240xf32, #tpu.memory_space<vmem_shared>>) offsets(%dma_start3A_43 : memref<80xi32, #tpu.memory_space<vmem>>) semaphore(%arg18 : memref<!tpu.dma_semaphore, #tpu.memory_space<semaphore_mem>>) {add = true}
    %dma_start3A_46 = arith.constant 2 : i32
    %dma_start3A_47 = arith.constant 4800 : i32
    %dma_start3A_48 = tpu.memref_slice %arg13[%dma_start3A_46, %dma_start3A_47] : memref<3x4880xf32, #tpu.memory_space<vmem>> -> memref<1x80xf32, #tpu.memory_space<vmem>>
    %dma_start3A_49 = tpu.memref_squeeze %dma_start3A_48 : memref<1x80xf32, #tpu.memory_space<vmem>> -> memref<80xf32, #tpu.memory_space<vmem>>
    %dma_start3A_50 = arith.constant 0 : i32
    %dma_start3A_51 = tpu.memref_slice %arg9[%dma_start3A_50] : memref<80xi32, #tpu.memory_space<vmem>> -> memref<80xi32, #tpu.memory_space<vmem>>
    %dma_start3A_52 = arith.constant 0 : i32
    %dma_start3A_53 = tpu.memref_slice %arg17[%dma_start3A_52] : memref<10240xf32, #tpu.memory_space<vmem_shared>> -> memref<10240xf32, #tpu.memory_space<vmem_shared>>
    tpu.enqueue_indirect_dma source(%dma_start3A_49 : memref<80xf32, #tpu.memory_space<vmem>>) target(%dma_start3A_53 : memref<10240xf32, #tpu.memory_space<vmem_shared>>) offsets(%dma_start3A_51 : memref<80xi32, #tpu.memory_space<vmem>>) semaphore(%arg18 : memref<!tpu.dma_semaphore, #tpu.memory_space<semaphore_mem>>) {add = true}
    %dma_wait3A = arith.constant 0 : i32
    %dma_wait3A_54 = arith.constant 0 : i32
    %dma_wait3A_55 = tpu.memref_slice %arg10[%dma_wait3A, %dma_wait3A_54] : memref<80x128xf32, #tpu.memory_space<vmem>> -> memref<80x128xf32, #tpu.memory_space<vmem>>
    %dma_wait3A_56 = arith.constant 0 : i32
    %dma_wait3A_57 = tpu.memref_slice %arg9[%dma_wait3A_56] : memref<80xi32, #tpu.memory_space<vmem>> -> memref<80xi32, #tpu.memory_space<vmem>>
    %dma_wait3A_58 = arith.constant 0 : i32
    %dma_wait3A_59 = arith.constant 0 : i32
    %dma_wait3A_60 = tpu.memref_slice %arg14[%dma_wait3A_58, %dma_wait3A_59] : memref<10000x128xf32, #tpu.memory_space<vmem_shared>> -> memref<10000x128xf32, #tpu.memory_space<vmem_shared>>
    tpu.wait_indirect_dma semaphore(%arg18 : memref<!tpu.dma_semaphore, #tpu.memory_space<semaphore_mem>>) src(%dma_wait3A_55 : memref<80x128xf32, #tpu.memory_space<vmem>>) dst(%dma_wait3A_60 : memref<10000x128xf32, #tpu.memory_space<vmem_shared>>)
    %dma_wait3A_61 = arith.constant 0 : i32
    %dma_wait3A_62 = arith.constant 4800 : i32
    %dma_wait3A_63 = tpu.memref_slice %arg13[%dma_wait3A_61, %dma_wait3A_62] : memref<3x4880xf32, #tpu.memory_space<vmem>> -> memref<1x80xf32, #tpu.memory_space<vmem>>
    %dma_wait3A_64 = tpu.memref_squeeze %dma_wait3A_63 : memref<1x80xf32, #tpu.memory_space<vmem>> -> memref<80xf32, #tpu.memory_space<vmem>>
    %dma_wait3A_65 = arith.constant 0 : i32
    %dma_wait3A_66 = tpu.memref_slice %arg9[%dma_wait3A_65] : memref<80xi32, #tpu.memory_space<vmem>> -> memref<80xi32, #tpu.memory_space<vmem>>
    %dma_wait3A_67 = arith.constant 0 : i32
    %dma_wait3A_68 = tpu.memref_slice %arg15[%dma_wait3A_67] : memref<10240xf32, #tpu.memory_space<vmem_shared>> -> memref<10240xf32, #tpu.memory_space<vmem_shared>>
    tpu.wait_indirect_dma semaphore(%arg18 : memref<!tpu.dma_semaphore, #tpu.memory_space<semaphore_mem>>) src(%dma_wait3A_64 : memref<80xf32, #tpu.memory_space<vmem>>) dst(%dma_wait3A_68 : memref<10240xf32, #tpu.memory_space<vmem_shared>>)
    %dma_wait3A_69 = arith.constant 1 : i32
    %dma_wait3A_70 = arith.constant 4800 : i32
    %dma_wait3A_71 = tpu.memref_slice %arg13[%dma_wait3A_69, %dma_wait3A_70] : memref<3x4880xf32, #tpu.memory_space<vmem>> -> memref<1x80xf32, #tpu.memory_space<vmem>>
    %dma_wait3A_72 = tpu.memref_squeeze %dma_wait3A_71 : memref<1x80xf32, #tpu.memory_space<vmem>> -> memref<80xf32, #tpu.memory_space<vmem>>
    %dma_wait3A_73 = arith.constant 0 : i32
    %dma_wait3A_74 = tpu.memref_slice %arg9[%dma_wait3A_73] : memref<80xi32, #tpu.memory_space<vmem>> -> memref<80xi32, #tpu.memory_space<vmem>>
    %dma_wait3A_75 = arith.constant 0 : i32
    %dma_wait3A_76 = tpu.memref_slice %arg16[%dma_wait3A_75] : memref<10240xf32, #tpu.memory_space<vmem_shared>> -> memref<10240xf32, #tpu.memory_space<vmem_shared>>
    tpu.wait_indirect_dma semaphore(%arg18 : memref<!tpu.dma_semaphore, #tpu.memory_space<semaphore_mem>>) src(%dma_wait3A_72 : memref<80xf32, #tpu.memory_space<vmem>>) dst(%dma_wait3A_76 : memref<10240xf32, #tpu.memory_space<vmem_shared>>)
    %dma_wait3A_77 = arith.constant 2 : i32
    %dma_wait3A_78 = arith.constant 4800 : i32
    %dma_wait3A_79 = tpu.memref_slice %arg13[%dma_wait3A_77, %dma_wait3A_78] : memref<3x4880xf32, #tpu.memory_space<vmem>> -> memref<1x80xf32, #tpu.memory_space<vmem>>
    %dma_wait3A_80 = tpu.memref_squeeze %dma_wait3A_79 : memref<1x80xf32, #tpu.memory_space<vmem>> -> memref<80xf32, #tpu.memory_space<vmem>>
    %dma_wait3A_81 = arith.constant 0 : i32
    %dma_wait3A_82 = tpu.memref_slice %arg9[%dma_wait3A_81] : memref<80xi32, #tpu.memory_space<vmem>> -> memref<80xi32, #tpu.memory_space<vmem>>
    %dma_wait3A_83 = arith.constant 0 : i32
    %dma_wait3A_84 = tpu.memref_slice %arg17[%dma_wait3A_83] : memref<10240xf32, #tpu.memory_space<vmem_shared>> -> memref<10240xf32, #tpu.memory_space<vmem_shared>>
    tpu.wait_indirect_dma semaphore(%arg18 : memref<!tpu.dma_semaphore, #tpu.memory_space<semaphore_mem>>) src(%dma_wait3A_80 : memref<80xf32, #tpu.memory_space<vmem>>) dst(%dma_wait3A_84 : memref<10240xf32, #tpu.memory_space<vmem_shared>>)
    %barrier3A_85 = arith.constant 0 : index
    tpu.barrier barrier_id(%barrier3A_85)
    %mul3A_86 = arith.constant 625 : i32
    %mul3A_87 = arith.muli %arg1, %mul3A_86 : i32
    %mul3A_88 = arith.constant 625 : i32
    %mul3A_89 = arith.muli %arg1, %mul3A_88 : i32
    "tpu.region"() ({
      %run_scoped3A_105 = tpu.sem_alloc : memref<!tpu.dma_semaphore, #tpu.memory_space<semaphore_mem>>
      %dma_start3A_106 = arith.constant 0 : i32
      %dma_start3A_107 = tpu.memref_slice %arg7[%arg0, %mul3A_89, %dma_start3A_106] : memref<2x10000x128xf32, #tpu.memory_space<hbm>> -> memref<1x625x128xf32, #tpu.memory_space<hbm>>
      %dma_start3A_108 = tpu.memref_squeeze %dma_start3A_107 : memref<1x625x128xf32, #tpu.memory_space<hbm>> -> memref<625x128xf32, #tpu.memory_space<hbm>>
      %dma_start3A_109 = arith.constant 0 : i32
      %dma_start3A_110 = tpu.memref_slice %arg14[%mul3A_87, %dma_start3A_109] : memref<10000x128xf32, #tpu.memory_space<vmem_shared>> -> memref<625x128xf32, #tpu.memory_space<vmem_shared>>
      tpu.enqueue_dma source(%dma_start3A_110 : memref<625x128xf32, #tpu.memory_space<vmem_shared>>) target(%dma_start3A_108 : memref<625x128xf32, #tpu.memory_space<hbm>>) target_semaphore(%run_scoped3A_105 : memref<!tpu.dma_semaphore, #tpu.memory_space<semaphore_mem>>)
      %dma_wait3A_111 = arith.constant 0 : i32
      %dma_wait3A_112 = tpu.memref_slice %arg7[%arg0, %mul3A_89, %dma_wait3A_111] : memref<2x10000x128xf32, #tpu.memory_space<hbm>> -> memref<1x625x128xf32, #tpu.memory_space<hbm>>
      %dma_wait3A_113 = tpu.memref_squeeze %dma_wait3A_112 : memref<1x625x128xf32, #tpu.memory_space<hbm>> -> memref<625x128xf32, #tpu.memory_space<hbm>>
      %dma_wait3A_114 = arith.constant 0 : i32
      %dma_wait3A_115 = tpu.memref_slice %arg14[%mul3A_87, %dma_wait3A_114] : memref<10000x128xf32, #tpu.memory_space<vmem_shared>> -> memref<625x128xf32, #tpu.memory_space<vmem_shared>>
      tpu.wait_dma2 semaphore(%run_scoped3A_105 : memref<!tpu.dma_semaphore, #tpu.memory_space<semaphore_mem>>) src(%dma_wait3A_115 : memref<625x128xf32, #tpu.memory_space<vmem_shared>>) dst(%dma_wait3A_113 : memref<625x128xf32, #tpu.memory_space<hbm>>)
      tpu.yield
    }) : () -> ()
    %mul3A_90 = arith.constant 640 : i32
    %mul3A_91 = arith.muli %arg1, %mul3A_90 : i32
    %mul3A_92 = arith.constant 640 : i32
    %mul3A_93 = arith.muli %arg1, %mul3A_92 : i32
    %run_scoped3A_94 = arith.constant 0 : i32
    "tpu.region"() ({
      %run_scoped3A_105 = tpu.sem_alloc : memref<!tpu.dma_semaphore, #tpu.memory_space<semaphore_mem>>
      %dma_start3A_106 = tpu.memref_slice %arg8[%arg0, %run_scoped3A_94, %mul3A_93] : memref<2x3x10240xf32, #tpu.memory_space<hbm>> -> memref<1x1x640xf32, #tpu.memory_space<hbm>>
      %dma_start3A_107 = tpu.memref_squeeze %dma_start3A_106 : memref<1x1x640xf32, #tpu.memory_space<hbm>> -> memref<640xf32, #tpu.memory_space<hbm>>
      %dma_start3A_108 = tpu.memref_slice %arg15[%mul3A_91] : memref<10240xf32, #tpu.memory_space<vmem_shared>> -> memref<640xf32, #tpu.memory_space<vmem_shared>>
      tpu.enqueue_dma source(%dma_start3A_108 : memref<640xf32, #tpu.memory_space<vmem_shared>>) target(%dma_start3A_107 : memref<640xf32, #tpu.memory_space<hbm>>) target_semaphore(%run_scoped3A_105 : memref<!tpu.dma_semaphore, #tpu.memory_space<semaphore_mem>>)
      %dma_wait3A_109 = tpu.memref_slice %arg8[%arg0, %run_scoped3A_94, %mul3A_93] : memref<2x3x10240xf32, #tpu.memory_space<hbm>> -> memref<1x1x640xf32, #tpu.memory_space<hbm>>
      %dma_wait3A_110 = tpu.memref_squeeze %dma_wait3A_109 : memref<1x1x640xf32, #tpu.memory_space<hbm>> -> memref<640xf32, #tpu.memory_space<hbm>>
      %dma_wait3A_111 = tpu.memref_slice %arg15[%mul3A_91] : memref<10240xf32, #tpu.memory_space<vmem_shared>> -> memref<640xf32, #tpu.memory_space<vmem_shared>>
      tpu.wait_dma2 semaphore(%run_scoped3A_105 : memref<!tpu.dma_semaphore, #tpu.memory_space<semaphore_mem>>) src(%dma_wait3A_111 : memref<640xf32, #tpu.memory_space<vmem_shared>>) dst(%dma_wait3A_110 : memref<640xf32, #tpu.memory_space<hbm>>)
      tpu.yield
    }) : () -> ()
    %mul3A_95 = arith.constant 640 : i32
    %mul3A_96 = arith.muli %arg1, %mul3A_95 : i32
    %mul3A_97 = arith.constant 640 : i32
    %mul3A_98 = arith.muli %arg1, %mul3A_97 : i32
    %run_scoped3A_99 = arith.constant 1 : i32
    "tpu.region"() ({
      %run_scoped3A_105 = tpu.sem_alloc : memref<!tpu.dma_semaphore, #tpu.memory_space<semaphore_mem>>
      %dma_start3A_106 = tpu.memref_slice %arg8[%arg0, %run_scoped3A_99, %mul3A_98] : memref<2x3x10240xf32, #tpu.memory_space<hbm>> -> memref<1x1x640xf32, #tpu.memory_space<hbm>>
      %dma_start3A_107 = tpu.memref_squeeze %dma_start3A_106 : memref<1x1x640xf32, #tpu.memory_space<hbm>> -> memref<640xf32, #tpu.memory_space<hbm>>
      %dma_start3A_108 = tpu.memref_slice %arg16[%mul3A_96] : memref<10240xf32, #tpu.memory_space<vmem_shared>> -> memref<640xf32, #tpu.memory_space<vmem_shared>>
      tpu.enqueue_dma source(%dma_start3A_108 : memref<640xf32, #tpu.memory_space<vmem_shared>>) target(%dma_start3A_107 : memref<640xf32, #tpu.memory_space<hbm>>) target_semaphore(%run_scoped3A_105 : memref<!tpu.dma_semaphore, #tpu.memory_space<semaphore_mem>>)
      %dma_wait3A_109 = tpu.memref_slice %arg8[%arg0, %run_scoped3A_99, %mul3A_98] : memref<2x3x10240xf32, #tpu.memory_space<hbm>> -> memref<1x1x640xf32, #tpu.memory_space<hbm>>
      %dma_wait3A_110 = tpu.memref_squeeze %dma_wait3A_109 : memref<1x1x640xf32, #tpu.memory_space<hbm>> -> memref<640xf32, #tpu.memory_space<hbm>>
      %dma_wait3A_111 = tpu.memref_slice %arg16[%mul3A_96] : memref<10240xf32, #tpu.memory_space<vmem_shared>> -> memref<640xf32, #tpu.memory_space<vmem_shared>>
      tpu.wait_dma2 semaphore(%run_scoped3A_105 : memref<!tpu.dma_semaphore, #tpu.memory_space<semaphore_mem>>) src(%dma_wait3A_111 : memref<640xf32, #tpu.memory_space<vmem_shared>>) dst(%dma_wait3A_110 : memref<640xf32, #tpu.memory_space<hbm>>)
      tpu.yield
    }) : () -> ()
    %mul3A_100 = arith.constant 640 : i32
    %mul3A_101 = arith.muli %arg1, %mul3A_100 : i32
    %mul3A_102 = arith.constant 640 : i32
    %mul3A_103 = arith.muli %arg1, %mul3A_102 : i32
    %run_scoped3A_104 = arith.constant 2 : i32
    "tpu.region"() ({
      %run_scoped3A_105 = tpu.sem_alloc : memref<!tpu.dma_semaphore, #tpu.memory_space<semaphore_mem>>
      %dma_start3A_106 = tpu.memref_slice %arg8[%arg0, %run_scoped3A_104, %mul3A_103] : memref<2x3x10240xf32, #tpu.memory_space<hbm>> -> memref<1x1x640xf32, #tpu.memory_space<hbm>>
      %dma_start3A_107 = tpu.memref_squeeze %dma_start3A_106 : memref<1x1x640xf32, #tpu.memory_space<hbm>> -> memref<640xf32, #tpu.memory_space<hbm>>
      %dma_start3A_108 = tpu.memref_slice %arg17[%mul3A_101] : memref<10240xf32, #tpu.memory_space<vmem_shared>> -> memref<640xf32, #tpu.memory_space<vmem_shared>>
      tpu.enqueue_dma source(%dma_start3A_108 : memref<640xf32, #tpu.memory_space<vmem_shared>>) target(%dma_start3A_107 : memref<640xf32, #tpu.memory_space<hbm>>) target_semaphore(%run_scoped3A_105 : memref<!tpu.dma_semaphore, #tpu.memory_space<semaphore_mem>>)
      %dma_wait3A_109 = tpu.memref_slice %arg8[%arg0, %run_scoped3A_104, %mul3A_103] : memref<2x3x10240xf32, #tpu.memory_space<hbm>> -> memref<1x1x640xf32, #tpu.memory_space<hbm>>
      %dma_wait3A_110 = tpu.memref_squeeze %dma_wait3A_109 : memref<1x1x640xf32, #tpu.memory_space<hbm>> -> memref<640xf32, #tpu.memory_space<hbm>>
      %dma_wait3A_111 = tpu.memref_slice %arg17[%mul3A_101] : memref<10240xf32, #tpu.memory_space<vmem_shared>> -> memref<640xf32, #tpu.memory_space<vmem_shared>>
      tpu.wait_dma2 semaphore(%run_scoped3A_105 : memref<!tpu.dma_semaphore, #tpu.memory_space<semaphore_mem>>) src(%dma_wait3A_111 : memref<640xf32, #tpu.memory_space<vmem_shared>>) dst(%dma_wait3A_110 : memref<640xf32, #tpu.memory_space<hbm>>)
      tpu.yield
    }) : () -> ()
    return
  }
}

module attributes {stable_mosaic.version = 14 : i64} {
  func.func @_k1_body(%arg0: i32, %arg1: memref<2000x128xf32, #tpu.memory_space<vmem>>, %arg2: memref<128xf32, #tpu.memory_space<vmem>>, %arg3: memref<128xf32, #tpu.memory_space<vmem>>, %arg4: memref<128x128xf32, #tpu.memory_space<vmem>>, %arg5: memref<128x128xf32, #tpu.memory_space<vmem>>, %arg6: memref<2000x128xf32, #tpu.memory_space<vmem>>, %arg7: memref<2000x128xf32, #tpu.memory_space<vmem>>, %arg8: memref<2000x128xf32, #tpu.memory_space<vmem>>) attributes {dimension_semantics = [#tpu.dimension_semantics<arbitrary>], iteration_bounds = array<i64: 5>, scalar_prefetch = 0 : i64, scratch_operands = 0 : i64, tpu.core_type = #tpu.core_type<tc>, window_params = [{transform_indices = @transform_0, window_bounds = array<i64: 2000, 128>}, {pipeline_mode = #tpu.pipeline_mode<synchronous>, transform_indices = @transform_1, window_bounds = array<i64: 128>}, {pipeline_mode = #tpu.pipeline_mode<synchronous>, transform_indices = @transform_2, window_bounds = array<i64: 128>}, {pipeline_mode = #tpu.pipeline_mode<synchronous>, transform_indices = @transform_3, window_bounds = array<i64: 128, 128>}, {pipeline_mode = #tpu.pipeline_mode<synchronous>, transform_indices = @transform_4, window_bounds = array<i64: 128, 128>}, {transform_indices = @transform_5, window_bounds = array<i64: 2000, 128>}, {transform_indices = @transform_6, window_bounds = array<i64: 2000, 128>}, {transform_indices = @transform_7, window_bounds = array<i64: 2000, 128>}]} {
    %get3A = arith.constant 0 : index
    %get3A_0 = arith.constant 0 : index
    %get3A_1 = vector.load %arg1[%get3A, %get3A_0] : memref<2000x128xf32, #tpu.memory_space<vmem>>, vector<2000x128xf32>
    %get3A_2 = arith.constant 0 : index
    %get3A_3 = vector.load %arg2[%get3A_2] : memref<128xf32, #tpu.memory_space<vmem>>, vector<128xf32>
    %get3A_4 = arith.constant 0 : index
    %get3A_5 = vector.load %arg3[%get3A_4] : memref<128xf32, #tpu.memory_space<vmem>>, vector<128xf32>
    %reduce_sum3A = arith.constant dense<0.000000e+00> : vector<2000xf32>
    %reduce_sum3A_6 = vector.multi_reduction <add>, %get3A_1, %reduce_sum3A [1] : vector<2000x128xf32> to vector<2000xf32>
    %broadcast_in_dim3A = vector.shape_cast %reduce_sum3A_6 : vector<2000xf32> to vector<2000x1xf32>
    %div3A = arith.constant 1.280000e+02 : f32
    %div3A_7 = vector.broadcast %div3A : f32 to vector<2000x1xf32>
    %div3A_8 = arith.divf %broadcast_in_dim3A, %div3A_7 : vector<2000x1xf32>
    %sub3A = vector.broadcast %div3A_8 : vector<2000x1xf32> to vector<2000x128xf32>
    %sub3A_9 = arith.subf %get3A_1, %sub3A : vector<2000x128xf32>
    %integer_pow3A = arith.mulf %sub3A_9, %sub3A_9 : vector<2000x128xf32>
    %reduce_sum3A_10 = arith.constant dense<0.000000e+00> : vector<2000xf32>
    %reduce_sum3A_11 = vector.multi_reduction <add>, %integer_pow3A, %reduce_sum3A_10 [1] : vector<2000x128xf32> to vector<2000xf32>
    %broadcast_in_dim3A_12 = vector.shape_cast %reduce_sum3A_11 : vector<2000xf32> to vector<2000x1xf32>
    %div3A_13 = arith.constant 1.280000e+02 : f32
    %div3A_14 = vector.broadcast %div3A_13 : f32 to vector<2000x1xf32>
    %div3A_15 = arith.divf %broadcast_in_dim3A_12, %div3A_14 : vector<2000x1xf32>
    %sub3A_16 = vector.broadcast %div3A_8 : vector<2000x1xf32> to vector<2000x128xf32>
    %sub3A_17 = arith.subf %get3A_1, %sub3A_16 : vector<2000x128xf32>
    %add3A = arith.constant 9.99999974E-6 : f32
    %add3A_18 = vector.broadcast %add3A : f32 to vector<2000x1xf32>
    %add3A_19 = arith.addf %div3A_15, %add3A_18 : vector<2000x1xf32>
    %rsqrt3A = math.rsqrt %add3A_19 : vector<2000x1xf32>
    %mul3A = vector.broadcast %rsqrt3A : vector<2000x1xf32> to vector<2000x128xf32>
    %mul3A_20 = arith.mulf %sub3A_17, %mul3A : vector<2000x128xf32>
    %broadcast_in_dim3A_21 = vector.shape_cast %get3A_3 : vector<128xf32> to vector<1x128xf32>
    %mul3A_22 = vector.broadcast %broadcast_in_dim3A_21 : vector<1x128xf32> to vector<2000x128xf32>
    %mul3A_23 = arith.mulf %mul3A_20, %mul3A_22 : vector<2000x128xf32>
    %broadcast_in_dim3A_24 = vector.shape_cast %get3A_5 : vector<128xf32> to vector<1x128xf32>
    %add3A_25 = vector.broadcast %broadcast_in_dim3A_24 : vector<1x128xf32> to vector<2000x128xf32>
    %add3A_26 = arith.addf %mul3A_23, %add3A_25 : vector<2000x128xf32>
    %swap3A = arith.constant 0 : index
    %swap3A_27 = arith.constant 0 : index
    %swap3A_28 = vector.load %arg6[%swap3A, %swap3A_27] : memref<2000x128xf32, #tpu.memory_space<vmem>>, vector<2000x128xf32>
    tpu.vector_store %arg6[%swap3A, %swap3A_27], %add3A_26 {strides = array<i32>} : memref<2000x128xf32, #tpu.memory_space<vmem>>, vector<2000x128xf32>,
    %get3A_29 = arith.constant 0 : index
    %get3A_30 = arith.constant 0 : index
    %get3A_31 = vector.load %arg4[%get3A_29, %get3A_30] : memref<128x128xf32, #tpu.memory_space<vmem>>, vector<128x128xf32>
    %dot_general3A = arith.constant dense<0.000000e+00> : vector<2000x128xf32>
    %dot_general3A_32 = tpu.matmul %add3A_26, %get3A_31, %dot_general3A {dimension_numbers = #tpu.dot_dimension_numbers<[1], [0], [0], [1], [0, 0, 1, 1], [], []>, transpose_lhs_hint = false} : vector<2000x128xf32>, vector<128x128xf32>, vector<2000x128xf32> -> vector<2000x128xf32>
    %swap3A_33 = arith.constant 0 : index
    %swap3A_34 = arith.constant 0 : index
    %swap3A_35 = vector.load %arg7[%swap3A_33, %swap3A_34] : memref<2000x128xf32, #tpu.memory_space<vmem>>, vector<2000x128xf32>
    tpu.vector_store %arg7[%swap3A_33, %swap3A_34], %dot_general3A_32 {strides = array<i32>} : memref<2000x128xf32, #tpu.memory_space<vmem>>, vector<2000x128xf32>,
    %get3A_36 = arith.constant 0 : index
    %get3A_37 = arith.constant 0 : index
    %get3A_38 = vector.load %arg5[%get3A_36, %get3A_37] : memref<128x128xf32, #tpu.memory_space<vmem>>, vector<128x128xf32>
    %dot_general3A_39 = arith.constant dense<0.000000e+00> : vector<2000x128xf32>
    %dot_general3A_40 = tpu.matmul %add3A_26, %get3A_38, %dot_general3A_39 {dimension_numbers = #tpu.dot_dimension_numbers<[1], [0], [0], [1], [0, 0, 1, 1], [], []>, transpose_lhs_hint = false} : vector<2000x128xf32>, vector<128x128xf32>, vector<2000x128xf32> -> vector<2000x128xf32>
    %swap3A_41 = arith.constant 0 : index
    %swap3A_42 = arith.constant 0 : index
    %swap3A_43 = vector.load %arg8[%swap3A_41, %swap3A_42] : memref<2000x128xf32, #tpu.memory_space<vmem>>, vector<2000x128xf32>
    tpu.vector_store %arg8[%swap3A_41, %swap3A_42], %dot_general3A_40 {strides = array<i32>} : memref<2000x128xf32, #tpu.memory_space<vmem>>, vector<2000x128xf32>,
    return
  }
  func.func @transform_0(%arg0: i32) -> (i32, i32) {
    %c0_i32 = arith.constant 0 : i32
    %c0_i32_0 = arith.constant 0 : i32
    return %arg0, %c0_i32 : i32, i32
  }
  func.func @transform_1(%arg0: i32) -> i32 {
    %c0_i32 = arith.constant 0 : i32
    %c0_i32_0 = arith.constant 0 : i32
    return %c0_i32 : i32
  }
  func.func @transform_2(%arg0: i32) -> i32 {
    %c0_i32 = arith.constant 0 : i32
    %c0_i32_0 = arith.constant 0 : i32
    return %c0_i32 : i32
  }
  func.func @transform_3(%arg0: i32) -> (i32, i32) {
    %c0_i32 = arith.constant 0 : i32
    %c0_i32_0 = arith.constant 0 : i32
    %c0_i32_1 = arith.constant 0 : i32
    return %c0_i32, %c0_i32_0 : i32, i32
  }
  func.func @transform_4(%arg0: i32) -> (i32, i32) {
    %c0_i32 = arith.constant 0 : i32
    %c0_i32_0 = arith.constant 0 : i32
    %c0_i32_1 = arith.constant 0 : i32
    return %c0_i32, %c0_i32_0 : i32, i32
  }
  func.func @transform_5(%arg0: i32) -> (i32, i32) {
    %c0_i32 = arith.constant 0 : i32
    %c0_i32_0 = arith.constant 0 : i32
    return %arg0, %c0_i32 : i32, i32
  }
  func.func @transform_6(%arg0: i32) -> (i32, i32) {
    %c0_i32 = arith.constant 0 : i32
    %c0_i32_0 = arith.constant 0 : i32
    return %arg0, %c0_i32 : i32, i32
  }
  func.func @transform_7(%arg0: i32) -> (i32, i32) {
    %c0_i32 = arith.constant 0 : i32
    %c0_i32_0 = arith.constant 0 : i32
    return %arg0, %c0_i32 : i32, i32
  }
}

module attributes {stable_mosaic.version = 14 : i64} {
  func.func @_k3_body(%arg0: i32, %arg1: memref<2560x128xf32, #tpu.memory_space<vmem>>, %arg2: memref<2560x128xf32, #tpu.memory_space<vmem>>, %arg3: memref<4x2560xf32, #tpu.memory_space<vmem>>, %arg4: memref<16x2560xf32, #tpu.memory_space<vmem>>, %arg5: memref<4x128xf32, #tpu.memory_space<vmem>>, %arg6: memref<16x128xf32, #tpu.memory_space<vmem>>, %arg7: memref<128xf32, #tpu.memory_space<vmem>>, %arg8: memref<128x128xf32, #tpu.memory_space<vmem>>, %arg9: memref<128xf32, #tpu.memory_space<vmem>>, %arg10: memref<128xf32, #tpu.memory_space<vmem>>, %arg11: memref<128xf32, #tpu.memory_space<vmem>>, %arg12: memref<128x128xf32, #tpu.memory_space<vmem>>, %arg13: memref<128xf32, #tpu.memory_space<vmem>>, %arg14: memref<128x1xf32, #tpu.memory_space<vmem>>, %arg15: memref<2560x128xf32, #tpu.memory_space<vmem>>, %arg16: memref<4x2560xf32, #tpu.memory_space<vmem>>) attributes {dimension_semantics = [#tpu.dimension_semantics<arbitrary>], iteration_bounds = array<i64: 64>, scalar_prefetch = 0 : i64, scratch_operands = 0 : i64, tpu.core_type = #tpu.core_type<tc>, window_params = [{transform_indices = @transform_0, window_bounds = array<i64: 2560, 128>}, {transform_indices = @transform_1, window_bounds = array<i64: 2560, 128>}, {transform_indices = @transform_2, window_bounds = array<i64: 4, 2560>}, {transform_indices = @transform_3, window_bounds = array<i64: 16, 2560>}, {pipeline_mode = #tpu.pipeline_mode<synchronous>, transform_indices = @transform_4, window_bounds = array<i64: 4, 128>}, {pipeline_mode = #tpu.pipeline_mode<synchronous>, transform_indices = @transform_5, window_bounds = array<i64: 16, 128>}, {pipeline_mode = #tpu.pipeline_mode<synchronous>, transform_indices = @transform_6, window_bounds = array<i64: 128>}, {pipeline_mode = #tpu.pipeline_mode<synchronous>, transform_indices = @transform_7, window_bounds = array<i64: 128, 128>}, {pipeline_mode = #tpu.pipeline_mode<synchronous>, transform_indices = @transform_8, window_bounds = array<i64: 128>}, {pipeline_mode = #tpu.pipeline_mode<synchronous>, transform_indices = @transform_9, window_bounds = array<i64: 128>}, {pipeline_mode = #tpu.pipeline_mode<synchronous>, transform_indices = @transform_10, window_bounds = array<i64: 128>}, {pipeline_mode = #tpu.pipeline_mode<synchronous>, transform_indices = @transform_11, window_bounds = array<i64: 128, 128>}, {pipeline_mode = #tpu.pipeline_mode<synchronous>, transform_indices = @transform_12, window_bounds = array<i64: 128>}, {pipeline_mode = #tpu.pipeline_mode<synchronous>, transform_indices = @transform_13, window_bounds = array<i64: 128, 1>}, {transform_indices = @transform_14, window_bounds = array<i64: 2560, 128>}, {transform_indices = @transform_15, window_bounds = array<i64: 4, 2560>}]} {
    %get3A = arith.constant 0 : index
    %get3A_0 = arith.constant 0 : index
    %get3A_1 = vector.load %arg3[%get3A, %get3A_0] : memref<4x2560xf32, #tpu.memory_space<vmem>>, vector<4x2560xf32>
    %get3A_2 = arith.constant 0 : index
    %get3A_3 = arith.constant 0 : index
    %get3A_4 = vector.load %arg1[%get3A_2, %get3A_3] : memref<2560x128xf32, #tpu.memory_space<vmem>>, vector<2560x128xf32>
    %get3A_5 = arith.constant 0 : index
    %get3A_6 = arith.constant 0 : index
    %get3A_7 = vector.load %arg2[%get3A_5, %get3A_6] : memref<2560x128xf32, #tpu.memory_space<vmem>>, vector<2560x128xf32>
    %add3A = arith.addf %get3A_4, %get3A_7 : vector<2560x128xf32>
    %get3A_8 = arith.constant 0 : index
    %get3A_9 = arith.constant 0 : index
    %get3A_10 = vector.load %arg5[%get3A_8, %get3A_9] : memref<4x128xf32, #tpu.memory_space<vmem>>, vector<4x128xf32>
    %dot_general3A = arith.constant dense<0.000000e+00> : vector<2560x128xf32>
    %dot_general3A_11 = tpu.matmul %get3A_1, %get3A_10, %dot_general3A {dimension_numbers = #tpu.dot_dimension_numbers<[0], [0], [1], [1], [0, 1, 1, 1], [], []>, transpose_lhs_hint = false} : vector<4x2560xf32>, vector<4x128xf32>, vector<2560x128xf32> -> vector<2560x128xf32>
    %add3A_12 = arith.addf %add3A, %dot_general3A_11 : vector<2560x128xf32>
    %get3A_13 = arith.constant 0 : index
    %get3A_14 = arith.constant 0 : index
    %get3A_15 = vector.load %arg4[%get3A_13, %get3A_14] : memref<16x2560xf32, #tpu.memory_space<vmem>>, vector<16x2560xf32>
    %get3A_16 = arith.constant 0 : index
    %get3A_17 = arith.constant 0 : index
    %get3A_18 = vector.load %arg6[%get3A_16, %get3A_17] : memref<16x128xf32, #tpu.memory_space<vmem>>, vector<16x128xf32>
    %dot_general3A_19 = arith.constant dense<0.000000e+00> : vector<2560x128xf32>
    %dot_general3A_20 = tpu.matmul %get3A_15, %get3A_18, %dot_general3A_19 {dimension_numbers = #tpu.dot_dimension_numbers<[0], [0], [1], [1], [0, 1, 1, 1], [], []>, transpose_lhs_hint = false} : vector<16x2560xf32>, vector<16x128xf32>, vector<2560x128xf32> -> vector<2560x128xf32>
    %add3A_21 = arith.addf %add3A_12, %dot_general3A_20 : vector<2560x128xf32>
    %get3A_22 = arith.constant 0 : index
    %get3A_23 = vector.load %arg7[%get3A_22] : memref<128xf32, #tpu.memory_space<vmem>>, vector<128xf32>
    %broadcast_in_dim3A = vector.shape_cast %get3A_23 : vector<128xf32> to vector<1x128xf32>
    %add3A_24 = vector.broadcast %broadcast_in_dim3A : vector<1x128xf32> to vector<2560x128xf32>
    %add3A_25 = arith.addf %add3A_21, %add3A_24 : vector<2560x128xf32>
    %neg3A = arith.constant 0.000000e+00 : f32
    %neg3A_26 = vector.broadcast %neg3A : f32 to vector<2560x128xf32>
    %neg3A_27 = arith.subf %neg3A_26, %add3A_25 : vector<2560x128xf32>
    %exp3A = math.exp %neg3A_27 : vector<2560x128xf32>
    %add3A_28 = arith.constant 1.000000e+00 : f32
    %add3A_29 = vector.broadcast %add3A_28 : f32 to vector<2560x128xf32>
    %add3A_30 = arith.addf %add3A_29, %exp3A : vector<2560x128xf32>
    %div3A = arith.divf %add3A_25, %add3A_30 : vector<2560x128xf32>
    %get3A_31 = arith.constant 0 : index
    %get3A_32 = arith.constant 0 : index
    %get3A_33 = vector.load %arg8[%get3A_31, %get3A_32] : memref<128x128xf32, #tpu.memory_space<vmem>>, vector<128x128xf32>
    %dot_general3A_34 = arith.constant dense<0.000000e+00> : vector<2560x128xf32>
    %dot_general3A_35 = tpu.matmul %div3A, %get3A_33, %dot_general3A_34 {dimension_numbers = #tpu.dot_dimension_numbers<[1], [0], [0], [1], [0, 0, 1, 1], [], []>, transpose_lhs_hint = false} : vector<2560x128xf32>, vector<128x128xf32>, vector<2560x128xf32> -> vector<2560x128xf32>
    %get3A_36 = arith.constant 0 : index
    %get3A_37 = vector.load %arg9[%get3A_36] : memref<128xf32, #tpu.memory_space<vmem>>, vector<128xf32>
    %broadcast_in_dim3A_38 = vector.shape_cast %get3A_37 : vector<128xf32> to vector<1x128xf32>
    %add3A_39 = vector.broadcast %broadcast_in_dim3A_38 : vector<1x128xf32> to vector<2560x128xf32>
    %add3A_40 = arith.addf %dot_general3A_35, %add3A_39 : vector<2560x128xf32>
    %neg3A_41 = arith.constant 0.000000e+00 : f32
    %neg3A_42 = vector.broadcast %neg3A_41 : f32 to vector<2560x128xf32>
    %neg3A_43 = arith.subf %neg3A_42, %add3A_40 : vector<2560x128xf32>
    %exp3A_44 = math.exp %neg3A_43 : vector<2560x128xf32>
    %add3A_45 = arith.constant 1.000000e+00 : f32
    %add3A_46 = vector.broadcast %add3A_45 : f32 to vector<2560x128xf32>
    %add3A_47 = arith.addf %add3A_46, %exp3A_44 : vector<2560x128xf32>
    %div3A_48 = arith.divf %add3A_40, %add3A_47 : vector<2560x128xf32>
    %get3A_49 = arith.constant 0 : index
    %get3A_50 = vector.load %arg10[%get3A_49] : memref<128xf32, #tpu.memory_space<vmem>>, vector<128xf32>
    %get3A_51 = arith.constant 0 : index
    %get3A_52 = vector.load %arg11[%get3A_51] : memref<128xf32, #tpu.memory_space<vmem>>, vector<128xf32>
    %reduce_sum3A = arith.constant dense<0.000000e+00> : vector<2560xf32>
    %reduce_sum3A_53 = vector.multi_reduction <add>, %div3A_48, %reduce_sum3A [1] : vector<2560x128xf32> to vector<2560xf32>
    %broadcast_in_dim3A_54 = vector.shape_cast %reduce_sum3A_53 : vector<2560xf32> to vector<2560x1xf32>
    %div3A_55 = arith.constant 1.280000e+02 : f32
    %div3A_56 = vector.broadcast %div3A_55 : f32 to vector<2560x1xf32>
    %div3A_57 = arith.divf %broadcast_in_dim3A_54, %div3A_56 : vector<2560x1xf32>
    %sub3A = vector.broadcast %div3A_57 : vector<2560x1xf32> to vector<2560x128xf32>
    %sub3A_58 = arith.subf %div3A_48, %sub3A : vector<2560x128xf32>
    %integer_pow3A = arith.mulf %sub3A_58, %sub3A_58 : vector<2560x128xf32>
    %reduce_sum3A_59 = arith.constant dense<0.000000e+00> : vector<2560xf32>
    %reduce_sum3A_60 = vector.multi_reduction <add>, %integer_pow3A, %reduce_sum3A_59 [1] : vector<2560x128xf32> to vector<2560xf32>
    %broadcast_in_dim3A_61 = vector.shape_cast %reduce_sum3A_60 : vector<2560xf32> to vector<2560x1xf32>
    %div3A_62 = arith.constant 1.280000e+02 : f32
    %div3A_63 = vector.broadcast %div3A_62 : f32 to vector<2560x1xf32>
    %div3A_64 = arith.divf %broadcast_in_dim3A_61, %div3A_63 : vector<2560x1xf32>
    %sub3A_65 = vector.broadcast %div3A_57 : vector<2560x1xf32> to vector<2560x128xf32>
    %sub3A_66 = arith.subf %div3A_48, %sub3A_65 : vector<2560x128xf32>
    %add3A_67 = arith.constant 9.99999974E-6 : f32
    %add3A_68 = vector.broadcast %add3A_67 : f32 to vector<2560x1xf32>
    %add3A_69 = arith.addf %div3A_64, %add3A_68 : vector<2560x1xf32>
    %rsqrt3A = math.rsqrt %add3A_69 : vector<2560x1xf32>
    %mul3A = vector.broadcast %rsqrt3A : vector<2560x1xf32> to vector<2560x128xf32>
    %mul3A_70 = arith.mulf %sub3A_66, %mul3A : vector<2560x128xf32>
    %broadcast_in_dim3A_71 = vector.shape_cast %get3A_50 : vector<128xf32> to vector<1x128xf32>
    %mul3A_72 = vector.broadcast %broadcast_in_dim3A_71 : vector<1x128xf32> to vector<2560x128xf32>
    %mul3A_73 = arith.mulf %mul3A_70, %mul3A_72 : vector<2560x128xf32>
    %broadcast_in_dim3A_74 = vector.shape_cast %get3A_52 : vector<128xf32> to vector<1x128xf32>
    %add3A_75 = vector.broadcast %broadcast_in_dim3A_74 : vector<1x128xf32> to vector<2560x128xf32>
    %add3A_76 = arith.addf %mul3A_73, %add3A_75 : vector<2560x128xf32>
    %swap3A = arith.constant 0 : index
    %swap3A_77 = arith.constant 0 : index
    %swap3A_78 = vector.load %arg15[%swap3A, %swap3A_77] : memref<2560x128xf32, #tpu.memory_space<vmem>>, vector<2560x128xf32>
    tpu.vector_store %arg15[%swap3A, %swap3A_77], %add3A_76 {strides = array<i32>} : memref<2560x128xf32, #tpu.memory_space<vmem>>, vector<2560x128xf32>,
    %get3A_79 = arith.constant 0 : index
    %get3A_80 = arith.constant 0 : index
    %get3A_81 = vector.load %arg12[%get3A_79, %get3A_80] : memref<128x128xf32, #tpu.memory_space<vmem>>, vector<128x128xf32>
    %dot_general3A_82 = arith.constant dense<0.000000e+00> : vector<2560x128xf32>
    %dot_general3A_83 = tpu.matmul %add3A_76, %get3A_81, %dot_general3A_82 {dimension_numbers = #tpu.dot_dimension_numbers<[1], [0], [0], [1], [0, 0, 1, 1], [], []>, transpose_lhs_hint = false} : vector<2560x128xf32>, vector<128x128xf32>, vector<2560x128xf32> -> vector<2560x128xf32>
    %get3A_84 = arith.constant 0 : index
    %get3A_85 = vector.load %arg13[%get3A_84] : memref<128xf32, #tpu.memory_space<vmem>>, vector<128xf32>
    %broadcast_in_dim3A_86 = vector.shape_cast %get3A_85 : vector<128xf32> to vector<1x128xf32>
    %add3A_87 = vector.broadcast %broadcast_in_dim3A_86 : vector<1x128xf32> to vector<2560x128xf32>
    %add3A_88 = arith.addf %dot_general3A_83, %add3A_87 : vector<2560x128xf32>
    %neg3A_89 = arith.constant 0.000000e+00 : f32
    %neg3A_90 = vector.broadcast %neg3A_89 : f32 to vector<2560x128xf32>
    %neg3A_91 = arith.subf %neg3A_90, %add3A_88 : vector<2560x128xf32>
    %exp3A_92 = math.exp %neg3A_91 : vector<2560x128xf32>
    %add3A_93 = arith.constant 1.000000e+00 : f32
    %add3A_94 = vector.broadcast %add3A_93 : f32 to vector<2560x128xf32>
    %add3A_95 = arith.addf %add3A_94, %exp3A_92 : vector<2560x128xf32>
    %div3A_96 = arith.divf %add3A_88, %add3A_95 : vector<2560x128xf32>
    %get3A_97 = arith.constant 0 : index
    %get3A_98 = arith.constant 0 : index
    %get3A_99 = vector.load %arg14[%get3A_97, %get3A_98] : memref<128x1xf32, #tpu.memory_space<vmem>>, vector<128x1xf32>
    %dot_general3A_100 = arith.constant dense<0.000000e+00> : vector<1x2560xf32>
    %dot_general3A_101 = tpu.matmul %get3A_99, %div3A_96, %dot_general3A_100 {dimension_numbers = #tpu.dot_dimension_numbers<[0], [1], [1], [0], [0, 1, 1, 0], [], []>, transpose_lhs_hint = false} : vector<128x1xf32>, vector<2560x128xf32>, vector<1x2560xf32> -> vector<1x2560xf32>
    %mul3A_102 = vector.broadcast %dot_general3A_101 : vector<1x2560xf32> to vector<4x2560xf32>
    %mul3A_103 = arith.mulf %get3A_1, %mul3A_102 : vector<4x2560xf32>
    %swap3A_104 = arith.constant 0 : index
    %swap3A_105 = arith.constant 0 : index
    %swap3A_106 = vector.load %arg16[%swap3A_104, %swap3A_105] : memref<4x2560xf32, #tpu.memory_space<vmem>>, vector<4x2560xf32>
    tpu.vector_store %arg16[%swap3A_104, %swap3A_105], %mul3A_103 {strides = array<i32>} : memref<4x2560xf32, #tpu.memory_space<vmem>>, vector<4x2560xf32>,
    return
  }
  func.func @transform_0(%arg0: i32) -> (i32, i32) {
    %c0_i32 = arith.constant 0 : i32
    %c0_i32_0 = arith.constant 0 : i32
    return %arg0, %c0_i32 : i32, i32
  }
  func.func @transform_1(%arg0: i32) -> (i32, i32) {
    %c0_i32 = arith.constant 0 : i32
    %c0_i32_0 = arith.constant 0 : i32
    return %arg0, %c0_i32 : i32, i32
  }
  func.func @transform_2(%arg0: i32) -> (i32, i32) {
    %c0_i32 = arith.constant 0 : i32
    %c0_i32_0 = arith.constant 0 : i32
    return %c0_i32, %arg0 : i32, i32
  }
  func.func @transform_3(%arg0: i32) -> (i32, i32) {
    %c0_i32 = arith.constant 0 : i32
    %c0_i32_0 = arith.constant 0 : i32
    return %c0_i32, %arg0 : i32, i32
  }
  func.func @transform_4(%arg0: i32) -> (i32, i32) {
    %c0_i32 = arith.constant 0 : i32
    %c0_i32_0 = arith.constant 0 : i32
    %c0_i32_1 = arith.constant 0 : i32
    return %c0_i32, %c0_i32_0 : i32, i32
  }
  func.func @transform_5(%arg0: i32) -> (i32, i32) {
    %c0_i32 = arith.constant 0 : i32
    %c0_i32_0 = arith.constant 0 : i32
    %c0_i32_1 = arith.constant 0 : i32
    return %c0_i32, %c0_i32_0 : i32, i32
  }
  func.func @transform_6(%arg0: i32) -> i32 {
    %c0_i32 = arith.constant 0 : i32
    %c0_i32_0 = arith.constant 0 : i32
    return %c0_i32 : i32
  }
  func.func @transform_7(%arg0: i32) -> (i32, i32) {
    %c0_i32 = arith.constant 0 : i32
    %c0_i32_0 = arith.constant 0 : i32
    %c0_i32_1 = arith.constant 0 : i32
    return %c0_i32, %c0_i32_0 : i32, i32
  }
  func.func @transform_8(%arg0: i32) -> i32 {
    %c0_i32 = arith.constant 0 : i32
    %c0_i32_0 = arith.constant 0 : i32
    return %c0_i32 : i32
  }
  func.func @transform_9(%arg0: i32) -> i32 {
    %c0_i32 = arith.constant 0 : i32
    %c0_i32_0 = arith.constant 0 : i32
    return %c0_i32 : i32
  }
  func.func @transform_10(%arg0: i32) -> i32 {
    %c0_i32 = arith.constant 0 : i32
    %c0_i32_0 = arith.constant 0 : i32
    return %c0_i32 : i32
  }
  func.func @transform_11(%arg0: i32) -> (i32, i32) {
    %c0_i32 = arith.constant 0 : i32
    %c0_i32_0 = arith.constant 0 : i32
    %c0_i32_1 = arith.constant 0 : i32
    return %c0_i32, %c0_i32_0 : i32, i32
  }
  func.func @transform_12(%arg0: i32) -> i32 {
    %c0_i32 = arith.constant 0 : i32
    %c0_i32_0 = arith.constant 0 : i32
    return %c0_i32 : i32
  }
  func.func @transform_13(%arg0: i32) -> (i32, i32) {
    %c0_i32 = arith.constant 0 : i32
    %c0_i32_0 = arith.constant 0 : i32
    %c0_i32_1 = arith.constant 0 : i32
    return %c0_i32, %c0_i32_0 : i32, i32
  }
  func.func @transform_14(%arg0: i32) -> (i32, i32) {
    %c0_i32 = arith.constant 0 : i32
    %c0_i32_0 = arith.constant 0 : i32
    return %arg0, %c0_i32 : i32, i32
  }
  func.func @transform_15(%arg0: i32) -> (i32, i32) {
    %c0_i32 = arith.constant 0 : i32
    %c0_i32_0 = arith.constant 0 : i32
    return %c0_i32, %arg0 : i32, i32
  }
}

module attributes {stable_mosaic.version = 14 : i64} {
  func.func @_k3_body(%arg0: i32, %arg1: memref<2560x128xf32, #tpu.memory_space<vmem>>, %arg2: memref<2560x128xf32, #tpu.memory_space<vmem>>, %arg3: memref<4x2560xf32, #tpu.memory_space<vmem>>, %arg4: memref<16x2560xf32, #tpu.memory_space<vmem>>, %arg5: memref<4x128xf32, #tpu.memory_space<vmem>>, %arg6: memref<16x128xf32, #tpu.memory_space<vmem>>, %arg7: memref<128xf32, #tpu.memory_space<vmem>>, %arg8: memref<128x128xf32, #tpu.memory_space<vmem>>, %arg9: memref<128xf32, #tpu.memory_space<vmem>>, %arg10: memref<128xf32, #tpu.memory_space<vmem>>, %arg11: memref<128xf32, #tpu.memory_space<vmem>>, %arg12: memref<128x128xf32, #tpu.memory_space<vmem>>, %arg13: memref<128xf32, #tpu.memory_space<vmem>>, %arg14: memref<128x1xf32, #tpu.memory_space<vmem>>, %arg15: memref<2560x128xf32, #tpu.memory_space<vmem>>, %arg16: memref<4x2560xf32, #tpu.memory_space<vmem>>) attributes {dimension_semantics = [#tpu.dimension_semantics<arbitrary>], iteration_bounds = array<i64: 61>, scalar_prefetch = 0 : i64, scratch_operands = 0 : i64, tpu.core_type = #tpu.core_type<tc>, window_params = [{transform_indices = @transform_0, window_bounds = array<i64: 2560, 128>}, {transform_indices = @transform_1, window_bounds = array<i64: 2560, 128>}, {transform_indices = @transform_2, window_bounds = array<i64: 4, 2560>}, {transform_indices = @transform_3, window_bounds = array<i64: 16, 2560>}, {pipeline_mode = #tpu.pipeline_mode<synchronous>, transform_indices = @transform_4, window_bounds = array<i64: 4, 128>}, {pipeline_mode = #tpu.pipeline_mode<synchronous>, transform_indices = @transform_5, window_bounds = array<i64: 16, 128>}, {pipeline_mode = #tpu.pipeline_mode<synchronous>, transform_indices = @transform_6, window_bounds = array<i64: 128>}, {pipeline_mode = #tpu.pipeline_mode<synchronous>, transform_indices = @transform_7, window_bounds = array<i64: 128, 128>}, {pipeline_mode = #tpu.pipeline_mode<synchronous>, transform_indices = @transform_8, window_bounds = array<i64: 128>}, {pipeline_mode = #tpu.pipeline_mode<synchronous>, transform_indices = @transform_9, window_bounds = array<i64: 128>}, {pipeline_mode = #tpu.pipeline_mode<synchronous>, transform_indices = @transform_10, window_bounds = array<i64: 128>}, {pipeline_mode = #tpu.pipeline_mode<synchronous>, transform_indices = @transform_11, window_bounds = array<i64: 128, 128>}, {pipeline_mode = #tpu.pipeline_mode<synchronous>, transform_indices = @transform_12, window_bounds = array<i64: 128>}, {pipeline_mode = #tpu.pipeline_mode<synchronous>, transform_indices = @transform_13, window_bounds = array<i64: 128, 1>}, {transform_indices = @transform_14, window_bounds = array<i64: 2560, 128>}, {transform_indices = @transform_15, window_bounds = array<i64: 4, 2560>}]} {
    %get3A = arith.constant 0 : index
    %get3A_0 = arith.constant 0 : index
    %get3A_1 = vector.load %arg3[%get3A, %get3A_0] : memref<4x2560xf32, #tpu.memory_space<vmem>>, vector<4x2560xf32>
    %get3A_2 = arith.constant 0 : index
    %get3A_3 = arith.constant 0 : index
    %get3A_4 = vector.load %arg1[%get3A_2, %get3A_3] : memref<2560x128xf32, #tpu.memory_space<vmem>>, vector<2560x128xf32>
    %get3A_5 = arith.constant 0 : index
    %get3A_6 = arith.constant 0 : index
    %get3A_7 = vector.load %arg2[%get3A_5, %get3A_6] : memref<2560x128xf32, #tpu.memory_space<vmem>>, vector<2560x128xf32>
    %add3A = arith.addf %get3A_4, %get3A_7 : vector<2560x128xf32>
    %get3A_8 = arith.constant 0 : index
    %get3A_9 = arith.constant 0 : index
    %get3A_10 = vector.load %arg5[%get3A_8, %get3A_9] : memref<4x128xf32, #tpu.memory_space<vmem>>, vector<4x128xf32>
    %dot_general3A = arith.constant dense<0.000000e+00> : vector<2560x128xf32>
    %dot_general3A_11 = tpu.matmul %get3A_1, %get3A_10, %dot_general3A {dimension_numbers = #tpu.dot_dimension_numbers<[0], [0], [1], [1], [0, 1, 1, 1], [], []>, transpose_lhs_hint = false} : vector<4x2560xf32>, vector<4x128xf32>, vector<2560x128xf32> -> vector<2560x128xf32>
    %add3A_12 = arith.addf %add3A, %dot_general3A_11 : vector<2560x128xf32>
    %get3A_13 = arith.constant 0 : index
    %get3A_14 = arith.constant 0 : index
    %get3A_15 = vector.load %arg4[%get3A_13, %get3A_14] : memref<16x2560xf32, #tpu.memory_space<vmem>>, vector<16x2560xf32>
    %get3A_16 = arith.constant 0 : index
    %get3A_17 = arith.constant 0 : index
    %get3A_18 = vector.load %arg6[%get3A_16, %get3A_17] : memref<16x128xf32, #tpu.memory_space<vmem>>, vector<16x128xf32>
    %dot_general3A_19 = arith.constant dense<0.000000e+00> : vector<2560x128xf32>
    %dot_general3A_20 = tpu.matmul %get3A_15, %get3A_18, %dot_general3A_19 {dimension_numbers = #tpu.dot_dimension_numbers<[0], [0], [1], [1], [0, 1, 1, 1], [], []>, transpose_lhs_hint = false} : vector<16x2560xf32>, vector<16x128xf32>, vector<2560x128xf32> -> vector<2560x128xf32>
    %add3A_21 = arith.addf %add3A_12, %dot_general3A_20 : vector<2560x128xf32>
    %get3A_22 = arith.constant 0 : index
    %get3A_23 = vector.load %arg7[%get3A_22] : memref<128xf32, #tpu.memory_space<vmem>>, vector<128xf32>
    %broadcast_in_dim3A = vector.shape_cast %get3A_23 : vector<128xf32> to vector<1x128xf32>
    %add3A_24 = vector.broadcast %broadcast_in_dim3A : vector<1x128xf32> to vector<2560x128xf32>
    %add3A_25 = arith.addf %add3A_21, %add3A_24 : vector<2560x128xf32>
    %neg3A = arith.constant 0.000000e+00 : f32
    %neg3A_26 = vector.broadcast %neg3A : f32 to vector<2560x128xf32>
    %neg3A_27 = arith.subf %neg3A_26, %add3A_25 : vector<2560x128xf32>
    %exp3A = math.exp %neg3A_27 : vector<2560x128xf32>
    %add3A_28 = arith.constant 1.000000e+00 : f32
    %add3A_29 = vector.broadcast %add3A_28 : f32 to vector<2560x128xf32>
    %add3A_30 = arith.addf %add3A_29, %exp3A : vector<2560x128xf32>
    %div3A = arith.divf %add3A_25, %add3A_30 : vector<2560x128xf32>
    %get3A_31 = arith.constant 0 : index
    %get3A_32 = arith.constant 0 : index
    %get3A_33 = vector.load %arg8[%get3A_31, %get3A_32] : memref<128x128xf32, #tpu.memory_space<vmem>>, vector<128x128xf32>
    %dot_general3A_34 = arith.constant dense<0.000000e+00> : vector<2560x128xf32>
    %dot_general3A_35 = tpu.matmul %div3A, %get3A_33, %dot_general3A_34 {dimension_numbers = #tpu.dot_dimension_numbers<[1], [0], [0], [1], [0, 0, 1, 1], [], []>, transpose_lhs_hint = false} : vector<2560x128xf32>, vector<128x128xf32>, vector<2560x128xf32> -> vector<2560x128xf32>
    %get3A_36 = arith.constant 0 : index
    %get3A_37 = vector.load %arg9[%get3A_36] : memref<128xf32, #tpu.memory_space<vmem>>, vector<128xf32>
    %broadcast_in_dim3A_38 = vector.shape_cast %get3A_37 : vector<128xf32> to vector<1x128xf32>
    %add3A_39 = vector.broadcast %broadcast_in_dim3A_38 : vector<1x128xf32> to vector<2560x128xf32>
    %add3A_40 = arith.addf %dot_general3A_35, %add3A_39 : vector<2560x128xf32>
    %neg3A_41 = arith.constant 0.000000e+00 : f32
    %neg3A_42 = vector.broadcast %neg3A_41 : f32 to vector<2560x128xf32>
    %neg3A_43 = arith.subf %neg3A_42, %add3A_40 : vector<2560x128xf32>
    %exp3A_44 = math.exp %neg3A_43 : vector<2560x128xf32>
    %add3A_45 = arith.constant 1.000000e+00 : f32
    %add3A_46 = vector.broadcast %add3A_45 : f32 to vector<2560x128xf32>
    %add3A_47 = arith.addf %add3A_46, %exp3A_44 : vector<2560x128xf32>
    %div3A_48 = arith.divf %add3A_40, %add3A_47 : vector<2560x128xf32>
    %get3A_49 = arith.constant 0 : index
    %get3A_50 = vector.load %arg10[%get3A_49] : memref<128xf32, #tpu.memory_space<vmem>>, vector<128xf32>
    %get3A_51 = arith.constant 0 : index
    %get3A_52 = vector.load %arg11[%get3A_51] : memref<128xf32, #tpu.memory_space<vmem>>, vector<128xf32>
    %reduce_sum3A = arith.constant dense<0.000000e+00> : vector<2560xf32>
    %reduce_sum3A_53 = vector.multi_reduction <add>, %div3A_48, %reduce_sum3A [1] : vector<2560x128xf32> to vector<2560xf32>
    %broadcast_in_dim3A_54 = vector.shape_cast %reduce_sum3A_53 : vector<2560xf32> to vector<2560x1xf32>
    %div3A_55 = arith.constant 1.280000e+02 : f32
    %div3A_56 = vector.broadcast %div3A_55 : f32 to vector<2560x1xf32>
    %div3A_57 = arith.divf %broadcast_in_dim3A_54, %div3A_56 : vector<2560x1xf32>
    %sub3A = vector.broadcast %div3A_57 : vector<2560x1xf32> to vector<2560x128xf32>
    %sub3A_58 = arith.subf %div3A_48, %sub3A : vector<2560x128xf32>
    %integer_pow3A = arith.mulf %sub3A_58, %sub3A_58 : vector<2560x128xf32>
    %reduce_sum3A_59 = arith.constant dense<0.000000e+00> : vector<2560xf32>
    %reduce_sum3A_60 = vector.multi_reduction <add>, %integer_pow3A, %reduce_sum3A_59 [1] : vector<2560x128xf32> to vector<2560xf32>
    %broadcast_in_dim3A_61 = vector.shape_cast %reduce_sum3A_60 : vector<2560xf32> to vector<2560x1xf32>
    %div3A_62 = arith.constant 1.280000e+02 : f32
    %div3A_63 = vector.broadcast %div3A_62 : f32 to vector<2560x1xf32>
    %div3A_64 = arith.divf %broadcast_in_dim3A_61, %div3A_63 : vector<2560x1xf32>
    %sub3A_65 = vector.broadcast %div3A_57 : vector<2560x1xf32> to vector<2560x128xf32>
    %sub3A_66 = arith.subf %div3A_48, %sub3A_65 : vector<2560x128xf32>
    %add3A_67 = arith.constant 9.99999974E-6 : f32
    %add3A_68 = vector.broadcast %add3A_67 : f32 to vector<2560x1xf32>
    %add3A_69 = arith.addf %div3A_64, %add3A_68 : vector<2560x1xf32>
    %rsqrt3A = math.rsqrt %add3A_69 : vector<2560x1xf32>
    %mul3A = vector.broadcast %rsqrt3A : vector<2560x1xf32> to vector<2560x128xf32>
    %mul3A_70 = arith.mulf %sub3A_66, %mul3A : vector<2560x128xf32>
    %broadcast_in_dim3A_71 = vector.shape_cast %get3A_50 : vector<128xf32> to vector<1x128xf32>
    %mul3A_72 = vector.broadcast %broadcast_in_dim3A_71 : vector<1x128xf32> to vector<2560x128xf32>
    %mul3A_73 = arith.mulf %mul3A_70, %mul3A_72 : vector<2560x128xf32>
    %broadcast_in_dim3A_74 = vector.shape_cast %get3A_52 : vector<128xf32> to vector<1x128xf32>
    %add3A_75 = vector.broadcast %broadcast_in_dim3A_74 : vector<1x128xf32> to vector<2560x128xf32>
    %add3A_76 = arith.addf %mul3A_73, %add3A_75 : vector<2560x128xf32>
    %swap3A = arith.constant 0 : index
    %swap3A_77 = arith.constant 0 : index
    %swap3A_78 = vector.load %arg15[%swap3A, %swap3A_77] : memref<2560x128xf32, #tpu.memory_space<vmem>>, vector<2560x128xf32>
    tpu.vector_store %arg15[%swap3A, %swap3A_77], %add3A_76 {strides = array<i32>} : memref<2560x128xf32, #tpu.memory_space<vmem>>, vector<2560x128xf32>,
    %get3A_79 = arith.constant 0 : index
    %get3A_80 = arith.constant 0 : index
    %get3A_81 = vector.load %arg12[%get3A_79, %get3A_80] : memref<128x128xf32, #tpu.memory_space<vmem>>, vector<128x128xf32>
    %dot_general3A_82 = arith.constant dense<0.000000e+00> : vector<2560x128xf32>
    %dot_general3A_83 = tpu.matmul %add3A_76, %get3A_81, %dot_general3A_82 {dimension_numbers = #tpu.dot_dimension_numbers<[1], [0], [0], [1], [0, 0, 1, 1], [], []>, transpose_lhs_hint = false} : vector<2560x128xf32>, vector<128x128xf32>, vector<2560x128xf32> -> vector<2560x128xf32>
    %get3A_84 = arith.constant 0 : index
    %get3A_85 = vector.load %arg13[%get3A_84] : memref<128xf32, #tpu.memory_space<vmem>>, vector<128xf32>
    %broadcast_in_dim3A_86 = vector.shape_cast %get3A_85 : vector<128xf32> to vector<1x128xf32>
    %add3A_87 = vector.broadcast %broadcast_in_dim3A_86 : vector<1x128xf32> to vector<2560x128xf32>
    %add3A_88 = arith.addf %dot_general3A_83, %add3A_87 : vector<2560x128xf32>
    %neg3A_89 = arith.constant 0.000000e+00 : f32
    %neg3A_90 = vector.broadcast %neg3A_89 : f32 to vector<2560x128xf32>
    %neg3A_91 = arith.subf %neg3A_90, %add3A_88 : vector<2560x128xf32>
    %exp3A_92 = math.exp %neg3A_91 : vector<2560x128xf32>
    %add3A_93 = arith.constant 1.000000e+00 : f32
    %add3A_94 = vector.broadcast %add3A_93 : f32 to vector<2560x128xf32>
    %add3A_95 = arith.addf %add3A_94, %exp3A_92 : vector<2560x128xf32>
    %div3A_96 = arith.divf %add3A_88, %add3A_95 : vector<2560x128xf32>
    %get3A_97 = arith.constant 0 : index
    %get3A_98 = arith.constant 0 : index
    %get3A_99 = vector.load %arg14[%get3A_97, %get3A_98] : memref<128x1xf32, #tpu.memory_space<vmem>>, vector<128x1xf32>
    %dot_general3A_100 = arith.constant dense<0.000000e+00> : vector<1x2560xf32>
    %dot_general3A_101 = tpu.matmul %get3A_99, %div3A_96, %dot_general3A_100 {dimension_numbers = #tpu.dot_dimension_numbers<[0], [1], [1], [0], [0, 1, 1, 0], [], []>, transpose_lhs_hint = false} : vector<128x1xf32>, vector<2560x128xf32>, vector<1x2560xf32> -> vector<1x2560xf32>
    %mul3A_102 = vector.broadcast %dot_general3A_101 : vector<1x2560xf32> to vector<4x2560xf32>
    %mul3A_103 = arith.mulf %get3A_1, %mul3A_102 : vector<4x2560xf32>
    %swap3A_104 = arith.constant 0 : index
    %swap3A_105 = arith.constant 0 : index
    %swap3A_106 = vector.load %arg16[%swap3A_104, %swap3A_105] : memref<4x2560xf32, #tpu.memory_space<vmem>>, vector<4x2560xf32>
    tpu.vector_store %arg16[%swap3A_104, %swap3A_105], %mul3A_103 {strides = array<i32>} : memref<4x2560xf32, #tpu.memory_space<vmem>>, vector<4x2560xf32>,
    return
  }
  func.func @transform_0(%arg0: i32) -> (i32, i32) {
    %c0_i32 = arith.constant 0 : i32
    %c0_i32_0 = arith.constant 0 : i32
    return %arg0, %c0_i32 : i32, i32
  }
  func.func @transform_1(%arg0: i32) -> (i32, i32) {
    %c0_i32 = arith.constant 0 : i32
    %c0_i32_0 = arith.constant 0 : i32
    return %arg0, %c0_i32 : i32, i32
  }
  func.func @transform_2(%arg0: i32) -> (i32, i32) {
    %c0_i32 = arith.constant 0 : i32
    %c0_i32_0 = arith.constant 0 : i32
    return %c0_i32, %arg0 : i32, i32
  }
  func.func @transform_3(%arg0: i32) -> (i32, i32) {
    %c0_i32 = arith.constant 0 : i32
    %c0_i32_0 = arith.constant 0 : i32
    return %c0_i32, %arg0 : i32, i32
  }
  func.func @transform_4(%arg0: i32) -> (i32, i32) {
    %c0_i32 = arith.constant 0 : i32
    %c0_i32_0 = arith.constant 0 : i32
    %c0_i32_1 = arith.constant 0 : i32
    return %c0_i32, %c0_i32_0 : i32, i32
  }
  func.func @transform_5(%arg0: i32) -> (i32, i32) {
    %c0_i32 = arith.constant 0 : i32
    %c0_i32_0 = arith.constant 0 : i32
    %c0_i32_1 = arith.constant 0 : i32
    return %c0_i32, %c0_i32_0 : i32, i32
  }
  func.func @transform_6(%arg0: i32) -> i32 {
    %c0_i32 = arith.constant 0 : i32
    %c0_i32_0 = arith.constant 0 : i32
    return %c0_i32 : i32
  }
  func.func @transform_7(%arg0: i32) -> (i32, i32) {
    %c0_i32 = arith.constant 0 : i32
    %c0_i32_0 = arith.constant 0 : i32
    %c0_i32_1 = arith.constant 0 : i32
    return %c0_i32, %c0_i32_0 : i32, i32
  }
  func.func @transform_8(%arg0: i32) -> i32 {
    %c0_i32 = arith.constant 0 : i32
    %c0_i32_0 = arith.constant 0 : i32
    return %c0_i32 : i32
  }
  func.func @transform_9(%arg0: i32) -> i32 {
    %c0_i32 = arith.constant 0 : i32
    %c0_i32_0 = arith.constant 0 : i32
    return %c0_i32 : i32
  }
  func.func @transform_10(%arg0: i32) -> i32 {
    %c0_i32 = arith.constant 0 : i32
    %c0_i32_0 = arith.constant 0 : i32
    return %c0_i32 : i32
  }
  func.func @transform_11(%arg0: i32) -> (i32, i32) {
    %c0_i32 = arith.constant 0 : i32
    %c0_i32_0 = arith.constant 0 : i32
    %c0_i32_1 = arith.constant 0 : i32
    return %c0_i32, %c0_i32_0 : i32, i32
  }
  func.func @transform_12(%arg0: i32) -> i32 {
    %c0_i32 = arith.constant 0 : i32
    %c0_i32_0 = arith.constant 0 : i32
    return %c0_i32 : i32
  }
  func.func @transform_13(%arg0: i32) -> (i32, i32) {
    %c0_i32 = arith.constant 0 : i32
    %c0_i32_0 = arith.constant 0 : i32
    %c0_i32_1 = arith.constant 0 : i32
    return %c0_i32, %c0_i32_0 : i32, i32
  }
  func.func @transform_14(%arg0: i32) -> (i32, i32) {
    %c0_i32 = arith.constant 0 : i32
    %c0_i32_0 = arith.constant 0 : i32
    return %arg0, %c0_i32 : i32, i32
  }
  func.func @transform_15(%arg0: i32) -> (i32, i32) {
    %c0_i32 = arith.constant 0 : i32
    %c0_i32_0 = arith.constant 0 : i32
    return %c0_i32, %arg0 : i32, i32
  }
}

module attributes {stable_mosaic.version = 14 : i64} {
  func.func @_k6_body(%arg0: memref<2x3x10240xf32, #tpu.memory_space<vmem>>, %arg1: memref<2x3x10240xf32, #tpu.memory_space<vmem>>, %arg2: memref<2x10240xf32, #tpu.memory_space<vmem>>, %arg3: memref<2x10240xf32, #tpu.memory_space<vmem>>, %arg4: memref<3x10000xf32, #tpu.memory_space<vmem>>, %arg5: memref<3x10000xf32, #tpu.memory_space<vmem>>) attributes {dimension_semantics = [], scalar_prefetch = 0 : i64, scratch_operands = 0 : i64, tpu.core_type = #tpu.core_type<tc>} {
    %get3A = arith.constant 0 : index
    %get3A_0 = arith.constant 0 : index
    %get3A_1 = arith.constant 0 : index
    %get3A_2 = vector.load %arg0[%get3A, %get3A_0, %get3A_1] : memref<2x3x10240xf32, #tpu.memory_space<vmem>>, vector<1x3x10240xf32>
    %get3A_3 = vector.shape_cast %get3A_2 : vector<1x3x10240xf32> to vector<3x10240xf32>
    %get3A_4 = arith.constant 1 : index
    %get3A_5 = arith.constant 0 : index
    %get3A_6 = arith.constant 0 : index
    %get3A_7 = vector.load %arg0[%get3A_4, %get3A_5, %get3A_6] : memref<2x3x10240xf32, #tpu.memory_space<vmem>>, vector<1x3x10240xf32>
    %get3A_8 = vector.shape_cast %get3A_7 : vector<1x3x10240xf32> to vector<3x10240xf32>
    %add3A = arith.addf %get3A_3, %get3A_8 : vector<3x10240xf32>
    %get3A_9 = arith.constant 0 : index
    %get3A_10 = arith.constant 0 : index
    %get3A_11 = arith.constant 0 : index
    %get3A_12 = vector.load %arg1[%get3A_9, %get3A_10, %get3A_11] : memref<2x3x10240xf32, #tpu.memory_space<vmem>>, vector<1x3x10240xf32>
    %get3A_13 = vector.shape_cast %get3A_12 : vector<1x3x10240xf32> to vector<3x10240xf32>
    %add3A_14 = arith.addf %add3A, %get3A_13 : vector<3x10240xf32>
    %get3A_15 = arith.constant 1 : index
    %get3A_16 = arith.constant 0 : index
    %get3A_17 = arith.constant 0 : index
    %get3A_18 = vector.load %arg1[%get3A_15, %get3A_16, %get3A_17] : memref<2x3x10240xf32, #tpu.memory_space<vmem>>, vector<1x3x10240xf32>
    %get3A_19 = vector.shape_cast %get3A_18 : vector<1x3x10240xf32> to vector<3x10240xf32>
    %add3A_20 = arith.addf %add3A_14, %get3A_19 : vector<3x10240xf32>
    %get3A_21 = arith.constant 0 : index
    %get3A_22 = arith.constant 0 : index
    %get3A_23 = vector.load %arg2[%get3A_21, %get3A_22] : memref<2x10240xf32, #tpu.memory_space<vmem>>, vector<1x10000xf32>
    %get3A_24 = arith.constant 1 : index
    %get3A_25 = arith.constant 0 : index
    %get3A_26 = vector.load %arg2[%get3A_24, %get3A_25] : memref<2x10240xf32, #tpu.memory_space<vmem>>, vector<1x10000xf32>
    %add3A_27 = arith.addf %get3A_23, %get3A_26 : vector<1x10000xf32>
    %get3A_28 = arith.constant 0 : index
    %get3A_29 = arith.constant 0 : index
    %get3A_30 = vector.load %arg3[%get3A_28, %get3A_29] : memref<2x10240xf32, #tpu.memory_space<vmem>>, vector<1x10000xf32>
    %add3A_31 = arith.addf %add3A_27, %get3A_30 : vector<1x10000xf32>
    %get3A_32 = arith.constant 1 : index
    %get3A_33 = arith.constant 0 : index
    %get3A_34 = vector.load %arg3[%get3A_32, %get3A_33] : memref<2x10240xf32, #tpu.memory_space<vmem>>, vector<1x10000xf32>
    %add3A_35 = arith.addf %add3A_31, %get3A_34 : vector<1x10000xf32>
    %max3A = arith.constant 1.000000e+00 : f32
    %max3A_36 = vector.broadcast %max3A : f32 to vector<1x10000xf32>
    %max3A_37 = arith.maximumf %add3A_35, %max3A_36 : vector<1x10000xf32>
    %get3A_38 = arith.constant 0 : index
    %get3A_39 = arith.constant 0 : index
    %get3A_40 = vector.load %arg4[%get3A_38, %get3A_39] : memref<3x10000xf32, #tpu.memory_space<vmem>>, vector<3x10000xf32>
    %slice3A = vector.extract_strided_slice %add3A_20 {offsets = [0, 0], sizes = [3, 10000], strides = [1, 1]} : vector<3x10240xf32> to vector<3x10000xf32>
    %div3A = vector.broadcast %max3A_37 : vector<1x10000xf32> to vector<3x10000xf32>
    %div3A_41 = arith.divf %slice3A, %div3A : vector<3x10000xf32>
    %add3A_42 = arith.addf %get3A_40, %div3A_41 : vector<3x10000xf32>
    %swap3A = arith.constant 0 : index
    %swap3A_43 = arith.constant 0 : index
    %swap3A_44 = vector.load %arg5[%swap3A, %swap3A_43] : memref<3x10000xf32, #tpu.memory_space<vmem>>, vector<3x10000xf32>
    tpu.vector_store %arg5[%swap3A, %swap3A_43], %add3A_42 {strides = array<i32>} : memref<3x10000xf32, #tpu.memory_space<vmem>>, vector<3x10000xf32>,
    return
  }
}

module attributes {stable_mosaic.version = 14 : i64} {
  func.func @_k5_body(%arg0: i32, %arg1: memref<2000x128xf32, #tpu.memory_space<vmem>>, %arg2: memref<2000x128xf32, #tpu.memory_space<vmem>>, %arg3: memref<2x2000x128xf32, #tpu.memory_space<vmem>>, %arg4: memref<2x2000x128xf32, #tpu.memory_space<vmem>>, %arg5: memref<128x128xf32, #tpu.memory_space<vmem>>, %arg6: memref<128x128xf32, #tpu.memory_space<vmem>>, %arg7: memref<128xf32, #tpu.memory_space<vmem>>, %arg8: memref<128x128xf32, #tpu.memory_space<vmem>>, %arg9: memref<128xf32, #tpu.memory_space<vmem>>, %arg10: memref<2000x128xf32, #tpu.memory_space<vmem>>) attributes {dimension_semantics = [#tpu.dimension_semantics<arbitrary>], iteration_bounds = array<i64: 5>, scalar_prefetch = 0 : i64, scratch_operands = 0 : i64, tpu.core_type = #tpu.core_type<tc>, window_params = [{transform_indices = @transform_0, window_bounds = array<i64: 2000, 128>}, {transform_indices = @transform_1, window_bounds = array<i64: 2000, 128>}, {transform_indices = @transform_2, window_bounds = array<i64: 2, 2000, 128>}, {transform_indices = @transform_3, window_bounds = array<i64: 2, 2000, 128>}, {pipeline_mode = #tpu.pipeline_mode<synchronous>, transform_indices = @transform_4, window_bounds = array<i64: 128, 128>}, {pipeline_mode = #tpu.pipeline_mode<synchronous>, transform_indices = @transform_5, window_bounds = array<i64: 128, 128>}, {pipeline_mode = #tpu.pipeline_mode<synchronous>, transform_indices = @transform_6, window_bounds = array<i64: 128>}, {pipeline_mode = #tpu.pipeline_mode<synchronous>, transform_indices = @transform_7, window_bounds = array<i64: 128, 128>}, {pipeline_mode = #tpu.pipeline_mode<synchronous>, transform_indices = @transform_8, window_bounds = array<i64: 128>}, {transform_indices = @transform_9, window_bounds = array<i64: 2000, 128>}]} {
    %get3A = arith.constant 0 : index
    %get3A_0 = arith.constant 0 : index
    %get3A_1 = arith.constant 0 : index
    %get3A_2 = vector.load %arg3[%get3A, %get3A_0, %get3A_1] : memref<2x2000x128xf32, #tpu.memory_space<vmem>>, vector<1x2000x128xf32>
    %get3A_3 = vector.shape_cast %get3A_2 : vector<1x2000x128xf32> to vector<2000x128xf32>
    %get3A_4 = arith.constant 1 : index
    %get3A_5 = arith.constant 0 : index
    %get3A_6 = arith.constant 0 : index
    %get3A_7 = vector.load %arg3[%get3A_4, %get3A_5, %get3A_6] : memref<2x2000x128xf32, #tpu.memory_space<vmem>>, vector<1x2000x128xf32>
    %get3A_8 = vector.shape_cast %get3A_7 : vector<1x2000x128xf32> to vector<2000x128xf32>
    %add3A = arith.addf %get3A_3, %get3A_8 : vector<2000x128xf32>
    %get3A_9 = arith.constant 0 : index
    %get3A_10 = arith.constant 0 : index
    %get3A_11 = arith.constant 0 : index
    %get3A_12 = vector.load %arg4[%get3A_9, %get3A_10, %get3A_11] : memref<2x2000x128xf32, #tpu.memory_space<vmem>>, vector<1x2000x128xf32>
    %get3A_13 = vector.shape_cast %get3A_12 : vector<1x2000x128xf32> to vector<2000x128xf32>
    %add3A_14 = arith.addf %add3A, %get3A_13 : vector<2000x128xf32>
    %get3A_15 = arith.constant 1 : index
    %get3A_16 = arith.constant 0 : index
    %get3A_17 = arith.constant 0 : index
    %get3A_18 = vector.load %arg4[%get3A_15, %get3A_16, %get3A_17] : memref<2x2000x128xf32, #tpu.memory_space<vmem>>, vector<1x2000x128xf32>
    %get3A_19 = vector.shape_cast %get3A_18 : vector<1x2000x128xf32> to vector<2000x128xf32>
    %add3A_20 = arith.addf %add3A_14, %get3A_19 : vector<2000x128xf32>
    %get3A_21 = arith.constant 0 : index
    %get3A_22 = arith.constant 0 : index
    %get3A_23 = vector.load %arg2[%get3A_21, %get3A_22] : memref<2000x128xf32, #tpu.memory_space<vmem>>, vector<2000x128xf32>
    %get3A_24 = arith.constant 0 : index
    %get3A_25 = arith.constant 0 : index
    %get3A_26 = vector.load %arg5[%get3A_24, %get3A_25] : memref<128x128xf32, #tpu.memory_space<vmem>>, vector<128x128xf32>
    %dot_general3A = arith.constant dense<0.000000e+00> : vector<2000x128xf32>
    %dot_general3A_27 = tpu.matmul %get3A_23, %get3A_26, %dot_general3A {dimension_numbers = #tpu.dot_dimension_numbers<[1], [0], [0], [1], [0, 0, 1, 1], [], []>, transpose_lhs_hint = false} : vector<2000x128xf32>, vector<128x128xf32>, vector<2000x128xf32> -> vector<2000x128xf32>
    %get3A_28 = arith.constant 0 : index
    %get3A_29 = arith.constant 0 : index
    %get3A_30 = vector.load %arg6[%get3A_28, %get3A_29] : memref<128x128xf32, #tpu.memory_space<vmem>>, vector<128x128xf32>
    %dot_general3A_31 = arith.constant dense<0.000000e+00> : vector<2000x128xf32>
    %dot_general3A_32 = tpu.matmul %add3A_20, %get3A_30, %dot_general3A_31 {dimension_numbers = #tpu.dot_dimension_numbers<[1], [0], [0], [1], [0, 0, 1, 1], [], []>, transpose_lhs_hint = false} : vector<2000x128xf32>, vector<128x128xf32>, vector<2000x128xf32> -> vector<2000x128xf32>
    %add3A_33 = arith.addf %dot_general3A_27, %dot_general3A_32 : vector<2000x128xf32>
    %get3A_34 = arith.constant 0 : index
    %get3A_35 = vector.load %arg7[%get3A_34] : memref<128xf32, #tpu.memory_space<vmem>>, vector<128xf32>
    %broadcast_in_dim3A = vector.shape_cast %get3A_35 : vector<128xf32> to vector<1x128xf32>
    %add3A_36 = vector.broadcast %broadcast_in_dim3A : vector<1x128xf32> to vector<2000x128xf32>
    %add3A_37 = arith.addf %add3A_33, %add3A_36 : vector<2000x128xf32>
    %neg3A = arith.constant 0.000000e+00 : f32
    %neg3A_38 = vector.broadcast %neg3A : f32 to vector<2000x128xf32>
    %neg3A_39 = arith.subf %neg3A_38, %add3A_37 : vector<2000x128xf32>
    %exp3A = math.exp %neg3A_39 : vector<2000x128xf32>
    %add3A_40 = arith.constant 1.000000e+00 : f32
    %add3A_41 = vector.broadcast %add3A_40 : f32 to vector<2000x128xf32>
    %add3A_42 = arith.addf %add3A_41, %exp3A : vector<2000x128xf32>
    %div3A = arith.divf %add3A_37, %add3A_42 : vector<2000x128xf32>
    %get3A_43 = arith.constant 0 : index
    %get3A_44 = arith.constant 0 : index
    %get3A_45 = vector.load %arg8[%get3A_43, %get3A_44] : memref<128x128xf32, #tpu.memory_space<vmem>>, vector<128x128xf32>
    %dot_general3A_46 = arith.constant dense<0.000000e+00> : vector<2000x128xf32>
    %dot_general3A_47 = tpu.matmul %div3A, %get3A_45, %dot_general3A_46 {dimension_numbers = #tpu.dot_dimension_numbers<[1], [0], [0], [1], [0, 0, 1, 1], [], []>, transpose_lhs_hint = false} : vector<2000x128xf32>, vector<128x128xf32>, vector<2000x128xf32> -> vector<2000x128xf32>
    %get3A_48 = arith.constant 0 : index
    %get3A_49 = vector.load %arg9[%get3A_48] : memref<128xf32, #tpu.memory_space<vmem>>, vector<128xf32>
    %broadcast_in_dim3A_50 = vector.shape_cast %get3A_49 : vector<128xf32> to vector<1x128xf32>
    %add3A_51 = vector.broadcast %broadcast_in_dim3A_50 : vector<1x128xf32> to vector<2000x128xf32>
    %add3A_52 = arith.addf %dot_general3A_47, %add3A_51 : vector<2000x128xf32>
    %get3A_53 = arith.constant 0 : index
    %get3A_54 = arith.constant 0 : index
    %get3A_55 = vector.load %arg1[%get3A_53, %get3A_54] : memref<2000x128xf32, #tpu.memory_space<vmem>>, vector<2000x128xf32>
    %add3A_56 = arith.addf %get3A_55, %add3A_52 : vector<2000x128xf32>
    %swap3A = arith.constant 0 : index
    %swap3A_57 = arith.constant 0 : index
    %swap3A_58 = vector.load %arg10[%swap3A, %swap3A_57] : memref<2000x128xf32, #tpu.memory_space<vmem>>, vector<2000x128xf32>
    tpu.vector_store %arg10[%swap3A, %swap3A_57], %add3A_56 {strides = array<i32>} : memref<2000x128xf32, #tpu.memory_space<vmem>>, vector<2000x128xf32>,
    return
  }
  func.func @transform_0(%arg0: i32) -> (i32, i32) {
    %c0_i32 = arith.constant 0 : i32
    %c0_i32_0 = arith.constant 0 : i32
    return %arg0, %c0_i32 : i32, i32
  }
  func.func @transform_1(%arg0: i32) -> (i32, i32) {
    %c0_i32 = arith.constant 0 : i32
    %c0_i32_0 = arith.constant 0 : i32
    return %arg0, %c0_i32 : i32, i32
  }
  func.func @transform_2(%arg0: i32) -> (i32, i32, i32) {
    %c0_i32 = arith.constant 0 : i32
    %c0_i32_0 = arith.constant 0 : i32
    %c0_i32_1 = arith.constant 0 : i32
    return %c0_i32, %arg0, %c0_i32_0 : i32, i32, i32
  }
  func.func @transform_3(%arg0: i32) -> (i32, i32, i32) {
    %c0_i32 = arith.constant 0 : i32
    %c0_i32_0 = arith.constant 0 : i32
    %c0_i32_1 = arith.constant 0 : i32
    return %c0_i32, %arg0, %c0_i32_0 : i32, i32, i32
  }
  func.func @transform_4(%arg0: i32) -> (i32, i32) {
    %c0_i32 = arith.constant 0 : i32
    %c0_i32_0 = arith.constant 0 : i32
    %c0_i32_1 = arith.constant 0 : i32
    return %c0_i32, %c0_i32_0 : i32, i32
  }
  func.func @transform_5(%arg0: i32) -> (i32, i32) {
    %c0_i32 = arith.constant 0 : i32
    %c0_i32_0 = arith.constant 0 : i32
    %c0_i32_1 = arith.constant 0 : i32
    return %c0_i32, %c0_i32_0 : i32, i32
  }
  func.func @transform_6(%arg0: i32) -> i32 {
    %c0_i32 = arith.constant 0 : i32
    %c0_i32_0 = arith.constant 0 : i32
    return %c0_i32 : i32
  }
  func.func @transform_7(%arg0: i32) -> (i32, i32) {
    %c0_i32 = arith.constant 0 : i32
    %c0_i32_0 = arith.constant 0 : i32
    %c0_i32_1 = arith.constant 0 : i32
    return %c0_i32, %c0_i32_0 : i32, i32
  }
  func.func @transform_8(%arg0: i32) -> i32 {
    %c0_i32 = arith.constant 0 : i32
    %c0_i32_0 = arith.constant 0 : i32
    return %c0_i32 : i32
  }
  func.func @transform_9(%arg0: i32) -> (i32, i32) {
    %c0_i32 = arith.constant 0 : i32
    %c0_i32_0 = arith.constant 0 : i32
    return %arg0, %c0_i32 : i32, i32
  }
}

</mosaic_0001>

<sc_bundles>
// kernel: kernel.11.cloned.1.call-start
scs
__scs_entry_jumppad:
0x0: {  	(pc) =	sbr.rel $0x88, $3  }
0x1: {  	(tag) =	ssettag $0x0;
	lr =	simm.s32 $0x1  }
0x2: {  	[smem:$0x3F8E] =	sst lr;
	_ =	strace $0xD0000000  }
0x3: {  	_ = 	snop  }
0x4: {  	_ = 	snop  }
0x5: {  	_ = 	snop  }
0x6: {  	_ = 	snop  }
0x7: {  	_ = 	snop  }
__scs_overlays_trampoline_lowered:
0x8: {  	[smem:$0x3F9D] =	sst s0  }
0x9: {  	[smem:$0x3F9E] =	sst s1  }
0xa: {  	[smem:$0x3F9F] =	sst s2  }
0xb: {  	[smem:$0x3FA0] =	sst s3  }
0xc: {  	[smem:$0x3FA1] =	sst s4  }
0xd: {  	[smem:$0x3FA2] =	sst s5  }
0xe: {  	[smem:$0x3FA3] =	sst s6  }
0xf: {  	[smem:$0x3FA4] =	sst s7  }
0x10: {  	[smem:$0x3FA5] =	sst s8  }
0x11: {  	[smem:$0x3FA6] =	sst s9;
	s0 =	simm.s32 @!p0 $0x0  }
0x12: {  	s1 =	sld [smem:$0x3F8C];
	s0 =	simm.s32 @p0 $0x1  }
0x13: {  	[smem:$0x3FA7] =	sst s0;
	s0 =	simm.s32 @!p1 $0x0  }
0x14: {  	s2 =	sld [smem:$0x3F8B];
	s0 =	simm.s32 @p1 $0x1  }
0x15: {  	[smem:$0x3FA8] =	sst s0;
	s0 =	simm.s32 @!p2 $0x0  }
0x16: {  	s3 =	sld [smem:$0x3FDB];
	s0 =	simm.s32 @p2 $0x1  }
0x17: {  	s4 =	simm.s32 $0x1BF5;
	[smem:$0x3FAA] =	sst s0  }
0x18: {  	s0 =	sld [smem:$0x3F8D];
	_ =	swait.ge [sflag:s4], $0x0  }
0x19: {  	s7 =	sld [smem:$0x3F8E]  }
0x1a: {  	s8 =	sadd.s32 $0xFFFFE003, lr  }
0x1b: {  	s9 =	sadd.s32 $0xFFFFFEF7, lr;
	s5 =	simm.s32 $0xFFFFFFFF;
	p2 =	slt.u32 s8, $0xFFFFF086  }
0x1c: {  	p1 =	slt.u32 s9, $0xF7A;
	s5 =	simm.s32 @!p2 $0x0  }
0x1d: {  	s5 =	simm.s32 @p1 $0x1;
	p0 =	seq.s32 s7, s2  }
0x1e: {  	s7 =	smul.u32 @!p0 $0xF7A, s2;
	p2 =	seq.s32 @!p0 s5, $0x0  }
0x1f: {  	s9 =	smul.u32 $0xF7A, s1;
	s8 =	simm.s32 @!p0 $0x1BF5;
	p2 =	por !p2, p0  }
0x20: {  	[sflag:s8] =	ssyncset.s32 @!p0 $0xFFFFF086;
	s6 =	sadd.s32 @!p0 s3, s7;
	s7 =	simm.s32 @!p0 $0x108  }
0x21: {  	s3 =	sadd.s32 s3, s9;
	s6 =	sadd.s32 @!p0 $0x88, s6;
	s7 =	simm.s32 @p2 $0x1082  }
0x22: {  	[simem:s7], [sflag:s8] =	dma.local @!p0 [hbm:s6], $0xF7A  }
0x23: {  	s9 =	sor.u32 $0xD0000000, s2;
	s6 =	simm.s32 $0x108;
	_ =	swait.ge @!p0 [sflag:s8], $0x0  }
0x24: {  	s3 =	sadd.s32 $0x88, s3;
	s6 =	simm.s32 @!p1 $0x1082;
	[sflag:s4] =	ssyncset.s32 $0xFFFFF086  }
0x25: {  	[simem:s6], [sflag:s4] =	dma.local [hbm:s3], $0xF7A  }
0x26: {  	[smem:$0x3F8E] =	sst s1;
	(tag) =	ssettag s2;
	_ =	strace s9  }
0x27: {  	s1 =	sld [smem:$0x3F9E]  }
0x28: {  	s2 =	sld [smem:$0x3F9F]  }
0x29: {  	s4 =	sld [smem:$0x3FA1]  }
0x2a: {  	p0 =	seq.s32 s5, $0x0;
	s5 =	sld [smem:$0x3FA2]  }
0x2b: {  	s6 =	sld [smem:$0x3FA3]  }
0x2c: {  	s7 =	sld [smem:$0x3FA4]  }
0x2d: {  	s3 =	simm.s32 $0x108;
	s8 =	sld [smem:$0x3FA5]  }
0x2e: {  	s3 =	simm.s32 @!p0 $0x1082;
	s9 =	sld [smem:$0x3FA6]  }
0x2f: {  	lr =	sadd.s32 s0, s3;
	s0 =	sld [smem:$0x3F9D]  }
0x30: {  	s3 =	sld [smem:$0x3FA0]  }
0x31: {  	[smem:$0x3FA9] =	sst s10  }
0x32: {  	s10 =	sld [smem:$0x3FA7];
	_ =	sdelay $0x3  }
0x33: {  	p0 =	seq.s32 s10, $0x1;
	s10 =	sld [smem:$0x3FA9];
	_ =	sdelay $0x3  }
0x34: {  	[smem:$0x3FA9] =	sst s10  }
0x35: {  	s10 =	sld [smem:$0x3FA8];
	_ =	sdelay $0x3  }
0x36: {  	p1 =	seq.s32 s10, $0x1;
	s10 =	sld [smem:$0x3FA9];
	_ =	sdelay $0x3  }
0x37: {  	[smem:$0x3FA9] =	sst s10  }
0x38: {  	s10 =	sld [smem:$0x3FAA]  }
0x39: {  	_ = 	snop;
	(pc) =	sbr.ind lr, $3  }
0x3a: {  	_ = 	snop  }
0x3b: {  	_ = 	snop  }
0x3c: {  	p2 =	seq.s32 s10, $0x1;
	s10 =	sld [smem:$0x3FA9]  }
0x3d: {  	_ =	shalt  }
0x3e: {  	_ =	shalt  }
0x3f: {  	_ =	shalt  }
0x40: {  	_ =	shalt  }
0x41: {  	_ =	shalt  }
0x42: {  	_ =	shalt  }
0x43: {  	_ =	shalt  }
0x44: {  	_ =	shalt  }
0x45: {  	_ =	shalt  }
0x46: {  	_ =	shalt  }
0x47: {  	_ =	shalt  }
0x48: {  	_ =	shalt  }
0x49: {  	_ =	shalt  }
0x4a: {  	_ =	shalt  }
0x4b: {  	_ =	shalt  }
0x4c: {  	_ =	shalt  }
0x4d: {  	_ =	shalt  }
0x4e: {  	_ =	shalt  }
0x4f: {  	_ =	shalt  }
0x50: {  	_ =	shalt  }
0x51: {  	_ =	shalt  }
0x52: {  	_ =	shalt  }
0x53: {  	_ =	shalt  }
0x54: {  	_ =	shalt  }
0x55: {  	_ =	shalt  }
0x56: {  	_ =	shalt  }
0x57: {  	_ =	shalt  }
0x58: {  	_ =	shalt  }
0x59: {  	_ =	shalt  }
0x5a: {  	_ =	shalt  }
0x5b: {  	_ =	shalt  }
0x5c: {  	_ =	shalt  }
0x5d: {  	_ =	shalt  }
0x5e: {  	_ =	shalt  }
0x5f: {  	_ =	shalt  }
0x60: {  	_ =	shalt  }
0x61: {  	_ =	shalt  }
0x62: {  	_ =	shalt  }
0x63: {  	_ =	shalt  }
0x64: {  	_ =	shalt  }
0x65: {  	_ =	shalt  }
0x66: {  	_ =	shalt  }
0x67: {  	_ =	shalt  }
0x68: {  	_ =	shalt  }
0x69: {  	_ =	shalt  }
0x6a: {  	_ =	shalt  }
0x6b: {  	_ =	shalt  }
0x6c: {  	_ =	shalt  }
0x6d: {  	_ =	shalt  }
0x6e: {  	_ =	shalt  }
0x6f: {  	_ =	shalt  }
0x70: {  	_ =	shalt  }
0x71: {  	_ =	shalt  }
0x72: {  	_ =	shalt  }
0x73: {  	_ =	shalt  }
0x74: {  	_ =	shalt  }
0x75: {  	_ =	shalt  }
0x76: {  	_ =	shalt  }
0x77: {  	_ =	shalt  }
0x78: {  	_ =	shalt  }
0x79: {  	_ =	shalt  }
0x7a: {  	_ =	shalt  }
0x7b: {  	_ =	shalt  }
0x7c: {  	_ =	shalt  }
0x7d: {  	_ =	shalt  }
0x7e: {  	_ =	shalt  }
0x7f: {  	_ =	shalt  }
0x80: {  	_ =	shalt  }
0x81: {  	_ =	shalt  }
0x82: {  	_ =	shalt  }
0x83: {  	_ =	shalt  }
0x84: {  	_ =	shalt  }
0x85: {  	_ =	shalt  }
0x86: {  	_ =	shalt  }
0x87: {  	_ =	shalt  }
.Lfunc_end0:
.L_simem_size_0:
called_computation_lowered:
.L_overlay_start_0:
0x88: {  	s2 =	sld [smem:$0x3FD9]  }
0x89: {  	s3 =	sld [smem:$0x3FFE];
	_ =	sdelay $0x1  }
0x8a: {  	s1 =	srdreg.scid  }
0x8b: {  	s0 =	sand.u32 $0x1, s1  }
0x8c: {  	s14 =	sshll.u32 s0, $0xA;
	s2 =	sadd.s32 s3, s2  }
0x8d: {  	s2 =	sadd.s32 s2, s14  }
0x8e: {  	[smem:$0x3FB5] =	sst s2  }
0x8f: {  	_ = 	snop  }
0x90: {  	s2 =	sld [smem:$0x3FD0];
	_ =	sdelay $0x2  }
0x91: {  	s15 =	simm.s32 $0xB;
	s4 =	simm.s32 $0x10  }
0x92: {  	[smem:s4], [sflag:s15] =	dma.local [hbm:s2], $0x1  }
0x93: {  	_ =	swait.eq [sflag:s15], $0x1  }
0x94: {  	[sflag:s15] =	ssyncset.done $0x0  }
0x95: {  	[sflag:s15] =	ssyncadd.s32 $0xFFFFFFFF  }
0x96: {  	s16 =	sld [smem:$0x12];
	(tm) =	ssettm $0x1  }
0x97: {  	s17 =	sld [smem:$0x3FFB];
	_ =	sdelay $0x3  }
0x98: {  	_ =	strace s17  }
0x99: {  	s3 =	sld [smem:$0x3FFC];
	_ =	sdelay $0x3  }
0x9a: {  	_ =	strace s3  }
0x9b: {  	s3 =	sld [smem:$0x3FFD];
	_ =	sdelay $0x3  }
0x9c: {  	_ =	strace s3  }
0x9d: {  	_ =	strace $0x8FFFFFFF  }
0x9e: {  	s18 =	sld [smem:$0x3FDB];
	_ =	sdelay $0x1  }
0x9f: {  	s19 =	simm.s32 $_scs_section_size  }
0xa0: {  	s5 =	simm.s32 $_size__tile_overlayer_lowered;
	s6 =	simm.s32 $_tile_overlayer_lowered  }
0xa1: {  	s22 =	simm.s32 $0x1BFF;
	s21 =	sshll.u32 s6, $0x1;
	s3 =	sadd.s32 s19, s18  }
0xa2: {  	s7 =	simm.s32 $0x0;
	s20 =	sshll.u32 s5, $0x1;
	s5 =	sadd.s32 s21, s3  }
0xa3: {  	[timem:s7], [sflag:s22] =	dma.local [hbm:s5], s20  }
0xa4: {  	_ =	swait.ge [sflag:s22], s20  }
0xa5: {  	s4 =	ssub.s32 $0x0, s20;
	[sflag:s22] =	ssyncset.done $0x0  }
0xa6: {  	[sflag:s22] =	ssyncadd.s32 s4;
	_ =	sdelay $0x1  }
0xa7: {  	s23 =	simm.s32 $0x1B8B  }
0xa8: {  	_ =	swait.ge [sflag:s23], $0x1  }
0xa9: {  	[sflag:s23] =	ssyncset.done $0x0  }
0xaa: {  	s25 =	simm.s32 $0x1B8E;
	s24 =	sld [smem:$0x3FFE];
	[sflag:s23] =	ssyncadd.s32 $0xFFFFFFFF  }
0xab: {  	s26 =	simm.s32 $execute0_lowered;
	[smem:$0x3FD2] =	sst s25  }
0xac: {  	s5 =	sshll.u32 s26, $0x1;
	_ =	strace $0x80000046;
	[dreg:$0x1] =	wrdreg $0xFFFFFFFF  }
0xad: {  	s28 =	simm.s32 $_size_execute0_lowered;
	s3 =	sadd.s32 s3, s5;
	[dreg:$0x0] =	wrdreg $0x0  }
0xae: {  	s5 =	sshll.u32 s28, $0x1;
	[dreg:$0x2] =	wrdreg s3  }
0xaf: {  	[dreg:$0x3] =	wrdreg s5  }
0xb0: {  	[dreg:$0x4] =	wrdreg $0xC0  }
0xb1: {  	_ =	task [dreg:s7], $0x5FFFF  }
0xb2: {  	[dreg:$0x1] =	wrdreg $0xFFFFFFFF  }
0xb3: {  	[dreg:$0x0] =	wrdreg $0x60  }
0xb4: {  	[dreg:$0x2] =	wrdreg s16  }
0xb5: {  	[dreg:$0x3] =	wrdreg s24  }
0xb6: {  	[dreg:$0x4] =	wrdreg $0xA2D00  }
0xb7: {  	[dreg:$0x5] =	wrdreg $0x9  }
0xb8: {  	_ =	task.clear_ibuf [dreg:s7], $0x6FFFF;
	_ =	strace $0x90000046  }
0xb9: {  	s29 =	simm.s32 $0x9;
	_ =	strace $0x80000048  }
0xba: {  	_ =	swait.ge [sflag:s29], $0x1  }
0xbb: {  	[sflag:s29] =	ssyncadd.s32 $0xFFFFFFFF  }
0xbc: {  	_ =	strace $0x90000048  }
0xbd: {  	_ =	sfence  }
0xbe: {  	s30 =	sld [smem:$0x0];
	_ =	sdelay $0x2  }
0xbf: {  	s31 =	sshll.u32 s1, $0xD;
	s1 =	sshrl.u32 s1, $0x2  }
0xc0: {  	s3 =	sand.u32 $0x4000, s31;
	s1 =	sadd.s32 s1, s30  }
0xc1: {  	s0 =	sor.u32 s3, s0;
	s1 =	sshll.u32 s1, $0x11  }
0xc2: {  	s0 =	sor.u32 s1, s0  }
0xc3: {  	s0 =	sadd.s32 $0x8F2B, s0  }
0xc4: {  	[sflag:s0] =	ssyncadd.remote.s32 $0x1  }
0xc5: {  	_ =	sfence.sel $0xFFFF  }
0xc6: {  	[dreg:$0x0] =	wrdreg $0xFFFFFFFF;
	(pc) =	sbr.abs _section_cstart, $3  }
0xc7: {  	[dreg:$0x1] =	wrdreg $0xFFFFFFFF  }
0xc8: {  	_ =	task.clear_ibuf [dreg:s7], $0x2FFFF;
	_ =	strace $0x9FFFFFFF  }
0xc9: {  	(tm) =	ssettm $0x7FFFFFFF  }
tec
execute0_lowered:
.L_overlay_start_1:
0x0: {  	(tag) =	ssettag $0x1  }
0x1: {  	s2 =	rddreg [dreg:$0x0]  }
0x2: {  	s0 =	rddreg [dreg:$0x1]  }
0x3: {  	s3 =	rddreg [dreg:$0x2]  }
0x4: {  	s1 =	srdreg.scid;
	s15 =	stileid.u32;
	s4 =	simm.s32 $0x0  }
0x5: {  	s28 =	simm.s32 $0x50F0;
	s29 =	simm.s32 $0x5140;
	s30 =	simm.s32 $0x5190  }
0x6: {  	s31 =	simm.s32 $0x51E0;
	s1 =	sand.u32 $0x1, s1;
	s7 =	smul.u32 $0x2800, s15  }
0x7: {  	s5 =	sshll.u32 s15, $0x1;
	[smem:$0x7FF] =	sst s4;
	s9 =	smul.u32 $0x28000, s15  }
0x8: {  	s11 =	smul.u32 $0x280, s15;
	s14 =	sadd.s32 $0x39000, s0;
	s15 =	sshll.u32 s15, $0x6  }
0x9: {  	s8 =	smul.u32 $0x1400, s1;
	s6 =	sor.u32 s1, s5;
	_ =	strace $0x80000047  }
0xa: {  	s5 =	sadd.s32 $0x11E00, s0;
	s13 =	smul.u32 $0x2800, s1;
	[dreg:$0x4] =	wrdreg s14  }
0xb: {  	s20 =	ssub.s32 $0x2, s1;
	s14 =	sor.u32 $0x1C02, s15;
	s1 =	smul.u32 $0x14000, s1  }
0xc: {  	s10 =	smul.u32 $0x1400, s6;
	s6 =	sadd.s32 $0x7800, s0;
	s9 =	sadd.s32 s9, s0  }
0xd: {  	s21 =	sshrl.u32 s20, $0x1;
	[dreg:$0x5] =	wrdreg s14;
	s8 =	sadd.s32 s8, s7  }
0xe: {  	s7 =	sadd.s32 $0x7200, s0;
	s13 =	sadd.s32 s11, s13;
	s11 =	sadd.s32 s11, s3  }
0xf: {  	s26 =	sadd.s32 s1, s9;
	s9 =	simm.s32 $0xA280;
	s12 =	sshrl.u32 s8, $0x3  }
0x10: {  	s8 =	sadd.s32 $0x6C00, s0;
	s10 =	sshrl.u32 s10, $0x3;
	s13 =	sshrl.u32 s13, $0x3  }
0x11: {  	s1 =	sadd.s32 $0x4D200, s26;
	s12 =	sadd.s32 s12, s0;
	s10 =	sadd.s32 s10, s0  }
0x12: {  	s0 =	sadd.s32 s13, s0;
	[dreg:$0xc] =	wrdreg s1;
	s22 =	sadd.s32 $0x39200, s10  }
0x13: {  	s13 =	ssub.s32 s20, s21;
	s23 =	sadd.s32 $0x3E200, s10;
	[dreg:$0x6] =	wrdreg s22  }
0x14: {  	s1 =	simm.s32 $0x1;
	s24 =	sadd.s32 $0x43200, s10;
	[dreg:$0x7] =	wrdreg s23  }
0x15: {  	s10 =	sadd.s32 $0x48200, s10;
	s0 =	sadd.s32 $0x54D200, s0;
	[dreg:$0x8] =	wrdreg s24  }
0x16: {  	s25 =	smax.u32 s13, $0x1;
	s17 =	sadd.s32 $0xCE00, s12;
	[dreg:$0x9] =	wrdreg s10  }
0x17: {  	s18 =	sadd.s32 $0x7E00, s12;
	s12 =	sshrl.u32 s11, $0x3;
	[dreg:$0xa] =	wrdreg s0  }
0x18: {  	s11 =	simm.s32 $0x7A80;
	s13 =	simm.s32 $0x0;
	[dreg:$0xb] =	wrdreg s25  }
0x19: {  	s0 =	sadd.s32 $0x2CD200, s26;
	s22 =	simm.s32 $0x2;
	s23 =	simm.s32 $0x50  }
0x1a: {  	s24 =	simm.s32 $0xA0;
	s25 =	simm.s32 $0x28A0;
	[dreg:$0xe] =	wrdreg s12  }
0x1b: {  	v0 =	vimm.f32 $1.000000000e+00;
	s26 =	simm.s32 $0x50A0;
	[dreg:$0xd] =	wrdreg s0;
	s0 =	simm.s32 $0x5230  }
.LBB2_1:
0x1c: {  	[dreg:$0xf] =	wrdreg s13  }
0x1d: {  	s10 =	rddreg [dreg:$0x4]  }
0x1e: {  	[spmem:s12], [sflag:s14] =	dma.local [hbm:s10], $0x50  }
0x1f: {  	_ =	swait.ge [sflag:s22], $0x50  }
0x20: {  	[sflag:s22] =	ssyncset.done $0x0  }
0x21: {  	[sflag:s22] =	ssyncadd.s32 $0xFFFFFFB0  }
0x22: {  	[tilespmem:$0xA280] =	vst v0  }
0x23: {  	[tilespmem:$0xA290] =	vst v0  }
0x24: {  	[tilespmem:$0xA2A0] =	vst v0  }
0x25: {  	[tilespmem:$0xA2B0] =	vst v0  }
0x26: {  	[tilespmem:$0xA2C0] =	vst v0  }
0x27: {  	s20 =	sadd.s32 $0x0, s17;
	[bflag:$0x0] =	sbarrier.arrive $0xFFFF  }
0x28: {  	[tilespmem:s4], [sflag:$0x2] =	stream.linear.gather [hbm4b:s20+s4], $0x50, $0x38;
	[tilespmem:$0xA550] =	vst v63  }
0x29: {  	_ =	swait.ge [sflag:s22], $0x50  }
0x2a: {  	[sflag:s22] =	ssyncset.done $0x0  }
0x2b: {  	s21 =	sadd.s32 $0x0, s18;
	[sflag:s22] =	ssyncadd.s32 $0xFFFFFFB0  }
0x2c: {  	[tilespmem:s23], [sflag:$0x2] =	stream.linear.gather [hbm4b:s21+s4], $0x50, $0x38;
	[tilespmem:$0xA550] =	vst v63  }
0x2d: {  	_ =	swait.ge [sflag:s22], $0x50  }
0x2e: {  	[sflag:s22] =	ssyncset.done $0x0  }
0x2f: {  	[sflag:s22] =	ssyncadd.s32 $0xFFFFFFB0  }
0x30: {  	[tilespmem:s24], [sflag:$0x1] =	stream.indirect.gather [hbm4b:s2+s23], $0x80, s4, s23, $0xb8;
	[tilespmem:$0xA550] =	vst v63  }
0x31: {  	_ = 	snop  }
0x32: {  	[tilespmem:s25], [sflag:$0x1] =	stream.indirect.gather [hbm4b:s5+s23], $0x80, s23, s23, $0xb8;
	[tilespmem:$0xA550] =	vst v63  }
0x33: {  	_ = 	snop  }
0x34: {  	[tilespmem:s26], [sflag:$0x1] =	stream.indirect.gather [hbm4b:s6+s23], $0x1, s4, s23, $0xb8;
	[tilespmem:$0xA550] =	vst v63  }
0x35: {  	_ = 	snop  }
0x36: {  	[tilespmem:s28], [sflag:$0x1] =	stream.indirect.gather [hbm4b:s7+s23], $0x1, s4, s23, $0xb8;
	[tilespmem:$0xA550] =	vst v63  }
0x37: {  	_ = 	snop  }
0x38: {  	[tilespmem:s29], [sflag:$0x1] =	stream.indirect.gather [hbm4b:s8+s23], $0x1, s4, s23, $0xb8;
	[tilespmem:$0xA550] =	vst v63  }
0x39: {  	_ = 	snop  }
0x3a: {  	[tilespmem:s30], [sflag:$0x1] =	stream.indirect.gather [hbm4b:s6+s23], $0x1, s23, s23, $0xb8;
	[tilespmem:$0xA550] =	vst v63  }
0x3b: {  	_ = 	snop  }
0x3c: {  	[tilespmem:s31], [sflag:$0x1] =	stream.indirect.gather [hbm4b:s7+s23], $0x1, s23, s23, $0xb8;
	[tilespmem:$0xA550] =	vst v63  }
0x3d: {  	_ = 	snop  }
0x3e: {  	[tilespmem:s0], [sflag:$0x1] =	stream.indirect.gather [hbm4b:s8+s23], $0x1, s23, s23, $0xb8;
	[tilespmem:$0xA550] =	vst v63  }
0x3f: {  	_ =	swait.ge [sflag:s1], $0x2800  }
0x40: {  	[sflag:s1] =	ssyncset.done $0x0  }
0x41: {  	[sflag:s1] =	ssyncadd.s32 $0xFFFFD800  }
0x42: {  	_ =	swait.ge [sflag:s1], $0x2800  }
0x43: {  	[sflag:s1] =	ssyncset.done $0x0  }
0x44: {  	[sflag:s1] =	ssyncadd.s32 $0xFFFFD800  }
0x45: {  	_ =	swait.ge [sflag:s1], $0x50  }
0x46: {  	[sflag:s1] =	ssyncset.done $0x0  }
0x47: {  	[sflag:s1] =	ssyncadd.s32 $0xFFFFFFB0  }
0x48: {  	_ =	swait.ge [sflag:s1], $0x50  }
0x49: {  	[sflag:s1] =	ssyncset.done $0x0  }
0x4a: {  	[sflag:s1] =	ssyncadd.s32 $0xFFFFFFB0  }
0x4b: {  	_ =	swait.ge [sflag:s1], $0x50  }
0x4c: {  	[sflag:s1] =	ssyncset.done $0x0  }
0x4d: {  	[sflag:s1] =	ssyncadd.s32 $0xFFFFFFB0  }
0x4e: {  	_ =	swait.ge [sflag:s1], $0x50  }
0x4f: {  	[sflag:s1] =	ssyncset.done $0x0  }
0x50: {  	[sflag:s1] =	ssyncadd.s32 $0xFFFFFFB0  }
0x51: {  	_ =	swait.ge [sflag:s1], $0x50  }
0x52: {  	[sflag:s1] =	ssyncset.done $0x0  }
0x53: {  	[sflag:s1] =	ssyncadd.s32 $0xFFFFFFB0  }
0x54: {  	_ =	swait.ge [sflag:s1], $0x50  }
0x55: {  	[sflag:s1] =	ssyncset.done $0x0  }
0x56: {  	[sflag:s1] =	ssyncadd.s32 $0xFFFFFFB0  }
0x57: {  	v1 =	vld [tilespmem:$0x51E0]  }
0x58: {  	v2 =	vld [tilespmem:$0x50A0]  }
0x59: {  	v3 =	vld [tilespmem:$0x50F0]  }
0x5a: {  	v4 =	vld [tilespmem:$0x5190]  }
0x5b: {  	v5 =	vld [tilespmem:$0x5140]  }
0x5c: {  	v6 =	vld [tilespmem:$0x5230];
	_ =	sdelay $0x2  }
0x5d: {  	v1 =	vsub.f32 v3, v1;
	v2 =	vsub.f32 v2, v4;
	_ =	sdelay $0x1  }
0x5e: {  	v3 =	vsub.f32 v5, v6;
	v4 =	vmul.f32 v1, v1;
	v5 =	vmul.f32 v2, v2;
	_ =	sdelay $0x1  }
0x5f: {  	v6 =	vmul.f32 v3, v3;
	v4 =	vadd.f32 v4, v5  }
0x60: {  	[tilespmem:s11+$0x0] =	vst v3  }
0x61: {  	[tilespmem:s11+$0xFFFFEC00] =	vst v1;
	v1 =	vadd.f32 v6, v4  }
0x62: {  	[tilespmem:s11+$0xFFFFD800] =	vst v2  }
0x63: {  	[tilespmem:s11+$0x1400] =	vst v1  }
0x64: {  	v1 =	vld [tilespmem:$0x50B0]  }
0x65: {  	v2 =	vld [tilespmem:$0x51A0]  }
0x66: {  	v3 =	vld [tilespmem:$0x51F0]  }
0x67: {  	v4 =	vld [tilespmem:$0x5100]  }
0x68: {  	v5 =	vld [tilespmem:$0x5240]  }
0x69: {  	v60 =	vld [tilespmem:$0x5150];
	_ =	sdelay $0x2  }
0x6a: {  	v1 =	vsub.f32 v1, v2;
	v2 =	vsub.f32 v4, v3;
	_ =	sdelay $0x1  }
0x6b: {  	v4 =	vsub.f32 v60, v5;
	v3 =	vmul.f32 v1, v1;
	v5 =	vmul.f32 v2, v2;
	_ =	sdelay $0x1  }
0x6c: {  	v3 =	vadd.f32 v5, v3;
	v5 =	vmul.f32 v4, v4  }
0x6d: {  	[tilespmem:s11+$0xFFFFD810] =	vst v1  }
0x6e: {  	[tilespmem:s11+$0xFFFFEC10] =	vst v2;
	v1 =	vadd.f32 v5, v3  }
0x6f: {  	[tilespmem:s11+$0x10] =	vst v4  }
0x70: {  	[tilespmem:s11+$0x1410] =	vst v1  }
0x71: {  	v1 =	vld [tilespmem:$0x5200]  }
0x72: {  	v2 =	vld [tilespmem:$0x50C0]  }
0x73: {  	v3 =	vld [tilespmem:$0x51B0]  }
0x74: {  	v4 =	vld [tilespmem:$0x5110]  }
0x75: {  	v5 =	vld [tilespmem:$0x5250]  }
0x76: {  	v61 =	vld [tilespmem:$0x5160];
	_ =	sdelay $0x2  }
0x77: {  	v2 =	vsub.f32 v2, v3;
	v1 =	vsub.f32 v4, v1;
	_ =	sdelay $0x1  }
0x78: {  	v3 =	vsub.f32 v61, v5;
	v4 =	vmul.f32 v2, v2;
	v5 =	vmul.f32 v1, v1;
	_ =	sdelay $0x1  }
0x79: {  	v4 =	vadd.f32 v5, v4;
	v5 =	vmul.f32 v3, v3  }
0x7a: {  	[tilespmem:s11+$0xFFFFD820] =	vst v2  }
0x7b: {  	[tilespmem:s11+$0xFFFFEC20] =	vst v1;
	v1 =	vadd.f32 v5, v4  }
0x7c: {  	[tilespmem:s11+$0x20] =	vst v3  }
0x7d: {  	[tilespmem:s11+$0x1420] =	vst v1  }
0x7e: {  	v1 =	vld [tilespmem:$0x51C0]  }
0x7f: {  	v2 =	vld [tilespmem:$0x50D0]  }
0x80: {  	v3 =	vld [tilespmem:$0x5210]  }
0x81: {  	v4 =	vld [tilespmem:$0x5120]  }
0x82: {  	v5 =	vld [tilespmem:$0x5170]  }
0x83: {  	v62 =	vld [tilespmem:$0x5260];
	_ =	sdelay $0x2  }
0x84: {  	v1 =	vsub.f32 v2, v1;
	v2 =	vsub.f32 v4, v3;
	_ =	sdelay $0x1  }
0x85: {  	v4 =	vsub.f32 v5, v62;
	v3 =	vmul.f32 v1, v1;
	v5 =	vmul.f32 v2, v2;
	_ =	sdelay $0x1  }
0x86: {  	v3 =	vadd.f32 v5, v3;
	v5 =	vmul.f32 v4, v4  }
0x87: {  	[tilespmem:s11+$0xFFFFD830] =	vst v1  }
0x88: {  	[tilespmem:s11+$0xFFFFEC30] =	vst v2;
	v1 =	vadd.f32 v5, v3  }
0x89: {  	[tilespmem:s11+$0x30] =	vst v4  }
0x8a: {  	[tilespmem:s11+$0x1430] =	vst v1  }
0x8b: {  	v2 =	vld [tilespmem:$0x5180]  }
0x8c: {  	v1 =	vld [tilespmem:$0x50E0]  }
0x8d: {  	v3 =	vld [tilespmem:$0x5270]  }
0x8e: {  	v4 =	vld [tilespmem:$0x5220]  }
0x8f: {  	v5 =	vld [tilespmem:$0x51D0]  }
0x90: {  	v63 =	vld [tilespmem:$0x5130];
	_ =	sdelay $0x2  }
0x91: {  	s19 =	rddreg [dreg:$0xc]  }
0x92: {  	s16 =	simm.s32 $0xA;
	s10 =	simm.s32 $0x7A80;
	s20 =	rddreg [dreg:$0xd];
	v1 =	vsub.f32 v1, v5;
	v2 =	vsub.f32 v2, v3  }
0x93: {  	s14 =	simm.s32 $0x7A80;
	s15 =	smov.u32 s19;
	s13 =	smov.u32 s20;
	v3 =	vsub.f32 v63, v4  }
.LBB2_2:
0x94: {  	v4 =	vmul.f32 v1, v1;
	v5 =	vmul.f32 v2, v2;
	s15 =	sadd.s32 $0x500, s15;
	s13 =	sadd.s32 $0x500, s13;
	s10 =	sadd.s32 $0x50, s10  }
0x95: {  	p0 =	sne.s32 s16, $0x276;
	s21 =	smov.u32 s16;
	s16 =	sadd.s32 $0xA, s16;
	[tilespmem:s14+$0xFFFFEC40] =	vst v3;
	v3 =	vmul.f32 v3, v3  }
0x96: {  	_ = 	snop  }
0x97: {  	v3 =	vadd.f32 v3, v4;
	_ =	sdelay $0x1  }
0x98: {  	[tilespmem:s14+$0x40] =	vst v2;
	v2 =	vadd.f32 v5, v3  }
0x99: {  	[tilespmem:s14+$0xFFFFD840] =	vst v1  }
0x9a: {  	[tilespmem:s14+$0x1440] =	vst v2;
	s14 =	smov.u32 s10  }
0x9b: {  	[hbm4b:s19+s4] =	stream.linear.scatter [tilespmem:s24], [sflag:$0x2], $0x2800, $0x38;
	[tilespmem:$0xA550] =	vst v63  }
0x9c: {  	s19 =	smov.u32 s15;
	_ =	swait.ge [sflag:s22], $0x2800  }
0x9d: {  	[sflag:s22] =	ssyncset.done $0x0  }
0x9e: {  	[sflag:s22] =	ssyncadd.s32 $0xFFFFD800  }
0x9f: {  	[hbm4b:s20+s4] =	stream.linear.scatter [tilespmem:s25], [sflag:$0x2], $0x2800, $0x38;
	[tilespmem:$0xA550] =	vst v63  }
0xa0: {  	s20 =	smov.u32 s13;
	_ =	swait.ge [sflag:s22], $0x2800  }
0xa1: {  	[sflag:s22] =	ssyncset.done $0x0  }
0xa2: {  	[sflag:s22] =	ssyncadd.s32 $0xFFFFD800  }
0xa3: {  	[spmem:s3] =	stream.indirect.scatter.add.f32 [tilespmem:s9], [sflag:$0x2], $0x1, s4, s23, $0xb8;
	[tilespmem:$0xA550] =	vst v63  }
0xa4: {  	_ =	swait.ge [sflag:s22], $0x50  }
0xa5: {  	[sflag:s22] =	ssyncset.done $0x0  }
0xa6: {  	s12 =	sadd.s32 s21, s17;
	[sflag:s22] =	ssyncadd.s32 $0xFFFFFFB0  }
0xa7: {  	[tilespmem:s4], [sflag:$0x2] =	stream.linear.gather [hbm4b:s12+s4], $0x50, $0x38;
	[tilespmem:$0xA550] =	vst v63  }
0xa8: {  	_ =	swait.ge [sflag:s22], $0x50  }
0xa9: {  	[sflag:s22] =	ssyncset.done $0x0  }
0xaa: {  	s12 =	sadd.s32 s21, s18;
	[sflag:s22] =	ssyncadd.s32 $0xFFFFFFB0  }
0xab: {  	[tilespmem:s23], [sflag:$0x2] =	stream.linear.gather [hbm4b:s12+s4], $0x50, $0x38;
	[tilespmem:$0xA550] =	vst v63  }
0xac: {  	_ =	swait.ge [sflag:s22], $0x50  }
0xad: {  	[sflag:s22] =	ssyncset.done $0x0  }
0xae: {  	[sflag:s22] =	ssyncadd.s32 $0xFFFFFFB0  }
0xaf: {  	[tilespmem:s24], [sflag:$0x1] =	stream.indirect.gather [hbm4b:s2+s23], $0x80, s4, s23, $0xb8;
	[tilespmem:$0xA550] =	vst v63  }
0xb0: {  	_ = 	snop  }
0xb1: {  	[tilespmem:s25], [sflag:$0x1] =	stream.indirect.gather [hbm4b:s5+s23], $0x80, s23, s23, $0xb8;
	[tilespmem:$0xA550] =	vst v63  }
0xb2: {  	_ = 	snop  }
0xb3: {  	[tilespmem:s26], [sflag:$0x1] =	stream.indirect.gather [hbm4b:s6+s23], $0x1, s4, s23, $0xb8;
	[tilespmem:$0xA550] =	vst v63  }
0xb4: {  	_ = 	snop  }
0xb5: {  	[tilespmem:s28], [sflag:$0x1] =	stream.indirect.gather [hbm4b:s7+s23], $0x1, s4, s23, $0xb8;
	[tilespmem:$0xA550] =	vst v63  }
0xb6: {  	_ = 	snop  }
0xb7: {  	[tilespmem:s29], [sflag:$0x1] =	stream.indirect.gather [hbm4b:s8+s23], $0x1, s4, s23, $0xb8;
	[tilespmem:$0xA550] =	vst v63  }
0xb8: {  	_ = 	snop  }
0xb9: {  	[tilespmem:s30], [sflag:$0x1] =	stream.indirect.gather [hbm4b:s6+s23], $0x1, s23, s23, $0xb8;
	[tilespmem:$0xA550] =	vst v63  }
0xba: {  	_ = 	snop  }
0xbb: {  	[tilespmem:s31], [sflag:$0x1] =	stream.indirect.gather [hbm4b:s7+s23], $0x1, s23, s23, $0xb8;
	[tilespmem:$0xA550] =	vst v63  }
0xbc: {  	_ = 	snop  }
0xbd: {  	[tilespmem:s0], [sflag:$0x1] =	stream.indirect.gather [hbm4b:s8+s23], $0x1, s23, s23, $0xb8;
	[tilespmem:$0xA550] =	vst v63  }
0xbe: {  	_ =	swait.ge [sflag:s1], $0x2800  }
0xbf: {  	[sflag:s1] =	ssyncset.done $0x0  }
0xc0: {  	[sflag:s1] =	ssyncadd.s32 $0xFFFFD800  }
0xc1: {  	_ =	swait.ge [sflag:s1], $0x2800  }
0xc2: {  	[sflag:s1] =	ssyncset.done $0x0  }
0xc3: {  	[sflag:s1] =	ssyncadd.s32 $0xFFFFD800  }
0xc4: {  	_ =	swait.ge [sflag:s1], $0x50  }
0xc5: {  	[sflag:s1] =	ssyncset.done $0x0  }
0xc6: {  	[sflag:s1] =	ssyncadd.s32 $0xFFFFFFB0  }
0xc7: {  	_ =	swait.ge [sflag:s1], $0x50  }
0xc8: {  	[sflag:s1] =	ssyncset.done $0x0  }
0xc9: {  	[sflag:s1] =	ssyncadd.s32 $0xFFFFFFB0  }
0xca: {  	_ =	swait.ge [sflag:s1], $0x50  }
0xcb: {  	[sflag:s1] =	ssyncset.done $0x0  }
0xcc: {  	[sflag:s1] =	ssyncadd.s32 $0xFFFFFFB0  }
0xcd: {  	_ =	swait.ge [sflag:s1], $0x50  }
0xce: {  	[sflag:s1] =	ssyncset.done $0x0  }
0xcf: {  	[sflag:s1] =	ssyncadd.s32 $0xFFFFFFB0  }
0xd0: {  	_ =	swait.ge [sflag:s1], $0x50  }
0xd1: {  	[sflag:s1] =	ssyncset.done $0x0  }
0xd2: {  	[sflag:s1] =	ssyncadd.s32 $0xFFFFFFB0  }
0xd3: {  	_ =	swait.ge [sflag:s1], $0x50  }
0xd4: {  	[sflag:s1] =	ssyncset.done $0x0  }
0xd5: {  	[sflag:s1] =	ssyncadd.s32 $0xFFFFFFB0  }
0xd6: {  	v1 =	vld [tilespmem:$0x5140]  }
0xd7: {  	v2 =	vld [tilespmem:$0x5230]  }
0xd8: {  	v3 =	vld [tilespmem:$0x51E0]  }
0xd9: {  	v4 =	vld [tilespmem:$0x50A0]  }
0xda: {  	v5 =	vld [tilespmem:$0x50F0]  }
0xdb: {  	v6 =	vld [tilespmem:$0x5190];
	_ =	sdelay $0x3  }
0xdc: {  	v1 =	vsub.f32 v1, v2;
	v3 =	vsub.f32 v5, v3  }
0xdd: {  	v2 =	vsub.f32 v4, v6  }
0xde: {  	v4 =	vmul.f32 v3, v3  }
0xdf: {  	v6 =	vmul.f32 v1, v1;
	v5 =	vmul.f32 v2, v2;
	_ =	sdelay $0x1  }
0xe0: {  	v4 =	vadd.f32 v4, v5  }
0xe1: {  	[tilespmem:s10+$0x0] =	vst v1  }
0xe2: {  	[tilespmem:s10+$0xFFFFEC00] =	vst v3;
	v1 =	vadd.f32 v6, v4  }
0xe3: {  	[tilespmem:s10+$0xFFFFD800] =	vst v2  }
0xe4: {  	[tilespmem:s10+$0x1400] =	vst v1  }
0xe5: {  	v1 =	vld [tilespmem:$0x50B0]  }
0xe6: {  	v2 =	vld [tilespmem:$0x51A0]  }
0xe7: {  	v3 =	vld [tilespmem:$0x51F0]  }
0xe8: {  	v4 =	vld [tilespmem:$0x5100]  }
0xe9: {  	v5 =	vld [tilespmem:$0x5240]  }
0xea: {  	v6 =	vld [tilespmem:$0x5150]  }
0xeb: {  	v1 =	vsub.f32 v1, v2;
	_ =	sdelay $0x1  }
0xec: {  	v2 =	vsub.f32 v4, v3;
	v3 =	vmul.f32 v1, v1;
	_ =	sdelay $0x1  }
0xed: {  	v4 =	vsub.f32 v6, v5;
	v5 =	vmul.f32 v2, v2;
	_ =	sdelay $0x1  }
0xee: {  	v3 =	vadd.f32 v5, v3;
	v5 =	vmul.f32 v4, v4  }
0xef: {  	[tilespmem:s10+$0xFFFFD810] =	vst v1  }
0xf0: {  	[tilespmem:s10+$0xFFFFEC10] =	vst v2;
	v1 =	vadd.f32 v5, v3  }
0xf1: {  	[tilespmem:s10+$0x10] =	vst v4  }
0xf2: {  	[tilespmem:s10+$0x1410] =	vst v1  }
0xf3: {  	v1 =	vld [tilespmem:$0x5200]  }
0xf4: {  	v2 =	vld [tilespmem:$0x50C0]  }
0xf5: {  	v3 =	vld [tilespmem:$0x51B0]  }
0xf6: {  	v4 =	vld [tilespmem:$0x5110]  }
0xf7: {  	v5 =	vld [tilespmem:$0x5250]  }
0xf8: {  	v6 =	vld [tilespmem:$0x5160];
	_ =	sdelay $0x1  }
0xf9: {  	v2 =	vsub.f32 v2, v3  }
0xfa: {  	v1 =	vsub.f32 v4, v1  }
0xfb: {  	[tilespmem:s10+$0xFFFFD820] =	vst v2  }
0xfc: {  	v2 =	vmul.f32 v2, v2;
	v3 =	vsub.f32 v6, v5;
	[tilespmem:s10+$0xFFFFEC20] =	vst v1;
	v1 =	vmul.f32 v1, v1;
	_ =	sdelay $0x1  }
0xfd: {  	[tilespmem:s10+$0x20] =	vst v3;
	v1 =	vadd.f32 v1, v2;
	v2 =	vmul.f32 v3, v3;
	_ =	sdelay $0x1  }
0xfe: {  	v1 =	vadd.f32 v2, v1;
	_ =	sdelay $0x1  }
0xff: {  	[tilespmem:s10+$0x1420] =	vst v1  }
0x100: {  	v1 =	vld [tilespmem:$0x51C0]  }
0x101: {  	v2 =	vld [tilespmem:$0x50D0]  }
0x102: {  	v3 =	vld [tilespmem:$0x5210]  }
0x103: {  	v4 =	vld [tilespmem:$0x5120]  }
0x104: {  	v5 =	vld [tilespmem:$0x5170]  }
0x105: {  	v6 =	vld [tilespmem:$0x5260]  }
0x106: {  	v1 =	vsub.f32 v2, v1;
	_ =	sdelay $0x1  }
0x107: {  	v2 =	vsub.f32 v4, v3;
	[tilespmem:s10+$0xFFFFD830] =	vst v1;
	v1 =	vmul.f32 v1, v1;
	_ =	sdelay $0x1  }
0x108: {  	v3 =	vsub.f32 v5, v6;
	[tilespmem:s10+$0xFFFFEC30] =	vst v2;
	v2 =	vmul.f32 v2, v2;
	_ =	sdelay $0x1  }
0x109: {  	[tilespmem:s10+$0x30] =	vst v3;
	v1 =	vadd.f32 v2, v1;
	v2 =	vmul.f32 v3, v3;
	_ =	sdelay $0x1  }
0x10a: {  	v1 =	vadd.f32 v2, v1;
	_ =	sdelay $0x1  }
0x10b: {  	[tilespmem:s10+$0x1430] =	vst v1  }
0x10c: {  	v2 =	vld [tilespmem:$0x5180]  }
0x10d: {  	v1 =	vld [tilespmem:$0x50E0]  }
0x10e: {  	v3 =	vld [tilespmem:$0x5270]  }
0x10f: {  	v4 =	vld [tilespmem:$0x5220]  }
0x110: {  	v5 =	vld [tilespmem:$0x51D0]  }
0x111: {  	v6 =	vld [tilespmem:$0x5130]  }
.Ltmp0:
0x112: {  	(pc) =	sbr.rel @p0 .LBB2_2-.Ltmp0, $3  }
0x113: {  	_ =	sdelay $0x1  }
0x114: {  	v2 =	vsub.f32 v2, v3;
	v1 =	vsub.f32 v1, v5  }
0x115: {  	v3 =	vsub.f32 v6, v4  }
0x116: {  	_ = 	snop  }
0x117: {  	v4 =	vmul.f32 v1, v1;
	v5 =	vmul.f32 v3, v3;
	_ =	sdelay $0x1  }
0x118: {  	v63 =	vmul.f32 v2, v2;
	v4 =	vadd.f32 v5, v4  }
0x119: {  	[tilespmem:s14+$0x40] =	vst v2  }
0x11a: {  	[tilespmem:s14+$0xFFFFD840] =	vst v1;
	v2 =	vadd.f32 v63, v4  }
0x11b: {  	[tilespmem:s14+$0xFFFFEC40] =	vst v3  }
0x11c: {  	[tilespmem:s14+$0x1440] =	vst v2  }
0x11d: {  	[hbm4b:s19+s4] =	stream.linear.scatter [tilespmem:s24], [sflag:$0x2], $0x2800, $0x38;
	[tilespmem:$0xA550] =	vst v63  }
0x11e: {  	_ =	swait.ge [sflag:s22], $0x2800  }
0x11f: {  	[sflag:s22] =	ssyncset.done $0x0  }
0x120: {  	[sflag:s22] =	ssyncadd.s32 $0xFFFFD800  }
0x121: {  	[hbm4b:s20+s4] =	stream.linear.scatter [tilespmem:s25], [sflag:$0x2], $0x2800, $0x38;
	[tilespmem:$0xA550] =	vst v63  }
0x122: {  	_ =	swait.ge [sflag:s22], $0x2800  }
0x123: {  	[sflag:s22] =	ssyncset.done $0x0  }
0x124: {  	[sflag:s22] =	ssyncadd.s32 $0xFFFFD800  }
0x125: {  	[spmem:s3] =	stream.indirect.scatter.add.f32 [tilespmem:s9], [sflag:$0x2], $0x1, s4, s23, $0xb8;
	[tilespmem:$0xA550] =	vst v63  }
0x126: {  	_ =	swait.ge [sflag:s22], $0x50  }
0x127: {  	[sflag:s22] =	ssyncset.done $0x0  }
0x128: {  	s12 =	simm.s32 $0x5280;
	s10 =	rddreg [dreg:$0x6];
	[sflag:s22] =	ssyncadd.s32 $0xFFFFFFB0  }
0x129: {  	[hbm4b:s10+s4] =	stream.linear.scatter [tilespmem:s12], [sflag:$0x2], $0x1400, $0x38;
	[tilespmem:$0xA550] =	vst v63  }
0x12a: {  	_ =	swait.ge [sflag:s22], $0x1400  }
0x12b: {  	[sflag:s22] =	ssyncset.done $0x0  }
0x12c: {  	s14 =	simm.s32 $0x6680;
	s13 =	rddreg [dreg:$0x7];
	[sflag:s22] =	ssyncadd.s32 $0xFFFFEC00  }
0x12d: {  	[hbm4b:s13+s4] =	stream.linear.scatter [tilespmem:s14], [sflag:$0x2], $0x1400, $0x38;
	[tilespmem:$0xA550] =	vst v63  }
0x12e: {  	_ =	swait.ge [sflag:s22], $0x1400  }
0x12f: {  	[sflag:s22] =	ssyncset.done $0x0  }
0x130: {  	s15 =	rddreg [dreg:$0x8];
	[sflag:s22] =	ssyncadd.s32 $0xFFFFEC00  }
0x131: {  	[hbm4b:s15+s4] =	stream.linear.scatter [tilespmem:s11], [sflag:$0x2], $0x1400, $0x38;
	[tilespmem:$0xA550] =	vst v63  }
0x132: {  	_ =	swait.ge [sflag:s22], $0x1400  }
0x133: {  	[sflag:s22] =	ssyncset.done $0x0  }
0x134: {  	s19 =	simm.s32 $0x8E80;
	s16 =	rddreg [dreg:$0x9];
	[sflag:s22] =	ssyncadd.s32 $0xFFFFEC00  }
0x135: {  	[hbm4b:s16+s4] =	stream.linear.scatter [tilespmem:s19], [sflag:$0x2], $0x1400, $0x38;
	[tilespmem:$0xA550] =	vst v63  }
0x136: {  	_ =	swait.ge [sflag:s22], $0x1400  }
0x137: {  	[sflag:s22] =	ssyncset.done $0x0  }
0x138: {  	[sflag:s22] =	ssyncadd.s32 $0xFFFFEC00  }
0x139: {  	[bflag:$0x0] =	sbarrier.arrive $0xFFFF  }
0x13a: {  	s14 =	rddreg [dreg:$0x5]  }
0x13b: {  	s20 =	rddreg [dreg:$0xa]  }
0x13c: {  	s12 =	rddreg [dreg:$0xe]  }
0x13d: {  	[hbm:s20], [sflag:s14] =	dma.local [spmem:s12], $0x50  }
0x13e: {  	_ =	swait.ge [sflag:s22], $0x50  }
0x13f: {  	s13 =	rddreg [dreg:$0xf]  }
0x140: {  	s21 =	rddreg [dreg:$0xb];
	s13 =	sadd.s32 $0x1, s13  }
0x141: {  	p0 =	sne.s32 s13, s21  }
.Ltmp1:
0x142: {  	_ = 	snop;
	(pc) =	sbr.rel @p0 .LBB2_1-.Ltmp1, $3  }
0x143: {  	_ =	sdelay $0x1  }
0x144: {  	[sflag:s22] =	ssyncset.done $0x0  }
0x145: {  	[sflag:s22] =	ssyncadd.s32 $0xFFFFFFB0  }
0x146: {  	_ =	sfence.sel $0x180000  }
0x147: {  	[bflag:$0x0] =	sbarrier.arrive $0xFFFF  }
0x148: {  	_ =	strace $0x90000047  }
0x149: {  	s0 =	stileid.u32;
	[bflag:$0x2] =	sbarrier.arrive $0xFFFF  }
0x14a: {  	p0 =	sne.s32 s0, $0x0;
	s0 =	rddreg [dreg:$0x3]  }
0x14b: {  	s0 =	sadd.s32 @!p0 $0x100000, s0  }
0x14c: {  	[sflag:s0] =	ssyncadd.tile.s32 @!p0 $0x1;
	_ =	shalt  }
.Lfunc_end2:
_tile_overlayer_lowered:
.L_overlay_start_2:
0x14d: {  	(tag) =	ssettag $0x2  }
0x14e: {  	s0 =	rddreg [dreg:$0x0];
	s2 =	stileid.u32  }
0x14f: {  	s1 =	rddreg [dreg:$0x1];
	p0 =	sne.s32 s2, $0x0  }
0x150: {  	s3 =	rddreg [dreg:$0x2];
	[bflag:$0x3] =	sbarrier.arrive $0xFFFF;
	s2 =	simm.s32 @!p0 $0x1C02  }
0x151: {  	[timem:s3], [sflag:s2] =	dma.local @!p0 [hbm:s0], s1  }
0x152: {  	s0 =	simm.s32 @!p0 $0x2  }
0x153: {  	_ =	swait.ge @!p0 [sflag:s0], s1  }
0x154: {  	s1 =	ssub.s32 @!p0 $0x0, s1;
	[sflag:s0] =	ssyncset.done @!p0 $0x0  }
0x155: {  	[sflag:s0] =	ssyncadd.s32 @!p0 s1  }
0x156: {  	[bflag:$0x3] =	sbarrier.arrive $0xFFFF  }
0x157: {  	_ =	shalt  }

// kernel: kernel.14.cloned.1.call-start
scs
__scs_entry_jumppad:
0x0: {  	(pc) =	sbr.rel $0x88, $3  }
0x1: {  	(tag) =	ssettag $0x0;
	lr =	simm.s32 $0x1  }
0x2: {  	[smem:$0x3F8E] =	sst lr;
	_ =	strace $0xD0000000  }
0x3: {  	_ = 	snop  }
0x4: {  	_ = 	snop  }
0x5: {  	_ = 	snop  }
0x6: {  	_ = 	snop  }
0x7: {  	_ = 	snop  }
__scs_overlays_trampoline_lowered:
0x8: {  	[smem:$0x3F9D] =	sst s0  }
0x9: {  	[smem:$0x3F9E] =	sst s1  }
0xa: {  	[smem:$0x3F9F] =	sst s2  }
0xb: {  	[smem:$0x3FA0] =	sst s3  }
0xc: {  	[smem:$0x3FA1] =	sst s4  }
0xd: {  	[smem:$0x3FA2] =	sst s5  }
0xe: {  	[smem:$0x3FA3] =	sst s6  }
0xf: {  	[smem:$0x3FA4] =	sst s7  }
0x10: {  	[smem:$0x3FA5] =	sst s8  }
0x11: {  	[smem:$0x3FA6] =	sst s9;
	s0 =	simm.s32 @!p0 $0x0  }
0x12: {  	s1 =	sld [smem:$0x3F8C];
	s0 =	simm.s32 @p0 $0x1  }
0x13: {  	[smem:$0x3FA7] =	sst s0;
	s0 =	simm.s32 @!p1 $0x0  }
0x14: {  	s2 =	sld [smem:$0x3F8B];
	s0 =	simm.s32 @p1 $0x1  }
0x15: {  	[smem:$0x3FA8] =	sst s0;
	s0 =	simm.s32 @!p2 $0x0  }
0x16: {  	s3 =	sld [smem:$0x3FDB];
	s0 =	simm.s32 @p2 $0x1  }
0x17: {  	s4 =	simm.s32 $0x1BF5;
	[smem:$0x3FAA] =	sst s0  }
0x18: {  	s0 =	sld [smem:$0x3F8D];
	_ =	swait.ge [sflag:s4], $0x0  }
0x19: {  	s7 =	sld [smem:$0x3F8E]  }
0x1a: {  	s8 =	sadd.s32 $0xFFFFE003, lr  }
0x1b: {  	s9 =	sadd.s32 $0xFFFFFEF7, lr;
	s5 =	simm.s32 $0xFFFFFFFF;
	p2 =	slt.u32 s8, $0xFFFFF086  }
0x1c: {  	p1 =	slt.u32 s9, $0xF7A;
	s5 =	simm.s32 @!p2 $0x0  }
0x1d: {  	s5 =	simm.s32 @p1 $0x1;
	p0 =	seq.s32 s7, s2  }
0x1e: {  	s7 =	smul.u32 @!p0 $0xF7A, s2;
	p2 =	seq.s32 @!p0 s5, $0x0  }
0x1f: {  	s9 =	smul.u32 $0xF7A, s1;
	s8 =	simm.s32 @!p0 $0x1BF5;
	p2 =	por !p2, p0  }
0x20: {  	[sflag:s8] =	ssyncset.s32 @!p0 $0xFFFFF086;
	s6 =	sadd.s32 @!p0 s3, s7;
	s7 =	simm.s32 @!p0 $0x108  }
0x21: {  	s3 =	sadd.s32 s3, s9;
	s6 =	sadd.s32 @!p0 $0x88, s6;
	s7 =	simm.s32 @p2 $0x1082  }
0x22: {  	[simem:s7], [sflag:s8] =	dma.local @!p0 [hbm:s6], $0xF7A  }
0x23: {  	s9 =	sor.u32 $0xD0000000, s2;
	s6 =	simm.s32 $0x108;
	_ =	swait.ge @!p0 [sflag:s8], $0x0  }
0x24: {  	s3 =	sadd.s32 $0x88, s3;
	s6 =	simm.s32 @!p1 $0x1082;
	[sflag:s4] =	ssyncset.s32 $0xFFFFF086  }
0x25: {  	[simem:s6], [sflag:s4] =	dma.local [hbm:s3], $0xF7A  }
0x26: {  	[smem:$0x3F8E] =	sst s1;
	(tag) =	ssettag s2;
	_ =	strace s9  }
0x27: {  	s1 =	sld [smem:$0x3F9E]  }
0x28: {  	s2 =	sld [smem:$0x3F9F]  }
0x29: {  	s4 =	sld [smem:$0x3FA1]  }
0x2a: {  	p0 =	seq.s32 s5, $0x0;
	s5 =	sld [smem:$0x3FA2]  }
0x2b: {  	s6 =	sld [smem:$0x3FA3]  }
0x2c: {  	s7 =	sld [smem:$0x3FA4]  }
0x2d: {  	s3 =	simm.s32 $0x108;
	s8 =	sld [smem:$0x3FA5]  }
0x2e: {  	s3 =	simm.s32 @!p0 $0x1082;
	s9 =	sld [smem:$0x3FA6]  }
0x2f: {  	lr =	sadd.s32 s0, s3;
	s0 =	sld [smem:$0x3F9D]  }
0x30: {  	s3 =	sld [smem:$0x3FA0]  }
0x31: {  	[smem:$0x3FA9] =	sst s10  }
0x32: {  	s10 =	sld [smem:$0x3FA7];
	_ =	sdelay $0x3  }
0x33: {  	p0 =	seq.s32 s10, $0x1;
	s10 =	sld [smem:$0x3FA9];
	_ =	sdelay $0x3  }
0x34: {  	[smem:$0x3FA9] =	sst s10  }
0x35: {  	s10 =	sld [smem:$0x3FA8];
	_ =	sdelay $0x3  }
0x36: {  	p1 =	seq.s32 s10, $0x1;
	s10 =	sld [smem:$0x3FA9];
	_ =	sdelay $0x3  }
0x37: {  	[smem:$0x3FA9] =	sst s10  }
0x38: {  	s10 =	sld [smem:$0x3FAA]  }
0x39: {  	_ = 	snop;
	(pc) =	sbr.ind lr, $3  }
0x3a: {  	_ = 	snop  }
0x3b: {  	_ = 	snop  }
0x3c: {  	p2 =	seq.s32 s10, $0x1;
	s10 =	sld [smem:$0x3FA9]  }
0x3d: {  	_ =	shalt  }
0x3e: {  	_ =	shalt  }
0x3f: {  	_ =	shalt  }
0x40: {  	_ =	shalt  }
0x41: {  	_ =	shalt  }
0x42: {  	_ =	shalt  }
0x43: {  	_ =	shalt  }
0x44: {  	_ =	shalt  }
0x45: {  	_ =	shalt  }
0x46: {  	_ =	shalt  }
0x47: {  	_ =	shalt  }
0x48: {  	_ =	shalt  }
0x49: {  	_ =	shalt  }
0x4a: {  	_ =	shalt  }
0x4b: {  	_ =	shalt  }
0x4c: {  	_ =	shalt  }
0x4d: {  	_ =	shalt  }
0x4e: {  	_ =	shalt  }
0x4f: {  	_ =	shalt  }
0x50: {  	_ =	shalt  }
0x51: {  	_ =	shalt  }
0x52: {  	_ =	shalt  }
0x53: {  	_ =	shalt  }
0x54: {  	_ =	shalt  }
0x55: {  	_ =	shalt  }
0x56: {  	_ =	shalt  }
0x57: {  	_ =	shalt  }
0x58: {  	_ =	shalt  }
0x59: {  	_ =	shalt  }
0x5a: {  	_ =	shalt  }
0x5b: {  	_ =	shalt  }
0x5c: {  	_ =	shalt  }
0x5d: {  	_ =	shalt  }
0x5e: {  	_ =	shalt  }
0x5f: {  	_ =	shalt  }
0x60: {  	_ =	shalt  }
0x61: {  	_ =	shalt  }
0x62: {  	_ =	shalt  }
0x63: {  	_ =	shalt  }
0x64: {  	_ =	shalt  }
0x65: {  	_ =	shalt  }
0x66: {  	_ =	shalt  }
0x67: {  	_ =	shalt  }
0x68: {  	_ =	shalt  }
0x69: {  	_ =	shalt  }
0x6a: {  	_ =	shalt  }
0x6b: {  	_ =	shalt  }
0x6c: {  	_ =	shalt  }
0x6d: {  	_ =	shalt  }
0x6e: {  	_ =	shalt  }
0x6f: {  	_ =	shalt  }
0x70: {  	_ =	shalt  }
0x71: {  	_ =	shalt  }
0x72: {  	_ =	shalt  }
0x73: {  	_ =	shalt  }
0x74: {  	_ =	shalt  }
0x75: {  	_ =	shalt  }
0x76: {  	_ =	shalt  }
0x77: {  	_ =	shalt  }
0x78: {  	_ =	shalt  }
0x79: {  	_ =	shalt  }
0x7a: {  	_ =	shalt  }
0x7b: {  	_ =	shalt  }
0x7c: {  	_ =	shalt  }
0x7d: {  	_ =	shalt  }
0x7e: {  	_ =	shalt  }
0x7f: {  	_ =	shalt  }
0x80: {  	_ =	shalt  }
0x81: {  	_ =	shalt  }
0x82: {  	_ =	shalt  }
0x83: {  	_ =	shalt  }
0x84: {  	_ =	shalt  }
0x85: {  	_ =	shalt  }
0x86: {  	_ =	shalt  }
0x87: {  	_ =	shalt  }
.Lfunc_end0:
.L_simem_size_0:
called_computation.1_lowered:
.L_overlay_start_0:
0x88: {  	s2 =	sld [smem:$0x3FD9]  }
0x89: {  	s3 =	sld [smem:$0x3FFE];
	_ =	sdelay $0x1  }
0x8a: {  	s1 =	srdreg.scid  }
0x8b: {  	s0 =	sand.u32 $0x1, s1  }
0x8c: {  	s17 =	sshll.u32 s0, $0xA;
	s2 =	sadd.s32 s3, s2  }
0x8d: {  	s2 =	sadd.s32 s2, s17  }
0x8e: {  	[smem:$0x3FB5] =	sst s2  }
0x8f: {  	_ = 	snop  }
0x90: {  	(tm) =	ssettm $0x1  }
0x91: {  	s18 =	sld [smem:$0x3FFB];
	_ =	sdelay $0x3  }
0x92: {  	_ =	strace s18  }
0x93: {  	s2 =	sld [smem:$0x3FFC];
	_ =	sdelay $0x3  }
0x94: {  	_ =	strace s2  }
0x95: {  	s2 =	sld [smem:$0x3FFD];
	_ =	sdelay $0x3  }
0x96: {  	_ =	strace s2  }
0x97: {  	_ =	strace $0x8FFFFFFF  }
0x98: {  	s19 =	sld [smem:$0x3FDB];
	_ =	sdelay $0x1  }
0x99: {  	s20 =	simm.s32 $_scs_section_size  }
0x9a: {  	s4 =	simm.s32 $_size__tile_overlayer_lowered;
	s5 =	simm.s32 $_tile_overlayer_lowered  }
0x9b: {  	s6 =	simm.s32 $0x1BFF;
	s21 =	sshll.u32 s5, $0x1;
	s3 =	sadd.s32 s20, s19  }
0x9c: {  	s22 =	simm.s32 $0x0;
	s4 =	sshll.u32 s4, $0x1;
	s5 =	sadd.s32 s21, s3  }
0x9d: {  	[timem:s22], [sflag:s6] =	dma.local [hbm:s5], s4  }
0x9e: {  	_ =	swait.ge [sflag:s6], s4  }
0x9f: {  	s4 =	ssub.s32 $0x0, s4;
	[sflag:s6] =	ssyncset.done $0x0  }
0xa0: {  	[sflag:s6] =	ssyncadd.s32 s4;
	_ =	sdelay $0x1  }
0xa1: {  	s23 =	simm.s32 $0x1B8B  }
0xa2: {  	_ =	swait.ge [sflag:s23], $0x1  }
0xa3: {  	[sflag:s23] =	ssyncset.done $0x0  }
0xa4: {  	[sflag:s23] =	ssyncadd.s32 $0xFFFFFFFF  }
0xa5: {  	s4 =	sld [smem:$0x0]  }
0xa6: {  	s5 =	sand.u32 $0xFFFFFFFE, s1  }
0xa7: {  	p0 =	sne.s32 s1, s5  }
0xa8: {  	s5 =	sshll.u32 @p0 s5, $0xE  }
0xa9: {  	s5 =	sadd.s32 @p0 $0x11B8D, s5;
	s6 =	sshll.u32 @p0 s4, $0x11  }
0xaa: {  	s5 =	sor.u32 @p0 s6, s5  }
0xab: {  	[sflag:s5] =	ssyncadd.remote.s32 @p0 $0x1;
	_ =	sdelay $0x1  }
0xac: {  	s5 =	simm.s32 @p0 $0x1B8D  }
0xad: {  	_ =	swait.eq @p0 [sflag:s5], $0x1  }
0xae: {  	[sflag:s5] =	ssyncadd.s32 @p0 $0xFFFFFFFF  }
0xaf: {  	s6 =	sshll.u32 @!p0 s1, $0xE  }
0xb0: {  	s6 =	sor.u32 @!p0 $0x4000, s6;
	s5 =	simm.s32 @!p0 $0x1B8D  }
0xb1: {  	s4 =	sshll.u32 @!p0 s4, $0x11;
	s6 =	sadd.s32 @!p0 $0x11B8D, s6;
	_ =	swait.eq @!p0 [sflag:s5], $0x1  }
0xb2: {  	s4 =	sor.u32 @!p0 s4, s6;
	[sflag:s5] =	ssyncadd.s32 @!p0 $0xFFFFFFFF  }
0xb3: {  	s25 =	simm.s32 $0x1B8E;
	s24 =	sld [smem:$0x3FFE];
	[sflag:s4] =	ssyncadd.remote.s32 @!p0 $0x1  }
0xb4: {  	s26 =	simm.s32 $execute0_lowered;
	[smem:$0x3FD2] =	sst s25  }
0xb5: {  	s5 =	sshll.u32 s26, $0x1;
	_ =	strace $0x8000004C;
	[dreg:$0x1] =	wrdreg $0xFFFFFFFF  }
0xb6: {  	s28 =	simm.s32 $_size_execute0_lowered;
	s3 =	sadd.s32 s3, s5;
	[dreg:$0x0] =	wrdreg $0x0  }
0xb7: {  	s5 =	sshll.u32 s28, $0x1;
	[dreg:$0x2] =	wrdreg s3  }
0xb8: {  	[dreg:$0x3] =	wrdreg s5  }
0xb9: {  	[dreg:$0x4] =	wrdreg $0xC0  }
0xba: {  	_ =	task [dreg:s22], $0x5FFFF  }
0xbb: {  	[dreg:$0x1] =	wrdreg $0xFFFFFFFF  }
0xbc: {  	[dreg:$0x0] =	wrdreg $0x60  }
0xbd: {  	[dreg:$0x2] =	wrdreg s24  }
0xbe: {  	[dreg:$0x3] =	wrdreg $0x8CA00  }
0xbf: {  	[dreg:$0x4] =	wrdreg $0x1C5200  }
0xc0: {  	[dreg:$0x5] =	wrdreg $0x1C7A00  }
0xc1: {  	[dreg:$0x6] =	wrdreg $0x1CA200  }
0xc2: {  	[dreg:$0x7] =	wrdreg $0x9  }
0xc3: {  	_ =	task.clear_ibuf [dreg:s22], $0x8FFFF;
	_ =	strace $0x9000004C  }
0xc4: {  	s29 =	simm.s32 $0x9;
	_ =	strace $0x8000004E  }
0xc5: {  	_ =	swait.ge [sflag:s29], $0x1  }
0xc6: {  	[sflag:s29] =	ssyncadd.s32 $0xFFFFFFFF  }
0xc7: {  	_ =	strace $0x9000004E  }
0xc8: {  	_ =	sfence  }
0xc9: {  	s30 =	sld [smem:$0x0];
	_ =	sdelay $0x2  }
0xca: {  	s31 =	sshll.u32 s1, $0xD;
	s1 =	sshrl.u32 s1, $0x2  }
0xcb: {  	s4 =	sand.u32 $0x4000, s31;
	s1 =	sadd.s32 s1, s30  }
0xcc: {  	s0 =	sor.u32 s4, s0;
	s1 =	sshll.u32 s1, $0x11  }
0xcd: {  	s0 =	sor.u32 s1, s0  }
0xce: {  	s0 =	sadd.s32 $0x8F2B, s0  }
0xcf: {  	[sflag:s0] =	ssyncadd.remote.s32 $0x1  }
0xd0: {  	_ =	sfence.sel $0xFFFF  }
0xd1: {  	[dreg:$0x0] =	wrdreg $0xFFFFFFFF;
	(pc) =	sbr.abs _section_cstart, $3  }
0xd2: {  	[dreg:$0x1] =	wrdreg $0xFFFFFFFF  }
0xd3: {  	_ =	task.clear_ibuf [dreg:s22], $0x2FFFF;
	_ =	strace $0x9FFFFFFF  }
0xd4: {  	(tm) =	ssettm $0x7FFFFFFF  }
0xd5: {  	_ =	shalt  }
tec
execute0_lowered:
.L_overlay_start_1:
0x0: {  	(tag) =	ssettag $0x1  }
0x1: {  	s0 =	rddreg [dreg:$0x0]  }
0x2: {  	s1 =	rddreg [dreg:$0x1]  }
0x3: {  	s3 =	srdreg.scid;
	s18 =	stileid.u32  }
0x4: {  	s2 =	rddreg [dreg:$0x2];
	s9 =	smul.u32 $0x13880, s18  }
0x5: {  	s4 =	rddreg [dreg:$0x3];
	s31 =	simm.s32 $0x50;
	s11 =	smul.u32 $0x280, s18  }
0x6: {  	s28 =	simm.s32 $0x2;
	s29 =	simm.s32 $0x3;
	s21 =	smul.u32 $0x2800, s18  }
0x7: {  	s30 =	simm.s32 $0x1;
	s3 =	sand.u32 $0x1, s3;
	s26 =	smul.u32 $0x28000, s18  }
0x8: {  	s5 =	sshll.u32 s18, $0x1;
	s12 =	sadd.s32 $0xA2EA00, s0;
	s10 =	smul.u32 $0x138800, s3  }
0x9: {  	s14 =	sadd.s32 $0xCE00, s0;
	s8 =	sadd.s32 $0x7E00, s0;
	s13 =	smul.u32 $0x7800, s3  }
0xa: {  	s20 =	sshll.u32 s18, $0x6;
	s6 =	sor.u32 s3, s5;
	s23 =	smul.u32 $0x1400, s3  }
0xb: {  	s5 =	rddreg [dreg:$0x4];
	s15 =	ssub.s32 $0x2, s3;
	s3 =	smul.u32 $0x14000, s3  }
0xc: {  	s7 =	smul.u32 $0x1400, s6;
	s6 =	simm.s32 $0x0;
	s16 =	sshrl.u32 s15, $0x1  }
0xd: {  	s22 =	sadd.s32 s11, s2;
	[smem:$0x7FF] =	sst s6;
	s10 =	sadd.s32 s9, s10  }
0xe: {  	s9 =	sadd.s32 s9, s1;
	_ =	strace $0x8000004D;
	[dreg:$0x6] =	wrdreg s8  }
0xf: {  	s25 =	sadd.s32 s11, s4;
	s13 =	sadd.s32 s11, s13;
	[dreg:$0x7] =	wrdreg s9  }
0x10: {  	s11 =	sadd.s32 s11, s5;
	s7 =	sshrl.u32 s7, $0x3;
	[dreg:$0x8] =	wrdreg s22  }
0x11: {  	s8 =	sadd.s32 $0x39000, s0;
	s10 =	sshrl.u32 s10, $0x3;
	[dreg:$0xa] =	wrdreg s25  }
0x12: {  	s13 =	sshrl.u32 s13, $0x3;
	s9 =	sadd.s32 s23, s21;
	[dreg:$0xc] =	wrdreg s11  }
0x13: {  	s7 =	sadd.s32 s7, s0;
	s17 =	sadd.s32 s10, s0;
	s0 =	sadd.s32 s13, s0  }
0x14: {  	s13 =	ssub.s32 s15, s16;
	s10 =	sor.u32 $0x1C04, s20;
	s20 =	sadd.s32 s26, s12  }
0x15: {  	s15 =	sor.u32 $0x50, s9;
	s23 =	sshrl.u32 s9, $0x3;
	s24 =	sadd.s32 $0x39200, s7  }
0x16: {  	s19 =	sadd.s32 $0x3E200, s7;
	s7 =	sadd.s32 $0x43200, s7;
	s18 =	sadd.s32 s3, s20  }
0x17: {  	s21 =	sshll.u32 s15, $0x4;
	s22 =	sadd.s32 $0x4D200, s17;
	[dreg:$0x9] =	wrdreg s24  }
0x18: {  	s20 =	sadd.s32 s23, s14;
	s25 =	sshrl.u32 s15, $0x3;
	[dreg:$0xb] =	wrdreg s19  }
0x19: {  	s26 =	sadd.s32 $0xAB00, s0;
	s3 =	simm.s32 $0x2850;
	[dreg:$0xd] =	wrdreg s7  }
0x1a: {  	[dreg:$0xe] =	wrdreg s22;
	s19 =	sadd.s32 s21, s12;
	s24 =	sadd.s32 $0xA600, s0  }
0x1b: {  	s22 =	sadd.s32 s25, s14;
	[dreg:$0x10] =	wrdreg s26;
	s0 =	sadd.s32 $0xB000, s0  }
0x1c: {  	s25 =	smax.u32 s13, $0x1;
	s26 =	simm.s32 $0x4;
	[dreg:$0xf] =	wrdreg s24  }
0x1d: {  	s7 =	simm.s32 $0x0;
	[dreg:$0x11] =	wrdreg s0;
	s0 =	simm.s32 $0x28A0  }
.LBB2_1:
0x1e: {  	s9 =	rddreg [dreg:$0x7]  }
0x1f: {  	s11 =	rddreg [dreg:$0x6];
	s9 =	sshrl.u32 s9, $0x3  }
0x20: {  	[spmem:s9], [sflag:s10] =	dma.local [hbm:s11], $0x2710  }
0x21: {  	_ =	swait.ge [sflag:s26], $0x2710  }
0x22: {  	[sflag:s26] =	ssyncset.done $0x0;
	s16 =	rddreg [dreg:$0x8]  }
0x23: {  	[sflag:s26] =	ssyncadd.s32 $0xFFFFD8F0;
	s11 =	sshrl.u32 s16, $0x3  }
0x24: {  	[spmem:s11], [sflag:s10] =	dma.local [hbm:s8], $0x50  }
0x25: {  	_ =	swait.ge [sflag:s26], $0x50  }
0x26: {  	[sflag:s26] =	ssyncset.done $0x0  }
0x27: {  	s13 =	simm.s32 $0x50A0;
	s12 =	rddreg [dreg:$0x9];
	[sflag:s26] =	ssyncadd.s32 $0xFFFFFFB0  }
0x28: {  	[tilespmem:s13], [sflag:$0x4] =	stream.linear.gather [hbm4b:s12+s6], $0x1400, $0x38;
	[tilespmem:$0x1CCA0] =	vst v63  }
0x29: {  	_ =	swait.ge [sflag:s26], $0x1400  }
0x2a: {  	[sflag:s26] =	ssyncset.done $0x0;
	s17 =	rddreg [dreg:$0xa]  }
0x2b: {  	[sflag:s26] =	ssyncadd.s32 $0xFFFFEC00;
	s12 =	sshrl.u32 s17, $0x3  }
0x2c: {  	[spmem:s12], [sflag:s10] =	dma.local [hbm:s8], $0x50  }
0x2d: {  	_ =	swait.ge [sflag:s26], $0x50  }
0x2e: {  	[sflag:s26] =	ssyncset.done $0x0  }
0x2f: {  	s14 =	simm.s32 $0x64A0;
	s21 =	rddreg [dreg:$0xb];
	[sflag:s26] =	ssyncadd.s32 $0xFFFFFFB0  }
0x30: {  	[tilespmem:s14], [sflag:$0x4] =	stream.linear.gather [hbm4b:s21+s6], $0x1400, $0x38;
	[tilespmem:$0x1CCA0] =	vst v63  }
0x31: {  	_ =	swait.ge [sflag:s26], $0x1400  }
0x32: {  	[sflag:s26] =	ssyncset.done $0x0;
	s23 =	rddreg [dreg:$0xc]  }
0x33: {  	[sflag:s26] =	ssyncadd.s32 $0xFFFFEC00;
	s13 =	sshrl.u32 s23, $0x3  }
0x34: {  	[spmem:s13], [sflag:s10] =	dma.local [hbm:s8], $0x50  }
0x35: {  	_ =	swait.ge [sflag:s26], $0x50  }
0x36: {  	[sflag:s26] =	ssyncset.done $0x0  }
0x37: {  	s15 =	simm.s32 $0x78A0;
	s24 =	rddreg [dreg:$0xd];
	[sflag:s26] =	ssyncadd.s32 $0xFFFFFFB0  }
0x38: {  	[tilespmem:s15], [sflag:$0x4] =	stream.linear.gather [hbm4b:s24+s6], $0x1400, $0x38;
	[tilespmem:$0x1CCA0] =	vst v63  }
0x39: {  	_ =	swait.ge [sflag:s26], $0x1400  }
0x3a: {  	[sflag:s26] =	ssyncset.done $0x0  }
0x3b: {  	[sflag:s26] =	ssyncadd.s32 $0xFFFFEC00  }
0x3c: {  	[bflag:$0x0] =	sbarrier.arrive $0xFFFF  }
0x3d: {  	[tilespmem:s6], [sflag:$0x2] =	stream.linear.gather [hbm4b:s20+s6], $0x50, $0x38;
	[tilespmem:$0x1CCA0] =	vst v63  }
0x3e: {  	_ = 	snop  }
0x3f: {  	[tilespmem:s31], [sflag:$0x2] =	stream.linear.gather [hbm4b:s18+s6], $0x2800, $0x38;
	[tilespmem:$0x1CCA0] =	vst v63  }
0x40: {  	_ = 	snop  }
0x41: {  	[tilespmem:s3], [sflag:$0x3] =	stream.linear.gather [hbm4b:s22+s6], $0x50, $0x38;
	[tilespmem:$0x1CCA0] =	vst v63  }
0x42: {  	_ = 	snop  }
0x43: {  	[tilespmem:s0], [sflag:$0x3] =	stream.linear.gather [hbm4b:s19+s6], $0x2800, $0x38;
	[tilespmem:$0x1CCA0] =	vst v63  }
0x44: {  	_ =	swait.ge [sflag:s28], $0x50  }
0x45: {  	[sflag:s28] =	ssyncset.done $0x0  }
0x46: {  	[sflag:s28] =	ssyncadd.s32 $0xFFFFFFB0  }
0x47: {  	_ =	swait.ge [sflag:s28], $0x2800  }
0x48: {  	[sflag:s28] =	ssyncset.done $0x0  }
0x49: {  	[sflag:s28] =	ssyncadd.s32 $0xFFFFD800  }
0x4a: {  	[spmem:s1] =	stream.indirect.scatter.add.f32 [tilespmem:s31], [sflag:$0x1], $0x80, s6, s31, $0xb8;
	[tilespmem:$0x1CCA0] =	vst v63  }
0x4b: {  	s15 =	simm.s32 $0x50A0  }
0x4c: {  	[spmem:s2] =	stream.indirect.scatter.add.f32 [tilespmem:s15], [sflag:$0x1], $0x1, s6, s31, $0xb8;
	[tilespmem:$0x1CCA0] =	vst v63  }
0x4d: {  	s16 =	simm.s32 $0x64A0  }
0x4e: {  	[spmem:s4] =	stream.indirect.scatter.add.f32 [tilespmem:s16], [sflag:$0x1], $0x1, s6, s31, $0xb8;
	[tilespmem:$0x1CCA0] =	vst v63  }
0x4f: {  	s17 =	simm.s32 $0x78A0  }
0x50: {  	[spmem:s5] =	stream.indirect.scatter.add.f32 [tilespmem:s17], [sflag:$0x1], $0x1, s6, s31, $0xb8;
	[tilespmem:$0x1CCA0] =	vst v63  }
0x51: {  	_ =	swait.ge [sflag:s29], $0x50  }
0x52: {  	[sflag:s29] =	ssyncset.done $0x0  }
0x53: {  	[sflag:s29] =	ssyncadd.s32 $0xFFFFFFB0  }
0x54: {  	_ =	swait.ge [sflag:s29], $0x2800  }
0x55: {  	[sflag:s29] =	ssyncset.done $0x0  }
0x56: {  	[sflag:s29] =	ssyncadd.s32 $0xFFFFD800  }
0x57: {  	[spmem:s1] =	stream.indirect.scatter.add.f32 [tilespmem:s0], [sflag:$0x1], $0x80, s3, s31, $0xb8;
	[tilespmem:$0x1CCA0] =	vst v63  }
0x58: {  	s21 =	simm.s32 $0x50F0  }
0x59: {  	[spmem:s2] =	stream.indirect.scatter.add.f32 [tilespmem:s21], [sflag:$0x1], $0x1, s3, s31, $0xb8;
	[tilespmem:$0x1CCA0] =	vst v63  }
0x5a: {  	s23 =	simm.s32 $0x64F0  }
0x5b: {  	[spmem:s4] =	stream.indirect.scatter.add.f32 [tilespmem:s23], [sflag:$0x1], $0x1, s3, s31, $0xb8;
	[tilespmem:$0x1CCA0] =	vst v63  }
0x5c: {  	s24 =	simm.s32 $0x78F0  }
0x5d: {  	[spmem:s5] =	stream.indirect.scatter.add.f32 [tilespmem:s24], [sflag:$0x1], $0x1, s3, s31, $0xb8;
	[tilespmem:$0x1CCA0] =	vst v63  }
0x5e: {  	_ =	swait.ge [sflag:s30], $0x2800  }
0x5f: {  	[sflag:s30] =	ssyncset.done $0x0  }
0x60: {  	[sflag:s30] =	ssyncadd.s32 $0xFFFFD800  }
0x61: {  	_ =	swait.ge [sflag:s30], $0x50  }
0x62: {  	[sflag:s30] =	ssyncset.done $0x0  }
0x63: {  	[sflag:s30] =	ssyncadd.s32 $0xFFFFFFB0  }
0x64: {  	_ =	swait.ge [sflag:s30], $0x50  }
0x65: {  	[sflag:s30] =	ssyncset.done $0x0  }
0x66: {  	[sflag:s30] =	ssyncadd.s32 $0xFFFFFFB0  }
0x67: {  	_ =	swait.ge [sflag:s30], $0x50  }
0x68: {  	[sflag:s30] =	ssyncset.done $0x0  }
0x69: {  	[sflag:s30] =	ssyncadd.s32 $0xFFFFFFB0  }
0x6a: {  	_ =	swait.ge [sflag:s30], $0x2800  }
0x6b: {  	[sflag:s30] =	ssyncset.done $0x0  }
0x6c: {  	[sflag:s30] =	ssyncadd.s32 $0xFFFFD800  }
0x6d: {  	_ =	swait.ge [sflag:s30], $0x50  }
0x6e: {  	[sflag:s30] =	ssyncset.done $0x0  }
0x6f: {  	[sflag:s30] =	ssyncadd.s32 $0xFFFFFFB0  }
0x70: {  	_ =	swait.ge [sflag:s30], $0x50  }
0x71: {  	[sflag:s30] =	ssyncset.done $0x0  }
0x72: {  	s14 =	simm.s32 $0x280;
	[sflag:s30] =	ssyncadd.s32 $0xFFFFFFB0  }
0x73: {  	s15 =	sadd.s32 $0xA00, s19;
	s16 =	sadd.s32 $0x14, s22;
	_ =	swait.ge [sflag:s30], $0x50  }
0x74: {  	s17 =	smov.u32 s18;
	s21 =	smov.u32 s20;
	[sflag:s30] =	ssyncset.done $0x0  }
.LBB2_2:
0x75: {  	[sflag:s30] =	ssyncadd.s32 $0xFFFFFFB0;
	s17 =	sadd.s32 $0xA00, s17;
	s21 =	sadd.s32 $0x14, s21  }
0x76: {  	[tilespmem:s6], [sflag:$0x2] =	stream.linear.gather [hbm4b:s21+s6], $0x50, $0x38;
	[tilespmem:$0x1CCA0] =	vst v63  }
0x77: {  	p0 =	sne.s32 s14, $0x4D80;
	s23 =	smov.u32 s14;
	s14 =	sadd.s32 $0x280, s14  }
0x78: {  	[tilespmem:s31], [sflag:$0x2] =	stream.linear.gather [hbm4b:s17+s6], $0x2800, $0x38;
	[tilespmem:$0x1CCA0] =	vst v63  }
0x79: {  	_ = 	snop  }
0x7a: {  	[tilespmem:s3], [sflag:$0x3] =	stream.linear.gather [hbm4b:s16+s6], $0x50, $0x38;
	[tilespmem:$0x1CCA0] =	vst v63  }
0x7b: {  	_ = 	snop  }
0x7c: {  	[tilespmem:s0], [sflag:$0x3] =	stream.linear.gather [hbm4b:s15+s6], $0x2800, $0x38;
	[tilespmem:$0x1CCA0] =	vst v63  }
0x7d: {  	_ =	swait.ge [sflag:s28], $0x50  }
0x7e: {  	[sflag:s28] =	ssyncset.done $0x0  }
0x7f: {  	[sflag:s28] =	ssyncadd.s32 $0xFFFFFFB0  }
0x80: {  	_ =	swait.ge [sflag:s28], $0x2800  }
0x81: {  	[sflag:s28] =	ssyncset.done $0x0  }
0x82: {  	s23 =	sshra.s32 s23, $0x2;
	[sflag:s28] =	ssyncadd.s32 $0xFFFFD800  }
0x83: {  	[spmem:s1] =	stream.indirect.scatter.add.f32 [tilespmem:s31], [sflag:$0x1], $0x80, s6, s31, $0xb8;
	[tilespmem:$0x1CCA0] =	vst v63  }
0x84: {  	s24 =	sadd.s32 $0x50A0, s23  }
0x85: {  	[spmem:s2] =	stream.indirect.scatter.add.f32 [tilespmem:s24], [sflag:$0x1], $0x1, s6, s31, $0xb8;
	[tilespmem:$0x1CCA0] =	vst v63  }
0x86: {  	s24 =	sadd.s32 $0x64A0, s23  }
0x87: {  	[spmem:s4] =	stream.indirect.scatter.add.f32 [tilespmem:s24], [sflag:$0x1], $0x1, s6, s31, $0xb8;
	[tilespmem:$0x1CCA0] =	vst v63  }
0x88: {  	s24 =	sadd.s32 $0x78A0, s23  }
0x89: {  	[spmem:s5] =	stream.indirect.scatter.add.f32 [tilespmem:s24], [sflag:$0x1], $0x1, s6, s31, $0xb8;
	[tilespmem:$0x1CCA0] =	vst v63  }
0x8a: {  	_ =	swait.ge [sflag:s29], $0x50  }
0x8b: {  	[sflag:s29] =	ssyncset.done $0x0  }
0x8c: {  	[sflag:s29] =	ssyncadd.s32 $0xFFFFFFB0  }
0x8d: {  	_ =	swait.ge [sflag:s29], $0x2800  }
0x8e: {  	[sflag:s29] =	ssyncset.done $0x0  }
0x8f: {  	[sflag:s29] =	ssyncadd.s32 $0xFFFFD800  }
0x90: {  	[spmem:s1] =	stream.indirect.scatter.add.f32 [tilespmem:s0], [sflag:$0x1], $0x80, s3, s31, $0xb8;
	[tilespmem:$0x1CCA0] =	vst v63  }
0x91: {  	s24 =	sadd.s32 $0x50F0, s23  }
0x92: {  	[spmem:s2] =	stream.indirect.scatter.add.f32 [tilespmem:s24], [sflag:$0x1], $0x1, s3, s31, $0xb8;
	[tilespmem:$0x1CCA0] =	vst v63  }
0x93: {  	s24 =	sadd.s32 $0x64F0, s23  }
0x94: {  	[spmem:s4] =	stream.indirect.scatter.add.f32 [tilespmem:s24], [sflag:$0x1], $0x1, s3, s31, $0xb8;
	[tilespmem:$0x1CCA0] =	vst v63  }
0x95: {  	s23 =	sadd.s32 $0x78F0, s23  }
0x96: {  	[spmem:s5] =	stream.indirect.scatter.add.f32 [tilespmem:s23], [sflag:$0x1], $0x1, s3, s31, $0xb8;
	[tilespmem:$0x1CCA0] =	vst v63  }
0x97: {  	_ =	swait.ge [sflag:s30], $0x2800  }
0x98: {  	[sflag:s30] =	ssyncset.done $0x0  }
0x99: {  	[sflag:s30] =	ssyncadd.s32 $0xFFFFD800  }
0x9a: {  	_ =	swait.ge [sflag:s30], $0x50  }
0x9b: {  	[sflag:s30] =	ssyncset.done $0x0  }
0x9c: {  	[sflag:s30] =	ssyncadd.s32 $0xFFFFFFB0  }
0x9d: {  	_ =	swait.ge [sflag:s30], $0x50  }
0x9e: {  	[sflag:s30] =	ssyncset.done $0x0  }
0x9f: {  	[sflag:s30] =	ssyncadd.s32 $0xFFFFFFB0  }
0xa0: {  	_ =	swait.ge [sflag:s30], $0x50  }
0xa1: {  	[sflag:s30] =	ssyncset.done $0x0  }
0xa2: {  	[sflag:s30] =	ssyncadd.s32 $0xFFFFFFB0  }
0xa3: {  	_ =	swait.ge [sflag:s30], $0x2800  }
0xa4: {  	[sflag:s30] =	ssyncset.done $0x0  }
0xa5: {  	[sflag:s30] =	ssyncadd.s32 $0xFFFFD800  }
0xa6: {  	_ =	swait.ge [sflag:s30], $0x50  }
0xa7: {  	[sflag:s30] =	ssyncset.done $0x0  }
0xa8: {  	[sflag:s30] =	ssyncadd.s32 $0xFFFFFFB0  }
.Ltmp0:
0xa9: {  	_ =	swait.ge [sflag:s30], $0x50;
	(pc) =	sbr.rel @p0 .LBB2_2-.Ltmp0, $4  }
0xaa: {  	[sflag:s30] =	ssyncset.done $0x0  }
0xab: {  	[sflag:s30] =	ssyncadd.s32 $0xFFFFFFB0  }
0xac: {  	_ =	swait.ge [sflag:s30], $0x50  }
0xad: {  	s16 =	sadd.s32 $0x14, s16;
	s15 =	sadd.s32 $0xA00, s15;
	[sflag:s30] =	ssyncset.done $0x0  }
0xae: {  	[sflag:s30] =	ssyncadd.s32 $0xFFFFFFB0  }
0xaf: {  	[bflag:$0x0] =	sbarrier.arrive $0xFFFF  }
0xb0: {  	s14 =	rddreg [dreg:$0xe]  }
0xb1: {  	[hbm:s14], [sflag:s10] =	dma.local [spmem:s9], $0x2710  }
0xb2: {  	_ =	swait.ge [sflag:s26], $0x2710  }
0xb3: {  	[sflag:s26] =	ssyncset.done $0x0  }
0xb4: {  	s21 =	rddreg [dreg:$0xf];
	[sflag:s26] =	ssyncadd.s32 $0xFFFFD8F0  }
0xb5: {  	[hbm:s21], [sflag:s10] =	dma.local [spmem:s11], $0x50  }
0xb6: {  	_ =	swait.ge [sflag:s26], $0x50  }
0xb7: {  	[sflag:s26] =	ssyncset.done $0x0  }
0xb8: {  	s23 =	rddreg [dreg:$0x10];
	[sflag:s26] =	ssyncadd.s32 $0xFFFFFFB0  }
0xb9: {  	[hbm:s23], [sflag:s10] =	dma.local [spmem:s12], $0x50  }
0xba: {  	s7 =	sadd.s32 $0x1, s7;
	_ =	swait.ge [sflag:s26], $0x50  }
0xbb: {  	p0 =	sne.s32 s7, s25;
	[sflag:s26] =	ssyncset.done $0x0  }
.Ltmp1:
0xbc: {  	s24 =	rddreg [dreg:$0x11];
	[sflag:s26] =	ssyncadd.s32 $0xFFFFFFB0;
	(pc) =	sbr.rel @p0 .LBB2_1-.Ltmp1, $4  }
0xbd: {  	[hbm:s24], [sflag:s10] =	dma.local [spmem:s13], $0x50  }
0xbe: {  	_ =	swait.ge [sflag:s26], $0x50  }
0xbf: {  	[sflag:s26] =	ssyncset.done $0x0  }
0xc0: {  	[sflag:s26] =	ssyncadd.s32 $0xFFFFFFB0  }
0xc1: {  	_ =	sfence.sel $0x180000  }
0xc2: {  	[bflag:$0x0] =	sbarrier.arrive $0xFFFF  }
0xc3: {  	_ =	strace $0x9000004D  }
0xc4: {  	s0 =	stileid.u32;
	[bflag:$0x2] =	sbarrier.arrive $0xFFFF  }
0xc5: {  	p0 =	sne.s32 s0, $0x0;
	s0 =	rddreg [dreg:$0x5]  }
0xc6: {  	s0 =	sadd.s32 @!p0 $0x100000, s0  }
0xc7: {  	[sflag:s0] =	ssyncadd.tile.s32 @!p0 $0x1;
	_ =	shalt  }
.Lfunc_end2:
_tile_overlayer_lowered:
.L_overlay_start_2:
0xc8: {  	(tag) =	ssettag $0x2  }
0xc9: {  	s0 =	rddreg [dreg:$0x0];
	s2 =	stileid.u32  }
0xca: {  	s1 =	rddreg [dreg:$0x1];
	p0 =	sne.s32 s2, $0x0  }
0xcb: {  	s3 =	rddreg [dreg:$0x2];
	[bflag:$0x3] =	sbarrier.arrive $0xFFFF;
	s2 =	simm.s32 @!p0 $0x1C04  }
0xcc: {  	[timem:s3], [sflag:s2] =	dma.local @!p0 [hbm:s0], s1  }
0xcd: {  	s0 =	simm.s32 @!p0 $0x4  }
0xce: {  	_ =	swait.ge @!p0 [sflag:s0], s1  }
0xcf: {  	s1 =	ssub.s32 @!p0 $0x0, s1;
	[sflag:s0] =	ssyncset.done @!p0 $0x0  }
0xd0: {  	[sflag:s0] =	ssyncadd.s32 @!p0 s1  }
0xd1: {  	[bflag:$0x3] =	sbarrier.arrive $0xFFFF  }
0xd2: {  	_ =	shalt  }

// kernel: kernel.17.cloned.1.call-start
scs
__scs_entry_jumppad:
0x0: {  	(pc) =	sbr.rel $0x88, $3  }
0x1: {  	(tag) =	ssettag $0x0;
	lr =	simm.s32 $0x1  }
0x2: {  	[smem:$0x3F8E] =	sst lr;
	_ =	strace $0xD0000000  }
0x3: {  	_ = 	snop  }
0x4: {  	_ = 	snop  }
0x5: {  	_ = 	snop  }
0x6: {  	_ = 	snop  }
0x7: {  	_ = 	snop  }
__scs_overlays_trampoline_lowered:
0x8: {  	[smem:$0x3F9D] =	sst s0  }
0x9: {  	[smem:$0x3F9E] =	sst s1  }
0xa: {  	[smem:$0x3F9F] =	sst s2  }
0xb: {  	[smem:$0x3FA0] =	sst s3  }
0xc: {  	[smem:$0x3FA1] =	sst s4  }
0xd: {  	[smem:$0x3FA2] =	sst s5  }
0xe: {  	[smem:$0x3FA3] =	sst s6  }
0xf: {  	[smem:$0x3FA4] =	sst s7  }
0x10: {  	[smem:$0x3FA5] =	sst s8  }
0x11: {  	[smem:$0x3FA6] =	sst s9;
	s0 =	simm.s32 @!p0 $0x0  }
0x12: {  	s1 =	sld [smem:$0x3F8C];
	s0 =	simm.s32 @p0 $0x1  }
0x13: {  	[smem:$0x3FA7] =	sst s0;
	s0 =	simm.s32 @!p1 $0x0  }
0x14: {  	s2 =	sld [smem:$0x3F8B];
	s0 =	simm.s32 @p1 $0x1  }
0x15: {  	[smem:$0x3FA8] =	sst s0;
	s0 =	simm.s32 @!p2 $0x0  }
0x16: {  	s3 =	sld [smem:$0x3FDB];
	s0 =	simm.s32 @p2 $0x1  }
0x17: {  	s4 =	simm.s32 $0x1BF5;
	[smem:$0x3FAA] =	sst s0  }
0x18: {  	s0 =	sld [smem:$0x3F8D];
	_ =	swait.ge [sflag:s4], $0x0  }
0x19: {  	s7 =	sld [smem:$0x3F8E]  }
0x1a: {  	s8 =	sadd.s32 $0xFFFFE003, lr  }
0x1b: {  	s9 =	sadd.s32 $0xFFFFFEF7, lr;
	s5 =	simm.s32 $0xFFFFFFFF;
	p2 =	slt.u32 s8, $0xFFFFF086  }
0x1c: {  	p1 =	slt.u32 s9, $0xF7A;
	s5 =	simm.s32 @!p2 $0x0  }
0x1d: {  	s5 =	simm.s32 @p1 $0x1;
	p0 =	seq.s32 s7, s2  }
0x1e: {  	s7 =	smul.u32 @!p0 $0xF7A, s2;
	p2 =	seq.s32 @!p0 s5, $0x0  }
0x1f: {  	s9 =	smul.u32 $0xF7A, s1;
	s8 =	simm.s32 @!p0 $0x1BF5;
	p2 =	por !p2, p0  }
0x20: {  	[sflag:s8] =	ssyncset.s32 @!p0 $0xFFFFF086;
	s6 =	sadd.s32 @!p0 s3, s7;
	s7 =	simm.s32 @!p0 $0x108  }
0x21: {  	s3 =	sadd.s32 s3, s9;
	s6 =	sadd.s32 @!p0 $0x88, s6;
	s7 =	simm.s32 @p2 $0x1082  }
0x22: {  	[simem:s7], [sflag:s8] =	dma.local @!p0 [hbm:s6], $0xF7A  }
0x23: {  	s9 =	sor.u32 $0xD0000000, s2;
	s6 =	simm.s32 $0x108;
	_ =	swait.ge @!p0 [sflag:s8], $0x0  }
0x24: {  	s3 =	sadd.s32 $0x88, s3;
	s6 =	simm.s32 @!p1 $0x1082;
	[sflag:s4] =	ssyncset.s32 $0xFFFFF086  }
0x25: {  	[simem:s6], [sflag:s4] =	dma.local [hbm:s3], $0xF7A  }
0x26: {  	[smem:$0x3F8E] =	sst s1;
	(tag) =	ssettag s2;
	_ =	strace s9  }
0x27: {  	s1 =	sld [smem:$0x3F9E]  }
0x28: {  	s2 =	sld [smem:$0x3F9F]  }
0x29: {  	s4 =	sld [smem:$0x3FA1]  }
0x2a: {  	p0 =	seq.s32 s5, $0x0;
	s5 =	sld [smem:$0x3FA2]  }
0x2b: {  	s6 =	sld [smem:$0x3FA3]  }
0x2c: {  	s7 =	sld [smem:$0x3FA4]  }
0x2d: {  	s3 =	simm.s32 $0x108;
	s8 =	sld [smem:$0x3FA5]  }
0x2e: {  	s3 =	simm.s32 @!p0 $0x1082;
	s9 =	sld [smem:$0x3FA6]  }
0x2f: {  	lr =	sadd.s32 s0, s3;
	s0 =	sld [smem:$0x3F9D]  }
0x30: {  	s3 =	sld [smem:$0x3FA0]  }
0x31: {  	[smem:$0x3FA9] =	sst s10  }
0x32: {  	s10 =	sld [smem:$0x3FA7];
	_ =	sdelay $0x3  }
0x33: {  	p0 =	seq.s32 s10, $0x1;
	s10 =	sld [smem:$0x3FA9];
	_ =	sdelay $0x3  }
0x34: {  	[smem:$0x3FA9] =	sst s10  }
0x35: {  	s10 =	sld [smem:$0x3FA8];
	_ =	sdelay $0x3  }
0x36: {  	p1 =	seq.s32 s10, $0x1;
	s10 =	sld [smem:$0x3FA9];
	_ =	sdelay $0x3  }
0x37: {  	[smem:$0x3FA9] =	sst s10  }
0x38: {  	s10 =	sld [smem:$0x3FAA]  }
0x39: {  	_ = 	snop;
	(pc) =	sbr.ind lr, $3  }
0x3a: {  	_ = 	snop  }
0x3b: {  	_ = 	snop  }
0x3c: {  	p2 =	seq.s32 s10, $0x1;
	s10 =	sld [smem:$0x3FA9]  }
0x3d: {  	_ =	shalt  }
0x3e: {  	_ =	shalt  }
0x3f: {  	_ =	shalt  }
0x40: {  	_ =	shalt  }
0x41: {  	_ =	shalt  }
0x42: {  	_ =	shalt  }
0x43: {  	_ =	shalt  }
0x44: {  	_ =	shalt  }
0x45: {  	_ =	shalt  }
0x46: {  	_ =	shalt  }
0x47: {  	_ =	shalt  }
0x48: {  	_ =	shalt  }
0x49: {  	_ =	shalt  }
0x4a: {  	_ =	shalt  }
0x4b: {  	_ =	shalt  }
0x4c: {  	_ =	shalt  }
0x4d: {  	_ =	shalt  }
0x4e: {  	_ =	shalt  }
0x4f: {  	_ =	shalt  }
0x50: {  	_ =	shalt  }
0x51: {  	_ =	shalt  }
0x52: {  	_ =	shalt  }
0x53: {  	_ =	shalt  }
0x54: {  	_ =	shalt  }
0x55: {  	_ =	shalt  }
0x56: {  	_ =	shalt  }
0x57: {  	_ =	shalt  }
0x58: {  	_ =	shalt  }
0x59: {  	_ =	shalt  }
0x5a: {  	_ =	shalt  }
0x5b: {  	_ =	shalt  }
0x5c: {  	_ =	shalt  }
0x5d: {  	_ =	shalt  }
0x5e: {  	_ =	shalt  }
0x5f: {  	_ =	shalt  }
0x60: {  	_ =	shalt  }
0x61: {  	_ =	shalt  }
0x62: {  	_ =	shalt  }
0x63: {  	_ =	shalt  }
0x64: {  	_ =	shalt  }
0x65: {  	_ =	shalt  }
0x66: {  	_ =	shalt  }
0x67: {  	_ =	shalt  }
0x68: {  	_ =	shalt  }
0x69: {  	_ =	shalt  }
0x6a: {  	_ =	shalt  }
0x6b: {  	_ =	shalt  }
0x6c: {  	_ =	shalt  }
0x6d: {  	_ =	shalt  }
0x6e: {  	_ =	shalt  }
0x6f: {  	_ =	shalt  }
0x70: {  	_ =	shalt  }
0x71: {  	_ =	shalt  }
0x72: {  	_ =	shalt  }
0x73: {  	_ =	shalt  }
0x74: {  	_ =	shalt  }
0x75: {  	_ =	shalt  }
0x76: {  	_ =	shalt  }
0x77: {  	_ =	shalt  }
0x78: {  	_ =	shalt  }
0x79: {  	_ =	shalt  }
0x7a: {  	_ =	shalt  }
0x7b: {  	_ =	shalt  }
0x7c: {  	_ =	shalt  }
0x7d: {  	_ =	shalt  }
0x7e: {  	_ =	shalt  }
0x7f: {  	_ =	shalt  }
0x80: {  	_ =	shalt  }
0x81: {  	_ =	shalt  }
0x82: {  	_ =	shalt  }
0x83: {  	_ =	shalt  }
0x84: {  	_ =	shalt  }
0x85: {  	_ =	shalt  }
0x86: {  	_ =	shalt  }
0x87: {  	_ =	shalt  }
.Lfunc_end0:
.L_simem_size_0:
called_computation.2_lowered:
.L_overlay_start_0:
0x88: {  	s2 =	sld [smem:$0x3FD9]  }
0x89: {  	s3 =	sld [smem:$0x3FFE];
	_ =	sdelay $0x1  }
0x8a: {  	s1 =	srdreg.scid  }
0x8b: {  	s0 =	sand.u32 $0x1, s1  }
0x8c: {  	s15 =	sshll.u32 s0, $0xA;
	s2 =	sadd.s32 s3, s2  }
0x8d: {  	s2 =	sadd.s32 s2, s15  }
0x8e: {  	[smem:$0x3FB5] =	sst s2  }
0x8f: {  	_ = 	snop  }
0x90: {  	s2 =	sld [smem:$0x3FD0];
	_ =	sdelay $0x2  }
0x91: {  	s4 =	simm.s32 $0xB;
	s16 =	simm.s32 $0x10  }
0x92: {  	[smem:s16], [sflag:s4] =	dma.local [hbm:s2], $0x1  }
0x93: {  	_ =	swait.eq [sflag:s4], $0x1  }
0x94: {  	[sflag:s4] =	ssyncset.done $0x0  }
0x95: {  	s17 =	sld [smem:$0x11];
	[sflag:s4] =	ssyncadd.s32 $0xFFFFFFFF  }
0x96: {  	s18 =	sld [smem:$0x12];
	(tm) =	ssettm $0x1  }
0x97: {  	s19 =	sld [smem:$0x3FFB];
	_ =	sdelay $0x3  }
0x98: {  	_ =	strace s19  }
0x99: {  	s2 =	sld [smem:$0x3FFC];
	_ =	sdelay $0x3  }
0x9a: {  	_ =	strace s2  }
0x9b: {  	s2 =	sld [smem:$0x3FFD];
	_ =	sdelay $0x3  }
0x9c: {  	_ =	strace s2  }
0x9d: {  	_ =	strace $0x8FFFFFFF  }
0x9e: {  	s20 =	sld [smem:$0x3FDB];
	_ =	sdelay $0x1  }
0x9f: {  	s5 =	simm.s32 $_scs_section_size  }
0xa0: {  	s6 =	simm.s32 $_size__tile_overlayer_lowered;
	s7 =	simm.s32 $_tile_overlayer_lowered  }
0xa1: {  	s8 =	simm.s32 $0x1BFF;
	s21 =	sshll.u32 s7, $0x1;
	s5 =	sadd.s32 s5, s20  }
0xa2: {  	s22 =	simm.s32 $0x0;
	s6 =	sshll.u32 s6, $0x1;
	s7 =	sadd.s32 s21, s5  }
0xa3: {  	[timem:s22], [sflag:s8] =	dma.local [hbm:s7], s6  }
0xa4: {  	_ =	swait.ge [sflag:s8], s6  }
0xa5: {  	s6 =	ssub.s32 $0x0, s6;
	[sflag:s8] =	ssyncset.done $0x0  }
0xa6: {  	[sflag:s8] =	ssyncadd.s32 s6;
	_ =	sdelay $0x1  }
0xa7: {  	s23 =	simm.s32 $0x1B8B  }
0xa8: {  	_ =	swait.ge [sflag:s23], $0x1  }
0xa9: {  	[sflag:s23] =	ssyncset.done $0x0  }
0xaa: {  	[sflag:s23] =	ssyncadd.s32 $0xFFFFFFFF  }
0xab: {  	s6 =	sld [smem:$0x0]  }
0xac: {  	s7 =	sand.u32 $0xFFFFFFFE, s1  }
0xad: {  	p0 =	sne.s32 s1, s7  }
0xae: {  	s7 =	sshll.u32 @p0 s7, $0xE  }
0xaf: {  	s7 =	sadd.s32 @p0 $0x11B8D, s7;
	s8 =	sshll.u32 @p0 s6, $0x11  }
0xb0: {  	s7 =	sor.u32 @p0 s8, s7  }
0xb1: {  	[sflag:s7] =	ssyncadd.remote.s32 @p0 $0x1;
	_ =	sdelay $0x1  }
0xb2: {  	s7 =	simm.s32 @p0 $0x1B8D  }
0xb3: {  	_ =	swait.eq @p0 [sflag:s7], $0x1  }
0xb4: {  	[sflag:s7] =	ssyncadd.s32 @p0 $0xFFFFFFFF  }
0xb5: {  	s8 =	sshll.u32 @!p0 s1, $0xE  }
0xb6: {  	s8 =	sor.u32 @!p0 $0x4000, s8;
	s7 =	simm.s32 @!p0 $0x1B8D  }
0xb7: {  	s6 =	sshll.u32 @!p0 s6, $0x11;
	s8 =	sadd.s32 @!p0 $0x11B8D, s8;
	_ =	swait.eq @!p0 [sflag:s7], $0x1  }
0xb8: {  	s6 =	sor.u32 @!p0 s6, s8;
	[sflag:s7] =	ssyncadd.s32 @!p0 $0xFFFFFFFF  }
0xb9: {  	s25 =	simm.s32 $0x1B8E;
	s24 =	sld [smem:$0x3FFE];
	[sflag:s6] =	ssyncadd.remote.s32 @!p0 $0x1  }
0xba: {  	s26 =	simm.s32 $execute0_lowered;
	[smem:$0x3FD2] =	sst s25  }
0xbb: {  	s7 =	sshll.u32 s26, $0x1;
	_ =	strace $0x80000049;
	[dreg:$0x1] =	wrdreg $0xFFFFFFFF  }
0xbc: {  	s28 =	simm.s32 $_size_execute0_lowered;
	s5 =	sadd.s32 s5, s7;
	[dreg:$0x0] =	wrdreg $0x0  }
0xbd: {  	s7 =	sshll.u32 s28, $0x1;
	[dreg:$0x2] =	wrdreg s5  }
0xbe: {  	[dreg:$0x3] =	wrdreg s7  }
0xbf: {  	[dreg:$0x4] =	wrdreg $0xC0  }
0xc0: {  	_ =	task [dreg:s22], $0x5FFFF  }
0xc1: {  	[dreg:$0x1] =	wrdreg $0xFFFFFFFF  }
0xc2: {  	[dreg:$0x0] =	wrdreg $0x60  }
0xc3: {  	[dreg:$0x2] =	wrdreg s18  }
0xc4: {  	[dreg:$0x3] =	wrdreg s24  }
0xc5: {  	[dreg:$0x4] =	wrdreg s17  }
0xc6: {  	[dreg:$0x5] =	wrdreg $0x9F100  }
0xc7: {  	[dreg:$0x6] =	wrdreg $0xA  }
0xc8: {  	_ =	task.clear_ibuf [dreg:s22], $0x7FFFF;
	_ =	strace $0x90000049  }
0xc9: {  	s29 =	simm.s32 $0xA;
	_ =	strace $0x8000004B  }
0xca: {  	_ =	swait.ge [sflag:s29], $0x1  }
0xcb: {  	[sflag:s29] =	ssyncadd.s32 $0xFFFFFFFF  }
0xcc: {  	_ =	strace $0x9000004B  }
0xcd: {  	_ =	sfence  }
0xce: {  	s30 =	sld [smem:$0x0];
	_ =	sdelay $0x2  }
0xcf: {  	s31 =	sshll.u32 s1, $0xD;
	s1 =	sshrl.u32 s1, $0x2  }
0xd0: {  	s4 =	sand.u32 $0x4000, s31;
	s1 =	sadd.s32 s1, s30  }
0xd1: {  	s0 =	sor.u32 s4, s0;
	s1 =	sshll.u32 s1, $0x11  }
0xd2: {  	s0 =	sor.u32 s1, s0  }
0xd3: {  	s0 =	sadd.s32 $0x8F2B, s0  }
0xd4: {  	[sflag:s0] =	ssyncadd.remote.s32 $0x1  }
0xd5: {  	_ =	sfence.sel $0xFFFF  }
0xd6: {  	[dreg:$0x0] =	wrdreg $0xFFFFFFFF;
	(pc) =	sbr.abs _section_cstart, $3  }
0xd7: {  	[dreg:$0x1] =	wrdreg $0xFFFFFFFF  }
0xd8: {  	_ =	task.clear_ibuf [dreg:s22], $0x2FFFF;
	_ =	strace $0x9FFFFFFF  }
0xd9: {  	(tm) =	ssettm $0x7FFFFFFF  }
tec
execute0_lowered:
.L_overlay_start_1:
0x0: {  	(tag) =	ssettag $0x1  }
0x1: {  	s1 =	rddreg [dreg:$0x0]  }
0x2: {  	s0 =	rddreg [dreg:$0x1]  }
0x3: {  	s2 =	rddreg [dreg:$0x2]  }
0x4: {  	s3 =	rddreg [dreg:$0x3];
	s4 =	simm.s32 $0x0;
	s5 =	srdreg.scid  }
0x5: {  	s16 =	stileid.u32;
	s28 =	simm.s32 $0x50F0;
	s29 =	simm.s32 $0x5140  }
0x6: {  	s30 =	simm.s32 $0x5190;
	s31 =	simm.s32 $0x51E0;
	[smem:$0x7FF] =	sst s4  }
0x7: {  	s9 =	sand.u32 $0x1, s5;
	s8 =	smul.u32 $0x2620, s16;
	s5 =	sadd.s32 $0x11E00, s0  }
0x8: {  	s6 =	sadd.s32 $0x7800, s0;
	s7 =	sadd.s32 $0x7200, s0;
	s12 =	smul.u32 $0x26200, s16  }
0x9: {  	s11 =	sshll.u32 s16, $0x1;
	s13 =	sadd.s32 $0x39000, s0;
	s14 =	smul.u32 $0x280, s16  }
0xa: {  	s16 =	sshll.u32 s16, $0x6;
	_ =	strace $0x8000004A;
	s10 =	smul.u32 $0x1310, s9  }
0xb: {  	s11 =	sor.u32 s9, s11;
	[dreg:$0x5] =	wrdreg s13;
	s15 =	smul.u32 $0x2800, s9  }
0xc: {  	s17 =	ssub.s32 $0x2, s9;
	s9 =	smul.u32 $0x13100, s9;
	s13 =	simm.s32 $0x0  }
0xd: {  	s11 =	smul.u32 $0x1310, s11;
	s12 =	sadd.s32 s12, s0;
	s18 =	sshrl.u32 s17, $0x1  }
0xe: {  	s19 =	sadd.s32 s14, s3;
	s10 =	sadd.s32 s10, s8;
	s8 =	sadd.s32 $0x6C00, s0  }
0xf: {  	s14 =	sadd.s32 s14, s15;
	s24 =	sadd.s32 s9, s12;
	s12 =	sshrl.u32 s19, $0x3  }
0x10: {  	s10 =	sshrl.u32 s10, $0x3;
	s11 =	sshrl.u32 s11, $0x3;
	s14 =	sshrl.u32 s14, $0x3  }
0x11: {  	s26 =	sadd.s32 $0x56AA00, s24;
	[dreg:$0xf] =	wrdreg s12;
	s10 =	sadd.s32 s10, s0  }
0x12: {  	s0 =	sadd.s32 s11, s0;
	s23 =	sadd.s32 s2, s14;
	[dreg:$0xd] =	wrdreg s26  }
0x13: {  	s11 =	ssub.s32 s17, s18;
	s18 =	sor.u32 $0x1C02, s16;
	[dreg:$0xb] =	wrdreg s23  }
0x14: {  	s9 =	simm.s32 $0x9EC0;
	s20 =	sadd.s32 $0x557800, s0;
	[dreg:$0x6] =	wrdreg s18  }
0x15: {  	s26 =	simm.s32 $0x50A0;
	s21 =	sadd.s32 $0x55C440, s0;
	[dreg:$0x7] =	wrdreg s20  }
0x16: {  	s2 =	simm.s32 $0x1;
	s22 =	sadd.s32 $0x561080, s0;
	[dreg:$0x8] =	wrdreg s21  }
0x17: {  	s0 =	sadd.s32 $0x565CC0, s0;
	s16 =	sadd.s32 $0x54DC00, s10;
	[dreg:$0x9] =	wrdreg s22  }
0x18: {  	s17 =	sadd.s32 $0x552A00, s10;
	s25 =	smax.u32 s11, $0x1;
	[dreg:$0xa] =	wrdreg s0  }
0x19: {  	s23 =	simm.s32 $0x50;
	s11 =	simm.s32 $0x78A0;
	[dreg:$0xc] =	wrdreg s25  }
0x1a: {  	s0 =	sadd.s32 $0x7CCA00, s24;
	s22 =	simm.s32 $0x2;
	s24 =	simm.s32 $0xA0  }
0x1b: {  	v0 =	vimm.f32 $1.000000000e+00;
	s25 =	simm.s32 $0x28A0;
	[dreg:$0xe] =	wrdreg s0;
	s0 =	simm.s32 $0x5230  }
.LBB2_1:
0x1c: {  	[dreg:$0x10] =	wrdreg s13  }
0x1d: {  	s10 =	rddreg [dreg:$0x5]  }
0x1e: {  	[spmem:s12], [sflag:s18] =	dma.local [hbm:s10], $0x50  }
0x1f: {  	_ =	swait.ge [sflag:s22], $0x50  }
0x20: {  	[sflag:s22] =	ssyncset.done $0x0  }
0x21: {  	[sflag:s22] =	ssyncadd.s32 $0xFFFFFFB0  }
0x22: {  	[tilespmem:$0x9EC0] =	vst v0  }
0x23: {  	[tilespmem:$0x9ED0] =	vst v0  }
0x24: {  	[tilespmem:$0x9EE0] =	vst v0  }
0x25: {  	[tilespmem:$0x9EF0] =	vst v0  }
0x26: {  	[tilespmem:$0x9F00] =	vst v0  }
0x27: {  	s20 =	sadd.s32 $0x0, s16;
	[bflag:$0x0] =	sbarrier.arrive $0xFFFF  }
0x28: {  	[tilespmem:s4], [sflag:$0x2] =	stream.linear.gather [hbm4b:s20+s4], $0x50, $0x38;
	[tilespmem:$0xA190] =	vst v63  }
0x29: {  	_ =	swait.ge [sflag:s22], $0x50  }
0x2a: {  	[sflag:s22] =	ssyncset.done $0x0  }
0x2b: {  	s21 =	sadd.s32 $0x0, s17;
	[sflag:s22] =	ssyncadd.s32 $0xFFFFFFB0  }
0x2c: {  	[tilespmem:s23], [sflag:$0x2] =	stream.linear.gather [hbm4b:s21+s4], $0x50, $0x38;
	[tilespmem:$0xA190] =	vst v63  }
0x2d: {  	_ =	swait.ge [sflag:s22], $0x50  }
0x2e: {  	[sflag:s22] =	ssyncset.done $0x0  }
0x2f: {  	[sflag:s22] =	ssyncadd.s32 $0xFFFFFFB0  }
0x30: {  	[tilespmem:s24], [sflag:$0x1] =	stream.indirect.gather [hbm4b:s1+s23], $0x80, s4, s23, $0xb8;
	[tilespmem:$0xA190] =	vst v63  }
0x31: {  	_ = 	snop  }
0x32: {  	[tilespmem:s25], [sflag:$0x1] =	stream.indirect.gather [hbm4b:s5+s23], $0x80, s23, s23, $0xb8;
	[tilespmem:$0xA190] =	vst v63  }
0x33: {  	_ = 	snop  }
0x34: {  	[tilespmem:s26], [sflag:$0x1] =	stream.indirect.gather [hbm4b:s6+s23], $0x1, s4, s23, $0xb8;
	[tilespmem:$0xA190] =	vst v63  }
0x35: {  	_ = 	snop  }
0x36: {  	[tilespmem:s28], [sflag:$0x1] =	stream.indirect.gather [hbm4b:s7+s23], $0x1, s4, s23, $0xb8;
	[tilespmem:$0xA190] =	vst v63  }
0x37: {  	_ = 	snop  }
0x38: {  	[tilespmem:s29], [sflag:$0x1] =	stream.indirect.gather [hbm4b:s8+s23], $0x1, s4, s23, $0xb8;
	[tilespmem:$0xA190] =	vst v63  }
0x39: {  	_ = 	snop  }
0x3a: {  	[tilespmem:s30], [sflag:$0x1] =	stream.indirect.gather [hbm4b:s6+s23], $0x1, s23, s23, $0xb8;
	[tilespmem:$0xA190] =	vst v63  }
0x3b: {  	_ = 	snop  }
0x3c: {  	[tilespmem:s31], [sflag:$0x1] =	stream.indirect.gather [hbm4b:s7+s23], $0x1, s23, s23, $0xb8;
	[tilespmem:$0xA190] =	vst v63  }
0x3d: {  	_ = 	snop  }
0x3e: {  	[tilespmem:s0], [sflag:$0x1] =	stream.indirect.gather [hbm4b:s8+s23], $0x1, s23, s23, $0xb8;
	[tilespmem:$0xA190] =	vst v63  }
0x3f: {  	_ =	swait.ge [sflag:s2], $0x2800  }
0x40: {  	[sflag:s2] =	ssyncset.done $0x0  }
0x41: {  	[sflag:s2] =	ssyncadd.s32 $0xFFFFD800  }
0x42: {  	_ =	swait.ge [sflag:s2], $0x2800  }
0x43: {  	[sflag:s2] =	ssyncset.done $0x0  }
0x44: {  	[sflag:s2] =	ssyncadd.s32 $0xFFFFD800  }
0x45: {  	_ =	swait.ge [sflag:s2], $0x50  }
0x46: {  	[sflag:s2] =	ssyncset.done $0x0  }
0x47: {  	[sflag:s2] =	ssyncadd.s32 $0xFFFFFFB0  }
0x48: {  	_ =	swait.ge [sflag:s2], $0x50  }
0x49: {  	[sflag:s2] =	ssyncset.done $0x0  }
0x4a: {  	[sflag:s2] =	ssyncadd.s32 $0xFFFFFFB0  }
0x4b: {  	_ =	swait.ge [sflag:s2], $0x50  }
0x4c: {  	[sflag:s2] =	ssyncset.done $0x0  }
0x4d: {  	[sflag:s2] =	ssyncadd.s32 $0xFFFFFFB0  }
0x4e: {  	_ =	swait.ge [sflag:s2], $0x50  }
0x4f: {  	[sflag:s2] =	ssyncset.done $0x0  }
0x50: {  	[sflag:s2] =	ssyncadd.s32 $0xFFFFFFB0  }
0x51: {  	_ =	swait.ge [sflag:s2], $0x50  }
0x52: {  	[sflag:s2] =	ssyncset.done $0x0  }
0x53: {  	[sflag:s2] =	ssyncadd.s32 $0xFFFFFFB0  }
0x54: {  	_ =	swait.ge [sflag:s2], $0x50  }
0x55: {  	[sflag:s2] =	ssyncset.done $0x0  }
0x56: {  	[sflag:s2] =	ssyncadd.s32 $0xFFFFFFB0  }
0x57: {  	v1 =	vld [tilespmem:$0x51E0]  }
0x58: {  	v2 =	vld [tilespmem:$0x50A0]  }
0x59: {  	v3 =	vld [tilespmem:$0x50F0]  }
0x5a: {  	v4 =	vld [tilespmem:$0x5190]  }
0x5b: {  	v5 =	vld [tilespmem:$0x5140]  }
0x5c: {  	v6 =	vld [tilespmem:$0x5230];
	_ =	sdelay $0x2  }
0x5d: {  	v1 =	vsub.f32 v3, v1;
	v2 =	vsub.f32 v2, v4;
	_ =	sdelay $0x1  }
0x5e: {  	v3 =	vsub.f32 v5, v6;
	v4 =	vmul.f32 v1, v1;
	v5 =	vmul.f32 v2, v2;
	_ =	sdelay $0x1  }
0x5f: {  	v6 =	vmul.f32 v3, v3;
	v4 =	vadd.f32 v4, v5  }
0x60: {  	[tilespmem:s11+$0x0] =	vst v3  }
0x61: {  	[tilespmem:s11+$0xFFFFECF0] =	vst v1;
	v1 =	vadd.f32 v6, v4  }
0x62: {  	[tilespmem:s11+$0xFFFFD9E0] =	vst v2  }
0x63: {  	[tilespmem:s11+$0x1310] =	vst v1  }
0x64: {  	v1 =	vld [tilespmem:$0x50B0]  }
0x65: {  	v2 =	vld [tilespmem:$0x51A0]  }
0x66: {  	v3 =	vld [tilespmem:$0x51F0]  }
0x67: {  	v4 =	vld [tilespmem:$0x5100]  }
0x68: {  	v5 =	vld [tilespmem:$0x5240]  }
0x69: {  	v60 =	vld [tilespmem:$0x5150];
	_ =	sdelay $0x2  }
0x6a: {  	v1 =	vsub.f32 v1, v2;
	v2 =	vsub.f32 v4, v3;
	_ =	sdelay $0x1  }
0x6b: {  	v4 =	vsub.f32 v60, v5;
	v3 =	vmul.f32 v1, v1;
	v5 =	vmul.f32 v2, v2;
	_ =	sdelay $0x1  }
0x6c: {  	v3 =	vadd.f32 v5, v3;
	v5 =	vmul.f32 v4, v4  }
0x6d: {  	[tilespmem:s11+$0xFFFFD9F0] =	vst v1  }
0x6e: {  	[tilespmem:s11+$0xFFFFED00] =	vst v2;
	v1 =	vadd.f32 v5, v3  }
0x6f: {  	[tilespmem:s11+$0x10] =	vst v4  }
0x70: {  	[tilespmem:s11+$0x1320] =	vst v1  }
0x71: {  	v1 =	vld [tilespmem:$0x5200]  }
0x72: {  	v2 =	vld [tilespmem:$0x50C0]  }
0x73: {  	v3 =	vld [tilespmem:$0x51B0]  }
0x74: {  	v4 =	vld [tilespmem:$0x5110]  }
0x75: {  	v5 =	vld [tilespmem:$0x5250]  }
0x76: {  	v61 =	vld [tilespmem:$0x5160];
	_ =	sdelay $0x2  }
0x77: {  	v2 =	vsub.f32 v2, v3;
	v1 =	vsub.f32 v4, v1;
	_ =	sdelay $0x1  }
0x78: {  	v3 =	vsub.f32 v61, v5;
	v4 =	vmul.f32 v2, v2;
	v5 =	vmul.f32 v1, v1;
	_ =	sdelay $0x1  }
0x79: {  	v4 =	vadd.f32 v5, v4;
	v5 =	vmul.f32 v3, v3  }
0x7a: {  	[tilespmem:s11+$0xFFFFDA00] =	vst v2  }
0x7b: {  	[tilespmem:s11+$0xFFFFED10] =	vst v1;
	v1 =	vadd.f32 v5, v4  }
0x7c: {  	[tilespmem:s11+$0x20] =	vst v3  }
0x7d: {  	[tilespmem:s11+$0x1330] =	vst v1  }
0x7e: {  	v1 =	vld [tilespmem:$0x51C0]  }
0x7f: {  	v2 =	vld [tilespmem:$0x50D0]  }
0x80: {  	v3 =	vld [tilespmem:$0x5210]  }
0x81: {  	v4 =	vld [tilespmem:$0x5120]  }
0x82: {  	v5 =	vld [tilespmem:$0x5170]  }
0x83: {  	v62 =	vld [tilespmem:$0x5260];
	_ =	sdelay $0x2  }
0x84: {  	v1 =	vsub.f32 v2, v1;
	v2 =	vsub.f32 v4, v3;
	_ =	sdelay $0x1  }
0x85: {  	v4 =	vsub.f32 v5, v62;
	v3 =	vmul.f32 v1, v1;
	v5 =	vmul.f32 v2, v2;
	_ =	sdelay $0x1  }
0x86: {  	v3 =	vadd.f32 v5, v3;
	v5 =	vmul.f32 v4, v4  }
0x87: {  	[tilespmem:s11+$0xFFFFDA10] =	vst v1  }
0x88: {  	[tilespmem:s11+$0xFFFFED20] =	vst v2;
	v1 =	vadd.f32 v5, v3  }
0x89: {  	[tilespmem:s11+$0x30] =	vst v4  }
0x8a: {  	[tilespmem:s11+$0x1340] =	vst v1  }
0x8b: {  	v2 =	vld [tilespmem:$0x5180]  }
0x8c: {  	v1 =	vld [tilespmem:$0x50E0]  }
0x8d: {  	v3 =	vld [tilespmem:$0x5270]  }
0x8e: {  	v4 =	vld [tilespmem:$0x5220]  }
0x8f: {  	v5 =	vld [tilespmem:$0x51D0]  }
0x90: {  	v63 =	vld [tilespmem:$0x5130];
	_ =	sdelay $0x2  }
0x91: {  	s19 =	rddreg [dreg:$0xd]  }
0x92: {  	s14 =	simm.s32 $0x78A0;
	s18 =	simm.s32 $0xA;
	s20 =	rddreg [dreg:$0xe];
	v1 =	vsub.f32 v1, v5;
	v2 =	vsub.f32 v2, v3  }
0x93: {  	s10 =	simm.s32 $0x78A0;
	s15 =	smov.u32 s19;
	s13 =	smov.u32 s20;
	v3 =	vsub.f32 v63, v4  }
.LBB2_2:
0x94: {  	v4 =	vmul.f32 v1, v1;
	v5 =	vmul.f32 v2, v2;
	s15 =	sadd.s32 $0x500, s15;
	s13 =	sadd.s32 $0x500, s13;
	s10 =	sadd.s32 $0x50, s10  }
0x95: {  	p0 =	sne.s32 s18, $0x258;
	s21 =	smov.u32 s18;
	s18 =	sadd.s32 $0xA, s18;
	[tilespmem:s14+$0xFFFFED30] =	vst v3;
	v3 =	vmul.f32 v3, v3  }
0x96: {  	_ = 	snop  }
0x97: {  	v3 =	vadd.f32 v3, v4;
	_ =	sdelay $0x1  }
0x98: {  	[tilespmem:s14+$0x40] =	vst v2;
	v2 =	vadd.f32 v5, v3  }
0x99: {  	[tilespmem:s14+$0xFFFFDA20] =	vst v1  }
0x9a: {  	[tilespmem:s14+$0x1350] =	vst v2;
	s14 =	smov.u32 s10  }
0x9b: {  	[hbm4b:s19+s4] =	stream.linear.scatter [tilespmem:s24], [sflag:$0x2], $0x2800, $0x38;
	[tilespmem:$0xA190] =	vst v63  }
0x9c: {  	s19 =	smov.u32 s15;
	_ =	swait.ge [sflag:s22], $0x2800  }
0x9d: {  	[sflag:s22] =	ssyncset.done $0x0  }
0x9e: {  	[sflag:s22] =	ssyncadd.s32 $0xFFFFD800  }
0x9f: {  	[hbm4b:s20+s4] =	stream.linear.scatter [tilespmem:s25], [sflag:$0x2], $0x2800, $0x38;
	[tilespmem:$0xA190] =	vst v63  }
0xa0: {  	s20 =	smov.u32 s13;
	_ =	swait.ge [sflag:s22], $0x2800  }
0xa1: {  	[sflag:s22] =	ssyncset.done $0x0  }
0xa2: {  	[sflag:s22] =	ssyncadd.s32 $0xFFFFD800  }
0xa3: {  	[spmem:s3] =	stream.indirect.scatter.add.f32 [tilespmem:s9], [sflag:$0x2], $0x1, s4, s23, $0xb8;
	[tilespmem:$0xA190] =	vst v63  }
0xa4: {  	_ =	swait.ge [sflag:s22], $0x50  }
0xa5: {  	[sflag:s22] =	ssyncset.done $0x0  }
0xa6: {  	s12 =	sadd.s32 s21, s16;
	[sflag:s22] =	ssyncadd.s32 $0xFFFFFFB0  }
0xa7: {  	[tilespmem:s4], [sflag:$0x2] =	stream.linear.gather [hbm4b:s12+s4], $0x50, $0x38;
	[tilespmem:$0xA190] =	vst v63  }
0xa8: {  	_ =	swait.ge [sflag:s22], $0x50  }
0xa9: {  	[sflag:s22] =	ssyncset.done $0x0  }
0xaa: {  	s12 =	sadd.s32 s21, s17;
	[sflag:s22] =	ssyncadd.s32 $0xFFFFFFB0  }
0xab: {  	[tilespmem:s23], [sflag:$0x2] =	stream.linear.gather [hbm4b:s12+s4], $0x50, $0x38;
	[tilespmem:$0xA190] =	vst v63  }
0xac: {  	_ =	swait.ge [sflag:s22], $0x50  }
0xad: {  	[sflag:s22] =	ssyncset.done $0x0  }
0xae: {  	[sflag:s22] =	ssyncadd.s32 $0xFFFFFFB0  }
0xaf: {  	[tilespmem:s24], [sflag:$0x1] =	stream.indirect.gather [hbm4b:s1+s23], $0x80, s4, s23, $0xb8;
	[tilespmem:$0xA190] =	vst v63  }
0xb0: {  	_ = 	snop  }
0xb1: {  	[tilespmem:s25], [sflag:$0x1] =	stream.indirect.gather [hbm4b:s5+s23], $0x80, s23, s23, $0xb8;
	[tilespmem:$0xA190] =	vst v63  }
0xb2: {  	_ = 	snop  }
0xb3: {  	[tilespmem:s26], [sflag:$0x1] =	stream.indirect.gather [hbm4b:s6+s23], $0x1, s4, s23, $0xb8;
	[tilespmem:$0xA190] =	vst v63  }
0xb4: {  	_ = 	snop  }
0xb5: {  	[tilespmem:s28], [sflag:$0x1] =	stream.indirect.gather [hbm4b:s7+s23], $0x1, s4, s23, $0xb8;
	[tilespmem:$0xA190] =	vst v63  }
0xb6: {  	_ = 	snop  }
0xb7: {  	[tilespmem:s29], [sflag:$0x1] =	stream.indirect.gather [hbm4b:s8+s23], $0x1, s4, s23, $0xb8;
	[tilespmem:$0xA190] =	vst v63  }
0xb8: {  	_ = 	snop  }
0xb9: {  	[tilespmem:s30], [sflag:$0x1] =	stream.indirect.gather [hbm4b:s6+s23], $0x1, s23, s23, $0xb8;
	[tilespmem:$0xA190] =	vst v63  }
0xba: {  	_ = 	snop  }
0xbb: {  	[tilespmem:s31], [sflag:$0x1] =	stream.indirect.gather [hbm4b:s7+s23], $0x1, s23, s23, $0xb8;
	[tilespmem:$0xA190] =	vst v63  }
0xbc: {  	_ = 	snop  }
0xbd: {  	[tilespmem:s0], [sflag:$0x1] =	stream.indirect.gather [hbm4b:s8+s23], $0x1, s23, s23, $0xb8;
	[tilespmem:$0xA190] =	vst v63  }
0xbe: {  	_ =	swait.ge [sflag:s2], $0x2800  }
0xbf: {  	[sflag:s2] =	ssyncset.done $0x0  }
0xc0: {  	[sflag:s2] =	ssyncadd.s32 $0xFFFFD800  }
0xc1: {  	_ =	swait.ge [sflag:s2], $0x2800  }
0xc2: {  	[sflag:s2] =	ssyncset.done $0x0  }
0xc3: {  	[sflag:s2] =	ssyncadd.s32 $0xFFFFD800  }
0xc4: {  	_ =	swait.ge [sflag:s2], $0x50  }
0xc5: {  	[sflag:s2] =	ssyncset.done $0x0  }
0xc6: {  	[sflag:s2] =	ssyncadd.s32 $0xFFFFFFB0  }
0xc7: {  	_ =	swait.ge [sflag:s2], $0x50  }
0xc8: {  	[sflag:s2] =	ssyncset.done $0x0  }
0xc9: {  	[sflag:s2] =	ssyncadd.s32 $0xFFFFFFB0  }
0xca: {  	_ =	swait.ge [sflag:s2], $0x50  }
0xcb: {  	[sflag:s2] =	ssyncset.done $0x0  }
0xcc: {  	[sflag:s2] =	ssyncadd.s32 $0xFFFFFFB0  }
0xcd: {  	_ =	swait.ge [sflag:s2], $0x50  }
0xce: {  	[sflag:s2] =	ssyncset.done $0x0  }
0xcf: {  	[sflag:s2] =	ssyncadd.s32 $0xFFFFFFB0  }
0xd0: {  	_ =	swait.ge [sflag:s2], $0x50  }
0xd1: {  	[sflag:s2] =	ssyncset.done $0x0  }
0xd2: {  	[sflag:s2] =	ssyncadd.s32 $0xFFFFFFB0  }
0xd3: {  	_ =	swait.ge [sflag:s2], $0x50  }
0xd4: {  	[sflag:s2] =	ssyncset.done $0x0  }
0xd5: {  	[sflag:s2] =	ssyncadd.s32 $0xFFFFFFB0  }
0xd6: {  	v1 =	vld [tilespmem:$0x5140]  }
0xd7: {  	v2 =	vld [tilespmem:$0x5230]  }
0xd8: {  	v3 =	vld [tilespmem:$0x51E0]  }
0xd9: {  	v4 =	vld [tilespmem:$0x50A0]  }
0xda: {  	v5 =	vld [tilespmem:$0x50F0]  }
0xdb: {  	v6 =	vld [tilespmem:$0x5190];
	_ =	sdelay $0x3  }
0xdc: {  	v1 =	vsub.f32 v1, v2;
	v3 =	vsub.f32 v5, v3  }
0xdd: {  	v2 =	vsub.f32 v4, v6  }
0xde: {  	v4 =	vmul.f32 v3, v3  }
0xdf: {  	v6 =	vmul.f32 v1, v1;
	v5 =	vmul.f32 v2, v2;
	_ =	sdelay $0x1  }
0xe0: {  	v4 =	vadd.f32 v4, v5  }
0xe1: {  	[tilespmem:s10+$0x0] =	vst v1  }
0xe2: {  	[tilespmem:s10+$0xFFFFECF0] =	vst v3;
	v1 =	vadd.f32 v6, v4  }
0xe3: {  	[tilespmem:s10+$0xFFFFD9E0] =	vst v2  }
0xe4: {  	[tilespmem:s10+$0x1310] =	vst v1  }
0xe5: {  	v1 =	vld [tilespmem:$0x50B0]  }
0xe6: {  	v2 =	vld [tilespmem:$0x51A0]  }
0xe7: {  	v3 =	vld [tilespmem:$0x51F0]  }
0xe8: {  	v4 =	vld [tilespmem:$0x5100]  }
0xe9: {  	v5 =	vld [tilespmem:$0x5240]  }
0xea: {  	v6 =	vld [tilespmem:$0x5150]  }
0xeb: {  	v1 =	vsub.f32 v1, v2;
	_ =	sdelay $0x1  }
0xec: {  	v2 =	vsub.f32 v4, v3;
	v3 =	vmul.f32 v1, v1;
	_ =	sdelay $0x1  }
0xed: {  	v4 =	vsub.f32 v6, v5;
	v5 =	vmul.f32 v2, v2;
	_ =	sdelay $0x1  }
0xee: {  	v3 =	vadd.f32 v5, v3;
	v5 =	vmul.f32 v4, v4  }
0xef: {  	[tilespmem:s10+$0xFFFFD9F0] =	vst v1  }
0xf0: {  	[tilespmem:s10+$0xFFFFED00] =	vst v2;
	v1 =	vadd.f32 v5, v3  }
0xf1: {  	[tilespmem:s10+$0x10] =	vst v4  }
0xf2: {  	[tilespmem:s10+$0x1320] =	vst v1  }
0xf3: {  	v1 =	vld [tilespmem:$0x5200]  }
0xf4: {  	v2 =	vld [tilespmem:$0x50C0]  }
0xf5: {  	v3 =	vld [tilespmem:$0x51B0]  }
0xf6: {  	v4 =	vld [tilespmem:$0x5110]  }
0xf7: {  	v5 =	vld [tilespmem:$0x5250]  }
0xf8: {  	v6 =	vld [tilespmem:$0x5160];
	_ =	sdelay $0x1  }
0xf9: {  	v2 =	vsub.f32 v2, v3  }
0xfa: {  	v1 =	vsub.f32 v4, v1  }
0xfb: {  	[tilespmem:s10+$0xFFFFDA00] =	vst v2  }
0xfc: {  	v2 =	vmul.f32 v2, v2;
	v3 =	vsub.f32 v6, v5;
	[tilespmem:s10+$0xFFFFED10] =	vst v1;
	v1 =	vmul.f32 v1, v1;
	_ =	sdelay $0x1  }
0xfd: {  	[tilespmem:s10+$0x20] =	vst v3;
	v1 =	vadd.f32 v1, v2;
	v2 =	vmul.f32 v3, v3;
	_ =	sdelay $0x1  }
0xfe: {  	v1 =	vadd.f32 v2, v1;
	_ =	sdelay $0x1  }
0xff: {  	[tilespmem:s10+$0x1330] =	vst v1  }
0x100: {  	v1 =	vld [tilespmem:$0x51C0]  }
0x101: {  	v2 =	vld [tilespmem:$0x50D0]  }
0x102: {  	v3 =	vld [tilespmem:$0x5210]  }
0x103: {  	v4 =	vld [tilespmem:$0x5120]  }
0x104: {  	v5 =	vld [tilespmem:$0x5170]  }
0x105: {  	v6 =	vld [tilespmem:$0x5260]  }
0x106: {  	v1 =	vsub.f32 v2, v1;
	_ =	sdelay $0x1  }
0x107: {  	v2 =	vsub.f32 v4, v3;
	[tilespmem:s10+$0xFFFFDA10] =	vst v1;
	v1 =	vmul.f32 v1, v1;
	_ =	sdelay $0x1  }
0x108: {  	v3 =	vsub.f32 v5, v6;
	[tilespmem:s10+$0xFFFFED20] =	vst v2;
	v2 =	vmul.f32 v2, v2;
	_ =	sdelay $0x1  }
0x109: {  	[tilespmem:s10+$0x30] =	vst v3;
	v1 =	vadd.f32 v2, v1;
	v2 =	vmul.f32 v3, v3;
	_ =	sdelay $0x1  }
0x10a: {  	v1 =	vadd.f32 v2, v1;
	_ =	sdelay $0x1  }
0x10b: {  	[tilespmem:s10+$0x1340] =	vst v1  }
0x10c: {  	v2 =	vld [tilespmem:$0x5180]  }
0x10d: {  	v1 =	vld [tilespmem:$0x50E0]  }
0x10e: {  	v3 =	vld [tilespmem:$0x5270]  }
0x10f: {  	v4 =	vld [tilespmem:$0x5220]  }
0x110: {  	v5 =	vld [tilespmem:$0x51D0]  }
0x111: {  	v6 =	vld [tilespmem:$0x5130]  }
.Ltmp0:
0x112: {  	(pc) =	sbr.rel @p0 .LBB2_2-.Ltmp0, $3  }
0x113: {  	_ =	sdelay $0x1  }
0x114: {  	v2 =	vsub.f32 v2, v3;
	v1 =	vsub.f32 v1, v5  }
0x115: {  	v3 =	vsub.f32 v6, v4  }
0x116: {  	_ = 	snop  }
0x117: {  	v4 =	vmul.f32 v1, v1;
	v5 =	vmul.f32 v3, v3;
	_ =	sdelay $0x1  }
0x118: {  	v63 =	vmul.f32 v2, v2;
	v4 =	vadd.f32 v5, v4  }
0x119: {  	[tilespmem:s14+$0x40] =	vst v2  }
0x11a: {  	[tilespmem:s14+$0xFFFFDA20] =	vst v1;
	v2 =	vadd.f32 v63, v4  }
0x11b: {  	[tilespmem:s14+$0xFFFFED30] =	vst v3  }
0x11c: {  	[tilespmem:s14+$0x1350] =	vst v2  }
0x11d: {  	[hbm4b:s19+s4] =	stream.linear.scatter [tilespmem:s24], [sflag:$0x2], $0x2800, $0x38;
	[tilespmem:$0xA190] =	vst v63  }
0x11e: {  	_ =	swait.ge [sflag:s22], $0x2800  }
0x11f: {  	[sflag:s22] =	ssyncset.done $0x0  }
0x120: {  	[sflag:s22] =	ssyncadd.s32 $0xFFFFD800  }
0x121: {  	[hbm4b:s20+s4] =	stream.linear.scatter [tilespmem:s25], [sflag:$0x2], $0x2800, $0x38;
	[tilespmem:$0xA190] =	vst v63  }
0x122: {  	_ =	swait.ge [sflag:s22], $0x2800  }
0x123: {  	[sflag:s22] =	ssyncset.done $0x0  }
0x124: {  	[sflag:s22] =	ssyncadd.s32 $0xFFFFD800  }
0x125: {  	[spmem:s3] =	stream.indirect.scatter.add.f32 [tilespmem:s9], [sflag:$0x2], $0x1, s4, s23, $0xb8;
	[tilespmem:$0xA190] =	vst v63  }
0x126: {  	_ =	swait.ge [sflag:s22], $0x50  }
0x127: {  	[sflag:s22] =	ssyncset.done $0x0  }
0x128: {  	s12 =	simm.s32 $0x5280;
	s10 =	rddreg [dreg:$0x7];
	[sflag:s22] =	ssyncadd.s32 $0xFFFFFFB0  }
0x129: {  	[hbm4b:s10+s4] =	stream.linear.scatter [tilespmem:s12], [sflag:$0x2], $0x1310, $0x38;
	[tilespmem:$0xA190] =	vst v63  }
0x12a: {  	_ =	swait.ge [sflag:s22], $0x1310  }
0x12b: {  	[sflag:s22] =	ssyncset.done $0x0  }
0x12c: {  	s14 =	simm.s32 $0x6590;
	s13 =	rddreg [dreg:$0x8];
	[sflag:s22] =	ssyncadd.s32 $0xFFFFECF0  }
0x12d: {  	[hbm4b:s13+s4] =	stream.linear.scatter [tilespmem:s14], [sflag:$0x2], $0x1310, $0x38;
	[tilespmem:$0xA190] =	vst v63  }
0x12e: {  	_ =	swait.ge [sflag:s22], $0x1310  }
0x12f: {  	[sflag:s22] =	ssyncset.done $0x0  }
0x130: {  	s15 =	rddreg [dreg:$0x9];
	[sflag:s22] =	ssyncadd.s32 $0xFFFFECF0  }
0x131: {  	[hbm4b:s15+s4] =	stream.linear.scatter [tilespmem:s11], [sflag:$0x2], $0x1310, $0x38;
	[tilespmem:$0xA190] =	vst v63  }
0x132: {  	_ =	swait.ge [sflag:s22], $0x1310  }
0x133: {  	[sflag:s22] =	ssyncset.done $0x0  }
0x134: {  	s19 =	simm.s32 $0x8BB0;
	s18 =	rddreg [dreg:$0xa];
	[sflag:s22] =	ssyncadd.s32 $0xFFFFECF0  }
0x135: {  	[hbm4b:s18+s4] =	stream.linear.scatter [tilespmem:s19], [sflag:$0x2], $0x1310, $0x38;
	[tilespmem:$0xA190] =	vst v63  }
0x136: {  	_ =	swait.ge [sflag:s22], $0x1310  }
0x137: {  	[sflag:s22] =	ssyncset.done $0x0  }
0x138: {  	[sflag:s22] =	ssyncadd.s32 $0xFFFFECF0  }
0x139: {  	[bflag:$0x0] =	sbarrier.arrive $0xFFFF  }
0x13a: {  	s18 =	rddreg [dreg:$0x6]  }
0x13b: {  	s20 =	rddreg [dreg:$0xb]  }
0x13c: {  	s12 =	rddreg [dreg:$0xf]  }
0x13d: {  	[hbm:s20], [sflag:s18] =	dma.local [spmem:s12], $0x50  }
0x13e: {  	_ =	swait.ge [sflag:s22], $0x50  }
0x13f: {  	s13 =	rddreg [dreg:$0x10]  }
0x140: {  	s21 =	rddreg [dreg:$0xc];
	s13 =	sadd.s32 $0x1, s13  }
0x141: {  	p0 =	sne.s32 s13, s21  }
.Ltmp1:
0x142: {  	_ = 	snop;
	(pc) =	sbr.rel @p0 .LBB2_1-.Ltmp1, $3  }
0x143: {  	_ =	sdelay $0x1  }
0x144: {  	[sflag:s22] =	ssyncset.done $0x0  }
0x145: {  	[sflag:s22] =	ssyncadd.s32 $0xFFFFFFB0  }
0x146: {  	_ =	sfence.sel $0x180000  }
0x147: {  	[bflag:$0x0] =	sbarrier.arrive $0xFFFF  }
0x148: {  	_ =	strace $0x9000004A  }
0x149: {  	s0 =	stileid.u32;
	[bflag:$0x2] =	sbarrier.arrive $0xFFFF  }
0x14a: {  	p0 =	sne.s32 s0, $0x0;
	s0 =	rddreg [dreg:$0x4]  }
0x14b: {  	s0 =	sadd.s32 @!p0 $0x100000, s0  }
0x14c: {  	[sflag:s0] =	ssyncadd.tile.s32 @!p0 $0x1;
	_ =	shalt  }
.Lfunc_end2:
_tile_overlayer_lowered:
.L_overlay_start_2:
0x14d: {  	(tag) =	ssettag $0x2  }
0x14e: {  	s0 =	rddreg [dreg:$0x0];
	s2 =	stileid.u32  }
0x14f: {  	s1 =	rddreg [dreg:$0x1];
	p0 =	sne.s32 s2, $0x0  }
0x150: {  	s3 =	rddreg [dreg:$0x2];
	[bflag:$0x3] =	sbarrier.arrive $0xFFFF;
	s2 =	simm.s32 @!p0 $0x1C02  }
0x151: {  	[timem:s3], [sflag:s2] =	dma.local @!p0 [hbm:s0], s1  }
0x152: {  	s0 =	simm.s32 @!p0 $0x2  }
0x153: {  	_ =	swait.ge @!p0 [sflag:s0], s1  }
0x154: {  	s1 =	ssub.s32 @!p0 $0x0, s1;
	[sflag:s0] =	ssyncset.done @!p0 $0x0  }
0x155: {  	[sflag:s0] =	ssyncadd.s32 @!p0 s1  }
0x156: {  	[bflag:$0x3] =	sbarrier.arrive $0xFFFF  }
0x157: {  	_ =	shalt  }

// kernel: kernel.20.cloned.1.call-start
scs
__scs_entry_jumppad:
0x0: {  	(pc) =	sbr.rel $0x88, $3  }
0x1: {  	(tag) =	ssettag $0x0;
	lr =	simm.s32 $0x1  }
0x2: {  	[smem:$0x3F8E] =	sst lr;
	_ =	strace $0xD0000000  }
0x3: {  	_ = 	snop  }
0x4: {  	_ = 	snop  }
0x5: {  	_ = 	snop  }
0x6: {  	_ = 	snop  }
0x7: {  	_ = 	snop  }
__scs_overlays_trampoline_lowered:
0x8: {  	[smem:$0x3F9D] =	sst s0  }
0x9: {  	[smem:$0x3F9E] =	sst s1  }
0xa: {  	[smem:$0x3F9F] =	sst s2  }
0xb: {  	[smem:$0x3FA0] =	sst s3  }
0xc: {  	[smem:$0x3FA1] =	sst s4  }
0xd: {  	[smem:$0x3FA2] =	sst s5  }
0xe: {  	[smem:$0x3FA3] =	sst s6  }
0xf: {  	[smem:$0x3FA4] =	sst s7  }
0x10: {  	[smem:$0x3FA5] =	sst s8  }
0x11: {  	[smem:$0x3FA6] =	sst s9;
	s0 =	simm.s32 @!p0 $0x0  }
0x12: {  	s1 =	sld [smem:$0x3F8C];
	s0 =	simm.s32 @p0 $0x1  }
0x13: {  	[smem:$0x3FA7] =	sst s0;
	s0 =	simm.s32 @!p1 $0x0  }
0x14: {  	s2 =	sld [smem:$0x3F8B];
	s0 =	simm.s32 @p1 $0x1  }
0x15: {  	[smem:$0x3FA8] =	sst s0;
	s0 =	simm.s32 @!p2 $0x0  }
0x16: {  	s3 =	sld [smem:$0x3FDB];
	s0 =	simm.s32 @p2 $0x1  }
0x17: {  	s4 =	simm.s32 $0x1BF5;
	[smem:$0x3FAA] =	sst s0  }
0x18: {  	s0 =	sld [smem:$0x3F8D];
	_ =	swait.ge [sflag:s4], $0x0  }
0x19: {  	s7 =	sld [smem:$0x3F8E]  }
0x1a: {  	s8 =	sadd.s32 $0xFFFFE003, lr  }
0x1b: {  	s9 =	sadd.s32 $0xFFFFFEF7, lr;
	s5 =	simm.s32 $0xFFFFFFFF;
	p2 =	slt.u32 s8, $0xFFFFF086  }
0x1c: {  	p1 =	slt.u32 s9, $0xF7A;
	s5 =	simm.s32 @!p2 $0x0  }
0x1d: {  	s5 =	simm.s32 @p1 $0x1;
	p0 =	seq.s32 s7, s2  }
0x1e: {  	s7 =	smul.u32 @!p0 $0xF7A, s2;
	p2 =	seq.s32 @!p0 s5, $0x0  }
0x1f: {  	s9 =	smul.u32 $0xF7A, s1;
	s8 =	simm.s32 @!p0 $0x1BF5;
	p2 =	por !p2, p0  }
0x20: {  	[sflag:s8] =	ssyncset.s32 @!p0 $0xFFFFF086;
	s6 =	sadd.s32 @!p0 s3, s7;
	s7 =	simm.s32 @!p0 $0x108  }
0x21: {  	s3 =	sadd.s32 s3, s9;
	s6 =	sadd.s32 @!p0 $0x88, s6;
	s7 =	simm.s32 @p2 $0x1082  }
0x22: {  	[simem:s7], [sflag:s8] =	dma.local @!p0 [hbm:s6], $0xF7A  }
0x23: {  	s9 =	sor.u32 $0xD0000000, s2;
	s6 =	simm.s32 $0x108;
	_ =	swait.ge @!p0 [sflag:s8], $0x0  }
0x24: {  	s3 =	sadd.s32 $0x88, s3;
	s6 =	simm.s32 @!p1 $0x1082;
	[sflag:s4] =	ssyncset.s32 $0xFFFFF086  }
0x25: {  	[simem:s6], [sflag:s4] =	dma.local [hbm:s3], $0xF7A  }
0x26: {  	[smem:$0x3F8E] =	sst s1;
	(tag) =	ssettag s2;
	_ =	strace s9  }
0x27: {  	s1 =	sld [smem:$0x3F9E]  }
0x28: {  	s2 =	sld [smem:$0x3F9F]  }
0x29: {  	s4 =	sld [smem:$0x3FA1]  }
0x2a: {  	p0 =	seq.s32 s5, $0x0;
	s5 =	sld [smem:$0x3FA2]  }
0x2b: {  	s6 =	sld [smem:$0x3FA3]  }
0x2c: {  	s7 =	sld [smem:$0x3FA4]  }
0x2d: {  	s3 =	simm.s32 $0x108;
	s8 =	sld [smem:$0x3FA5]  }
0x2e: {  	s3 =	simm.s32 @!p0 $0x1082;
	s9 =	sld [smem:$0x3FA6]  }
0x2f: {  	lr =	sadd.s32 s0, s3;
	s0 =	sld [smem:$0x3F9D]  }
0x30: {  	s3 =	sld [smem:$0x3FA0]  }
0x31: {  	[smem:$0x3FA9] =	sst s10  }
0x32: {  	s10 =	sld [smem:$0x3FA7];
	_ =	sdelay $0x3  }
0x33: {  	p0 =	seq.s32 s10, $0x1;
	s10 =	sld [smem:$0x3FA9];
	_ =	sdelay $0x3  }
0x34: {  	[smem:$0x3FA9] =	sst s10  }
0x35: {  	s10 =	sld [smem:$0x3FA8];
	_ =	sdelay $0x3  }
0x36: {  	p1 =	seq.s32 s10, $0x1;
	s10 =	sld [smem:$0x3FA9];
	_ =	sdelay $0x3  }
0x37: {  	[smem:$0x3FA9] =	sst s10  }
0x38: {  	s10 =	sld [smem:$0x3FAA]  }
0x39: {  	_ = 	snop;
	(pc) =	sbr.ind lr, $3  }
0x3a: {  	_ = 	snop  }
0x3b: {  	_ = 	snop  }
0x3c: {  	p2 =	seq.s32 s10, $0x1;
	s10 =	sld [smem:$0x3FA9]  }
0x3d: {  	_ =	shalt  }
0x3e: {  	_ =	shalt  }
0x3f: {  	_ =	shalt  }
0x40: {  	_ =	shalt  }
0x41: {  	_ =	shalt  }
0x42: {  	_ =	shalt  }
0x43: {  	_ =	shalt  }
0x44: {  	_ =	shalt  }
0x45: {  	_ =	shalt  }
0x46: {  	_ =	shalt  }
0x47: {  	_ =	shalt  }
0x48: {  	_ =	shalt  }
0x49: {  	_ =	shalt  }
0x4a: {  	_ =	shalt  }
0x4b: {  	_ =	shalt  }
0x4c: {  	_ =	shalt  }
0x4d: {  	_ =	shalt  }
0x4e: {  	_ =	shalt  }
0x4f: {  	_ =	shalt  }
0x50: {  	_ =	shalt  }
0x51: {  	_ =	shalt  }
0x52: {  	_ =	shalt  }
0x53: {  	_ =	shalt  }
0x54: {  	_ =	shalt  }
0x55: {  	_ =	shalt  }
0x56: {  	_ =	shalt  }
0x57: {  	_ =	shalt  }
0x58: {  	_ =	shalt  }
0x59: {  	_ =	shalt  }
0x5a: {  	_ =	shalt  }
0x5b: {  	_ =	shalt  }
0x5c: {  	_ =	shalt  }
0x5d: {  	_ =	shalt  }
0x5e: {  	_ =	shalt  }
0x5f: {  	_ =	shalt  }
0x60: {  	_ =	shalt  }
0x61: {  	_ =	shalt  }
0x62: {  	_ =	shalt  }
0x63: {  	_ =	shalt  }
0x64: {  	_ =	shalt  }
0x65: {  	_ =	shalt  }
0x66: {  	_ =	shalt  }
0x67: {  	_ =	shalt  }
0x68: {  	_ =	shalt  }
0x69: {  	_ =	shalt  }
0x6a: {  	_ =	shalt  }
0x6b: {  	_ =	shalt  }
0x6c: {  	_ =	shalt  }
0x6d: {  	_ =	shalt  }
0x6e: {  	_ =	shalt  }
0x6f: {  	_ =	shalt  }
0x70: {  	_ =	shalt  }
0x71: {  	_ =	shalt  }
0x72: {  	_ =	shalt  }
0x73: {  	_ =	shalt  }
0x74: {  	_ =	shalt  }
0x75: {  	_ =	shalt  }
0x76: {  	_ =	shalt  }
0x77: {  	_ =	shalt  }
0x78: {  	_ =	shalt  }
0x79: {  	_ =	shalt  }
0x7a: {  	_ =	shalt  }
0x7b: {  	_ =	shalt  }
0x7c: {  	_ =	shalt  }
0x7d: {  	_ =	shalt  }
0x7e: {  	_ =	shalt  }
0x7f: {  	_ =	shalt  }
0x80: {  	_ =	shalt  }
0x81: {  	_ =	shalt  }
0x82: {  	_ =	shalt  }
0x83: {  	_ =	shalt  }
0x84: {  	_ =	shalt  }
0x85: {  	_ =	shalt  }
0x86: {  	_ =	shalt  }
0x87: {  	_ =	shalt  }
.Lfunc_end0:
.L_simem_size_0:
called_computation.3_lowered:
.L_overlay_start_0:
0x88: {  	s2 =	sld [smem:$0x3FD9]  }
0x89: {  	s3 =	sld [smem:$0x3FFE];
	_ =	sdelay $0x1  }
0x8a: {  	s1 =	srdreg.scid  }
0x8b: {  	s0 =	sand.u32 $0x1, s1  }
0x8c: {  	s15 =	sshll.u32 s0, $0xA;
	s2 =	sadd.s32 s3, s2  }
0x8d: {  	s2 =	sadd.s32 s2, s15  }
0x8e: {  	[smem:$0x3FB5] =	sst s2  }
0x8f: {  	_ = 	snop  }
0x90: {  	s2 =	sld [smem:$0x3FD0];
	_ =	sdelay $0x2  }
0x91: {  	s16 =	simm.s32 $0xB;
	s4 =	simm.s32 $0x10  }
0x92: {  	[smem:s4], [sflag:s16] =	dma.local [hbm:s2], $0x1  }
0x93: {  	_ =	swait.eq [sflag:s16], $0x1  }
0x94: {  	[sflag:s16] =	ssyncset.done $0x0  }
0x95: {  	[sflag:s16] =	ssyncadd.s32 $0xFFFFFFFF  }
0x96: {  	s17 =	sld [smem:$0x12];
	(tm) =	ssettm $0x1  }
0x97: {  	s18 =	sld [smem:$0x3FFB];
	_ =	sdelay $0x3  }
0x98: {  	_ =	strace s18  }
0x99: {  	s2 =	sld [smem:$0x3FFC];
	_ =	sdelay $0x3  }
0x9a: {  	_ =	strace s2  }
0x9b: {  	s2 =	sld [smem:$0x3FFD];
	_ =	sdelay $0x3  }
0x9c: {  	_ =	strace s2  }
0x9d: {  	_ =	strace $0x8FFFFFFF  }
0x9e: {  	s19 =	sld [smem:$0x3FDB];
	_ =	sdelay $0x1  }
0x9f: {  	s20 =	simm.s32 $_scs_section_size  }
0xa0: {  	s5 =	simm.s32 $_size__tile_overlayer_lowered;
	s6 =	simm.s32 $_tile_overlayer_lowered  }
0xa1: {  	s7 =	simm.s32 $0x1BFF;
	s21 =	sshll.u32 s6, $0x1;
	s4 =	sadd.s32 s20, s19  }
0xa2: {  	s22 =	simm.s32 $0x0;
	s5 =	sshll.u32 s5, $0x1;
	s6 =	sadd.s32 s21, s4  }
0xa3: {  	[timem:s22], [sflag:s7] =	dma.local [hbm:s6], s5  }
0xa4: {  	_ =	swait.ge [sflag:s7], s5  }
0xa5: {  	s5 =	ssub.s32 $0x0, s5;
	[sflag:s7] =	ssyncset.done $0x0  }
0xa6: {  	[sflag:s7] =	ssyncadd.s32 s5;
	_ =	sdelay $0x1  }
0xa7: {  	s23 =	simm.s32 $0x1B8B  }
0xa8: {  	_ =	swait.ge [sflag:s23], $0x1  }
0xa9: {  	[sflag:s23] =	ssyncset.done $0x0  }
0xaa: {  	[sflag:s23] =	ssyncadd.s32 $0xFFFFFFFF  }
0xab: {  	s5 =	sld [smem:$0x0]  }
0xac: {  	s6 =	sand.u32 $0xFFFFFFFE, s1  }
0xad: {  	p0 =	sne.s32 s1, s6  }
0xae: {  	s6 =	sshll.u32 @p0 s6, $0xE  }
0xaf: {  	s6 =	sadd.s32 @p0 $0x11B8D, s6;
	s7 =	sshll.u32 @p0 s5, $0x11  }
0xb0: {  	s6 =	sor.u32 @p0 s7, s6  }
0xb1: {  	[sflag:s6] =	ssyncadd.remote.s32 @p0 $0x1;
	_ =	sdelay $0x1  }
0xb2: {  	s6 =	simm.s32 @p0 $0x1B8D  }
0xb3: {  	_ =	swait.eq @p0 [sflag:s6], $0x1  }
0xb4: {  	[sflag:s6] =	ssyncadd.s32 @p0 $0xFFFFFFFF  }
0xb5: {  	s7 =	sshll.u32 @!p0 s1, $0xE  }
0xb6: {  	s7 =	sor.u32 @!p0 $0x4000, s7;
	s6 =	simm.s32 @!p0 $0x1B8D  }
0xb7: {  	s5 =	sshll.u32 @!p0 s5, $0x11;
	s7 =	sadd.s32 @!p0 $0x11B8D, s7;
	_ =	swait.eq @!p0 [sflag:s6], $0x1  }
0xb8: {  	s5 =	sor.u32 @!p0 s5, s7;
	[sflag:s6] =	ssyncadd.s32 @!p0 $0xFFFFFFFF  }
0xb9: {  	s25 =	simm.s32 $0x1B8E;
	s24 =	sld [smem:$0x3FFE];
	[sflag:s5] =	ssyncadd.remote.s32 @!p0 $0x1  }
0xba: {  	s26 =	simm.s32 $execute0_lowered;
	[smem:$0x3FD2] =	sst s25  }
0xbb: {  	s6 =	sshll.u32 s26, $0x1;
	_ =	strace $0x8000004F;
	[dreg:$0x1] =	wrdreg $0xFFFFFFFF  }
0xbc: {  	s28 =	simm.s32 $_size_execute0_lowered;
	s4 =	sadd.s32 s4, s6;
	[dreg:$0x0] =	wrdreg $0x0  }
0xbd: {  	s6 =	sshll.u32 s28, $0x1;
	[dreg:$0x2] =	wrdreg s4  }
0xbe: {  	[dreg:$0x3] =	wrdreg s6  }
0xbf: {  	[dreg:$0x4] =	wrdreg $0xC0  }
0xc0: {  	_ =	task [dreg:s22], $0x5FFFF  }
0xc1: {  	[dreg:$0x1] =	wrdreg $0xFFFFFFFF  }
0xc2: {  	[dreg:$0x0] =	wrdreg $0x60  }
0xc3: {  	[dreg:$0x2] =	wrdreg s24  }
0xc4: {  	[dreg:$0x3] =	wrdreg s17  }
0xc5: {  	[dreg:$0x4] =	wrdreg $0x89D00  }
0xc6: {  	[dreg:$0x5] =	wrdreg $0x1C2500  }
0xc7: {  	[dreg:$0x6] =	wrdreg $0x1C4D00  }
0xc8: {  	[dreg:$0x7] =	wrdreg $0x1C7500  }
0xc9: {  	[dreg:$0x8] =	wrdreg $0xA  }
0xca: {  	_ =	task.clear_ibuf [dreg:s22], $0x9FFFF;
	_ =	strace $0x9000004F  }
0xcb: {  	s29 =	simm.s32 $0xA;
	_ =	strace $0x80000051  }
0xcc: {  	_ =	swait.ge [sflag:s29], $0x1  }
0xcd: {  	[sflag:s29] =	ssyncadd.s32 $0xFFFFFFFF  }
0xce: {  	_ =	strace $0x90000051  }
0xcf: {  	_ =	sfence  }
0xd0: {  	s30 =	sld [smem:$0x0];
	_ =	sdelay $0x2  }
0xd1: {  	s31 =	sshll.u32 s1, $0xD;
	s1 =	sshrl.u32 s1, $0x2  }
0xd2: {  	s4 =	sand.u32 $0x4000, s31;
	s1 =	sadd.s32 s1, s30  }
0xd3: {  	s0 =	sor.u32 s4, s0;
	s1 =	sshll.u32 s1, $0x11  }
0xd4: {  	s0 =	sor.u32 s1, s0  }
0xd5: {  	s0 =	sadd.s32 $0x8F2B, s0  }
0xd6: {  	[sflag:s0] =	ssyncadd.remote.s32 $0x1  }
0xd7: {  	_ =	sfence.sel $0xFFFF  }
0xd8: {  	[dreg:$0x0] =	wrdreg $0xFFFFFFFF;
	(pc) =	sbr.abs _section_cstart, $3  }
0xd9: {  	[dreg:$0x1] =	wrdreg $0xFFFFFFFF  }
0xda: {  	_ =	task.clear_ibuf [dreg:s22], $0x2FFFF;
	_ =	strace $0x9FFFFFFF  }
0xdb: {  	(tm) =	ssettm $0x7FFFFFFF  }
tec
execute0_lowered:
.L_overlay_start_1:
0x0: {  	(tag) =	ssettag $0x1  }
0x1: {  	s0 =	rddreg [dreg:$0x0]  }
0x2: {  	s3 =	rddreg [dreg:$0x1];
	s20 =	stileid.u32  }
0x3: {  	s1 =	rddreg [dreg:$0x2];
	s11 =	smul.u32 $0x280, s20  }
0x4: {  	s4 =	srdreg.scid;
	s16 =	smul.u32 $0x13880, s20  }
0x5: {  	s2 =	rddreg [dreg:$0x3];
	s7 =	sand.u32 $0x1, s4;
	s24 =	smul.u32 $0x2620, s20  }
0x6: {  	s5 =	sshll.u32 s20, $0x1;
	s23 =	sshll.u32 s20, $0x6;
	s20 =	smul.u32 $0x26200, s20  }
0x7: {  	s29 =	simm.s32 $0x4;
	s30 =	simm.s32 $0x2850;
	s10 =	smul.u32 $0x7800, s7  }
0x8: {  	s31 =	simm.s32 $0x28A0;
	s4 =	rddreg [dreg:$0x4];
	s17 =	smul.u32 $0x138800, s7  }
0x9: {  	s12 =	sadd.s32 $0x9B400, s0;
	s14 =	sadd.s32 $0x54DC00, s0;
	s26 =	smul.u32 $0x1310, s7  }
0xa: {  	s6 =	sor.u32 s7, s5;
	s15 =	ssub.s32 $0x2, s7;
	s7 =	smul.u32 $0x13100, s7  }
0xb: {  	s21 =	sadd.s32 $0x7E00, s0;
	s5 =	rddreg [dreg:$0x5];
	s9 =	smul.u32 $0x1310, s6  }
0xc: {  	s6 =	simm.s32 $0x0;
	s22 =	sshrl.u32 s15, $0x1;
	s18 =	sadd.s32 s16, s1  }
0xd: {  	s19 =	sadd.s32 s11, s2;
	[smem:$0x7FF] =	sst s6;
	s10 =	sadd.s32 s11, s10  }
0xe: {  	s15 =	ssub.s32 s15, s22;
	_ =	strace $0x80000050;
	[dreg:$0x7] =	wrdreg s21  }
0xf: {  	s16 =	sadd.s32 s16, s17;
	s8 =	sshrl.u32 s9, $0x3;
	[dreg:$0x8] =	wrdreg s18  }
0x10: {  	s10 =	sshrl.u32 s10, $0x3;
	[dreg:$0x9] =	wrdreg s19;
	s9 =	sadd.s32 $0x12C0, s9  }
0x11: {  	s16 =	sshrl.u32 s16, $0x3;
	s18 =	sadd.s32 s26, s24;
	s21 =	sadd.s32 s20, s12  }
0x12: {  	s28 =	smax.u32 s15, $0x1;
	s13 =	sadd.s32 s8, s0;
	s8 =	sadd.s32 $0x39000, s0  }
0x13: {  	s0 =	sadd.s32 s10, s0;
	s10 =	sor.u32 $0x1C04, s23;
	s3 =	sadd.s32 s3, s16  }
0x14: {  	s23 =	sadd.s32 s7, s21;
	s7 =	sadd.s32 s11, s4;
	[dreg:$0xb] =	wrdreg s3  }
0x15: {  	s22 =	sadd.s32 $0x50, s18;
	s21 =	sadd.s32 s11, s5;
	[dreg:$0xd] =	wrdreg s7  }
0x16: {  	s24 =	sshll.u32 s9, $0x4;
	s25 =	sadd.s32 $0x11E00, s13;
	[dreg:$0x10] =	wrdreg s21  }
0x17: {  	s9 =	sshrl.u32 s9, $0x3;
	s26 =	sadd.s32 s12, s24;
	[dreg:$0xa] =	wrdreg s25  }
0x18: {  	s11 =	simm.s32 $0x0;
	s3 =	sadd.s32 s14, s9;
	[dreg:$0xc] =	wrdreg s26  }
0x19: {  	s19 =	sadd.s32 $0x16A40, s13;
	s7 =	simm.s32 $0x3;
	[dreg:$0xe] =	wrdreg s3  }
0x1a: {  	s9 =	simm.s32 $0x1;
	s25 =	sshll.u32 s22, $0x4;
	[dreg:$0xf] =	wrdreg s19  }
0x1b: {  	s26 =	sadd.s32 $0x25500, s0;
	s16 =	sadd.s32 s25, s12;
	s12 =	sshrl.u32 s18, $0x3  }
0x1c: {  	s18 =	sshrl.u32 s22, $0x3;
	s22 =	sadd.s32 $0x1B680, s13;
	[dreg:$0x13] =	wrdreg s26  }
0x1d: {  	s3 =	simm.s32 $0x2;
	s25 =	sadd.s32 $0x25000, s0;
	[dreg:$0x11] =	wrdreg s22  }
0x1e: {  	s0 =	sadd.s32 $0x25A00, s0;
	s24 =	sadd.s32 s12, s14;
	[dreg:$0x12] =	wrdreg s25  }
0x1f: {  	s20 =	sadd.s32 s18, s14;
	[dreg:$0x14] =	wrdreg s0;
	s0 =	simm.s32 $0x50  }
.LBB2_1:
0x20: {  	s12 =	rddreg [dreg:$0x8]  }
0x21: {  	s13 =	rddreg [dreg:$0x7];
	s12 =	sshrl.u32 s12, $0x3  }
0x22: {  	[spmem:s12], [sflag:s10] =	dma.local [hbm:s13], $0x2710  }
0x23: {  	_ =	swait.ge [sflag:s29], $0x2710  }
0x24: {  	[sflag:s29] =	ssyncset.done $0x0;
	s19 =	rddreg [dreg:$0x9]  }
0x25: {  	[sflag:s29] =	ssyncadd.s32 $0xFFFFD8F0;
	s13 =	sshrl.u32 s19, $0x3  }
0x26: {  	[spmem:s13], [sflag:s10] =	dma.local [hbm:s8], $0x50  }
0x27: {  	_ =	swait.ge [sflag:s29], $0x50  }
0x28: {  	[sflag:s29] =	ssyncset.done $0x0  }
0x29: {  	s15 =	simm.s32 $0x50A0;
	s14 =	rddreg [dreg:$0xa];
	[sflag:s29] =	ssyncadd.s32 $0xFFFFFFB0  }
0x2a: {  	[tilespmem:s15], [sflag:$0x4] =	stream.linear.gather [hbm4b:s14+s6], $0x1310, $0x38;
	[tilespmem:$0x1C9D0] =	vst v63  }
0x2b: {  	_ =	swait.ge [sflag:s29], $0x1310  }
0x2c: {  	[sflag:s29] =	ssyncset.done $0x0;
	s21 =	rddreg [dreg:$0xd]  }
0x2d: {  	[sflag:s29] =	ssyncadd.s32 $0xFFFFECF0;
	s15 =	sshrl.u32 s21, $0x3  }
0x2e: {  	[spmem:s15], [sflag:s10] =	dma.local [hbm:s8], $0x50  }
0x2f: {  	_ =	swait.ge [sflag:s29], $0x50  }
0x30: {  	[sflag:s29] =	ssyncset.done $0x0  }
0x31: {  	s17 =	simm.s32 $0x63B0;
	s22 =	rddreg [dreg:$0xf];
	[sflag:s29] =	ssyncadd.s32 $0xFFFFFFB0  }
0x32: {  	[tilespmem:s17], [sflag:$0x4] =	stream.linear.gather [hbm4b:s22+s6], $0x1310, $0x38;
	[tilespmem:$0x1C9D0] =	vst v63  }
0x33: {  	_ =	swait.ge [sflag:s29], $0x1310  }
0x34: {  	[sflag:s29] =	ssyncset.done $0x0;
	s25 =	rddreg [dreg:$0x10]  }
0x35: {  	[sflag:s29] =	ssyncadd.s32 $0xFFFFECF0;
	s17 =	sshrl.u32 s25, $0x3  }
0x36: {  	[spmem:s17], [sflag:s10] =	dma.local [hbm:s8], $0x50  }
0x37: {  	_ =	swait.ge [sflag:s29], $0x50  }
0x38: {  	[sflag:s29] =	ssyncset.done $0x0  }
0x39: {  	s18 =	simm.s32 $0x76C0;
	s26 =	rddreg [dreg:$0x11];
	[sflag:s29] =	ssyncadd.s32 $0xFFFFFFB0  }
0x3a: {  	[tilespmem:s18], [sflag:$0x4] =	stream.linear.gather [hbm4b:s26+s6], $0x1310, $0x38;
	[tilespmem:$0x1C9D0] =	vst v63  }
0x3b: {  	_ =	swait.ge [sflag:s29], $0x1310  }
0x3c: {  	[sflag:s29] =	ssyncset.done $0x0  }
0x3d: {  	[sflag:s29] =	ssyncadd.s32 $0xFFFFECF0  }
0x3e: {  	[bflag:$0x0] =	sbarrier.arrive $0xFFFF  }
0x3f: {  	[tilespmem:s6], [sflag:$0x2] =	stream.linear.gather [hbm4b:s24+s6], $0x50, $0x38;
	[tilespmem:$0x1C9D0] =	vst v63  }
0x40: {  	_ = 	snop  }
0x41: {  	[tilespmem:s0], [sflag:$0x2] =	stream.linear.gather [hbm4b:s23+s6], $0x2800, $0x38;
	[tilespmem:$0x1C9D0] =	vst v63  }
0x42: {  	_ = 	snop  }
0x43: {  	[tilespmem:s30], [sflag:$0x3] =	stream.linear.gather [hbm4b:s20+s6], $0x50, $0x38;
	[tilespmem:$0x1C9D0] =	vst v63  }
0x44: {  	_ = 	snop  }
0x45: {  	[tilespmem:s31], [sflag:$0x3] =	stream.linear.gather [hbm4b:s16+s6], $0x2800, $0x38;
	[tilespmem:$0x1C9D0] =	vst v63  }
0x46: {  	_ =	swait.ge [sflag:s3], $0x50  }
0x47: {  	[sflag:s3] =	ssyncset.done $0x0  }
0x48: {  	[sflag:s3] =	ssyncadd.s32 $0xFFFFFFB0  }
0x49: {  	_ =	swait.ge [sflag:s3], $0x2800  }
0x4a: {  	[sflag:s3] =	ssyncset.done $0x0  }
0x4b: {  	[sflag:s3] =	ssyncadd.s32 $0xFFFFD800  }
0x4c: {  	[spmem:s1] =	stream.indirect.scatter.add.f32 [tilespmem:s0], [sflag:$0x1], $0x80, s6, s0, $0xb8;
	[tilespmem:$0x1C9D0] =	vst v63  }
0x4d: {  	s18 =	simm.s32 $0x50A0  }
0x4e: {  	[spmem:s2] =	stream.indirect.scatter.add.f32 [tilespmem:s18], [sflag:$0x1], $0x1, s6, s0, $0xb8;
	[tilespmem:$0x1C9D0] =	vst v63  }
0x4f: {  	s19 =	simm.s32 $0x63B0  }
0x50: {  	[spmem:s4] =	stream.indirect.scatter.add.f32 [tilespmem:s19], [sflag:$0x1], $0x1, s6, s0, $0xb8;
	[tilespmem:$0x1C9D0] =	vst v63  }
0x51: {  	s21 =	simm.s32 $0x76C0  }
0x52: {  	[spmem:s5] =	stream.indirect.scatter.add.f32 [tilespmem:s21], [sflag:$0x1], $0x1, s6, s0, $0xb8;
	[tilespmem:$0x1C9D0] =	vst v63  }
0x53: {  	_ =	swait.ge [sflag:s7], $0x50  }
0x54: {  	[sflag:s7] =	ssyncset.done $0x0  }
0x55: {  	[sflag:s7] =	ssyncadd.s32 $0xFFFFFFB0  }
0x56: {  	_ =	swait.ge [sflag:s7], $0x2800  }
0x57: {  	[sflag:s7] =	ssyncset.done $0x0  }
0x58: {  	[sflag:s7] =	ssyncadd.s32 $0xFFFFD800  }
0x59: {  	[spmem:s1] =	stream.indirect.scatter.add.f32 [tilespmem:s31], [sflag:$0x1], $0x80, s30, s0, $0xb8;
	[tilespmem:$0x1C9D0] =	vst v63  }
0x5a: {  	s22 =	simm.s32 $0x50F0  }
0x5b: {  	[spmem:s2] =	stream.indirect.scatter.add.f32 [tilespmem:s22], [sflag:$0x1], $0x1, s30, s0, $0xb8;
	[tilespmem:$0x1C9D0] =	vst v63  }
0x5c: {  	s25 =	simm.s32 $0x6400  }
0x5d: {  	[spmem:s4] =	stream.indirect.scatter.add.f32 [tilespmem:s25], [sflag:$0x1], $0x1, s30, s0, $0xb8;
	[tilespmem:$0x1C9D0] =	vst v63  }
0x5e: {  	s26 =	simm.s32 $0x7710  }
0x5f: {  	[spmem:s5] =	stream.indirect.scatter.add.f32 [tilespmem:s26], [sflag:$0x1], $0x1, s30, s0, $0xb8;
	[tilespmem:$0x1C9D0] =	vst v63  }
0x60: {  	_ =	swait.ge [sflag:s9], $0x2800  }
0x61: {  	[sflag:s9] =	ssyncset.done $0x0  }
0x62: {  	[sflag:s9] =	ssyncadd.s32 $0xFFFFD800  }
0x63: {  	_ =	swait.ge [sflag:s9], $0x50  }
0x64: {  	[sflag:s9] =	ssyncset.done $0x0  }
0x65: {  	[sflag:s9] =	ssyncadd.s32 $0xFFFFFFB0  }
0x66: {  	_ =	swait.ge [sflag:s9], $0x50  }
0x67: {  	[sflag:s9] =	ssyncset.done $0x0  }
0x68: {  	[sflag:s9] =	ssyncadd.s32 $0xFFFFFFB0  }
0x69: {  	_ =	swait.ge [sflag:s9], $0x50  }
0x6a: {  	[sflag:s9] =	ssyncset.done $0x0  }
0x6b: {  	[sflag:s9] =	ssyncadd.s32 $0xFFFFFFB0  }
0x6c: {  	_ =	swait.ge [sflag:s9], $0x2800  }
0x6d: {  	[sflag:s9] =	ssyncset.done $0x0  }
0x6e: {  	[sflag:s9] =	ssyncadd.s32 $0xFFFFD800  }
0x6f: {  	_ =	swait.ge [sflag:s9], $0x50  }
0x70: {  	[sflag:s9] =	ssyncset.done $0x0  }
0x71: {  	[sflag:s9] =	ssyncadd.s32 $0xFFFFFFB0  }
0x72: {  	_ =	swait.ge [sflag:s9], $0x50  }
0x73: {  	[sflag:s9] =	ssyncset.done $0x0  }
0x74: {  	s14 =	smov.u32 s23;
	[sflag:s9] =	ssyncadd.s32 $0xFFFFFFB0  }
0x75: {  	s18 =	simm.s32 $0x280;
	s19 =	smov.u32 s24;
	_ =	swait.ge [sflag:s9], $0x50  }
0x76: {  	s21 =	sadd.s32 $0xA00, s16;
	s22 =	sadd.s32 $0x14, s20;
	[sflag:s9] =	ssyncset.done $0x0  }
.LBB2_2:
0x77: {  	[sflag:s9] =	ssyncadd.s32 $0xFFFFFFB0;
	s14 =	sadd.s32 $0xA00, s14;
	s19 =	sadd.s32 $0x14, s19  }
0x78: {  	[tilespmem:s6], [sflag:$0x2] =	stream.linear.gather [hbm4b:s19+s6], $0x50, $0x38;
	[tilespmem:$0x1C9D0] =	vst v63  }
0x79: {  	p0 =	sne.s32 s18, $0x4880;
	s25 =	smov.u32 s18;
	s18 =	sadd.s32 $0x280, s18  }
0x7a: {  	[tilespmem:s0], [sflag:$0x2] =	stream.linear.gather [hbm4b:s14+s6], $0x2800, $0x38;
	[tilespmem:$0x1C9D0] =	vst v63  }
0x7b: {  	_ = 	snop  }
0x7c: {  	[tilespmem:s30], [sflag:$0x3] =	stream.linear.gather [hbm4b:s22+s6], $0x50, $0x38;
	[tilespmem:$0x1C9D0] =	vst v63  }
0x7d: {  	_ = 	snop  }
0x7e: {  	[tilespmem:s31], [sflag:$0x3] =	stream.linear.gather [hbm4b:s21+s6], $0x2800, $0x38;
	[tilespmem:$0x1C9D0] =	vst v63  }
0x7f: {  	_ =	swait.ge [sflag:s3], $0x50  }
0x80: {  	[sflag:s3] =	ssyncset.done $0x0  }
0x81: {  	[sflag:s3] =	ssyncadd.s32 $0xFFFFFFB0  }
0x82: {  	_ =	swait.ge [sflag:s3], $0x2800  }
0x83: {  	[sflag:s3] =	ssyncset.done $0x0  }
0x84: {  	s25 =	sshra.s32 s25, $0x2;
	[sflag:s3] =	ssyncadd.s32 $0xFFFFD800  }
0x85: {  	[spmem:s1] =	stream.indirect.scatter.add.f32 [tilespmem:s0], [sflag:$0x1], $0x80, s6, s0, $0xb8;
	[tilespmem:$0x1C9D0] =	vst v63  }
0x86: {  	s26 =	sadd.s32 $0x50A0, s25  }
0x87: {  	[spmem:s2] =	stream.indirect.scatter.add.f32 [tilespmem:s26], [sflag:$0x1], $0x1, s6, s0, $0xb8;
	[tilespmem:$0x1C9D0] =	vst v63  }
0x88: {  	s26 =	sadd.s32 $0x63B0, s25  }
0x89: {  	[spmem:s4] =	stream.indirect.scatter.add.f32 [tilespmem:s26], [sflag:$0x1], $0x1, s6, s0, $0xb8;
	[tilespmem:$0x1C9D0] =	vst v63  }
0x8a: {  	s26 =	sadd.s32 $0x76C0, s25  }
0x8b: {  	[spmem:s5] =	stream.indirect.scatter.add.f32 [tilespmem:s26], [sflag:$0x1], $0x1, s6, s0, $0xb8;
	[tilespmem:$0x1C9D0] =	vst v63  }
0x8c: {  	_ =	swait.ge [sflag:s7], $0x50  }
0x8d: {  	[sflag:s7] =	ssyncset.done $0x0  }
0x8e: {  	[sflag:s7] =	ssyncadd.s32 $0xFFFFFFB0  }
0x8f: {  	_ =	swait.ge [sflag:s7], $0x2800  }
0x90: {  	[sflag:s7] =	ssyncset.done $0x0  }
0x91: {  	[sflag:s7] =	ssyncadd.s32 $0xFFFFD800  }
0x92: {  	[spmem:s1] =	stream.indirect.scatter.add.f32 [tilespmem:s31], [sflag:$0x1], $0x80, s30, s0, $0xb8;
	[tilespmem:$0x1C9D0] =	vst v63  }
0x93: {  	s26 =	sadd.s32 $0x50F0, s25  }
0x94: {  	[spmem:s2] =	stream.indirect.scatter.add.f32 [tilespmem:s26], [sflag:$0x1], $0x1, s30, s0, $0xb8;
	[tilespmem:$0x1C9D0] =	vst v63  }
0x95: {  	s26 =	sadd.s32 $0x6400, s25  }
0x96: {  	[spmem:s4] =	stream.indirect.scatter.add.f32 [tilespmem:s26], [sflag:$0x1], $0x1, s30, s0, $0xb8;
	[tilespmem:$0x1C9D0] =	vst v63  }
0x97: {  	s25 =	sadd.s32 $0x7710, s25  }
0x98: {  	[spmem:s5] =	stream.indirect.scatter.add.f32 [tilespmem:s25], [sflag:$0x1], $0x1, s30, s0, $0xb8;
	[tilespmem:$0x1C9D0] =	vst v63  }
0x99: {  	_ =	swait.ge [sflag:s9], $0x2800  }
0x9a: {  	[sflag:s9] =	ssyncset.done $0x0  }
0x9b: {  	[sflag:s9] =	ssyncadd.s32 $0xFFFFD800  }
0x9c: {  	_ =	swait.ge [sflag:s9], $0x50  }
0x9d: {  	[sflag:s9] =	ssyncset.done $0x0  }
0x9e: {  	[sflag:s9] =	ssyncadd.s32 $0xFFFFFFB0  }
0x9f: {  	_ =	swait.ge [sflag:s9], $0x50  }
0xa0: {  	[sflag:s9] =	ssyncset.done $0x0  }
0xa1: {  	[sflag:s9] =	ssyncadd.s32 $0xFFFFFFB0  }
0xa2: {  	_ =	swait.ge [sflag:s9], $0x50  }
0xa3: {  	[sflag:s9] =	ssyncset.done $0x0  }
0xa4: {  	[sflag:s9] =	ssyncadd.s32 $0xFFFFFFB0  }
0xa5: {  	_ =	swait.ge [sflag:s9], $0x2800  }
0xa6: {  	[sflag:s9] =	ssyncset.done $0x0  }
0xa7: {  	[sflag:s9] =	ssyncadd.s32 $0xFFFFD800  }
0xa8: {  	_ =	swait.ge [sflag:s9], $0x50  }
0xa9: {  	[sflag:s9] =	ssyncset.done $0x0  }
0xaa: {  	[sflag:s9] =	ssyncadd.s32 $0xFFFFFFB0  }
.Ltmp0:
0xab: {  	_ =	swait.ge [sflag:s9], $0x50;
	(pc) =	sbr.rel @p0 .LBB2_2-.Ltmp0, $4  }
0xac: {  	[sflag:s9] =	ssyncset.done $0x0  }
0xad: {  	[sflag:s9] =	ssyncadd.s32 $0xFFFFFFB0  }
0xae: {  	_ =	swait.ge [sflag:s9], $0x50  }
0xaf: {  	s22 =	sadd.s32 $0x14, s22;
	s21 =	sadd.s32 $0xA00, s21;
	[sflag:s9] =	ssyncset.done $0x0  }
0xb0: {  	[sflag:s9] =	ssyncadd.s32 $0xFFFFFFB0;
	s14 =	rddreg [dreg:$0xe]  }
0xb1: {  	[tilespmem:s6], [sflag:$0x4] =	stream.linear.gather [hbm4b:s14+s6], $0x50, $0x38;
	[tilespmem:$0x1C9D0] =	vst v63  }
0xb2: {  	_ =	swait.ge [sflag:s29], $0x50  }
0xb3: {  	[sflag:s29] =	ssyncset.done $0x0  }
0xb4: {  	s25 =	rddreg [dreg:$0xc];
	[sflag:s29] =	ssyncadd.s32 $0xFFFFFFB0  }
0xb5: {  	[tilespmem:s0], [sflag:$0x4] =	stream.linear.gather [hbm4b:s25+s6], $0x2800, $0x38;
	[tilespmem:$0x1C9D0] =	vst v63  }
0xb6: {  	_ =	swait.ge [sflag:s29], $0x2800  }
0xb7: {  	[sflag:s29] =	ssyncset.done $0x0  }
0xb8: {  	[sflag:s29] =	ssyncadd.s32 $0xFFFFD800  }
0xb9: {  	[spmem:s1] =	stream.indirect.scatter.add.f32 [tilespmem:s0], [sflag:$0x1], $0x80, s6, s0, $0xb8;
	[tilespmem:$0x1C9D0] =	vst v63  }
0xba: {  	s26 =	simm.s32 $0x6360  }
0xbb: {  	[spmem:s2] =	stream.indirect.scatter.add.f32 [tilespmem:s26], [sflag:$0x1], $0x1, s6, s0, $0xb8;
	[tilespmem:$0x1C9D0] =	vst v63  }
0xbc: {  	s18 =	simm.s32 $0x7670  }
0xbd: {  	[spmem:s4] =	stream.indirect.scatter.add.f32 [tilespmem:s18], [sflag:$0x1], $0x1, s6, s0, $0xb8;
	[tilespmem:$0x1C9D0] =	vst v63  }
0xbe: {  	s19 =	simm.s32 $0x8980  }
0xbf: {  	[spmem:s5] =	stream.indirect.scatter.add.f32 [tilespmem:s19], [sflag:$0x1], $0x1, s6, s0, $0xb8;
	[tilespmem:$0x1C9D0] =	vst v63  }
0xc0: {  	_ =	swait.ge [sflag:s9], $0x2800  }
0xc1: {  	[sflag:s9] =	ssyncset.done $0x0  }
0xc2: {  	[sflag:s9] =	ssyncadd.s32 $0xFFFFD800  }
0xc3: {  	_ =	swait.ge [sflag:s9], $0x50  }
0xc4: {  	[sflag:s9] =	ssyncset.done $0x0  }
0xc5: {  	[sflag:s9] =	ssyncadd.s32 $0xFFFFFFB0  }
0xc6: {  	_ =	swait.ge [sflag:s9], $0x50  }
0xc7: {  	[sflag:s9] =	ssyncset.done $0x0  }
0xc8: {  	[sflag:s9] =	ssyncadd.s32 $0xFFFFFFB0  }
0xc9: {  	_ =	swait.ge [sflag:s9], $0x50  }
0xca: {  	[sflag:s9] =	ssyncset.done $0x0  }
0xcb: {  	[sflag:s9] =	ssyncadd.s32 $0xFFFFFFB0  }
0xcc: {  	[bflag:$0x0] =	sbarrier.arrive $0xFFFF  }
0xcd: {  	s21 =	rddreg [dreg:$0xb]  }
0xce: {  	[hbm:s21], [sflag:s10] =	dma.local [spmem:s12], $0x2710  }
0xcf: {  	_ =	swait.ge [sflag:s29], $0x2710  }
0xd0: {  	[sflag:s29] =	ssyncset.done $0x0  }
0xd1: {  	s22 =	rddreg [dreg:$0x12];
	[sflag:s29] =	ssyncadd.s32 $0xFFFFD8F0  }
0xd2: {  	[hbm:s22], [sflag:s10] =	dma.local [spmem:s13], $0x50  }
0xd3: {  	_ =	swait.ge [sflag:s29], $0x50  }
0xd4: {  	[sflag:s29] =	ssyncset.done $0x0  }
0xd5: {  	s25 =	rddreg [dreg:$0x13];
	[sflag:s29] =	ssyncadd.s32 $0xFFFFFFB0  }
0xd6: {  	[hbm:s25], [sflag:s10] =	dma.local [spmem:s15], $0x50  }
0xd7: {  	s11 =	sadd.s32 $0x1, s11;
	_ =	swait.ge [sflag:s29], $0x50  }
0xd8: {  	p0 =	sne.s32 s11, s28;
	[sflag:s29] =	ssyncset.done $0x0  }
.Ltmp1:
0xd9: {  	s26 =	rddreg [dreg:$0x14];
	[sflag:s29] =	ssyncadd.s32 $0xFFFFFFB0;
	(pc) =	sbr.rel @p0 .LBB2_1-.Ltmp1, $4  }
0xda: {  	[hbm:s26], [sflag:s10] =	dma.local [spmem:s17], $0x50  }
0xdb: {  	_ =	swait.ge [sflag:s29], $0x50  }
0xdc: {  	[sflag:s29] =	ssyncset.done $0x0  }
0xdd: {  	[sflag:s29] =	ssyncadd.s32 $0xFFFFFFB0  }
0xde: {  	_ =	sfence.sel $0x180000  }
0xdf: {  	[bflag:$0x0] =	sbarrier.arrive $0xFFFF  }
0xe0: {  	_ =	strace $0x90000050  }
0xe1: {  	s0 =	stileid.u32;
	[bflag:$0x2] =	sbarrier.arrive $0xFFFF  }
0xe2: {  	p0 =	sne.s32 s0, $0x0;
	s0 =	rddreg [dreg:$0x6]  }
0xe3: {  	s0 =	sadd.s32 @!p0 $0x100000, s0  }
0xe4: {  	[sflag:s0] =	ssyncadd.tile.s32 @!p0 $0x1;
	_ =	shalt  }
.Lfunc_end2:
_tile_overlayer_lowered:
.L_overlay_start_2:
0xe5: {  	(tag) =	ssettag $0x2  }
0xe6: {  	s0 =	rddreg [dreg:$0x0];
	s2 =	stileid.u32  }
0xe7: {  	s1 =	rddreg [dreg:$0x1];
	p0 =	sne.s32 s2, $0x0  }
0xe8: {  	s3 =	rddreg [dreg:$0x2];
	[bflag:$0x3] =	sbarrier.arrive $0xFFFF;
	s2 =	simm.s32 @!p0 $0x1C04  }
0xe9: {  	[timem:s3], [sflag:s2] =	dma.local @!p0 [hbm:s0], s1  }
0xea: {  	s0 =	simm.s32 @!p0 $0x4  }
0xeb: {  	_ =	swait.ge @!p0 [sflag:s0], s1  }
0xec: {  	s1 =	ssub.s32 @!p0 $0x0, s1;
	[sflag:s0] =	ssyncset.done @!p0 $0x0  }
0xed: {  	[sflag:s0] =	ssyncadd.s32 @!p0 s1  }
0xee: {  	[bflag:$0x3] =	sbarrier.arrive $0xFFFF  }
0xef: {  	_ =	shalt  }

</sc_bundles>
